<compile_context>
chip_gen: v7x
topology: tpu7x:2x2x1
jax: 0.10.2.dev20260603
libtpu: 0.0.44.dev20260713+nightly
codegen_flags: <defaults>
</compile_context>

<pallas_src>
import functools

import jax
import jax.numpy as jnp
from jax import lax
from jax.experimental import pallas as pl
from jax.experimental.pallas import tpu as pltpu
from jax.experimental.pallas import tpu_sc as plsc

B = 4096
F = 26
V = 100000
D = 32
NN = 13

NC = 2
NS = 16
NW = NC * NS
BPW = B // NW
L = 16
NCH = BPW // L


def _sc_body(idx_hbm, idxf_hbm, int_hbm, lin_hbm, s_out, q_out, l_out,
             idx_v, idxf_v, cols_v, lin_v, s_v, q_v, l_v, sem_c, sem_l):
    wid = lax.axis_index("s") * NC + lax.axis_index("c")
    base = wid * BPW
    pltpu.sync_copy(idx_hbm.at[wid], idx_v)
    pltpu.sync_copy(idxf_hbm.at[wid], idxf_v)

    def fire(f, carry):
        for d in range(D):
            pltpu.async_copy(int_hbm.at[f, d].at[idx_v.at[f]],
                             cols_v.at[f, d], sem_c)
        pltpu.async_copy(lin_hbm.at[idxf_v.at[f]], lin_v.at[f], sem_l)
        return carry

    lax.fori_loop(0, F, fire, 0)
    pltpu.make_async_copy(int_hbm.at[:, :, pl.ds(0, BPW)], cols_v,
                          sem_c).wait()

    def drain_lin(f, carry):
        pltpu.make_async_copy(lin_hbm.at[pl.ds(0, BPW)], lin_v.at[f],
                              sem_l).wait()
        return carry

    lax.fori_loop(0, F, drain_lin, 0)

    for c in range(NCH):
        acc = jnp.zeros((L,), jnp.float32)
        for f in range(F):
            acc = acc + lin_v[f, pl.ds(c * L, L)]
        l_v[pl.ds(c * L, L)] = acc

    zero = jnp.zeros((L,), jnp.float32)

    def chunk_body(c, carry):
        def f_body(f, acc):
            q = acc[0]
            out = [None] * (D + 1)
            for d in range(D):
                v = cols_v[f, d, pl.ds(c * L, L)]
                out[d + 1] = acc[d + 1] + v
                q = q + v * v
            out[0] = q
            return tuple(out)

        acc = lax.fori_loop(0, F, f_body, (zero,) * (D + 1))
        q_v[pl.ds(c * L, L)] = acc[0]
        for d in range(D):
            s_v[d, pl.ds(c * L, L)] = acc[d + 1]
        return carry

    lax.fori_loop(0, NCH, chunk_body, 0)

    pltpu.sync_copy(s_v, s_out.at[:, pl.ds(base, BPW)])
    pltpu.sync_copy(q_v, q_out.at[pl.ds(base, BPW)])
    pltpu.sync_copy(l_v, l_out.at[pl.ds(base, BPW)])


_sc_gather = functools.partial(
    pl.kernel,
    out_type=[
        jax.ShapeDtypeStruct((D, B), jnp.float32),
        jax.ShapeDtypeStruct((B,), jnp.float32),
        jax.ShapeDtypeStruct((B,), jnp.float32),
    ],
    mesh=plsc.VectorSubcoreMesh(core_axis_name="c", subcore_axis_name="s"),
    compiler_params=pltpu.CompilerParams(use_tc_tiling_on_sc=False),
    scratch_types=[
        pltpu.VMEM((F, BPW), jnp.int32),
        pltpu.VMEM((F, BPW), jnp.int32),
        pltpu.VMEM((F, D, BPW), jnp.float32),
        pltpu.VMEM((F, BPW), jnp.float32),
        pltpu.VMEM((D, BPW), jnp.float32),
        pltpu.VMEM((BPW,), jnp.float32),
        pltpu.VMEM((BPW,), jnp.float32),
        pltpu.SemaphoreType.DMA,
        pltpu.SemaphoreType.DMA,
    ],
)(_sc_body)


def _tc_body(s_ref, q_ref, l_ref, xn_ref, nv_ref, b_ref, o_ref):
    xn = xn_ref[...]
    nv = nv_ref[...]
    snum = lax.dot_general(nv, xn, (((0,), (1,)), ((), ())),
                           preferred_element_type=jnp.float32,
                           precision=lax.Precision.HIGHEST)
    S = s_ref[...] + snum
    qnum = lax.dot_general(nv * nv, xn * xn, (((0,), (1,)), ((), ())),
                           preferred_element_type=jnp.float32,
                           precision=lax.Precision.HIGHEST)
    inter = 0.5 * (jnp.sum(S * S - qnum, axis=0, keepdims=True)
                   - q_ref[...])
    o_ref[...] = l_ref[...] + b_ref[0] + inter


_tc_combine = pl.pallas_call(
    _tc_body,
    out_shape=jax.ShapeDtypeStruct((1, B), jnp.float32),
    in_specs=[
        pl.BlockSpec(memory_space=pltpu.VMEM),
        pl.BlockSpec(memory_space=pltpu.VMEM),
        pl.BlockSpec(memory_space=pltpu.VMEM),
        pl.BlockSpec(memory_space=pltpu.VMEM),
        pl.BlockSpec(memory_space=pltpu.VMEM),
        pl.BlockSpec(memory_space=pltpu.SMEM),
    ],
)


def kernel(x_numeric, x_categorical, lin_tables, int_tables, num_vecs, bias):
    int_t = jnp.transpose(int_tables, (0, 2, 1))
    lin_flat = lin_tables.reshape(F * V)
    offs = (jnp.arange(F, dtype=jnp.int32) * V)[None, :]
    flat_idx = x_categorical + offs
    idx3 = x_categorical.reshape(NW, BPW, F).transpose(0, 2, 1)
    idx3f = flat_idx.reshape(NW, BPW, F).transpose(0, 2, 1)
    s_t, q_cat, lin_sum = _sc_gather(idx3, idx3f, int_t, lin_flat)
    out = _tc_combine(s_t, q_cat[None, :], lin_sum[None, :], x_numeric,
                      num_vecs, bias)
    return out[0]

# --- scband reference (transcript-rebuilt; emitter-appended) ---
"""Pipeline reference for scband-factorization-machine-17291538334347 (READ-ONLY COPY).

The authoritative reference and input builder live on the scoring server;
editing this copy changes nothing except your own understanding.
"""

import jax, jax.numpy as jnp
import numpy as np

B = 4096
F = 26
V = 100000
D = 32
NN = 13


def setup_inputs(seed: int = 0) -> dict:
    key = jax.random.key(seed)
    ks = jax.random.split(key, 6)
    x_numeric = jax.random.normal(ks[0], (B, NN), dtype=jnp.float32)
    x_categorical = jax.random.randint(ks[1], (B, F), 0, V, dtype=jnp.int32)
    # Learned parameters (stacked per-field embedding tables; all fields share vocab size V)
    lin_tables = jax.random.normal(ks[2], (F, V, 1), dtype=jnp.float32) * 0.01
    int_tables = jax.random.normal(ks[3], (F, V, D), dtype=jnp.float32) * 0.01
    num_vecs = jax.random.normal(ks[4], (NN, D), dtype=jnp.float32)
    bias = jnp.zeros((1,), dtype=jnp.float32)
    return {
        "x_numeric": x_numeric,
        "x_categorical": x_categorical,
        "lin_tables": lin_tables,
        "int_tables": int_tables,
        "num_vecs": num_vecs,
        "bias": bias,
    }


def reference(x_numeric, x_categorical, lin_tables, int_tables, num_vecs, bias):
    # Per-field embedding gather: table_i[x_categorical[:, i]]
    gather = jax.vmap(lambda tbl, idx: jnp.take(tbl, idx, axis=0), in_axes=(0, 1))
    # Linear (first-order) terms: [F, B, 1] -> [B, F] -> sum -> [B, 1]
    cat_lin = gather(lin_tables, x_categorical)
    linear_terms = bias + jnp.sum(jnp.transpose(cat_lin[:, :, 0], (1, 0)), axis=1, keepdims=True)
    # Second-order interaction vectors: [F, B, D] -> [B, F, D]
    cat_vecs = jnp.transpose(gather(int_tables, x_categorical), (1, 0, 2))
    numeric_vecs = x_numeric[:, :, None] * num_vecs[None, :, :]  # [B, NN, D]
    all_vectors = jnp.concatenate([cat_vecs, numeric_vecs], axis=1)  # [B, F+NN, D]
    # dropout_rate=0.0 -> identity (eval mode)
    sum_of_squares = jnp.sum(all_vectors, axis=1) ** 2
    square_of_sums = jnp.sum(all_vectors ** 2, axis=1)
    interaction_terms = 0.5 * jnp.sum(sum_of_squares - square_of_sums, axis=1, keepdims=True)
    logits = linear_terms + interaction_terms
    return jnp.squeeze(logits, axis=1)

if __name__ == "__main__":
    import jax
    _d = setup_inputs()
    print(jax.jit(kernel)(*tuple(_d.values())))

</pallas_src>

<mosaic_0001>
#map = affine_map<(d0, d1) -> (0, 0, 0)>
#map1 = affine_map<(d0, d1) -> (0)>
#map2 = affine_map<(d0, d1) -> (0, 0)>
module attributes {stable_mosaic.version = 14 : i64} {
  func.func @_sc_body(%arg0: i32, %arg1: i32, %arg2: memref<32x26x128xi32, #tpu.memory_space<hbm>>, %arg3: memref<32x26x128xi32, #tpu.memory_space<hbm>>, %arg4: memref<26x32x100000xf32, #tpu.memory_space<hbm>>, %arg5: memref<2600000xf32, #tpu.memory_space<hbm>>, %arg6: memref<32x4096xf32, #tpu.memory_space<hbm>>, %arg7: memref<4096xf32, #tpu.memory_space<hbm>>, %arg8: memref<4096xf32, #tpu.memory_space<hbm>>, %arg9: memref<26x128xi32, #tpu.memory_space<vmem>>, %arg10: memref<26x128xi32, #tpu.memory_space<vmem>>, %arg11: memref<26x32x128xf32, #tpu.memory_space<vmem>>, %arg12: memref<26x128xf32, #tpu.memory_space<vmem>>, %arg13: memref<32x128xf32, #tpu.memory_space<vmem>>, %arg14: memref<128xf32, #tpu.memory_space<vmem>>, %arg15: memref<128xf32, #tpu.memory_space<vmem>>, %arg16: memref<!tpu.dma_semaphore, #tpu.memory_space<semaphore_mem>>, %arg17: memref<!tpu.dma_semaphore, #tpu.memory_space<semaphore_mem>>) attributes {dimension_semantics = [#tpu.dimension_semantics<core_parallel>, #tpu.dimension_semantics<subcore_parallel>], iteration_bounds = array<i64: 2, 16>, scalar_prefetch = 0 : i64, scratch_operands = 9 : i64, tpu.core_type = #tpu.core_type<sc_vector_subcore>, window_params = [{transform_indices = #map}, {transform_indices = #map}, {transform_indices = #map}, {transform_indices = #map1}, {transform_indices = #map2}, {transform_indices = #map1}, {transform_indices = #map1}]} {
    %mul3A = arith.constant 2 : i32
    %mul3A_0 = arith.muli %arg1, %mul3A : i32
    %add3A = arith.addi %mul3A_0, %arg0 : i32
    %mul3A_1 = arith.constant 128 : i32
    %mul3A_2 = arith.muli %add3A, %mul3A_1 : i32
    "tpu.region"() ({
      %run_scoped3A = tpu.sem_alloc : memref<!tpu.dma_semaphore, #tpu.memory_space<semaphore_mem>>
      %dma_start3A = arith.constant 0 : i32
      %dma_start3A_1322 = arith.constant 0 : i32
      %dma_start3A_1323 = tpu.memref_slice %arg2[%add3A, %dma_start3A, %dma_start3A_1322] : memref<32x26x128xi32, #tpu.memory_space<hbm>> -> memref<1x26x128xi32, #tpu.memory_space<hbm>>
      %dma_start3A_1324 = tpu.memref_squeeze %dma_start3A_1323 : memref<1x26x128xi32, #tpu.memory_space<hbm>> -> memref<26x128xi32, #tpu.memory_space<hbm>>
      %dma_start3A_1325 = arith.constant 0 : i32
      %dma_start3A_1326 = arith.constant 0 : i32
      %dma_start3A_1327 = tpu.memref_slice %arg2[%add3A, %dma_start3A_1325, %dma_start3A_1326] : memref<32x26x128xi32, #tpu.memory_space<hbm>> -> memref<1x26x128xi32, #tpu.memory_space<hbm>>
      %dma_start3A_1328 = tpu.memref_squeeze %dma_start3A_1327 : memref<1x26x128xi32, #tpu.memory_space<hbm>> -> memref<26x128xi32, #tpu.memory_space<hbm>>
      tpu.enqueue_dma source(%dma_start3A_1328 : memref<26x128xi32, #tpu.memory_space<hbm>>) target(%arg9 : memref<26x128xi32, #tpu.memory_space<vmem>>) target_semaphore(%run_scoped3A : memref<!tpu.dma_semaphore, #tpu.memory_space<semaphore_mem>>)
      %dma_wait3A_1329 = arith.constant 0 : i32
      %dma_wait3A_1330 = arith.constant 0 : i32
      %dma_wait3A_1331 = tpu.memref_slice %arg2[%add3A, %dma_wait3A_1329, %dma_wait3A_1330] : memref<32x26x128xi32, #tpu.memory_space<hbm>> -> memref<1x26x128xi32, #tpu.memory_space<hbm>>
      %dma_wait3A_1332 = tpu.memref_squeeze %dma_wait3A_1331 : memref<1x26x128xi32, #tpu.memory_space<hbm>> -> memref<26x128xi32, #tpu.memory_space<hbm>>
      %dma_wait3A_1333 = arith.constant 0 : i32
      %dma_wait3A_1334 = arith.constant 0 : i32
      %dma_wait3A_1335 = tpu.memref_slice %arg2[%add3A, %dma_wait3A_1333, %dma_wait3A_1334] : memref<32x26x128xi32, #tpu.memory_space<hbm>> -> memref<1x26x128xi32, #tpu.memory_space<hbm>>
      %dma_wait3A_1336 = tpu.memref_squeeze %dma_wait3A_1335 : memref<1x26x128xi32, #tpu.memory_space<hbm>> -> memref<26x128xi32, #tpu.memory_space<hbm>>
      tpu.wait_dma2 semaphore(%run_scoped3A : memref<!tpu.dma_semaphore, #tpu.memory_space<semaphore_mem>>) src(%dma_wait3A_1336 : memref<26x128xi32, #tpu.memory_space<hbm>>) dst(%arg9 : memref<26x128xi32, #tpu.memory_space<vmem>>)
      tpu.yield
    }) : () -> ()
    "tpu.region"() ({
      %run_scoped3A = tpu.sem_alloc : memref<!tpu.dma_semaphore, #tpu.memory_space<semaphore_mem>>
      %dma_start3A = arith.constant 0 : i32
      %dma_start3A_1322 = arith.constant 0 : i32
      %dma_start3A_1323 = tpu.memref_slice %arg3[%add3A, %dma_start3A, %dma_start3A_1322] : memref<32x26x128xi32, #tpu.memory_space<hbm>> -> memref<1x26x128xi32, #tpu.memory_space<hbm>>
      %dma_start3A_1324 = tpu.memref_squeeze %dma_start3A_1323 : memref<1x26x128xi32, #tpu.memory_space<hbm>> -> memref<26x128xi32, #tpu.memory_space<hbm>>
      %dma_start3A_1325 = arith.constant 0 : i32
      %dma_start3A_1326 = arith.constant 0 : i32
      %dma_start3A_1327 = tpu.memref_slice %arg3[%add3A, %dma_start3A_1325, %dma_start3A_1326] : memref<32x26x128xi32, #tpu.memory_space<hbm>> -> memref<1x26x128xi32, #tpu.memory_space<hbm>>
      %dma_start3A_1328 = tpu.memref_squeeze %dma_start3A_1327 : memref<1x26x128xi32, #tpu.memory_space<hbm>> -> memref<26x128xi32, #tpu.memory_space<hbm>>
      tpu.enqueue_dma source(%dma_start3A_1328 : memref<26x128xi32, #tpu.memory_space<hbm>>) target(%arg10 : memref<26x128xi32, #tpu.memory_space<vmem>>) target_semaphore(%run_scoped3A : memref<!tpu.dma_semaphore, #tpu.memory_space<semaphore_mem>>)
      %dma_wait3A_1329 = arith.constant 0 : i32
      %dma_wait3A_1330 = arith.constant 0 : i32
      %dma_wait3A_1331 = tpu.memref_slice %arg3[%add3A, %dma_wait3A_1329, %dma_wait3A_1330] : memref<32x26x128xi32, #tpu.memory_space<hbm>> -> memref<1x26x128xi32, #tpu.memory_space<hbm>>
      %dma_wait3A_1332 = tpu.memref_squeeze %dma_wait3A_1331 : memref<1x26x128xi32, #tpu.memory_space<hbm>> -> memref<26x128xi32, #tpu.memory_space<hbm>>
      %dma_wait3A_1333 = arith.constant 0 : i32
      %dma_wait3A_1334 = arith.constant 0 : i32
      %dma_wait3A_1335 = tpu.memref_slice %arg3[%add3A, %dma_wait3A_1333, %dma_wait3A_1334] : memref<32x26x128xi32, #tpu.memory_space<hbm>> -> memref<1x26x128xi32, #tpu.memory_space<hbm>>
      %dma_wait3A_1336 = tpu.memref_squeeze %dma_wait3A_1335 : memref<1x26x128xi32, #tpu.memory_space<hbm>> -> memref<26x128xi32, #tpu.memory_space<hbm>>
      tpu.wait_dma2 semaphore(%run_scoped3A : memref<!tpu.dma_semaphore, #tpu.memory_space<semaphore_mem>>) src(%dma_wait3A_1336 : memref<26x128xi32, #tpu.memory_space<hbm>>) dst(%arg10 : memref<26x128xi32, #tpu.memory_space<vmem>>)
      tpu.yield
    }) : () -> ()
    %scan3A = arith.constant 0 : i32
    %scan3A_3 = arith.constant 0 : i32
    %scan3A_4 = arith.constant 26 : i32
    %scan3A_5 = arith.addi %scan3A_3, %scan3A_4 : i32
    %scan3A_6 = arith.constant 1 : i32
    scf.for %scan3A_1322 = %scan3A_3 to %scan3A_5 step %scan3A_6  : i32 {
      %dma_start3A = arith.constant 0 : i32
      %dma_start3A_1323 = arith.constant 0 : i32
      %dma_start3A_1324 = arith.constant 0 : i32
      %dma_start3A_1325 = tpu.memref_slice %arg11[%scan3A_1322, %dma_start3A_1323, %dma_start3A_1324] : memref<26x32x128xf32, #tpu.memory_space<vmem>> -> memref<1x1x128xf32, #tpu.memory_space<vmem>>
      %dma_start3A_1326 = tpu.memref_squeeze %dma_start3A_1325 : memref<1x1x128xf32, #tpu.memory_space<vmem>> -> memref<128xf32, #tpu.memory_space<vmem>>
      %dma_start3A_1327 = arith.constant 0 : i32
      %dma_start3A_1328 = tpu.memref_slice %arg9[%scan3A_1322, %dma_start3A_1327] : memref<26x128xi32, #tpu.memory_space<vmem>> -> memref<1x128xi32, #tpu.memory_space<vmem>>
      %dma_start3A_1329 = tpu.memref_squeeze %dma_start3A_1328 : memref<1x128xi32, #tpu.memory_space<vmem>> -> memref<128xi32, #tpu.memory_space<vmem>>
      %dma_start3A_1330 = arith.constant 0 : i32
      %dma_start3A_1331 = tpu.memref_slice %arg4[%scan3A_1322, %dma_start3A, %dma_start3A_1330] : memref<26x32x100000xf32, #tpu.memory_space<hbm>> -> memref<1x1x100000xf32, #tpu.memory_space<hbm>>
      %dma_start3A_1332 = tpu.memref_squeeze %dma_start3A_1331 : memref<1x1x100000xf32, #tpu.memory_space<hbm>> -> memref<100000xf32, #tpu.memory_space<hbm>>
      %dma_start3A_1333 = arith.constant 0 : i32
      %dma_start3A_1334 = tpu.memref_slice %dma_start3A_1332[%dma_start3A_1333] : memref<100000xf32, #tpu.memory_space<hbm>> -> memref<100000xf32, #tpu.memory_space<hbm>>
      tpu.enqueue_indirect_dma source(%dma_start3A_1334 : memref<100000xf32, #tpu.memory_space<hbm>>) target(%dma_start3A_1326 : memref<128xf32, #tpu.memory_space<vmem>>) offsets(%dma_start3A_1329 : memref<128xi32, #tpu.memory_space<vmem>>) semaphore(%arg16 : memref<!tpu.dma_semaphore, #tpu.memory_space<semaphore_mem>>)
      %dma_start3A_1335 = arith.constant 1 : i32
      %dma_start3A_1336 = arith.constant 1 : i32
      %dma_start3A_1337 = arith.constant 0 : i32
      %dma_start3A_1338 = tpu.memref_slice %arg11[%scan3A_1322, %dma_start3A_1336, %dma_start3A_1337] : memref<26x32x128xf32, #tpu.memory_space<vmem>> -> memref<1x1x128xf32, #tpu.memory_space<vmem>>
      %dma_start3A_1339 = tpu.memref_squeeze %dma_start3A_1338 : memref<1x1x128xf32, #tpu.memory_space<vmem>> -> memref<128xf32, #tpu.memory_space<vmem>>
      %dma_start3A_1340 = arith.constant 0 : i32
      %dma_start3A_1341 = tpu.memref_slice %arg9[%scan3A_1322, %dma_start3A_1340] : memref<26x128xi32, #tpu.memory_space<vmem>> -> memref<1x128xi32, #tpu.memory_space<vmem>>
      %dma_start3A_1342 = tpu.memref_squeeze %dma_start3A_1341 : memref<1x128xi32, #tpu.memory_space<vmem>> -> memref<128xi32, #tpu.memory_space<vmem>>
      %dma_start3A_1343 = arith.constant 0 : i32
      %dma_start3A_1344 = tpu.memref_slice %arg4[%scan3A_1322, %dma_start3A_1335, %dma_start3A_1343] : memref<26x32x100000xf32, #tpu.memory_space<hbm>> -> memref<1x1x100000xf32, #tpu.memory_space<hbm>>
      %dma_start3A_1345 = tpu.memref_squeeze %dma_start3A_1344 : memref<1x1x100000xf32, #tpu.memory_space<hbm>> -> memref<100000xf32, #tpu.memory_space<hbm>>
      %dma_start3A_1346 = arith.constant 0 : i32
      %dma_start3A_1347 = tpu.memref_slice %dma_start3A_1345[%dma_start3A_1346] : memref<100000xf32, #tpu.memory_space<hbm>> -> memref<100000xf32, #tpu.memory_space<hbm>>
      tpu.enqueue_indirect_dma source(%dma_start3A_1347 : memref<100000xf32, #tpu.memory_space<hbm>>) target(%dma_start3A_1339 : memref<128xf32, #tpu.memory_space<vmem>>) offsets(%dma_start3A_1342 : memref<128xi32, #tpu.memory_space<vmem>>) semaphore(%arg16 : memref<!tpu.dma_semaphore, #tpu.memory_space<semaphore_mem>>)
      %dma_start3A_1348 = arith.constant 2 : i32
      %dma_start3A_1349 = arith.constant 2 : i32
      %dma_start3A_1350 = arith.constant 0 : i32
      %dma_start3A_1351 = tpu.memref_slice %arg11[%scan3A_1322, %dma_start3A_1349, %dma_start3A_1350] : memref<26x32x128xf32, #tpu.memory_space<vmem>> -> memref<1x1x128xf32, #tpu.memory_space<vmem>>
      %dma_start3A_1352 = tpu.memref_squeeze %dma_start3A_1351 : memref<1x1x128xf32, #tpu.memory_space<vmem>> -> memref<128xf32, #tpu.memory_space<vmem>>
      %dma_start3A_1353 = arith.constant 0 : i32
      %dma_start3A_1354 = tpu.memref_slice %arg9[%scan3A_1322, %dma_start3A_1353] : memref<26x128xi32, #tpu.memory_space<vmem>> -> memref<1x128xi32, #tpu.memory_space<vmem>>
      %dma_start3A_1355 = tpu.memref_squeeze %dma_start3A_1354 : memref<1x128xi32, #tpu.memory_space<vmem>> -> memref<128xi32, #tpu.memory_space<vmem>>
      %dma_start3A_1356 = arith.constant 0 : i32
      %dma_start3A_1357 = tpu.memref_slice %arg4[%scan3A_1322, %dma_start3A_1348, %dma_start3A_1356] : memref<26x32x100000xf32, #tpu.memory_space<hbm>> -> memref<1x1x100000xf32, #tpu.memory_space<hbm>>
      %dma_start3A_1358 = tpu.memref_squeeze %dma_start3A_1357 : memref<1x1x100000xf32, #tpu.memory_space<hbm>> -> memref<100000xf32, #tpu.memory_space<hbm>>
      %dma_start3A_1359 = arith.constant 0 : i32
      %dma_start3A_1360 = tpu.memref_slice %dma_start3A_1358[%dma_start3A_1359] : memref<100000xf32, #tpu.memory_space<hbm>> -> memref<100000xf32, #tpu.memory_space<hbm>>
      tpu.enqueue_indirect_dma source(%dma_start3A_1360 : memref<100000xf32, #tpu.memory_space<hbm>>) target(%dma_start3A_1352 : memref<128xf32, #tpu.memory_space<vmem>>) offsets(%dma_start3A_1355 : memref<128xi32, #tpu.memory_space<vmem>>) semaphore(%arg16 : memref<!tpu.dma_semaphore, #tpu.memory_space<semaphore_mem>>)
      %dma_start3A_1361 = arith.constant 3 : i32
      %dma_start3A_1362 = arith.constant 3 : i32
      %dma_start3A_1363 = arith.constant 0 : i32
      %dma_start3A_1364 = tpu.memref_slice %arg11[%scan3A_1322, %dma_start3A_1362, %dma_start3A_1363] : memref<26x32x128xf32, #tpu.memory_space<vmem>> -> memref<1x1x128xf32, #tpu.memory_space<vmem>>
      %dma_start3A_1365 = tpu.memref_squeeze %dma_start3A_1364 : memref<1x1x128xf32, #tpu.memory_space<vmem>> -> memref<128xf32, #tpu.memory_space<vmem>>
      %dma_start3A_1366 = arith.constant 0 : i32
      %dma_start3A_1367 = tpu.memref_slice %arg9[%scan3A_1322, %dma_start3A_1366] : memref<26x128xi32, #tpu.memory_space<vmem>> -> memref<1x128xi32, #tpu.memory_space<vmem>>
      %dma_start3A_1368 = tpu.memref_squeeze %dma_start3A_1367 : memref<1x128xi32, #tpu.memory_space<vmem>> -> memref<128xi32, #tpu.memory_space<vmem>>
      %dma_start3A_1369 = arith.constant 0 : i32
      %dma_start3A_1370 = tpu.memref_slice %arg4[%scan3A_1322, %dma_start3A_1361, %dma_start3A_1369] : memref<26x32x100000xf32, #tpu.memory_space<hbm>> -> memref<1x1x100000xf32, #tpu.memory_space<hbm>>
      %dma_start3A_1371 = tpu.memref_squeeze %dma_start3A_1370 : memref<1x1x100000xf32, #tpu.memory_space<hbm>> -> memref<100000xf32, #tpu.memory_space<hbm>>
      %dma_start3A_1372 = arith.constant 0 : i32
      %dma_start3A_1373 = tpu.memref_slice %dma_start3A_1371[%dma_start3A_1372] : memref<100000xf32, #tpu.memory_space<hbm>> -> memref<100000xf32, #tpu.memory_space<hbm>>
      tpu.enqueue_indirect_dma source(%dma_start3A_1373 : memref<100000xf32, #tpu.memory_space<hbm>>) target(%dma_start3A_1365 : memref<128xf32, #tpu.memory_space<vmem>>) offsets(%dma_start3A_1368 : memref<128xi32, #tpu.memory_space<vmem>>) semaphore(%arg16 : memref<!tpu.dma_semaphore, #tpu.memory_space<semaphore_mem>>)
      %dma_start3A_1374 = arith.constant 4 : i32
      %dma_start3A_1375 = arith.constant 4 : i32
      %dma_start3A_1376 = arith.constant 0 : i32
      %dma_start3A_1377 = tpu.memref_slice %arg11[%scan3A_1322, %dma_start3A_1375, %dma_start3A_1376] : memref<26x32x128xf32, #tpu.memory_space<vmem>> -> memref<1x1x128xf32, #tpu.memory_space<vmem>>
      %dma_start3A_1378 = tpu.memref_squeeze %dma_start3A_1377 : memref<1x1x128xf32, #tpu.memory_space<vmem>> -> memref<128xf32, #tpu.memory_space<vmem>>
      %dma_start3A_1379 = arith.constant 0 : i32
      %dma_start3A_1380 = tpu.memref_slice %arg9[%scan3A_1322, %dma_start3A_1379] : memref<26x128xi32, #tpu.memory_space<vmem>> -> memref<1x128xi32, #tpu.memory_space<vmem>>
      %dma_start3A_1381 = tpu.memref_squeeze %dma_start3A_1380 : memref<1x128xi32, #tpu.memory_space<vmem>> -> memref<128xi32, #tpu.memory_space<vmem>>
      %dma_start3A_1382 = arith.constant 0 : i32
      %dma_start3A_1383 = tpu.memref_slice %arg4[%scan3A_1322, %dma_start3A_1374, %dma_start3A_1382] : memref<26x32x100000xf32, #tpu.memory_space<hbm>> -> memref<1x1x100000xf32, #tpu.memory_space<hbm>>
      %dma_start3A_1384 = tpu.memref_squeeze %dma_start3A_1383 : memref<1x1x100000xf32, #tpu.memory_space<hbm>> -> memref<100000xf32, #tpu.memory_space<hbm>>
      %dma_start3A_1385 = arith.constant 0 : i32
      %dma_start3A_1386 = tpu.memref_slice %dma_start3A_1384[%dma_start3A_1385] : memref<100000xf32, #tpu.memory_space<hbm>> -> memref<100000xf32, #tpu.memory_space<hbm>>
      tpu.enqueue_indirect_dma source(%dma_start3A_1386 : memref<100000xf32, #tpu.memory_space<hbm>>) target(%dma_start3A_1378 : memref<128xf32, #tpu.memory_space<vmem>>) offsets(%dma_start3A_1381 : memref<128xi32, #tpu.memory_space<vmem>>) semaphore(%arg16 : memref<!tpu.dma_semaphore, #tpu.memory_space<semaphore_mem>>)
      %dma_start3A_1387 = arith.constant 5 : i32
      %dma_start3A_1388 = arith.constant 5 : i32
      %dma_start3A_1389 = arith.constant 0 : i32
      %dma_start3A_1390 = tpu.memref_slice %arg11[%scan3A_1322, %dma_start3A_1388, %dma_start3A_1389] : memref<26x32x128xf32, #tpu.memory_space<vmem>> -> memref<1x1x128xf32, #tpu.memory_space<vmem>>
      %dma_start3A_1391 = tpu.memref_squeeze %dma_start3A_1390 : memref<1x1x128xf32, #tpu.memory_space<vmem>> -> memref<128xf32, #tpu.memory_space<vmem>>
      %dma_start3A_1392 = arith.constant 0 : i32
      %dma_start3A_1393 = tpu.memref_slice %arg9[%scan3A_1322, %dma_start3A_1392] : memref<26x128xi32, #tpu.memory_space<vmem>> -> memref<1x128xi32, #tpu.memory_space<vmem>>
      %dma_start3A_1394 = tpu.memref_squeeze %dma_start3A_1393 : memref<1x128xi32, #tpu.memory_space<vmem>> -> memref<128xi32, #tpu.memory_space<vmem>>
      %dma_start3A_1395 = arith.constant 0 : i32
      %dma_start3A_1396 = tpu.memref_slice %arg4[%scan3A_1322, %dma_start3A_1387, %dma_start3A_1395] : memref<26x32x100000xf32, #tpu.memory_space<hbm>> -> memref<1x1x100000xf32, #tpu.memory_space<hbm>>
      %dma_start3A_1397 = tpu.memref_squeeze %dma_start3A_1396 : memref<1x1x100000xf32, #tpu.memory_space<hbm>> -> memref<100000xf32, #tpu.memory_space<hbm>>
      %dma_start3A_1398 = arith.constant 0 : i32
      %dma_start3A_1399 = tpu.memref_slice %dma_start3A_1397[%dma_start3A_1398] : memref<100000xf32, #tpu.memory_space<hbm>> -> memref<100000xf32, #tpu.memory_space<hbm>>
      tpu.enqueue_indirect_dma source(%dma_start3A_1399 : memref<100000xf32, #tpu.memory_space<hbm>>) target(%dma_start3A_1391 : memref<128xf32, #tpu.memory_space<vmem>>) offsets(%dma_start3A_1394 : memref<128xi32, #tpu.memory_space<vmem>>) semaphore(%arg16 : memref<!tpu.dma_semaphore, #tpu.memory_space<semaphore_mem>>)
      %dma_start3A_1400 = arith.constant 6 : i32
      %dma_start3A_1401 = arith.constant 6 : i32
      %dma_start3A_1402 = arith.constant 0 : i32
      %dma_start3A_1403 = tpu.memref_slice %arg11[%scan3A_1322, %dma_start3A_1401, %dma_start3A_1402] : memref<26x32x128xf32, #tpu.memory_space<vmem>> -> memref<1x1x128xf32, #tpu.memory_space<vmem>>
      %dma_start3A_1404 = tpu.memref_squeeze %dma_start3A_1403 : memref<1x1x128xf32, #tpu.memory_space<vmem>> -> memref<128xf32, #tpu.memory_space<vmem>>
      %dma_start3A_1405 = arith.constant 0 : i32
      %dma_start3A_1406 = tpu.memref_slice %arg9[%scan3A_1322, %dma_start3A_1405] : memref<26x128xi32, #tpu.memory_space<vmem>> -> memref<1x128xi32, #tpu.memory_space<vmem>>
      %dma_start3A_1407 = tpu.memref_squeeze %dma_start3A_1406 : memref<1x128xi32, #tpu.memory_space<vmem>> -> memref<128xi32, #tpu.memory_space<vmem>>
      %dma_start3A_1408 = arith.constant 0 : i32
      %dma_start3A_1409 = tpu.memref_slice %arg4[%scan3A_1322, %dma_start3A_1400, %dma_start3A_1408] : memref<26x32x100000xf32, #tpu.memory_space<hbm>> -> memref<1x1x100000xf32, #tpu.memory_space<hbm>>
      %dma_start3A_1410 = tpu.memref_squeeze %dma_start3A_1409 : memref<1x1x100000xf32, #tpu.memory_space<hbm>> -> memref<100000xf32, #tpu.memory_space<hbm>>
      %dma_start3A_1411 = arith.constant 0 : i32
      %dma_start3A_1412 = tpu.memref_slice %dma_start3A_1410[%dma_start3A_1411] : memref<100000xf32, #tpu.memory_space<hbm>> -> memref<100000xf32, #tpu.memory_space<hbm>>
      tpu.enqueue_indirect_dma source(%dma_start3A_1412 : memref<100000xf32, #tpu.memory_space<hbm>>) target(%dma_start3A_1404 : memref<128xf32, #tpu.memory_space<vmem>>) offsets(%dma_start3A_1407 : memref<128xi32, #tpu.memory_space<vmem>>) semaphore(%arg16 : memref<!tpu.dma_semaphore, #tpu.memory_space<semaphore_mem>>)
      %dma_start3A_1413 = arith.constant 7 : i32
      %dma_start3A_1414 = arith.constant 7 : i32
      %dma_start3A_1415 = arith.constant 0 : i32
      %dma_start3A_1416 = tpu.memref_slice %arg11[%scan3A_1322, %dma_start3A_1414, %dma_start3A_1415] : memref<26x32x128xf32, #tpu.memory_space<vmem>> -> memref<1x1x128xf32, #tpu.memory_space<vmem>>
      %dma_start3A_1417 = tpu.memref_squeeze %dma_start3A_1416 : memref<1x1x128xf32, #tpu.memory_space<vmem>> -> memref<128xf32, #tpu.memory_space<vmem>>
      %dma_start3A_1418 = arith.constant 0 : i32
      %dma_start3A_1419 = tpu.memref_slice %arg9[%scan3A_1322, %dma_start3A_1418] : memref<26x128xi32, #tpu.memory_space<vmem>> -> memref<1x128xi32, #tpu.memory_space<vmem>>
      %dma_start3A_1420 = tpu.memref_squeeze %dma_start3A_1419 : memref<1x128xi32, #tpu.memory_space<vmem>> -> memref<128xi32, #tpu.memory_space<vmem>>
      %dma_start3A_1421 = arith.constant 0 : i32
      %dma_start3A_1422 = tpu.memref_slice %arg4[%scan3A_1322, %dma_start3A_1413, %dma_start3A_1421] : memref<26x32x100000xf32, #tpu.memory_space<hbm>> -> memref<1x1x100000xf32, #tpu.memory_space<hbm>>
      %dma_start3A_1423 = tpu.memref_squeeze %dma_start3A_1422 : memref<1x1x100000xf32, #tpu.memory_space<hbm>> -> memref<100000xf32, #tpu.memory_space<hbm>>
      %dma_start3A_1424 = arith.constant 0 : i32
      %dma_start3A_1425 = tpu.memref_slice %dma_start3A_1423[%dma_start3A_1424] : memref<100000xf32, #tpu.memory_space<hbm>> -> memref<100000xf32, #tpu.memory_space<hbm>>
      tpu.enqueue_indirect_dma source(%dma_start3A_1425 : memref<100000xf32, #tpu.memory_space<hbm>>) target(%dma_start3A_1417 : memref<128xf32, #tpu.memory_space<vmem>>) offsets(%dma_start3A_1420 : memref<128xi32, #tpu.memory_space<vmem>>) semaphore(%arg16 : memref<!tpu.dma_semaphore, #tpu.memory_space<semaphore_mem>>)
      %dma_start3A_1426 = arith.constant 8 : i32
      %dma_start3A_1427 = arith.constant 8 : i32
      %dma_start3A_1428 = arith.constant 0 : i32
      %dma_start3A_1429 = tpu.memref_slice %arg11[%scan3A_1322, %dma_start3A_1427, %dma_start3A_1428] : memref<26x32x128xf32, #tpu.memory_space<vmem>> -> memref<1x1x128xf32, #tpu.memory_space<vmem>>
      %dma_start3A_1430 = tpu.memref_squeeze %dma_start3A_1429 : memref<1x1x128xf32, #tpu.memory_space<vmem>> -> memref<128xf32, #tpu.memory_space<vmem>>
      %dma_start3A_1431 = arith.constant 0 : i32
      %dma_start3A_1432 = tpu.memref_slice %arg9[%scan3A_1322, %dma_start3A_1431] : memref<26x128xi32, #tpu.memory_space<vmem>> -> memref<1x128xi32, #tpu.memory_space<vmem>>
      %dma_start3A_1433 = tpu.memref_squeeze %dma_start3A_1432 : memref<1x128xi32, #tpu.memory_space<vmem>> -> memref<128xi32, #tpu.memory_space<vmem>>
      %dma_start3A_1434 = arith.constant 0 : i32
      %dma_start3A_1435 = tpu.memref_slice %arg4[%scan3A_1322, %dma_start3A_1426, %dma_start3A_1434] : memref<26x32x100000xf32, #tpu.memory_space<hbm>> -> memref<1x1x100000xf32, #tpu.memory_space<hbm>>
      %dma_start3A_1436 = tpu.memref_squeeze %dma_start3A_1435 : memref<1x1x100000xf32, #tpu.memory_space<hbm>> -> memref<100000xf32, #tpu.memory_space<hbm>>
      %dma_start3A_1437 = arith.constant 0 : i32
      %dma_start3A_1438 = tpu.memref_slice %dma_start3A_1436[%dma_start3A_1437] : memref<100000xf32, #tpu.memory_space<hbm>> -> memref<100000xf32, #tpu.memory_space<hbm>>
      tpu.enqueue_indirect_dma source(%dma_start3A_1438 : memref<100000xf32, #tpu.memory_space<hbm>>) target(%dma_start3A_1430 : memref<128xf32, #tpu.memory_space<vmem>>) offsets(%dma_start3A_1433 : memref<128xi32, #tpu.memory_space<vmem>>) semaphore(%arg16 : memref<!tpu.dma_semaphore, #tpu.memory_space<semaphore_mem>>)
      %dma_start3A_1439 = arith.constant 9 : i32
      %dma_start3A_1440 = arith.constant 9 : i32
      %dma_start3A_1441 = arith.constant 0 : i32
      %dma_start3A_1442 = tpu.memref_slice %arg11[%scan3A_1322, %dma_start3A_1440, %dma_start3A_1441] : memref<26x32x128xf32, #tpu.memory_space<vmem>> -> memref<1x1x128xf32, #tpu.memory_space<vmem>>
      %dma_start3A_1443 = tpu.memref_squeeze %dma_start3A_1442 : memref<1x1x128xf32, #tpu.memory_space<vmem>> -> memref<128xf32, #tpu.memory_space<vmem>>
      %dma_start3A_1444 = arith.constant 0 : i32
      %dma_start3A_1445 = tpu.memref_slice %arg9[%scan3A_1322, %dma_start3A_1444] : memref<26x128xi32, #tpu.memory_space<vmem>> -> memref<1x128xi32, #tpu.memory_space<vmem>>
      %dma_start3A_1446 = tpu.memref_squeeze %dma_start3A_1445 : memref<1x128xi32, #tpu.memory_space<vmem>> -> memref<128xi32, #tpu.memory_space<vmem>>
      %dma_start3A_1447 = arith.constant 0 : i32
      %dma_start3A_1448 = tpu.memref_slice %arg4[%scan3A_1322, %dma_start3A_1439, %dma_start3A_1447] : memref<26x32x100000xf32, #tpu.memory_space<hbm>> -> memref<1x1x100000xf32, #tpu.memory_space<hbm>>
      %dma_start3A_1449 = tpu.memref_squeeze %dma_start3A_1448 : memref<1x1x100000xf32, #tpu.memory_space<hbm>> -> memref<100000xf32, #tpu.memory_space<hbm>>
      %dma_start3A_1450 = arith.constant 0 : i32
      %dma_start3A_1451 = tpu.memref_slice %dma_start3A_1449[%dma_start3A_1450] : memref<100000xf32, #tpu.memory_space<hbm>> -> memref<100000xf32, #tpu.memory_space<hbm>>
      tpu.enqueue_indirect_dma source(%dma_start3A_1451 : memref<100000xf32, #tpu.memory_space<hbm>>) target(%dma_start3A_1443 : memref<128xf32, #tpu.memory_space<vmem>>) offsets(%dma_start3A_1446 : memref<128xi32, #tpu.memory_space<vmem>>) semaphore(%arg16 : memref<!tpu.dma_semaphore, #tpu.memory_space<semaphore_mem>>)
      %dma_start3A_1452 = arith.constant 10 : i32
      %dma_start3A_1453 = arith.constant 10 : i32
      %dma_start3A_1454 = arith.constant 0 : i32
      %dma_start3A_1455 = tpu.memref_slice %arg11[%scan3A_1322, %dma_start3A_1453, %dma_start3A_1454] : memref<26x32x128xf32, #tpu.memory_space<vmem>> -> memref<1x1x128xf32, #tpu.memory_space<vmem>>
      %dma_start3A_1456 = tpu.memref_squeeze %dma_start3A_1455 : memref<1x1x128xf32, #tpu.memory_space<vmem>> -> memref<128xf32, #tpu.memory_space<vmem>>
      %dma_start3A_1457 = arith.constant 0 : i32
      %dma_start3A_1458 = tpu.memref_slice %arg9[%scan3A_1322, %dma_start3A_1457] : memref<26x128xi32, #tpu.memory_space<vmem>> -> memref<1x128xi32, #tpu.memory_space<vmem>>
      %dma_start3A_1459 = tpu.memref_squeeze %dma_start3A_1458 : memref<1x128xi32, #tpu.memory_space<vmem>> -> memref<128xi32, #tpu.memory_space<vmem>>
      %dma_start3A_1460 = arith.constant 0 : i32
      %dma_start3A_1461 = tpu.memref_slice %arg4[%scan3A_1322, %dma_start3A_1452, %dma_start3A_1460] : memref<26x32x100000xf32, #tpu.memory_space<hbm>> -> memref<1x1x100000xf32, #tpu.memory_space<hbm>>
      %dma_start3A_1462 = tpu.memref_squeeze %dma_start3A_1461 : memref<1x1x100000xf32, #tpu.memory_space<hbm>> -> memref<100000xf32, #tpu.memory_space<hbm>>
      %dma_start3A_1463 = arith.constant 0 : i32
      %dma_start3A_1464 = tpu.memref_slice %dma_start3A_1462[%dma_start3A_1463] : memref<100000xf32, #tpu.memory_space<hbm>> -> memref<100000xf32, #tpu.memory_space<hbm>>
      tpu.enqueue_indirect_dma source(%dma_start3A_1464 : memref<100000xf32, #tpu.memory_space<hbm>>) target(%dma_start3A_1456 : memref<128xf32, #tpu.memory_space<vmem>>) offsets(%dma_start3A_1459 : memref<128xi32, #tpu.memory_space<vmem>>) semaphore(%arg16 : memref<!tpu.dma_semaphore, #tpu.memory_space<semaphore_mem>>)
      %dma_start3A_1465 = arith.constant 11 : i32
      %dma_start3A_1466 = arith.constant 11 : i32
      %dma_start3A_1467 = arith.constant 0 : i32
      %dma_start3A_1468 = tpu.memref_slice %arg11[%scan3A_1322, %dma_start3A_1466, %dma_start3A_1467] : memref<26x32x128xf32, #tpu.memory_space<vmem>> -> memref<1x1x128xf32, #tpu.memory_space<vmem>>
      %dma_start3A_1469 = tpu.memref_squeeze %dma_start3A_1468 : memref<1x1x128xf32, #tpu.memory_space<vmem>> -> memref<128xf32, #tpu.memory_space<vmem>>
      %dma_start3A_1470 = arith.constant 0 : i32
      %dma_start3A_1471 = tpu.memref_slice %arg9[%scan3A_1322, %dma_start3A_1470] : memref<26x128xi32, #tpu.memory_space<vmem>> -> memref<1x128xi32, #tpu.memory_space<vmem>>
      %dma_start3A_1472 = tpu.memref_squeeze %dma_start3A_1471 : memref<1x128xi32, #tpu.memory_space<vmem>> -> memref<128xi32, #tpu.memory_space<vmem>>
      %dma_start3A_1473 = arith.constant 0 : i32
      %dma_start3A_1474 = tpu.memref_slice %arg4[%scan3A_1322, %dma_start3A_1465, %dma_start3A_1473] : memref<26x32x100000xf32, #tpu.memory_space<hbm>> -> memref<1x1x100000xf32, #tpu.memory_space<hbm>>
      %dma_start3A_1475 = tpu.memref_squeeze %dma_start3A_1474 : memref<1x1x100000xf32, #tpu.memory_space<hbm>> -> memref<100000xf32, #tpu.memory_space<hbm>>
      %dma_start3A_1476 = arith.constant 0 : i32
      %dma_start3A_1477 = tpu.memref_slice %dma_start3A_1475[%dma_start3A_1476] : memref<100000xf32, #tpu.memory_space<hbm>> -> memref<100000xf32, #tpu.memory_space<hbm>>
      tpu.enqueue_indirect_dma source(%dma_start3A_1477 : memref<100000xf32, #tpu.memory_space<hbm>>) target(%dma_start3A_1469 : memref<128xf32, #tpu.memory_space<vmem>>) offsets(%dma_start3A_1472 : memref<128xi32, #tpu.memory_space<vmem>>) semaphore(%arg16 : memref<!tpu.dma_semaphore, #tpu.memory_space<semaphore_mem>>)
      %dma_start3A_1478 = arith.constant 12 : i32
      %dma_start3A_1479 = arith.constant 12 : i32
      %dma_start3A_1480 = arith.constant 0 : i32
      %dma_start3A_1481 = tpu.memref_slice %arg11[%scan3A_1322, %dma_start3A_1479, %dma_start3A_1480] : memref<26x32x128xf32, #tpu.memory_space<vmem>> -> memref<1x1x128xf32, #tpu.memory_space<vmem>>
      %dma_start3A_1482 = tpu.memref_squeeze %dma_start3A_1481 : memref<1x1x128xf32, #tpu.memory_space<vmem>> -> memref<128xf32, #tpu.memory_space<vmem>>
      %dma_start3A_1483 = arith.constant 0 : i32
      %dma_start3A_1484 = tpu.memref_slice %arg9[%scan3A_1322, %dma_start3A_1483] : memref<26x128xi32, #tpu.memory_space<vmem>> -> memref<1x128xi32, #tpu.memory_space<vmem>>
      %dma_start3A_1485 = tpu.memref_squeeze %dma_start3A_1484 : memref<1x128xi32, #tpu.memory_space<vmem>> -> memref<128xi32, #tpu.memory_space<vmem>>
      %dma_start3A_1486 = arith.constant 0 : i32
      %dma_start3A_1487 = tpu.memref_slice %arg4[%scan3A_1322, %dma_start3A_1478, %dma_start3A_1486] : memref<26x32x100000xf32, #tpu.memory_space<hbm>> -> memref<1x1x100000xf32, #tpu.memory_space<hbm>>
      %dma_start3A_1488 = tpu.memref_squeeze %dma_start3A_1487 : memref<1x1x100000xf32, #tpu.memory_space<hbm>> -> memref<100000xf32, #tpu.memory_space<hbm>>
      %dma_start3A_1489 = arith.constant 0 : i32
      %dma_start3A_1490 = tpu.memref_slice %dma_start3A_1488[%dma_start3A_1489] : memref<100000xf32, #tpu.memory_space<hbm>> -> memref<100000xf32, #tpu.memory_space<hbm>>
      tpu.enqueue_indirect_dma source(%dma_start3A_1490 : memref<100000xf32, #tpu.memory_space<hbm>>) target(%dma_start3A_1482 : memref<128xf32, #tpu.memory_space<vmem>>) offsets(%dma_start3A_1485 : memref<128xi32, #tpu.memory_space<vmem>>) semaphore(%arg16 : memref<!tpu.dma_semaphore, #tpu.memory_space<semaphore_mem>>)
      %dma_start3A_1491 = arith.constant 13 : i32
      %dma_start3A_1492 = arith.constant 13 : i32
      %dma_start3A_1493 = arith.constant 0 : i32
      %dma_start3A_1494 = tpu.memref_slice %arg11[%scan3A_1322, %dma_start3A_1492, %dma_start3A_1493] : memref<26x32x128xf32, #tpu.memory_space<vmem>> -> memref<1x1x128xf32, #tpu.memory_space<vmem>>
      %dma_start3A_1495 = tpu.memref_squeeze %dma_start3A_1494 : memref<1x1x128xf32, #tpu.memory_space<vmem>> -> memref<128xf32, #tpu.memory_space<vmem>>
      %dma_start3A_1496 = arith.constant 0 : i32
      %dma_start3A_1497 = tpu.memref_slice %arg9[%scan3A_1322, %dma_start3A_1496] : memref<26x128xi32, #tpu.memory_space<vmem>> -> memref<1x128xi32, #tpu.memory_space<vmem>>
      %dma_start3A_1498 = tpu.memref_squeeze %dma_start3A_1497 : memref<1x128xi32, #tpu.memory_space<vmem>> -> memref<128xi32, #tpu.memory_space<vmem>>
      %dma_start3A_1499 = arith.constant 0 : i32
      %dma_start3A_1500 = tpu.memref_slice %arg4[%scan3A_1322, %dma_start3A_1491, %dma_start3A_1499] : memref<26x32x100000xf32, #tpu.memory_space<hbm>> -> memref<1x1x100000xf32, #tpu.memory_space<hbm>>
      %dma_start3A_1501 = tpu.memref_squeeze %dma_start3A_1500 : memref<1x1x100000xf32, #tpu.memory_space<hbm>> -> memref<100000xf32, #tpu.memory_space<hbm>>
      %dma_start3A_1502 = arith.constant 0 : i32
      %dma_start3A_1503 = tpu.memref_slice %dma_start3A_1501[%dma_start3A_1502] : memref<100000xf32, #tpu.memory_space<hbm>> -> memref<100000xf32, #tpu.memory_space<hbm>>
      tpu.enqueue_indirect_dma source(%dma_start3A_1503 : memref<100000xf32, #tpu.memory_space<hbm>>) target(%dma_start3A_1495 : memref<128xf32, #tpu.memory_space<vmem>>) offsets(%dma_start3A_1498 : memref<128xi32, #tpu.memory_space<vmem>>) semaphore(%arg16 : memref<!tpu.dma_semaphore, #tpu.memory_space<semaphore_mem>>)
      %dma_start3A_1504 = arith.constant 14 : i32
      %dma_start3A_1505 = arith.constant 14 : i32
      %dma_start3A_1506 = arith.constant 0 : i32
      %dma_start3A_1507 = tpu.memref_slice %arg11[%scan3A_1322, %dma_start3A_1505, %dma_start3A_1506] : memref<26x32x128xf32, #tpu.memory_space<vmem>> -> memref<1x1x128xf32, #tpu.memory_space<vmem>>
      %dma_start3A_1508 = tpu.memref_squeeze %dma_start3A_1507 : memref<1x1x128xf32, #tpu.memory_space<vmem>> -> memref<128xf32, #tpu.memory_space<vmem>>
      %dma_start3A_1509 = arith.constant 0 : i32
      %dma_start3A_1510 = tpu.memref_slice %arg9[%scan3A_1322, %dma_start3A_1509] : memref<26x128xi32, #tpu.memory_space<vmem>> -> memref<1x128xi32, #tpu.memory_space<vmem>>
      %dma_start3A_1511 = tpu.memref_squeeze %dma_start3A_1510 : memref<1x128xi32, #tpu.memory_space<vmem>> -> memref<128xi32, #tpu.memory_space<vmem>>
      %dma_start3A_1512 = arith.constant 0 : i32
      %dma_start3A_1513 = tpu.memref_slice %arg4[%scan3A_1322, %dma_start3A_1504, %dma_start3A_1512] : memref<26x32x100000xf32, #tpu.memory_space<hbm>> -> memref<1x1x100000xf32, #tpu.memory_space<hbm>>
      %dma_start3A_1514 = tpu.memref_squeeze %dma_start3A_1513 : memref<1x1x100000xf32, #tpu.memory_space<hbm>> -> memref<100000xf32, #tpu.memory_space<hbm>>
      %dma_start3A_1515 = arith.constant 0 : i32
      %dma_start3A_1516 = tpu.memref_slice %dma_start3A_1514[%dma_start3A_1515] : memref<100000xf32, #tpu.memory_space<hbm>> -> memref<100000xf32, #tpu.memory_space<hbm>>
      tpu.enqueue_indirect_dma source(%dma_start3A_1516 : memref<100000xf32, #tpu.memory_space<hbm>>) target(%dma_start3A_1508 : memref<128xf32, #tpu.memory_space<vmem>>) offsets(%dma_start3A_1511 : memref<128xi32, #tpu.memory_space<vmem>>) semaphore(%arg16 : memref<!tpu.dma_semaphore, #tpu.memory_space<semaphore_mem>>)
      %dma_start3A_1517 = arith.constant 15 : i32
      %dma_start3A_1518 = arith.constant 15 : i32
      %dma_start3A_1519 = arith.constant 0 : i32
      %dma_start3A_1520 = tpu.memref_slice %arg11[%scan3A_1322, %dma_start3A_1518, %dma_start3A_1519] : memref<26x32x128xf32, #tpu.memory_space<vmem>> -> memref<1x1x128xf32, #tpu.memory_space<vmem>>
      %dma_start3A_1521 = tpu.memref_squeeze %dma_start3A_1520 : memref<1x1x128xf32, #tpu.memory_space<vmem>> -> memref<128xf32, #tpu.memory_space<vmem>>
      %dma_start3A_1522 = arith.constant 0 : i32
      %dma_start3A_1523 = tpu.memref_slice %arg9[%scan3A_1322, %dma_start3A_1522] : memref<26x128xi32, #tpu.memory_space<vmem>> -> memref<1x128xi32, #tpu.memory_space<vmem>>
      %dma_start3A_1524 = tpu.memref_squeeze %dma_start3A_1523 : memref<1x128xi32, #tpu.memory_space<vmem>> -> memref<128xi32, #tpu.memory_space<vmem>>
      %dma_start3A_1525 = arith.constant 0 : i32
      %dma_start3A_1526 = tpu.memref_slice %arg4[%scan3A_1322, %dma_start3A_1517, %dma_start3A_1525] : memref<26x32x100000xf32, #tpu.memory_space<hbm>> -> memref<1x1x100000xf32, #tpu.memory_space<hbm>>
      %dma_start3A_1527 = tpu.memref_squeeze %dma_start3A_1526 : memref<1x1x100000xf32, #tpu.memory_space<hbm>> -> memref<100000xf32, #tpu.memory_space<hbm>>
      %dma_start3A_1528 = arith.constant 0 : i32
      %dma_start3A_1529 = tpu.memref_slice %dma_start3A_1527[%dma_start3A_1528] : memref<100000xf32, #tpu.memory_space<hbm>> -> memref<100000xf32, #tpu.memory_space<hbm>>
      tpu.enqueue_indirect_dma source(%dma_start3A_1529 : memref<100000xf32, #tpu.memory_space<hbm>>) target(%dma_start3A_1521 : memref<128xf32, #tpu.memory_space<vmem>>) offsets(%dma_start3A_1524 : memref<128xi32, #tpu.memory_space<vmem>>) semaphore(%arg16 : memref<!tpu.dma_semaphore, #tpu.memory_space<semaphore_mem>>)
      %dma_start3A_1530 = arith.constant 16 : i32
      %dma_start3A_1531 = arith.constant 16 : i32
      %dma_start3A_1532 = arith.constant 0 : i32
      %dma_start3A_1533 = tpu.memref_slice %arg11[%scan3A_1322, %dma_start3A_1531, %dma_start3A_1532] : memref<26x32x128xf32, #tpu.memory_space<vmem>> -> memref<1x1x128xf32, #tpu.memory_space<vmem>>
      %dma_start3A_1534 = tpu.memref_squeeze %dma_start3A_1533 : memref<1x1x128xf32, #tpu.memory_space<vmem>> -> memref<128xf32, #tpu.memory_space<vmem>>
      %dma_start3A_1535 = arith.constant 0 : i32
      %dma_start3A_1536 = tpu.memref_slice %arg9[%scan3A_1322, %dma_start3A_1535] : memref<26x128xi32, #tpu.memory_space<vmem>> -> memref<1x128xi32, #tpu.memory_space<vmem>>
      %dma_start3A_1537 = tpu.memref_squeeze %dma_start3A_1536 : memref<1x128xi32, #tpu.memory_space<vmem>> -> memref<128xi32, #tpu.memory_space<vmem>>
      %dma_start3A_1538 = arith.constant 0 : i32
      %dma_start3A_1539 = tpu.memref_slice %arg4[%scan3A_1322, %dma_start3A_1530, %dma_start3A_1538] : memref<26x32x100000xf32, #tpu.memory_space<hbm>> -> memref<1x1x100000xf32, #tpu.memory_space<hbm>>
      %dma_start3A_1540 = tpu.memref_squeeze %dma_start3A_1539 : memref<1x1x100000xf32, #tpu.memory_space<hbm>> -> memref<100000xf32, #tpu.memory_space<hbm>>
      %dma_start3A_1541 = arith.constant 0 : i32
      %dma_start3A_1542 = tpu.memref_slice %dma_start3A_1540[%dma_start3A_1541] : memref<100000xf32, #tpu.memory_space<hbm>> -> memref<100000xf32, #tpu.memory_space<hbm>>
      tpu.enqueue_indirect_dma source(%dma_start3A_1542 : memref<100000xf32, #tpu.memory_space<hbm>>) target(%dma_start3A_1534 : memref<128xf32, #tpu.memory_space<vmem>>) offsets(%dma_start3A_1537 : memref<128xi32, #tpu.memory_space<vmem>>) semaphore(%arg16 : memref<!tpu.dma_semaphore, #tpu.memory_space<semaphore_mem>>)
      %dma_start3A_1543 = arith.constant 17 : i32
      %dma_start3A_1544 = arith.constant 17 : i32
      %dma_start3A_1545 = arith.constant 0 : i32
      %dma_start3A_1546 = tpu.memref_slice %arg11[%scan3A_1322, %dma_start3A_1544, %dma_start3A_1545] : memref<26x32x128xf32, #tpu.memory_space<vmem>> -> memref<1x1x128xf32, #tpu.memory_space<vmem>>
      %dma_start3A_1547 = tpu.memref_squeeze %dma_start3A_1546 : memref<1x1x128xf32, #tpu.memory_space<vmem>> -> memref<128xf32, #tpu.memory_space<vmem>>
      %dma_start3A_1548 = arith.constant 0 : i32
      %dma_start3A_1549 = tpu.memref_slice %arg9[%scan3A_1322, %dma_start3A_1548] : memref<26x128xi32, #tpu.memory_space<vmem>> -> memref<1x128xi32, #tpu.memory_space<vmem>>
      %dma_start3A_1550 = tpu.memref_squeeze %dma_start3A_1549 : memref<1x128xi32, #tpu.memory_space<vmem>> -> memref<128xi32, #tpu.memory_space<vmem>>
      %dma_start3A_1551 = arith.constant 0 : i32
      %dma_start3A_1552 = tpu.memref_slice %arg4[%scan3A_1322, %dma_start3A_1543, %dma_start3A_1551] : memref<26x32x100000xf32, #tpu.memory_space<hbm>> -> memref<1x1x100000xf32, #tpu.memory_space<hbm>>
      %dma_start3A_1553 = tpu.memref_squeeze %dma_start3A_1552 : memref<1x1x100000xf32, #tpu.memory_space<hbm>> -> memref<100000xf32, #tpu.memory_space<hbm>>
      %dma_start3A_1554 = arith.constant 0 : i32
      %dma_start3A_1555 = tpu.memref_slice %dma_start3A_1553[%dma_start3A_1554] : memref<100000xf32, #tpu.memory_space<hbm>> -> memref<100000xf32, #tpu.memory_space<hbm>>
      tpu.enqueue_indirect_dma source(%dma_start3A_1555 : memref<100000xf32, #tpu.memory_space<hbm>>) target(%dma_start3A_1547 : memref<128xf32, #tpu.memory_space<vmem>>) offsets(%dma_start3A_1550 : memref<128xi32, #tpu.memory_space<vmem>>) semaphore(%arg16 : memref<!tpu.dma_semaphore, #tpu.memory_space<semaphore_mem>>)
      %dma_start3A_1556 = arith.constant 18 : i32
      %dma_start3A_1557 = arith.constant 18 : i32
      %dma_start3A_1558 = arith.constant 0 : i32
      %dma_start3A_1559 = tpu.memref_slice %arg11[%scan3A_1322, %dma_start3A_1557, %dma_start3A_1558] : memref<26x32x128xf32, #tpu.memory_space<vmem>> -> memref<1x1x128xf32, #tpu.memory_space<vmem>>
      %dma_start3A_1560 = tpu.memref_squeeze %dma_start3A_1559 : memref<1x1x128xf32, #tpu.memory_space<vmem>> -> memref<128xf32, #tpu.memory_space<vmem>>
      %dma_start3A_1561 = arith.constant 0 : i32
      %dma_start3A_1562 = tpu.memref_slice %arg9[%scan3A_1322, %dma_start3A_1561] : memref<26x128xi32, #tpu.memory_space<vmem>> -> memref<1x128xi32, #tpu.memory_space<vmem>>
      %dma_start3A_1563 = tpu.memref_squeeze %dma_start3A_1562 : memref<1x128xi32, #tpu.memory_space<vmem>> -> memref<128xi32, #tpu.memory_space<vmem>>
      %dma_start3A_1564 = arith.constant 0 : i32
      %dma_start3A_1565 = tpu.memref_slice %arg4[%scan3A_1322, %dma_start3A_1556, %dma_start3A_1564] : memref<26x32x100000xf32, #tpu.memory_space<hbm>> -> memref<1x1x100000xf32, #tpu.memory_space<hbm>>
      %dma_start3A_1566 = tpu.memref_squeeze %dma_start3A_1565 : memref<1x1x100000xf32, #tpu.memory_space<hbm>> -> memref<100000xf32, #tpu.memory_space<hbm>>
      %dma_start3A_1567 = arith.constant 0 : i32
      %dma_start3A_1568 = tpu.memref_slice %dma_start3A_1566[%dma_start3A_1567] : memref<100000xf32, #tpu.memory_space<hbm>> -> memref<100000xf32, #tpu.memory_space<hbm>>
      tpu.enqueue_indirect_dma source(%dma_start3A_1568 : memref<100000xf32, #tpu.memory_space<hbm>>) target(%dma_start3A_1560 : memref<128xf32, #tpu.memory_space<vmem>>) offsets(%dma_start3A_1563 : memref<128xi32, #tpu.memory_space<vmem>>) semaphore(%arg16 : memref<!tpu.dma_semaphore, #tpu.memory_space<semaphore_mem>>)
      %dma_start3A_1569 = arith.constant 19 : i32
      %dma_start3A_1570 = arith.constant 19 : i32
      %dma_start3A_1571 = arith.constant 0 : i32
      %dma_start3A_1572 = tpu.memref_slice %arg11[%scan3A_1322, %dma_start3A_1570, %dma_start3A_1571] : memref<26x32x128xf32, #tpu.memory_space<vmem>> -> memref<1x1x128xf32, #tpu.memory_space<vmem>>
      %dma_start3A_1573 = tpu.memref_squeeze %dma_start3A_1572 : memref<1x1x128xf32, #tpu.memory_space<vmem>> -> memref<128xf32, #tpu.memory_space<vmem>>
      %dma_start3A_1574 = arith.constant 0 : i32
      %dma_start3A_1575 = tpu.memref_slice %arg9[%scan3A_1322, %dma_start3A_1574] : memref<26x128xi32, #tpu.memory_space<vmem>> -> memref<1x128xi32, #tpu.memory_space<vmem>>
      %dma_start3A_1576 = tpu.memref_squeeze %dma_start3A_1575 : memref<1x128xi32, #tpu.memory_space<vmem>> -> memref<128xi32, #tpu.memory_space<vmem>>
      %dma_start3A_1577 = arith.constant 0 : i32
      %dma_start3A_1578 = tpu.memref_slice %arg4[%scan3A_1322, %dma_start3A_1569, %dma_start3A_1577] : memref<26x32x100000xf32, #tpu.memory_space<hbm>> -> memref<1x1x100000xf32, #tpu.memory_space<hbm>>
      %dma_start3A_1579 = tpu.memref_squeeze %dma_start3A_1578 : memref<1x1x100000xf32, #tpu.memory_space<hbm>> -> memref<100000xf32, #tpu.memory_space<hbm>>
      %dma_start3A_1580 = arith.constant 0 : i32
      %dma_start3A_1581 = tpu.memref_slice %dma_start3A_1579[%dma_start3A_1580] : memref<100000xf32, #tpu.memory_space<hbm>> -> memref<100000xf32, #tpu.memory_space<hbm>>
      tpu.enqueue_indirect_dma source(%dma_start3A_1581 : memref<100000xf32, #tpu.memory_space<hbm>>) target(%dma_start3A_1573 : memref<128xf32, #tpu.memory_space<vmem>>) offsets(%dma_start3A_1576 : memref<128xi32, #tpu.memory_space<vmem>>) semaphore(%arg16 : memref<!tpu.dma_semaphore, #tpu.memory_space<semaphore_mem>>)
      %dma_start3A_1582 = arith.constant 20 : i32
      %dma_start3A_1583 = arith.constant 20 : i32
      %dma_start3A_1584 = arith.constant 0 : i32
      %dma_start3A_1585 = tpu.memref_slice %arg11[%scan3A_1322, %dma_start3A_1583, %dma_start3A_1584] : memref<26x32x128xf32, #tpu.memory_space<vmem>> -> memref<1x1x128xf32, #tpu.memory_space<vmem>>
      %dma_start3A_1586 = tpu.memref_squeeze %dma_start3A_1585 : memref<1x1x128xf32, #tpu.memory_space<vmem>> -> memref<128xf32, #tpu.memory_space<vmem>>
      %dma_start3A_1587 = arith.constant 0 : i32
      %dma_start3A_1588 = tpu.memref_slice %arg9[%scan3A_1322, %dma_start3A_1587] : memref<26x128xi32, #tpu.memory_space<vmem>> -> memref<1x128xi32, #tpu.memory_space<vmem>>
      %dma_start3A_1589 = tpu.memref_squeeze %dma_start3A_1588 : memref<1x128xi32, #tpu.memory_space<vmem>> -> memref<128xi32, #tpu.memory_space<vmem>>
      %dma_start3A_1590 = arith.constant 0 : i32
      %dma_start3A_1591 = tpu.memref_slice %arg4[%scan3A_1322, %dma_start3A_1582, %dma_start3A_1590] : memref<26x32x100000xf32, #tpu.memory_space<hbm>> -> memref<1x1x100000xf32, #tpu.memory_space<hbm>>
      %dma_start3A_1592 = tpu.memref_squeeze %dma_start3A_1591 : memref<1x1x100000xf32, #tpu.memory_space<hbm>> -> memref<100000xf32, #tpu.memory_space<hbm>>
      %dma_start3A_1593 = arith.constant 0 : i32
      %dma_start3A_1594 = tpu.memref_slice %dma_start3A_1592[%dma_start3A_1593] : memref<100000xf32, #tpu.memory_space<hbm>> -> memref<100000xf32, #tpu.memory_space<hbm>>
      tpu.enqueue_indirect_dma source(%dma_start3A_1594 : memref<100000xf32, #tpu.memory_space<hbm>>) target(%dma_start3A_1586 : memref<128xf32, #tpu.memory_space<vmem>>) offsets(%dma_start3A_1589 : memref<128xi32, #tpu.memory_space<vmem>>) semaphore(%arg16 : memref<!tpu.dma_semaphore, #tpu.memory_space<semaphore_mem>>)
      %dma_start3A_1595 = arith.constant 21 : i32
      %dma_start3A_1596 = arith.constant 21 : i32
      %dma_start3A_1597 = arith.constant 0 : i32
      %dma_start3A_1598 = tpu.memref_slice %arg11[%scan3A_1322, %dma_start3A_1596, %dma_start3A_1597] : memref<26x32x128xf32, #tpu.memory_space<vmem>> -> memref<1x1x128xf32, #tpu.memory_space<vmem>>
      %dma_start3A_1599 = tpu.memref_squeeze %dma_start3A_1598 : memref<1x1x128xf32, #tpu.memory_space<vmem>> -> memref<128xf32, #tpu.memory_space<vmem>>
      %dma_start3A_1600 = arith.constant 0 : i32
      %dma_start3A_1601 = tpu.memref_slice %arg9[%scan3A_1322, %dma_start3A_1600] : memref<26x128xi32, #tpu.memory_space<vmem>> -> memref<1x128xi32, #tpu.memory_space<vmem>>
      %dma_start3A_1602 = tpu.memref_squeeze %dma_start3A_1601 : memref<1x128xi32, #tpu.memory_space<vmem>> -> memref<128xi32, #tpu.memory_space<vmem>>
      %dma_start3A_1603 = arith.constant 0 : i32
      %dma_start3A_1604 = tpu.memref_slice %arg4[%scan3A_1322, %dma_start3A_1595, %dma_start3A_1603] : memref<26x32x100000xf32, #tpu.memory_space<hbm>> -> memref<1x1x100000xf32, #tpu.memory_space<hbm>>
      %dma_start3A_1605 = tpu.memref_squeeze %dma_start3A_1604 : memref<1x1x100000xf32, #tpu.memory_space<hbm>> -> memref<100000xf32, #tpu.memory_space<hbm>>
      %dma_start3A_1606 = arith.constant 0 : i32
      %dma_start3A_1607 = tpu.memref_slice %dma_start3A_1605[%dma_start3A_1606] : memref<100000xf32, #tpu.memory_space<hbm>> -> memref<100000xf32, #tpu.memory_space<hbm>>
      tpu.enqueue_indirect_dma source(%dma_start3A_1607 : memref<100000xf32, #tpu.memory_space<hbm>>) target(%dma_start3A_1599 : memref<128xf32, #tpu.memory_space<vmem>>) offsets(%dma_start3A_1602 : memref<128xi32, #tpu.memory_space<vmem>>) semaphore(%arg16 : memref<!tpu.dma_semaphore, #tpu.memory_space<semaphore_mem>>)
      %dma_start3A_1608 = arith.constant 22 : i32
      %dma_start3A_1609 = arith.constant 22 : i32
      %dma_start3A_1610 = arith.constant 0 : i32
      %dma_start3A_1611 = tpu.memref_slice %arg11[%scan3A_1322, %dma_start3A_1609, %dma_start3A_1610] : memref<26x32x128xf32, #tpu.memory_space<vmem>> -> memref<1x1x128xf32, #tpu.memory_space<vmem>>
      %dma_start3A_1612 = tpu.memref_squeeze %dma_start3A_1611 : memref<1x1x128xf32, #tpu.memory_space<vmem>> -> memref<128xf32, #tpu.memory_space<vmem>>
      %dma_start3A_1613 = arith.constant 0 : i32
      %dma_start3A_1614 = tpu.memref_slice %arg9[%scan3A_1322, %dma_start3A_1613] : memref<26x128xi32, #tpu.memory_space<vmem>> -> memref<1x128xi32, #tpu.memory_space<vmem>>
      %dma_start3A_1615 = tpu.memref_squeeze %dma_start3A_1614 : memref<1x128xi32, #tpu.memory_space<vmem>> -> memref<128xi32, #tpu.memory_space<vmem>>
      %dma_start3A_1616 = arith.constant 0 : i32
      %dma_start3A_1617 = tpu.memref_slice %arg4[%scan3A_1322, %dma_start3A_1608, %dma_start3A_1616] : memref<26x32x100000xf32, #tpu.memory_space<hbm>> -> memref<1x1x100000xf32, #tpu.memory_space<hbm>>
      %dma_start3A_1618 = tpu.memref_squeeze %dma_start3A_1617 : memref<1x1x100000xf32, #tpu.memory_space<hbm>> -> memref<100000xf32, #tpu.memory_space<hbm>>
      %dma_start3A_1619 = arith.constant 0 : i32
      %dma_start3A_1620 = tpu.memref_slice %dma_start3A_1618[%dma_start3A_1619] : memref<100000xf32, #tpu.memory_space<hbm>> -> memref<100000xf32, #tpu.memory_space<hbm>>
      tpu.enqueue_indirect_dma source(%dma_start3A_1620 : memref<100000xf32, #tpu.memory_space<hbm>>) target(%dma_start3A_1612 : memref<128xf32, #tpu.memory_space<vmem>>) offsets(%dma_start3A_1615 : memref<128xi32, #tpu.memory_space<vmem>>) semaphore(%arg16 : memref<!tpu.dma_semaphore, #tpu.memory_space<semaphore_mem>>)
      %dma_start3A_1621 = arith.constant 23 : i32
      %dma_start3A_1622 = arith.constant 23 : i32
      %dma_start3A_1623 = arith.constant 0 : i32
      %dma_start3A_1624 = tpu.memref_slice %arg11[%scan3A_1322, %dma_start3A_1622, %dma_start3A_1623] : memref<26x32x128xf32, #tpu.memory_space<vmem>> -> memref<1x1x128xf32, #tpu.memory_space<vmem>>
      %dma_start3A_1625 = tpu.memref_squeeze %dma_start3A_1624 : memref<1x1x128xf32, #tpu.memory_space<vmem>> -> memref<128xf32, #tpu.memory_space<vmem>>
      %dma_start3A_1626 = arith.constant 0 : i32
      %dma_start3A_1627 = tpu.memref_slice %arg9[%scan3A_1322, %dma_start3A_1626] : memref<26x128xi32, #tpu.memory_space<vmem>> -> memref<1x128xi32, #tpu.memory_space<vmem>>
      %dma_start3A_1628 = tpu.memref_squeeze %dma_start3A_1627 : memref<1x128xi32, #tpu.memory_space<vmem>> -> memref<128xi32, #tpu.memory_space<vmem>>
      %dma_start3A_1629 = arith.constant 0 : i32
      %dma_start3A_1630 = tpu.memref_slice %arg4[%scan3A_1322, %dma_start3A_1621, %dma_start3A_1629] : memref<26x32x100000xf32, #tpu.memory_space<hbm>> -> memref<1x1x100000xf32, #tpu.memory_space<hbm>>
      %dma_start3A_1631 = tpu.memref_squeeze %dma_start3A_1630 : memref<1x1x100000xf32, #tpu.memory_space<hbm>> -> memref<100000xf32, #tpu.memory_space<hbm>>
      %dma_start3A_1632 = arith.constant 0 : i32
      %dma_start3A_1633 = tpu.memref_slice %dma_start3A_1631[%dma_start3A_1632] : memref<100000xf32, #tpu.memory_space<hbm>> -> memref<100000xf32, #tpu.memory_space<hbm>>
      tpu.enqueue_indirect_dma source(%dma_start3A_1633 : memref<100000xf32, #tpu.memory_space<hbm>>) target(%dma_start3A_1625 : memref<128xf32, #tpu.memory_space<vmem>>) offsets(%dma_start3A_1628 : memref<128xi32, #tpu.memory_space<vmem>>) semaphore(%arg16 : memref<!tpu.dma_semaphore, #tpu.memory_space<semaphore_mem>>)
      %dma_start3A_1634 = arith.constant 24 : i32
      %dma_start3A_1635 = arith.constant 24 : i32
      %dma_start3A_1636 = arith.constant 0 : i32
      %dma_start3A_1637 = tpu.memref_slice %arg11[%scan3A_1322, %dma_start3A_1635, %dma_start3A_1636] : memref<26x32x128xf32, #tpu.memory_space<vmem>> -> memref<1x1x128xf32, #tpu.memory_space<vmem>>
      %dma_start3A_1638 = tpu.memref_squeeze %dma_start3A_1637 : memref<1x1x128xf32, #tpu.memory_space<vmem>> -> memref<128xf32, #tpu.memory_space<vmem>>
      %dma_start3A_1639 = arith.constant 0 : i32
      %dma_start3A_1640 = tpu.memref_slice %arg9[%scan3A_1322, %dma_start3A_1639] : memref<26x128xi32, #tpu.memory_space<vmem>> -> memref<1x128xi32, #tpu.memory_space<vmem>>
      %dma_start3A_1641 = tpu.memref_squeeze %dma_start3A_1640 : memref<1x128xi32, #tpu.memory_space<vmem>> -> memref<128xi32, #tpu.memory_space<vmem>>
      %dma_start3A_1642 = arith.constant 0 : i32
      %dma_start3A_1643 = tpu.memref_slice %arg4[%scan3A_1322, %dma_start3A_1634, %dma_start3A_1642] : memref<26x32x100000xf32, #tpu.memory_space<hbm>> -> memref<1x1x100000xf32, #tpu.memory_space<hbm>>
      %dma_start3A_1644 = tpu.memref_squeeze %dma_start3A_1643 : memref<1x1x100000xf32, #tpu.memory_space<hbm>> -> memref<100000xf32, #tpu.memory_space<hbm>>
      %dma_start3A_1645 = arith.constant 0 : i32
      %dma_start3A_1646 = tpu.memref_slice %dma_start3A_1644[%dma_start3A_1645] : memref<100000xf32, #tpu.memory_space<hbm>> -> memref<100000xf32, #tpu.memory_space<hbm>>
      tpu.enqueue_indirect_dma source(%dma_start3A_1646 : memref<100000xf32, #tpu.memory_space<hbm>>) target(%dma_start3A_1638 : memref<128xf32, #tpu.memory_space<vmem>>) offsets(%dma_start3A_1641 : memref<128xi32, #tpu.memory_space<vmem>>) semaphore(%arg16 : memref<!tpu.dma_semaphore, #tpu.memory_space<semaphore_mem>>)
      %dma_start3A_1647 = arith.constant 25 : i32
      %dma_start3A_1648 = arith.constant 25 : i32
      %dma_start3A_1649 = arith.constant 0 : i32
      %dma_start3A_1650 = tpu.memref_slice %arg11[%scan3A_1322, %dma_start3A_1648, %dma_start3A_1649] : memref<26x32x128xf32, #tpu.memory_space<vmem>> -> memref<1x1x128xf32, #tpu.memory_space<vmem>>
      %dma_start3A_1651 = tpu.memref_squeeze %dma_start3A_1650 : memref<1x1x128xf32, #tpu.memory_space<vmem>> -> memref<128xf32, #tpu.memory_space<vmem>>
      %dma_start3A_1652 = arith.constant 0 : i32
      %dma_start3A_1653 = tpu.memref_slice %arg9[%scan3A_1322, %dma_start3A_1652] : memref<26x128xi32, #tpu.memory_space<vmem>> -> memref<1x128xi32, #tpu.memory_space<vmem>>
      %dma_start3A_1654 = tpu.memref_squeeze %dma_start3A_1653 : memref<1x128xi32, #tpu.memory_space<vmem>> -> memref<128xi32, #tpu.memory_space<vmem>>
      %dma_start3A_1655 = arith.constant 0 : i32
      %dma_start3A_1656 = tpu.memref_slice %arg4[%scan3A_1322, %dma_start3A_1647, %dma_start3A_1655] : memref<26x32x100000xf32, #tpu.memory_space<hbm>> -> memref<1x1x100000xf32, #tpu.memory_space<hbm>>
      %dma_start3A_1657 = tpu.memref_squeeze %dma_start3A_1656 : memref<1x1x100000xf32, #tpu.memory_space<hbm>> -> memref<100000xf32, #tpu.memory_space<hbm>>
      %dma_start3A_1658 = arith.constant 0 : i32
      %dma_start3A_1659 = tpu.memref_slice %dma_start3A_1657[%dma_start3A_1658] : memref<100000xf32, #tpu.memory_space<hbm>> -> memref<100000xf32, #tpu.memory_space<hbm>>
      tpu.enqueue_indirect_dma source(%dma_start3A_1659 : memref<100000xf32, #tpu.memory_space<hbm>>) target(%dma_start3A_1651 : memref<128xf32, #tpu.memory_space<vmem>>) offsets(%dma_start3A_1654 : memref<128xi32, #tpu.memory_space<vmem>>) semaphore(%arg16 : memref<!tpu.dma_semaphore, #tpu.memory_space<semaphore_mem>>)
      %dma_start3A_1660 = arith.constant 26 : i32
      %dma_start3A_1661 = arith.constant 26 : i32
      %dma_start3A_1662 = arith.constant 0 : i32
      %dma_start3A_1663 = tpu.memref_slice %arg11[%scan3A_1322, %dma_start3A_1661, %dma_start3A_1662] : memref<26x32x128xf32, #tpu.memory_space<vmem>> -> memref<1x1x128xf32, #tpu.memory_space<vmem>>
      %dma_start3A_1664 = tpu.memref_squeeze %dma_start3A_1663 : memref<1x1x128xf32, #tpu.memory_space<vmem>> -> memref<128xf32, #tpu.memory_space<vmem>>
      %dma_start3A_1665 = arith.constant 0 : i32
      %dma_start3A_1666 = tpu.memref_slice %arg9[%scan3A_1322, %dma_start3A_1665] : memref<26x128xi32, #tpu.memory_space<vmem>> -> memref<1x128xi32, #tpu.memory_space<vmem>>
      %dma_start3A_1667 = tpu.memref_squeeze %dma_start3A_1666 : memref<1x128xi32, #tpu.memory_space<vmem>> -> memref<128xi32, #tpu.memory_space<vmem>>
      %dma_start3A_1668 = arith.constant 0 : i32
      %dma_start3A_1669 = tpu.memref_slice %arg4[%scan3A_1322, %dma_start3A_1660, %dma_start3A_1668] : memref<26x32x100000xf32, #tpu.memory_space<hbm>> -> memref<1x1x100000xf32, #tpu.memory_space<hbm>>
      %dma_start3A_1670 = tpu.memref_squeeze %dma_start3A_1669 : memref<1x1x100000xf32, #tpu.memory_space<hbm>> -> memref<100000xf32, #tpu.memory_space<hbm>>
      %dma_start3A_1671 = arith.constant 0 : i32
      %dma_start3A_1672 = tpu.memref_slice %dma_start3A_1670[%dma_start3A_1671] : memref<100000xf32, #tpu.memory_space<hbm>> -> memref<100000xf32, #tpu.memory_space<hbm>>
      tpu.enqueue_indirect_dma source(%dma_start3A_1672 : memref<100000xf32, #tpu.memory_space<hbm>>) target(%dma_start3A_1664 : memref<128xf32, #tpu.memory_space<vmem>>) offsets(%dma_start3A_1667 : memref<128xi32, #tpu.memory_space<vmem>>) semaphore(%arg16 : memref<!tpu.dma_semaphore, #tpu.memory_space<semaphore_mem>>)
      %dma_start3A_1673 = arith.constant 27 : i32
      %dma_start3A_1674 = arith.constant 27 : i32
      %dma_start3A_1675 = arith.constant 0 : i32
      %dma_start3A_1676 = tpu.memref_slice %arg11[%scan3A_1322, %dma_start3A_1674, %dma_start3A_1675] : memref<26x32x128xf32, #tpu.memory_space<vmem>> -> memref<1x1x128xf32, #tpu.memory_space<vmem>>
      %dma_start3A_1677 = tpu.memref_squeeze %dma_start3A_1676 : memref<1x1x128xf32, #tpu.memory_space<vmem>> -> memref<128xf32, #tpu.memory_space<vmem>>
      %dma_start3A_1678 = arith.constant 0 : i32
      %dma_start3A_1679 = tpu.memref_slice %arg9[%scan3A_1322, %dma_start3A_1678] : memref<26x128xi32, #tpu.memory_space<vmem>> -> memref<1x128xi32, #tpu.memory_space<vmem>>
      %dma_start3A_1680 = tpu.memref_squeeze %dma_start3A_1679 : memref<1x128xi32, #tpu.memory_space<vmem>> -> memref<128xi32, #tpu.memory_space<vmem>>
      %dma_start3A_1681 = arith.constant 0 : i32
      %dma_start3A_1682 = tpu.memref_slice %arg4[%scan3A_1322, %dma_start3A_1673, %dma_start3A_1681] : memref<26x32x100000xf32, #tpu.memory_space<hbm>> -> memref<1x1x100000xf32, #tpu.memory_space<hbm>>
      %dma_start3A_1683 = tpu.memref_squeeze %dma_start3A_1682 : memref<1x1x100000xf32, #tpu.memory_space<hbm>> -> memref<100000xf32, #tpu.memory_space<hbm>>
      %dma_start3A_1684 = arith.constant 0 : i32
      %dma_start3A_1685 = tpu.memref_slice %dma_start3A_1683[%dma_start3A_1684] : memref<100000xf32, #tpu.memory_space<hbm>> -> memref<100000xf32, #tpu.memory_space<hbm>>
      tpu.enqueue_indirect_dma source(%dma_start3A_1685 : memref<100000xf32, #tpu.memory_space<hbm>>) target(%dma_start3A_1677 : memref<128xf32, #tpu.memory_space<vmem>>) offsets(%dma_start3A_1680 : memref<128xi32, #tpu.memory_space<vmem>>) semaphore(%arg16 : memref<!tpu.dma_semaphore, #tpu.memory_space<semaphore_mem>>)
      %dma_start3A_1686 = arith.constant 28 : i32
      %dma_start3A_1687 = arith.constant 28 : i32
      %dma_start3A_1688 = arith.constant 0 : i32
      %dma_start3A_1689 = tpu.memref_slice %arg11[%scan3A_1322, %dma_start3A_1687, %dma_start3A_1688] : memref<26x32x128xf32, #tpu.memory_space<vmem>> -> memref<1x1x128xf32, #tpu.memory_space<vmem>>
      %dma_start3A_1690 = tpu.memref_squeeze %dma_start3A_1689 : memref<1x1x128xf32, #tpu.memory_space<vmem>> -> memref<128xf32, #tpu.memory_space<vmem>>
      %dma_start3A_1691 = arith.constant 0 : i32
      %dma_start3A_1692 = tpu.memref_slice %arg9[%scan3A_1322, %dma_start3A_1691] : memref<26x128xi32, #tpu.memory_space<vmem>> -> memref<1x128xi32, #tpu.memory_space<vmem>>
      %dma_start3A_1693 = tpu.memref_squeeze %dma_start3A_1692 : memref<1x128xi32, #tpu.memory_space<vmem>> -> memref<128xi32, #tpu.memory_space<vmem>>
      %dma_start3A_1694 = arith.constant 0 : i32
      %dma_start3A_1695 = tpu.memref_slice %arg4[%scan3A_1322, %dma_start3A_1686, %dma_start3A_1694] : memref<26x32x100000xf32, #tpu.memory_space<hbm>> -> memref<1x1x100000xf32, #tpu.memory_space<hbm>>
      %dma_start3A_1696 = tpu.memref_squeeze %dma_start3A_1695 : memref<1x1x100000xf32, #tpu.memory_space<hbm>> -> memref<100000xf32, #tpu.memory_space<hbm>>
      %dma_start3A_1697 = arith.constant 0 : i32
      %dma_start3A_1698 = tpu.memref_slice %dma_start3A_1696[%dma_start3A_1697] : memref<100000xf32, #tpu.memory_space<hbm>> -> memref<100000xf32, #tpu.memory_space<hbm>>
      tpu.enqueue_indirect_dma source(%dma_start3A_1698 : memref<100000xf32, #tpu.memory_space<hbm>>) target(%dma_start3A_1690 : memref<128xf32, #tpu.memory_space<vmem>>) offsets(%dma_start3A_1693 : memref<128xi32, #tpu.memory_space<vmem>>) semaphore(%arg16 : memref<!tpu.dma_semaphore, #tpu.memory_space<semaphore_mem>>)
      %dma_start3A_1699 = arith.constant 29 : i32
      %dma_start3A_1700 = arith.constant 29 : i32
      %dma_start3A_1701 = arith.constant 0 : i32
      %dma_start3A_1702 = tpu.memref_slice %arg11[%scan3A_1322, %dma_start3A_1700, %dma_start3A_1701] : memref<26x32x128xf32, #tpu.memory_space<vmem>> -> memref<1x1x128xf32, #tpu.memory_space<vmem>>
      %dma_start3A_1703 = tpu.memref_squeeze %dma_start3A_1702 : memref<1x1x128xf32, #tpu.memory_space<vmem>> -> memref<128xf32, #tpu.memory_space<vmem>>
      %dma_start3A_1704 = arith.constant 0 : i32
      %dma_start3A_1705 = tpu.memref_slice %arg9[%scan3A_1322, %dma_start3A_1704] : memref<26x128xi32, #tpu.memory_space<vmem>> -> memref<1x128xi32, #tpu.memory_space<vmem>>
      %dma_start3A_1706 = tpu.memref_squeeze %dma_start3A_1705 : memref<1x128xi32, #tpu.memory_space<vmem>> -> memref<128xi32, #tpu.memory_space<vmem>>
      %dma_start3A_1707 = arith.constant 0 : i32
      %dma_start3A_1708 = tpu.memref_slice %arg4[%scan3A_1322, %dma_start3A_1699, %dma_start3A_1707] : memref<26x32x100000xf32, #tpu.memory_space<hbm>> -> memref<1x1x100000xf32, #tpu.memory_space<hbm>>
      %dma_start3A_1709 = tpu.memref_squeeze %dma_start3A_1708 : memref<1x1x100000xf32, #tpu.memory_space<hbm>> -> memref<100000xf32, #tpu.memory_space<hbm>>
      %dma_start3A_1710 = arith.constant 0 : i32
      %dma_start3A_1711 = tpu.memref_slice %dma_start3A_1709[%dma_start3A_1710] : memref<100000xf32, #tpu.memory_space<hbm>> -> memref<100000xf32, #tpu.memory_space<hbm>>
      tpu.enqueue_indirect_dma source(%dma_start3A_1711 : memref<100000xf32, #tpu.memory_space<hbm>>) target(%dma_start3A_1703 : memref<128xf32, #tpu.memory_space<vmem>>) offsets(%dma_start3A_1706 : memref<128xi32, #tpu.memory_space<vmem>>) semaphore(%arg16 : memref<!tpu.dma_semaphore, #tpu.memory_space<semaphore_mem>>)
      %dma_start3A_1712 = arith.constant 30 : i32
      %dma_start3A_1713 = arith.constant 30 : i32
      %dma_start3A_1714 = arith.constant 0 : i32
      %dma_start3A_1715 = tpu.memref_slice %arg11[%scan3A_1322, %dma_start3A_1713, %dma_start3A_1714] : memref<26x32x128xf32, #tpu.memory_space<vmem>> -> memref<1x1x128xf32, #tpu.memory_space<vmem>>
      %dma_start3A_1716 = tpu.memref_squeeze %dma_start3A_1715 : memref<1x1x128xf32, #tpu.memory_space<vmem>> -> memref<128xf32, #tpu.memory_space<vmem>>
      %dma_start3A_1717 = arith.constant 0 : i32
      %dma_start3A_1718 = tpu.memref_slice %arg9[%scan3A_1322, %dma_start3A_1717] : memref<26x128xi32, #tpu.memory_space<vmem>> -> memref<1x128xi32, #tpu.memory_space<vmem>>
      %dma_start3A_1719 = tpu.memref_squeeze %dma_start3A_1718 : memref<1x128xi32, #tpu.memory_space<vmem>> -> memref<128xi32, #tpu.memory_space<vmem>>
      %dma_start3A_1720 = arith.constant 0 : i32
      %dma_start3A_1721 = tpu.memref_slice %arg4[%scan3A_1322, %dma_start3A_1712, %dma_start3A_1720] : memref<26x32x100000xf32, #tpu.memory_space<hbm>> -> memref<1x1x100000xf32, #tpu.memory_space<hbm>>
      %dma_start3A_1722 = tpu.memref_squeeze %dma_start3A_1721 : memref<1x1x100000xf32, #tpu.memory_space<hbm>> -> memref<100000xf32, #tpu.memory_space<hbm>>
      %dma_start3A_1723 = arith.constant 0 : i32
      %dma_start3A_1724 = tpu.memref_slice %dma_start3A_1722[%dma_start3A_1723] : memref<100000xf32, #tpu.memory_space<hbm>> -> memref<100000xf32, #tpu.memory_space<hbm>>
      tpu.enqueue_indirect_dma source(%dma_start3A_1724 : memref<100000xf32, #tpu.memory_space<hbm>>) target(%dma_start3A_1716 : memref<128xf32, #tpu.memory_space<vmem>>) offsets(%dma_start3A_1719 : memref<128xi32, #tpu.memory_space<vmem>>) semaphore(%arg16 : memref<!tpu.dma_semaphore, #tpu.memory_space<semaphore_mem>>)
      %dma_start3A_1725 = arith.constant 31 : i32
      %dma_start3A_1726 = arith.constant 31 : i32
      %dma_start3A_1727 = arith.constant 0 : i32
      %dma_start3A_1728 = tpu.memref_slice %arg11[%scan3A_1322, %dma_start3A_1726, %dma_start3A_1727] : memref<26x32x128xf32, #tpu.memory_space<vmem>> -> memref<1x1x128xf32, #tpu.memory_space<vmem>>
      %dma_start3A_1729 = tpu.memref_squeeze %dma_start3A_1728 : memref<1x1x128xf32, #tpu.memory_space<vmem>> -> memref<128xf32, #tpu.memory_space<vmem>>
      %dma_start3A_1730 = arith.constant 0 : i32
      %dma_start3A_1731 = tpu.memref_slice %arg9[%scan3A_1322, %dma_start3A_1730] : memref<26x128xi32, #tpu.memory_space<vmem>> -> memref<1x128xi32, #tpu.memory_space<vmem>>
      %dma_start3A_1732 = tpu.memref_squeeze %dma_start3A_1731 : memref<1x128xi32, #tpu.memory_space<vmem>> -> memref<128xi32, #tpu.memory_space<vmem>>
      %dma_start3A_1733 = arith.constant 0 : i32
      %dma_start3A_1734 = tpu.memref_slice %arg4[%scan3A_1322, %dma_start3A_1725, %dma_start3A_1733] : memref<26x32x100000xf32, #tpu.memory_space<hbm>> -> memref<1x1x100000xf32, #tpu.memory_space<hbm>>
      %dma_start3A_1735 = tpu.memref_squeeze %dma_start3A_1734 : memref<1x1x100000xf32, #tpu.memory_space<hbm>> -> memref<100000xf32, #tpu.memory_space<hbm>>
      %dma_start3A_1736 = arith.constant 0 : i32
      %dma_start3A_1737 = tpu.memref_slice %dma_start3A_1735[%dma_start3A_1736] : memref<100000xf32, #tpu.memory_space<hbm>> -> memref<100000xf32, #tpu.memory_space<hbm>>
      tpu.enqueue_indirect_dma source(%dma_start3A_1737 : memref<100000xf32, #tpu.memory_space<hbm>>) target(%dma_start3A_1729 : memref<128xf32, #tpu.memory_space<vmem>>) offsets(%dma_start3A_1732 : memref<128xi32, #tpu.memory_space<vmem>>) semaphore(%arg16 : memref<!tpu.dma_semaphore, #tpu.memory_space<semaphore_mem>>)
      %dma_start3A_1738 = arith.constant 0 : i32
      %dma_start3A_1739 = tpu.memref_slice %arg12[%scan3A_1322, %dma_start3A_1738] : memref<26x128xf32, #tpu.memory_space<vmem>> -> memref<1x128xf32, #tpu.memory_space<vmem>>
      %dma_start3A_1740 = tpu.memref_squeeze %dma_start3A_1739 : memref<1x128xf32, #tpu.memory_space<vmem>> -> memref<128xf32, #tpu.memory_space<vmem>>
      %dma_start3A_1741 = arith.constant 0 : i32
      %dma_start3A_1742 = tpu.memref_slice %arg10[%scan3A_1322, %dma_start3A_1741] : memref<26x128xi32, #tpu.memory_space<vmem>> -> memref<1x128xi32, #tpu.memory_space<vmem>>
      %dma_start3A_1743 = tpu.memref_squeeze %dma_start3A_1742 : memref<1x128xi32, #tpu.memory_space<vmem>> -> memref<128xi32, #tpu.memory_space<vmem>>
      %dma_start3A_1744 = arith.constant 0 : i32
      %dma_start3A_1745 = tpu.memref_slice %arg5[%dma_start3A_1744] : memref<2600000xf32, #tpu.memory_space<hbm>> -> memref<2600000xf32, #tpu.memory_space<hbm>>
      tpu.enqueue_indirect_dma source(%dma_start3A_1745 : memref<2600000xf32, #tpu.memory_space<hbm>>) target(%dma_start3A_1740 : memref<128xf32, #tpu.memory_space<vmem>>) offsets(%dma_start3A_1743 : memref<128xi32, #tpu.memory_space<vmem>>) semaphore(%arg17 : memref<!tpu.dma_semaphore, #tpu.memory_space<semaphore_mem>>)
    }
    %scan3A_7 = arith.constant 26 : i32
    %dma_wait3A = arith.constant 0 : i32
    %dma_wait3A_8 = arith.constant 0 : i32
    %dma_wait3A_9 = arith.constant 0 : i32
    %dma_wait3A_10 = tpu.memref_slice %arg4[%dma_wait3A, %dma_wait3A_8, %dma_wait3A_9] : memref<26x32x100000xf32, #tpu.memory_space<hbm>> -> memref<26x32x128xf32, #tpu.memory_space<hbm>>
    %dma_wait3A_11 = arith.constant 0 : i32
    %dma_wait3A_12 = arith.constant 0 : i32
    %dma_wait3A_13 = arith.constant 0 : i32
    %dma_wait3A_14 = tpu.memref_slice %arg4[%dma_wait3A_11, %dma_wait3A_12, %dma_wait3A_13] : memref<26x32x100000xf32, #tpu.memory_space<hbm>> -> memref<26x32x128xf32, #tpu.memory_space<hbm>>
    tpu.wait_dma2 semaphore(%arg16 : memref<!tpu.dma_semaphore, #tpu.memory_space<semaphore_mem>>) src(%dma_wait3A_14 : memref<26x32x128xf32, #tpu.memory_space<hbm>>) dst(%arg11 : memref<26x32x128xf32, #tpu.memory_space<vmem>>)
    %scan3A_15 = arith.constant 0 : i32
    %scan3A_16 = arith.constant 0 : i32
    %scan3A_17 = arith.constant 26 : i32
    %scan3A_18 = arith.addi %scan3A_16, %scan3A_17 : i32
    %scan3A_19 = arith.constant 1 : i32
    scf.for %scan3A_1322 = %scan3A_16 to %scan3A_18 step %scan3A_19  : i32 {
      %dma_wait3A_1323 = arith.constant 0 : i32
      %dma_wait3A_1324 = tpu.memref_slice %arg12[%scan3A_1322, %dma_wait3A_1323] : memref<26x128xf32, #tpu.memory_space<vmem>> -> memref<1x128xf32, #tpu.memory_space<vmem>>
      %dma_wait3A_1325 = tpu.memref_squeeze %dma_wait3A_1324 : memref<1x128xf32, #tpu.memory_space<vmem>> -> memref<128xf32, #tpu.memory_space<vmem>>
      %dma_wait3A_1326 = arith.constant 0 : i32
      %dma_wait3A_1327 = tpu.memref_slice %arg5[%dma_wait3A_1326] : memref<2600000xf32, #tpu.memory_space<hbm>> -> memref<128xf32, #tpu.memory_space<hbm>>
      %dma_wait3A_1328 = arith.constant 0 : i32
      %dma_wait3A_1329 = tpu.memref_slice %arg12[%scan3A_1322, %dma_wait3A_1328] : memref<26x128xf32, #tpu.memory_space<vmem>> -> memref<1x128xf32, #tpu.memory_space<vmem>>
      %dma_wait3A_1330 = tpu.memref_squeeze %dma_wait3A_1329 : memref<1x128xf32, #tpu.memory_space<vmem>> -> memref<128xf32, #tpu.memory_space<vmem>>
      %dma_wait3A_1331 = arith.constant 0 : i32
      %dma_wait3A_1332 = tpu.memref_slice %arg5[%dma_wait3A_1331] : memref<2600000xf32, #tpu.memory_space<hbm>> -> memref<128xf32, #tpu.memory_space<hbm>>
      tpu.wait_dma2 semaphore(%arg17 : memref<!tpu.dma_semaphore, #tpu.memory_space<semaphore_mem>>) src(%dma_wait3A_1332 : memref<128xf32, #tpu.memory_space<hbm>>) dst(%dma_wait3A_1330 : memref<128xf32, #tpu.memory_space<vmem>>)
    }
    %scan3A_20 = arith.constant 26 : i32
    %broadcast_in_dim3A = arith.constant 0.000000e+00 : f32
    %broadcast_in_dim3A_21 = vector.broadcast %broadcast_in_dim3A : f32 to vector<16xf32>
    %get3A = arith.constant 0 : i32
    %get3A_22 = arith.index_cast %get3A : i32 to index
    %get3A_23 = arith.constant 0 : index
    %get3A_24 = tpu.vector_load %arg12[%get3A_22, %get3A_23] {strides = array<i32>} : memref<26x128xf32, #tpu.memory_space<vmem>>, vector<1x16xf32>,
    %get3A_25 = vector.shape_cast %get3A_24 : vector<1x16xf32> to vector<16xf32>
    %add3A_26 = arith.addf %broadcast_in_dim3A_21, %get3A_25 : vector<16xf32>
    %get3A_27 = arith.constant 1 : i32
    %get3A_28 = arith.index_cast %get3A_27 : i32 to index
    %get3A_29 = arith.constant 0 : index
    %get3A_30 = tpu.vector_load %arg12[%get3A_28, %get3A_29] {strides = array<i32>} : memref<26x128xf32, #tpu.memory_space<vmem>>, vector<1x16xf32>,
    %get3A_31 = vector.shape_cast %get3A_30 : vector<1x16xf32> to vector<16xf32>
    %add3A_32 = arith.addf %add3A_26, %get3A_31 : vector<16xf32>
    %get3A_33 = arith.constant 2 : i32
    %get3A_34 = arith.index_cast %get3A_33 : i32 to index
    %get3A_35 = arith.constant 0 : index
    %get3A_36 = tpu.vector_load %arg12[%get3A_34, %get3A_35] {strides = array<i32>} : memref<26x128xf32, #tpu.memory_space<vmem>>, vector<1x16xf32>,
    %get3A_37 = vector.shape_cast %get3A_36 : vector<1x16xf32> to vector<16xf32>
    %add3A_38 = arith.addf %add3A_32, %get3A_37 : vector<16xf32>
    %get3A_39 = arith.constant 3 : i32
    %get3A_40 = arith.index_cast %get3A_39 : i32 to index
    %get3A_41 = arith.constant 0 : index
    %get3A_42 = tpu.vector_load %arg12[%get3A_40, %get3A_41] {strides = array<i32>} : memref<26x128xf32, #tpu.memory_space<vmem>>, vector<1x16xf32>,
    %get3A_43 = vector.shape_cast %get3A_42 : vector<1x16xf32> to vector<16xf32>
    %add3A_44 = arith.addf %add3A_38, %get3A_43 : vector<16xf32>
    %get3A_45 = arith.constant 4 : i32
    %get3A_46 = arith.index_cast %get3A_45 : i32 to index
    %get3A_47 = arith.constant 0 : index
    %get3A_48 = tpu.vector_load %arg12[%get3A_46, %get3A_47] {strides = array<i32>} : memref<26x128xf32, #tpu.memory_space<vmem>>, vector<1x16xf32>,
    %get3A_49 = vector.shape_cast %get3A_48 : vector<1x16xf32> to vector<16xf32>
    %add3A_50 = arith.addf %add3A_44, %get3A_49 : vector<16xf32>
    %get3A_51 = arith.constant 5 : i32
    %get3A_52 = arith.index_cast %get3A_51 : i32 to index
    %get3A_53 = arith.constant 0 : index
    %get3A_54 = tpu.vector_load %arg12[%get3A_52, %get3A_53] {strides = array<i32>} : memref<26x128xf32, #tpu.memory_space<vmem>>, vector<1x16xf32>,
    %get3A_55 = vector.shape_cast %get3A_54 : vector<1x16xf32> to vector<16xf32>
    %add3A_56 = arith.addf %add3A_50, %get3A_55 : vector<16xf32>
    %get3A_57 = arith.constant 6 : i32
    %get3A_58 = arith.index_cast %get3A_57 : i32 to index
    %get3A_59 = arith.constant 0 : index
    %get3A_60 = tpu.vector_load %arg12[%get3A_58, %get3A_59] {strides = array<i32>} : memref<26x128xf32, #tpu.memory_space<vmem>>, vector<1x16xf32>,
    %get3A_61 = vector.shape_cast %get3A_60 : vector<1x16xf32> to vector<16xf32>
    %add3A_62 = arith.addf %add3A_56, %get3A_61 : vector<16xf32>
    %get3A_63 = arith.constant 7 : i32
    %get3A_64 = arith.index_cast %get3A_63 : i32 to index
    %get3A_65 = arith.constant 0 : index
    %get3A_66 = tpu.vector_load %arg12[%get3A_64, %get3A_65] {strides = array<i32>} : memref<26x128xf32, #tpu.memory_space<vmem>>, vector<1x16xf32>,
    %get3A_67 = vector.shape_cast %get3A_66 : vector<1x16xf32> to vector<16xf32>
    %add3A_68 = arith.addf %add3A_62, %get3A_67 : vector<16xf32>
    %get3A_69 = arith.constant 8 : i32
    %get3A_70 = arith.index_cast %get3A_69 : i32 to index
    %get3A_71 = arith.constant 0 : index
    %get3A_72 = tpu.vector_load %arg12[%get3A_70, %get3A_71] {strides = array<i32>} : memref<26x128xf32, #tpu.memory_space<vmem>>, vector<1x16xf32>,
    %get3A_73 = vector.shape_cast %get3A_72 : vector<1x16xf32> to vector<16xf32>
    %add3A_74 = arith.addf %add3A_68, %get3A_73 : vector<16xf32>
    %get3A_75 = arith.constant 9 : i32
    %get3A_76 = arith.index_cast %get3A_75 : i32 to index
    %get3A_77 = arith.constant 0 : index
    %get3A_78 = tpu.vector_load %arg12[%get3A_76, %get3A_77] {strides = array<i32>} : memref<26x128xf32, #tpu.memory_space<vmem>>, vector<1x16xf32>,
    %get3A_79 = vector.shape_cast %get3A_78 : vector<1x16xf32> to vector<16xf32>
    %add3A_80 = arith.addf %add3A_74, %get3A_79 : vector<16xf32>
    %get3A_81 = arith.constant 10 : i32
    %get3A_82 = arith.index_cast %get3A_81 : i32 to index
    %get3A_83 = arith.constant 0 : index
    %get3A_84 = tpu.vector_load %arg12[%get3A_82, %get3A_83] {strides = array<i32>} : memref<26x128xf32, #tpu.memory_space<vmem>>, vector<1x16xf32>,
    %get3A_85 = vector.shape_cast %get3A_84 : vector<1x16xf32> to vector<16xf32>
    %add3A_86 = arith.addf %add3A_80, %get3A_85 : vector<16xf32>
    %get3A_87 = arith.constant 11 : i32
    %get3A_88 = arith.index_cast %get3A_87 : i32 to index
    %get3A_89 = arith.constant 0 : index
    %get3A_90 = tpu.vector_load %arg12[%get3A_88, %get3A_89] {strides = array<i32>} : memref<26x128xf32, #tpu.memory_space<vmem>>, vector<1x16xf32>,
    %get3A_91 = vector.shape_cast %get3A_90 : vector<1x16xf32> to vector<16xf32>
    %add3A_92 = arith.addf %add3A_86, %get3A_91 : vector<16xf32>
    %get3A_93 = arith.constant 12 : i32
    %get3A_94 = arith.index_cast %get3A_93 : i32 to index
    %get3A_95 = arith.constant 0 : index
    %get3A_96 = tpu.vector_load %arg12[%get3A_94, %get3A_95] {strides = array<i32>} : memref<26x128xf32, #tpu.memory_space<vmem>>, vector<1x16xf32>,
    %get3A_97 = vector.shape_cast %get3A_96 : vector<1x16xf32> to vector<16xf32>
    %add3A_98 = arith.addf %add3A_92, %get3A_97 : vector<16xf32>
    %get3A_99 = arith.constant 13 : i32
    %get3A_100 = arith.index_cast %get3A_99 : i32 to index
    %get3A_101 = arith.constant 0 : index
    %get3A_102 = tpu.vector_load %arg12[%get3A_100, %get3A_101] {strides = array<i32>} : memref<26x128xf32, #tpu.memory_space<vmem>>, vector<1x16xf32>,
    %get3A_103 = vector.shape_cast %get3A_102 : vector<1x16xf32> to vector<16xf32>
    %add3A_104 = arith.addf %add3A_98, %get3A_103 : vector<16xf32>
    %get3A_105 = arith.constant 14 : i32
    %get3A_106 = arith.index_cast %get3A_105 : i32 to index
    %get3A_107 = arith.constant 0 : index
    %get3A_108 = tpu.vector_load %arg12[%get3A_106, %get3A_107] {strides = array<i32>} : memref<26x128xf32, #tpu.memory_space<vmem>>, vector<1x16xf32>,
    %get3A_109 = vector.shape_cast %get3A_108 : vector<1x16xf32> to vector<16xf32>
    %add3A_110 = arith.addf %add3A_104, %get3A_109 : vector<16xf32>
    %get3A_111 = arith.constant 15 : i32
    %get3A_112 = arith.index_cast %get3A_111 : i32 to index
    %get3A_113 = arith.constant 0 : index
    %get3A_114 = tpu.vector_load %arg12[%get3A_112, %get3A_113] {strides = array<i32>} : memref<26x128xf32, #tpu.memory_space<vmem>>, vector<1x16xf32>,
    %get3A_115 = vector.shape_cast %get3A_114 : vector<1x16xf32> to vector<16xf32>
    %add3A_116 = arith.addf %add3A_110, %get3A_115 : vector<16xf32>
    %get3A_117 = arith.constant 16 : i32
    %get3A_118 = arith.index_cast %get3A_117 : i32 to index
    %get3A_119 = arith.constant 0 : index
    %get3A_120 = tpu.vector_load %arg12[%get3A_118, %get3A_119] {strides = array<i32>} : memref<26x128xf32, #tpu.memory_space<vmem>>, vector<1x16xf32>,
    %get3A_121 = vector.shape_cast %get3A_120 : vector<1x16xf32> to vector<16xf32>
    %add3A_122 = arith.addf %add3A_116, %get3A_121 : vector<16xf32>
    %get3A_123 = arith.constant 17 : i32
    %get3A_124 = arith.index_cast %get3A_123 : i32 to index
    %get3A_125 = arith.constant 0 : index
    %get3A_126 = tpu.vector_load %arg12[%get3A_124, %get3A_125] {strides = array<i32>} : memref<26x128xf32, #tpu.memory_space<vmem>>, vector<1x16xf32>,
    %get3A_127 = vector.shape_cast %get3A_126 : vector<1x16xf32> to vector<16xf32>
    %add3A_128 = arith.addf %add3A_122, %get3A_127 : vector<16xf32>
    %get3A_129 = arith.constant 18 : i32
    %get3A_130 = arith.index_cast %get3A_129 : i32 to index
    %get3A_131 = arith.constant 0 : index
    %get3A_132 = tpu.vector_load %arg12[%get3A_130, %get3A_131] {strides = array<i32>} : memref<26x128xf32, #tpu.memory_space<vmem>>, vector<1x16xf32>,
    %get3A_133 = vector.shape_cast %get3A_132 : vector<1x16xf32> to vector<16xf32>
    %add3A_134 = arith.addf %add3A_128, %get3A_133 : vector<16xf32>
    %get3A_135 = arith.constant 19 : i32
    %get3A_136 = arith.index_cast %get3A_135 : i32 to index
    %get3A_137 = arith.constant 0 : index
    %get3A_138 = tpu.vector_load %arg12[%get3A_136, %get3A_137] {strides = array<i32>} : memref<26x128xf32, #tpu.memory_space<vmem>>, vector<1x16xf32>,
    %get3A_139 = vector.shape_cast %get3A_138 : vector<1x16xf32> to vector<16xf32>
    %add3A_140 = arith.addf %add3A_134, %get3A_139 : vector<16xf32>
    %get3A_141 = arith.constant 20 : i32
    %get3A_142 = arith.index_cast %get3A_141 : i32 to index
    %get3A_143 = arith.constant 0 : index
    %get3A_144 = tpu.vector_load %arg12[%get3A_142, %get3A_143] {strides = array<i32>} : memref<26x128xf32, #tpu.memory_space<vmem>>, vector<1x16xf32>,
    %get3A_145 = vector.shape_cast %get3A_144 : vector<1x16xf32> to vector<16xf32>
    %add3A_146 = arith.addf %add3A_140, %get3A_145 : vector<16xf32>
    %get3A_147 = arith.constant 21 : i32
    %get3A_148 = arith.index_cast %get3A_147 : i32 to index
    %get3A_149 = arith.constant 0 : index
    %get3A_150 = tpu.vector_load %arg12[%get3A_148, %get3A_149] {strides = array<i32>} : memref<26x128xf32, #tpu.memory_space<vmem>>, vector<1x16xf32>,
    %get3A_151 = vector.shape_cast %get3A_150 : vector<1x16xf32> to vector<16xf32>
    %add3A_152 = arith.addf %add3A_146, %get3A_151 : vector<16xf32>
    %get3A_153 = arith.constant 22 : i32
    %get3A_154 = arith.index_cast %get3A_153 : i32 to index
    %get3A_155 = arith.constant 0 : index
    %get3A_156 = tpu.vector_load %arg12[%get3A_154, %get3A_155] {strides = array<i32>} : memref<26x128xf32, #tpu.memory_space<vmem>>, vector<1x16xf32>,
    %get3A_157 = vector.shape_cast %get3A_156 : vector<1x16xf32> to vector<16xf32>
    %add3A_158 = arith.addf %add3A_152, %get3A_157 : vector<16xf32>
    %get3A_159 = arith.constant 23 : i32
    %get3A_160 = arith.index_cast %get3A_159 : i32 to index
    %get3A_161 = arith.constant 0 : index
    %get3A_162 = tpu.vector_load %arg12[%get3A_160, %get3A_161] {strides = array<i32>} : memref<26x128xf32, #tpu.memory_space<vmem>>, vector<1x16xf32>,
    %get3A_163 = vector.shape_cast %get3A_162 : vector<1x16xf32> to vector<16xf32>
    %add3A_164 = arith.addf %add3A_158, %get3A_163 : vector<16xf32>
    %get3A_165 = arith.constant 24 : i32
    %get3A_166 = arith.index_cast %get3A_165 : i32 to index
    %get3A_167 = arith.constant 0 : index
    %get3A_168 = tpu.vector_load %arg12[%get3A_166, %get3A_167] {strides = array<i32>} : memref<26x128xf32, #tpu.memory_space<vmem>>, vector<1x16xf32>,
    %get3A_169 = vector.shape_cast %get3A_168 : vector<1x16xf32> to vector<16xf32>
    %add3A_170 = arith.addf %add3A_164, %get3A_169 : vector<16xf32>
    %get3A_171 = arith.constant 25 : i32
    %get3A_172 = arith.index_cast %get3A_171 : i32 to index
    %get3A_173 = arith.constant 0 : index
    %get3A_174 = tpu.vector_load %arg12[%get3A_172, %get3A_173] {strides = array<i32>} : memref<26x128xf32, #tpu.memory_space<vmem>>, vector<1x16xf32>,
    %get3A_175 = vector.shape_cast %get3A_174 : vector<1x16xf32> to vector<16xf32>
    %add3A_176 = arith.addf %add3A_170, %get3A_175 : vector<16xf32>
    %swap3A = arith.constant 0 : index
    %swap3A_177 = tpu.vector_load %arg15[%swap3A] {strides = array<i32>} : memref<128xf32, #tpu.memory_space<vmem>>, vector<16xf32>,
    %swap3A_178 = vector.shape_cast %swap3A_177 : vector<16xf32> to vector<16xf32>
    %swap3A_179 = vector.shape_cast %add3A_176 : vector<16xf32> to vector<16xf32>
    tpu.vector_store %arg15[%swap3A], %swap3A_179 {strides = array<i32>} : memref<128xf32, #tpu.memory_space<vmem>>, vector<16xf32>,
    %broadcast_in_dim3A_180 = arith.constant 0.000000e+00 : f32
    %broadcast_in_dim3A_181 = vector.broadcast %broadcast_in_dim3A_180 : f32 to vector<16xf32>
    %get3A_182 = arith.constant 0 : i32
    %get3A_183 = arith.index_cast %get3A_182 : i32 to index
    %get3A_184 = arith.constant 16 : index
    %get3A_185 = tpu.vector_load %arg12[%get3A_183, %get3A_184] {strides = array<i32>} : memref<26x128xf32, #tpu.memory_space<vmem>>, vector<1x16xf32>,
    %get3A_186 = vector.shape_cast %get3A_185 : vector<1x16xf32> to vector<16xf32>
    %add3A_187 = arith.addf %broadcast_in_dim3A_181, %get3A_186 : vector<16xf32>
    %get3A_188 = arith.constant 1 : i32
    %get3A_189 = arith.index_cast %get3A_188 : i32 to index
    %get3A_190 = arith.constant 16 : index
    %get3A_191 = tpu.vector_load %arg12[%get3A_189, %get3A_190] {strides = array<i32>} : memref<26x128xf32, #tpu.memory_space<vmem>>, vector<1x16xf32>,
    %get3A_192 = vector.shape_cast %get3A_191 : vector<1x16xf32> to vector<16xf32>
    %add3A_193 = arith.addf %add3A_187, %get3A_192 : vector<16xf32>
    %get3A_194 = arith.constant 2 : i32
    %get3A_195 = arith.index_cast %get3A_194 : i32 to index
    %get3A_196 = arith.constant 16 : index
    %get3A_197 = tpu.vector_load %arg12[%get3A_195, %get3A_196] {strides = array<i32>} : memref<26x128xf32, #tpu.memory_space<vmem>>, vector<1x16xf32>,
    %get3A_198 = vector.shape_cast %get3A_197 : vector<1x16xf32> to vector<16xf32>
    %add3A_199 = arith.addf %add3A_193, %get3A_198 : vector<16xf32>
    %get3A_200 = arith.constant 3 : i32
    %get3A_201 = arith.index_cast %get3A_200 : i32 to index
    %get3A_202 = arith.constant 16 : index
    %get3A_203 = tpu.vector_load %arg12[%get3A_201, %get3A_202] {strides = array<i32>} : memref<26x128xf32, #tpu.memory_space<vmem>>, vector<1x16xf32>,
    %get3A_204 = vector.shape_cast %get3A_203 : vector<1x16xf32> to vector<16xf32>
    %add3A_205 = arith.addf %add3A_199, %get3A_204 : vector<16xf32>
    %get3A_206 = arith.constant 4 : i32
    %get3A_207 = arith.index_cast %get3A_206 : i32 to index
    %get3A_208 = arith.constant 16 : index
    %get3A_209 = tpu.vector_load %arg12[%get3A_207, %get3A_208] {strides = array<i32>} : memref<26x128xf32, #tpu.memory_space<vmem>>, vector<1x16xf32>,
    %get3A_210 = vector.shape_cast %get3A_209 : vector<1x16xf32> to vector<16xf32>
    %add3A_211 = arith.addf %add3A_205, %get3A_210 : vector<16xf32>
    %get3A_212 = arith.constant 5 : i32
    %get3A_213 = arith.index_cast %get3A_212 : i32 to index
    %get3A_214 = arith.constant 16 : index
    %get3A_215 = tpu.vector_load %arg12[%get3A_213, %get3A_214] {strides = array<i32>} : memref<26x128xf32, #tpu.memory_space<vmem>>, vector<1x16xf32>,
    %get3A_216 = vector.shape_cast %get3A_215 : vector<1x16xf32> to vector<16xf32>
    %add3A_217 = arith.addf %add3A_211, %get3A_216 : vector<16xf32>
    %get3A_218 = arith.constant 6 : i32
    %get3A_219 = arith.index_cast %get3A_218 : i32 to index
    %get3A_220 = arith.constant 16 : index
    %get3A_221 = tpu.vector_load %arg12[%get3A_219, %get3A_220] {strides = array<i32>} : memref<26x128xf32, #tpu.memory_space<vmem>>, vector<1x16xf32>,
    %get3A_222 = vector.shape_cast %get3A_221 : vector<1x16xf32> to vector<16xf32>
    %add3A_223 = arith.addf %add3A_217, %get3A_222 : vector<16xf32>
    %get3A_224 = arith.constant 7 : i32
    %get3A_225 = arith.index_cast %get3A_224 : i32 to index
    %get3A_226 = arith.constant 16 : index
    %get3A_227 = tpu.vector_load %arg12[%get3A_225, %get3A_226] {strides = array<i32>} : memref<26x128xf32, #tpu.memory_space<vmem>>, vector<1x16xf32>,
    %get3A_228 = vector.shape_cast %get3A_227 : vector<1x16xf32> to vector<16xf32>
    %add3A_229 = arith.addf %add3A_223, %get3A_228 : vector<16xf32>
    %get3A_230 = arith.constant 8 : i32
    %get3A_231 = arith.index_cast %get3A_230 : i32 to index
    %get3A_232 = arith.constant 16 : index
    %get3A_233 = tpu.vector_load %arg12[%get3A_231, %get3A_232] {strides = array<i32>} : memref<26x128xf32, #tpu.memory_space<vmem>>, vector<1x16xf32>,
    %get3A_234 = vector.shape_cast %get3A_233 : vector<1x16xf32> to vector<16xf32>
    %add3A_235 = arith.addf %add3A_229, %get3A_234 : vector<16xf32>
    %get3A_236 = arith.constant 9 : i32
    %get3A_237 = arith.index_cast %get3A_236 : i32 to index
    %get3A_238 = arith.constant 16 : index
    %get3A_239 = tpu.vector_load %arg12[%get3A_237, %get3A_238] {strides = array<i32>} : memref<26x128xf32, #tpu.memory_space<vmem>>, vector<1x16xf32>,
    %get3A_240 = vector.shape_cast %get3A_239 : vector<1x16xf32> to vector<16xf32>
    %add3A_241 = arith.addf %add3A_235, %get3A_240 : vector<16xf32>
    %get3A_242 = arith.constant 10 : i32
    %get3A_243 = arith.index_cast %get3A_242 : i32 to index
    %get3A_244 = arith.constant 16 : index
    %get3A_245 = tpu.vector_load %arg12[%get3A_243, %get3A_244] {strides = array<i32>} : memref<26x128xf32, #tpu.memory_space<vmem>>, vector<1x16xf32>,
    %get3A_246 = vector.shape_cast %get3A_245 : vector<1x16xf32> to vector<16xf32>
    %add3A_247 = arith.addf %add3A_241, %get3A_246 : vector<16xf32>
    %get3A_248 = arith.constant 11 : i32
    %get3A_249 = arith.index_cast %get3A_248 : i32 to index
    %get3A_250 = arith.constant 16 : index
    %get3A_251 = tpu.vector_load %arg12[%get3A_249, %get3A_250] {strides = array<i32>} : memref<26x128xf32, #tpu.memory_space<vmem>>, vector<1x16xf32>,
    %get3A_252 = vector.shape_cast %get3A_251 : vector<1x16xf32> to vector<16xf32>
    %add3A_253 = arith.addf %add3A_247, %get3A_252 : vector<16xf32>
    %get3A_254 = arith.constant 12 : i32
    %get3A_255 = arith.index_cast %get3A_254 : i32 to index
    %get3A_256 = arith.constant 16 : index
    %get3A_257 = tpu.vector_load %arg12[%get3A_255, %get3A_256] {strides = array<i32>} : memref<26x128xf32, #tpu.memory_space<vmem>>, vector<1x16xf32>,
    %get3A_258 = vector.shape_cast %get3A_257 : vector<1x16xf32> to vector<16xf32>
    %add3A_259 = arith.addf %add3A_253, %get3A_258 : vector<16xf32>
    %get3A_260 = arith.constant 13 : i32
    %get3A_261 = arith.index_cast %get3A_260 : i32 to index
    %get3A_262 = arith.constant 16 : index
    %get3A_263 = tpu.vector_load %arg12[%get3A_261, %get3A_262] {strides = array<i32>} : memref<26x128xf32, #tpu.memory_space<vmem>>, vector<1x16xf32>,
    %get3A_264 = vector.shape_cast %get3A_263 : vector<1x16xf32> to vector<16xf32>
    %add3A_265 = arith.addf %add3A_259, %get3A_264 : vector<16xf32>
    %get3A_266 = arith.constant 14 : i32
    %get3A_267 = arith.index_cast %get3A_266 : i32 to index
    %get3A_268 = arith.constant 16 : index
    %get3A_269 = tpu.vector_load %arg12[%get3A_267, %get3A_268] {strides = array<i32>} : memref<26x128xf32, #tpu.memory_space<vmem>>, vector<1x16xf32>,
    %get3A_270 = vector.shape_cast %get3A_269 : vector<1x16xf32> to vector<16xf32>
    %add3A_271 = arith.addf %add3A_265, %get3A_270 : vector<16xf32>
    %get3A_272 = arith.constant 15 : i32
    %get3A_273 = arith.index_cast %get3A_272 : i32 to index
    %get3A_274 = arith.constant 16 : index
    %get3A_275 = tpu.vector_load %arg12[%get3A_273, %get3A_274] {strides = array<i32>} : memref<26x128xf32, #tpu.memory_space<vmem>>, vector<1x16xf32>,
    %get3A_276 = vector.shape_cast %get3A_275 : vector<1x16xf32> to vector<16xf32>
    %add3A_277 = arith.addf %add3A_271, %get3A_276 : vector<16xf32>
    %get3A_278 = arith.constant 16 : i32
    %get3A_279 = arith.index_cast %get3A_278 : i32 to index
    %get3A_280 = arith.constant 16 : index
    %get3A_281 = tpu.vector_load %arg12[%get3A_279, %get3A_280] {strides = array<i32>} : memref<26x128xf32, #tpu.memory_space<vmem>>, vector<1x16xf32>,
    %get3A_282 = vector.shape_cast %get3A_281 : vector<1x16xf32> to vector<16xf32>
    %add3A_283 = arith.addf %add3A_277, %get3A_282 : vector<16xf32>
    %get3A_284 = arith.constant 17 : i32
    %get3A_285 = arith.index_cast %get3A_284 : i32 to index
    %get3A_286 = arith.constant 16 : index
    %get3A_287 = tpu.vector_load %arg12[%get3A_285, %get3A_286] {strides = array<i32>} : memref<26x128xf32, #tpu.memory_space<vmem>>, vector<1x16xf32>,
    %get3A_288 = vector.shape_cast %get3A_287 : vector<1x16xf32> to vector<16xf32>
    %add3A_289 = arith.addf %add3A_283, %get3A_288 : vector<16xf32>
    %get3A_290 = arith.constant 18 : i32
    %get3A_291 = arith.index_cast %get3A_290 : i32 to index
    %get3A_292 = arith.constant 16 : index
    %get3A_293 = tpu.vector_load %arg12[%get3A_291, %get3A_292] {strides = array<i32>} : memref<26x128xf32, #tpu.memory_space<vmem>>, vector<1x16xf32>,
    %get3A_294 = vector.shape_cast %get3A_293 : vector<1x16xf32> to vector<16xf32>
    %add3A_295 = arith.addf %add3A_289, %get3A_294 : vector<16xf32>
    %get3A_296 = arith.constant 19 : i32
    %get3A_297 = arith.index_cast %get3A_296 : i32 to index
    %get3A_298 = arith.constant 16 : index
    %get3A_299 = tpu.vector_load %arg12[%get3A_297, %get3A_298] {strides = array<i32>} : memref<26x128xf32, #tpu.memory_space<vmem>>, vector<1x16xf32>,
    %get3A_300 = vector.shape_cast %get3A_299 : vector<1x16xf32> to vector<16xf32>
    %add3A_301 = arith.addf %add3A_295, %get3A_300 : vector<16xf32>
    %get3A_302 = arith.constant 20 : i32
    %get3A_303 = arith.index_cast %get3A_302 : i32 to index
    %get3A_304 = arith.constant 16 : index
    %get3A_305 = tpu.vector_load %arg12[%get3A_303, %get3A_304] {strides = array<i32>} : memref<26x128xf32, #tpu.memory_space<vmem>>, vector<1x16xf32>,
    %get3A_306 = vector.shape_cast %get3A_305 : vector<1x16xf32> to vector<16xf32>
    %add3A_307 = arith.addf %add3A_301, %get3A_306 : vector<16xf32>
    %get3A_308 = arith.constant 21 : i32
    %get3A_309 = arith.index_cast %get3A_308 : i32 to index
    %get3A_310 = arith.constant 16 : index
    %get3A_311 = tpu.vector_load %arg12[%get3A_309, %get3A_310] {strides = array<i32>} : memref<26x128xf32, #tpu.memory_space<vmem>>, vector<1x16xf32>,
    %get3A_312 = vector.shape_cast %get3A_311 : vector<1x16xf32> to vector<16xf32>
    %add3A_313 = arith.addf %add3A_307, %get3A_312 : vector<16xf32>
    %get3A_314 = arith.constant 22 : i32
    %get3A_315 = arith.index_cast %get3A_314 : i32 to index
    %get3A_316 = arith.constant 16 : index
    %get3A_317 = tpu.vector_load %arg12[%get3A_315, %get3A_316] {strides = array<i32>} : memref<26x128xf32, #tpu.memory_space<vmem>>, vector<1x16xf32>,
    %get3A_318 = vector.shape_cast %get3A_317 : vector<1x16xf32> to vector<16xf32>
    %add3A_319 = arith.addf %add3A_313, %get3A_318 : vector<16xf32>
    %get3A_320 = arith.constant 23 : i32
    %get3A_321 = arith.index_cast %get3A_320 : i32 to index
    %get3A_322 = arith.constant 16 : index
    %get3A_323 = tpu.vector_load %arg12[%get3A_321, %get3A_322] {strides = array<i32>} : memref<26x128xf32, #tpu.memory_space<vmem>>, vector<1x16xf32>,
    %get3A_324 = vector.shape_cast %get3A_323 : vector<1x16xf32> to vector<16xf32>
    %add3A_325 = arith.addf %add3A_319, %get3A_324 : vector<16xf32>
    %get3A_326 = arith.constant 24 : i32
    %get3A_327 = arith.index_cast %get3A_326 : i32 to index
    %get3A_328 = arith.constant 16 : index
    %get3A_329 = tpu.vector_load %arg12[%get3A_327, %get3A_328] {strides = array<i32>} : memref<26x128xf32, #tpu.memory_space<vmem>>, vector<1x16xf32>,
    %get3A_330 = vector.shape_cast %get3A_329 : vector<1x16xf32> to vector<16xf32>
    %add3A_331 = arith.addf %add3A_325, %get3A_330 : vector<16xf32>
    %get3A_332 = arith.constant 25 : i32
    %get3A_333 = arith.index_cast %get3A_332 : i32 to index
    %get3A_334 = arith.constant 16 : index
    %get3A_335 = tpu.vector_load %arg12[%get3A_333, %get3A_334] {strides = array<i32>} : memref<26x128xf32, #tpu.memory_space<vmem>>, vector<1x16xf32>,
    %get3A_336 = vector.shape_cast %get3A_335 : vector<1x16xf32> to vector<16xf32>
    %add3A_337 = arith.addf %add3A_331, %get3A_336 : vector<16xf32>
    %swap3A_338 = arith.constant 16 : index
    %swap3A_339 = tpu.vector_load %arg15[%swap3A_338] {strides = array<i32>} : memref<128xf32, #tpu.memory_space<vmem>>, vector<16xf32>,
    %swap3A_340 = vector.shape_cast %swap3A_339 : vector<16xf32> to vector<16xf32>
    %swap3A_341 = vector.shape_cast %add3A_337 : vector<16xf32> to vector<16xf32>
    tpu.vector_store %arg15[%swap3A_338], %swap3A_341 {strides = array<i32>} : memref<128xf32, #tpu.memory_space<vmem>>, vector<16xf32>,
    %broadcast_in_dim3A_342 = arith.constant 0.000000e+00 : f32
    %broadcast_in_dim3A_343 = vector.broadcast %broadcast_in_dim3A_342 : f32 to vector<16xf32>
    %get3A_344 = arith.constant 0 : i32
    %get3A_345 = arith.index_cast %get3A_344 : i32 to index
    %get3A_346 = arith.constant 32 : index
    %get3A_347 = tpu.vector_load %arg12[%get3A_345, %get3A_346] {strides = array<i32>} : memref<26x128xf32, #tpu.memory_space<vmem>>, vector<1x16xf32>,
    %get3A_348 = vector.shape_cast %get3A_347 : vector<1x16xf32> to vector<16xf32>
    %add3A_349 = arith.addf %broadcast_in_dim3A_343, %get3A_348 : vector<16xf32>
    %get3A_350 = arith.constant 1 : i32
    %get3A_351 = arith.index_cast %get3A_350 : i32 to index
    %get3A_352 = arith.constant 32 : index
    %get3A_353 = tpu.vector_load %arg12[%get3A_351, %get3A_352] {strides = array<i32>} : memref<26x128xf32, #tpu.memory_space<vmem>>, vector<1x16xf32>,
    %get3A_354 = vector.shape_cast %get3A_353 : vector<1x16xf32> to vector<16xf32>
    %add3A_355 = arith.addf %add3A_349, %get3A_354 : vector<16xf32>
    %get3A_356 = arith.constant 2 : i32
    %get3A_357 = arith.index_cast %get3A_356 : i32 to index
    %get3A_358 = arith.constant 32 : index
    %get3A_359 = tpu.vector_load %arg12[%get3A_357, %get3A_358] {strides = array<i32>} : memref<26x128xf32, #tpu.memory_space<vmem>>, vector<1x16xf32>,
    %get3A_360 = vector.shape_cast %get3A_359 : vector<1x16xf32> to vector<16xf32>
    %add3A_361 = arith.addf %add3A_355, %get3A_360 : vector<16xf32>
    %get3A_362 = arith.constant 3 : i32
    %get3A_363 = arith.index_cast %get3A_362 : i32 to index
    %get3A_364 = arith.constant 32 : index
    %get3A_365 = tpu.vector_load %arg12[%get3A_363, %get3A_364] {strides = array<i32>} : memref<26x128xf32, #tpu.memory_space<vmem>>, vector<1x16xf32>,
    %get3A_366 = vector.shape_cast %get3A_365 : vector<1x16xf32> to vector<16xf32>
    %add3A_367 = arith.addf %add3A_361, %get3A_366 : vector<16xf32>
    %get3A_368 = arith.constant 4 : i32
    %get3A_369 = arith.index_cast %get3A_368 : i32 to index
    %get3A_370 = arith.constant 32 : index
    %get3A_371 = tpu.vector_load %arg12[%get3A_369, %get3A_370] {strides = array<i32>} : memref<26x128xf32, #tpu.memory_space<vmem>>, vector<1x16xf32>,
    %get3A_372 = vector.shape_cast %get3A_371 : vector<1x16xf32> to vector<16xf32>
    %add3A_373 = arith.addf %add3A_367, %get3A_372 : vector<16xf32>
    %get3A_374 = arith.constant 5 : i32
    %get3A_375 = arith.index_cast %get3A_374 : i32 to index
    %get3A_376 = arith.constant 32 : index
    %get3A_377 = tpu.vector_load %arg12[%get3A_375, %get3A_376] {strides = array<i32>} : memref<26x128xf32, #tpu.memory_space<vmem>>, vector<1x16xf32>,
    %get3A_378 = vector.shape_cast %get3A_377 : vector<1x16xf32> to vector<16xf32>
    %add3A_379 = arith.addf %add3A_373, %get3A_378 : vector<16xf32>
    %get3A_380 = arith.constant 6 : i32
    %get3A_381 = arith.index_cast %get3A_380 : i32 to index
    %get3A_382 = arith.constant 32 : index
    %get3A_383 = tpu.vector_load %arg12[%get3A_381, %get3A_382] {strides = array<i32>} : memref<26x128xf32, #tpu.memory_space<vmem>>, vector<1x16xf32>,
    %get3A_384 = vector.shape_cast %get3A_383 : vector<1x16xf32> to vector<16xf32>
    %add3A_385 = arith.addf %add3A_379, %get3A_384 : vector<16xf32>
    %get3A_386 = arith.constant 7 : i32
    %get3A_387 = arith.index_cast %get3A_386 : i32 to index
    %get3A_388 = arith.constant 32 : index
    %get3A_389 = tpu.vector_load %arg12[%get3A_387, %get3A_388] {strides = array<i32>} : memref<26x128xf32, #tpu.memory_space<vmem>>, vector<1x16xf32>,
    %get3A_390 = vector.shape_cast %get3A_389 : vector<1x16xf32> to vector<16xf32>
    %add3A_391 = arith.addf %add3A_385, %get3A_390 : vector<16xf32>
    %get3A_392 = arith.constant 8 : i32
    %get3A_393 = arith.index_cast %get3A_392 : i32 to index
    %get3A_394 = arith.constant 32 : index
    %get3A_395 = tpu.vector_load %arg12[%get3A_393, %get3A_394] {strides = array<i32>} : memref<26x128xf32, #tpu.memory_space<vmem>>, vector<1x16xf32>,
    %get3A_396 = vector.shape_cast %get3A_395 : vector<1x16xf32> to vector<16xf32>
    %add3A_397 = arith.addf %add3A_391, %get3A_396 : vector<16xf32>
    %get3A_398 = arith.constant 9 : i32
    %get3A_399 = arith.index_cast %get3A_398 : i32 to index
    %get3A_400 = arith.constant 32 : index
    %get3A_401 = tpu.vector_load %arg12[%get3A_399, %get3A_400] {strides = array<i32>} : memref<26x128xf32, #tpu.memory_space<vmem>>, vector<1x16xf32>,
    %get3A_402 = vector.shape_cast %get3A_401 : vector<1x16xf32> to vector<16xf32>
    %add3A_403 = arith.addf %add3A_397, %get3A_402 : vector<16xf32>
    %get3A_404 = arith.constant 10 : i32
    %get3A_405 = arith.index_cast %get3A_404 : i32 to index
    %get3A_406 = arith.constant 32 : index
    %get3A_407 = tpu.vector_load %arg12[%get3A_405, %get3A_406] {strides = array<i32>} : memref<26x128xf32, #tpu.memory_space<vmem>>, vector<1x16xf32>,
    %get3A_408 = vector.shape_cast %get3A_407 : vector<1x16xf32> to vector<16xf32>
    %add3A_409 = arith.addf %add3A_403, %get3A_408 : vector<16xf32>
    %get3A_410 = arith.constant 11 : i32
    %get3A_411 = arith.index_cast %get3A_410 : i32 to index
    %get3A_412 = arith.constant 32 : index
    %get3A_413 = tpu.vector_load %arg12[%get3A_411, %get3A_412] {strides = array<i32>} : memref<26x128xf32, #tpu.memory_space<vmem>>, vector<1x16xf32>,
    %get3A_414 = vector.shape_cast %get3A_413 : vector<1x16xf32> to vector<16xf32>
    %add3A_415 = arith.addf %add3A_409, %get3A_414 : vector<16xf32>
    %get3A_416 = arith.constant 12 : i32
    %get3A_417 = arith.index_cast %get3A_416 : i32 to index
    %get3A_418 = arith.constant 32 : index
    %get3A_419 = tpu.vector_load %arg12[%get3A_417, %get3A_418] {strides = array<i32>} : memref<26x128xf32, #tpu.memory_space<vmem>>, vector<1x16xf32>,
    %get3A_420 = vector.shape_cast %get3A_419 : vector<1x16xf32> to vector<16xf32>
    %add3A_421 = arith.addf %add3A_415, %get3A_420 : vector<16xf32>
    %get3A_422 = arith.constant 13 : i32
    %get3A_423 = arith.index_cast %get3A_422 : i32 to index
    %get3A_424 = arith.constant 32 : index
    %get3A_425 = tpu.vector_load %arg12[%get3A_423, %get3A_424] {strides = array<i32>} : memref<26x128xf32, #tpu.memory_space<vmem>>, vector<1x16xf32>,
    %get3A_426 = vector.shape_cast %get3A_425 : vector<1x16xf32> to vector<16xf32>
    %add3A_427 = arith.addf %add3A_421, %get3A_426 : vector<16xf32>
    %get3A_428 = arith.constant 14 : i32
    %get3A_429 = arith.index_cast %get3A_428 : i32 to index
    %get3A_430 = arith.constant 32 : index
    %get3A_431 = tpu.vector_load %arg12[%get3A_429, %get3A_430] {strides = array<i32>} : memref<26x128xf32, #tpu.memory_space<vmem>>, vector<1x16xf32>,
    %get3A_432 = vector.shape_cast %get3A_431 : vector<1x16xf32> to vector<16xf32>
    %add3A_433 = arith.addf %add3A_427, %get3A_432 : vector<16xf32>
    %get3A_434 = arith.constant 15 : i32
    %get3A_435 = arith.index_cast %get3A_434 : i32 to index
    %get3A_436 = arith.constant 32 : index
    %get3A_437 = tpu.vector_load %arg12[%get3A_435, %get3A_436] {strides = array<i32>} : memref<26x128xf32, #tpu.memory_space<vmem>>, vector<1x16xf32>,
    %get3A_438 = vector.shape_cast %get3A_437 : vector<1x16xf32> to vector<16xf32>
    %add3A_439 = arith.addf %add3A_433, %get3A_438 : vector<16xf32>
    %get3A_440 = arith.constant 16 : i32
    %get3A_441 = arith.index_cast %get3A_440 : i32 to index
    %get3A_442 = arith.constant 32 : index
    %get3A_443 = tpu.vector_load %arg12[%get3A_441, %get3A_442] {strides = array<i32>} : memref<26x128xf32, #tpu.memory_space<vmem>>, vector<1x16xf32>,
    %get3A_444 = vector.shape_cast %get3A_443 : vector<1x16xf32> to vector<16xf32>
    %add3A_445 = arith.addf %add3A_439, %get3A_444 : vector<16xf32>
    %get3A_446 = arith.constant 17 : i32
    %get3A_447 = arith.index_cast %get3A_446 : i32 to index
    %get3A_448 = arith.constant 32 : index
    %get3A_449 = tpu.vector_load %arg12[%get3A_447, %get3A_448] {strides = array<i32>} : memref<26x128xf32, #tpu.memory_space<vmem>>, vector<1x16xf32>,
    %get3A_450 = vector.shape_cast %get3A_449 : vector<1x16xf32> to vector<16xf32>
    %add3A_451 = arith.addf %add3A_445, %get3A_450 : vector<16xf32>
    %get3A_452 = arith.constant 18 : i32
    %get3A_453 = arith.index_cast %get3A_452 : i32 to index
    %get3A_454 = arith.constant 32 : index
    %get3A_455 = tpu.vector_load %arg12[%get3A_453, %get3A_454] {strides = array<i32>} : memref<26x128xf32, #tpu.memory_space<vmem>>, vector<1x16xf32>,
    %get3A_456 = vector.shape_cast %get3A_455 : vector<1x16xf32> to vector<16xf32>
    %add3A_457 = arith.addf %add3A_451, %get3A_456 : vector<16xf32>
    %get3A_458 = arith.constant 19 : i32
    %get3A_459 = arith.index_cast %get3A_458 : i32 to index
    %get3A_460 = arith.constant 32 : index
    %get3A_461 = tpu.vector_load %arg12[%get3A_459, %get3A_460] {strides = array<i32>} : memref<26x128xf32, #tpu.memory_space<vmem>>, vector<1x16xf32>,
    %get3A_462 = vector.shape_cast %get3A_461 : vector<1x16xf32> to vector<16xf32>
    %add3A_463 = arith.addf %add3A_457, %get3A_462 : vector<16xf32>
    %get3A_464 = arith.constant 20 : i32
    %get3A_465 = arith.index_cast %get3A_464 : i32 to index
    %get3A_466 = arith.constant 32 : index
    %get3A_467 = tpu.vector_load %arg12[%get3A_465, %get3A_466] {strides = array<i32>} : memref<26x128xf32, #tpu.memory_space<vmem>>, vector<1x16xf32>,
    %get3A_468 = vector.shape_cast %get3A_467 : vector<1x16xf32> to vector<16xf32>
    %add3A_469 = arith.addf %add3A_463, %get3A_468 : vector<16xf32>
    %get3A_470 = arith.constant 21 : i32
    %get3A_471 = arith.index_cast %get3A_470 : i32 to index
    %get3A_472 = arith.constant 32 : index
    %get3A_473 = tpu.vector_load %arg12[%get3A_471, %get3A_472] {strides = array<i32>} : memref<26x128xf32, #tpu.memory_space<vmem>>, vector<1x16xf32>,
    %get3A_474 = vector.shape_cast %get3A_473 : vector<1x16xf32> to vector<16xf32>
    %add3A_475 = arith.addf %add3A_469, %get3A_474 : vector<16xf32>
    %get3A_476 = arith.constant 22 : i32
    %get3A_477 = arith.index_cast %get3A_476 : i32 to index
    %get3A_478 = arith.constant 32 : index
    %get3A_479 = tpu.vector_load %arg12[%get3A_477, %get3A_478] {strides = array<i32>} : memref<26x128xf32, #tpu.memory_space<vmem>>, vector<1x16xf32>,
    %get3A_480 = vector.shape_cast %get3A_479 : vector<1x16xf32> to vector<16xf32>
    %add3A_481 = arith.addf %add3A_475, %get3A_480 : vector<16xf32>
    %get3A_482 = arith.constant 23 : i32
    %get3A_483 = arith.index_cast %get3A_482 : i32 to index
    %get3A_484 = arith.constant 32 : index
    %get3A_485 = tpu.vector_load %arg12[%get3A_483, %get3A_484] {strides = array<i32>} : memref<26x128xf32, #tpu.memory_space<vmem>>, vector<1x16xf32>,
    %get3A_486 = vector.shape_cast %get3A_485 : vector<1x16xf32> to vector<16xf32>
    %add3A_487 = arith.addf %add3A_481, %get3A_486 : vector<16xf32>
    %get3A_488 = arith.constant 24 : i32
    %get3A_489 = arith.index_cast %get3A_488 : i32 to index
    %get3A_490 = arith.constant 32 : index
    %get3A_491 = tpu.vector_load %arg12[%get3A_489, %get3A_490] {strides = array<i32>} : memref<26x128xf32, #tpu.memory_space<vmem>>, vector<1x16xf32>,
    %get3A_492 = vector.shape_cast %get3A_491 : vector<1x16xf32> to vector<16xf32>
    %add3A_493 = arith.addf %add3A_487, %get3A_492 : vector<16xf32>
    %get3A_494 = arith.constant 25 : i32
    %get3A_495 = arith.index_cast %get3A_494 : i32 to index
    %get3A_496 = arith.constant 32 : index
    %get3A_497 = tpu.vector_load %arg12[%get3A_495, %get3A_496] {strides = array<i32>} : memref<26x128xf32, #tpu.memory_space<vmem>>, vector<1x16xf32>,
    %get3A_498 = vector.shape_cast %get3A_497 : vector<1x16xf32> to vector<16xf32>
    %add3A_499 = arith.addf %add3A_493, %get3A_498 : vector<16xf32>
    %swap3A_500 = arith.constant 32 : index
    %swap3A_501 = tpu.vector_load %arg15[%swap3A_500] {strides = array<i32>} : memref<128xf32, #tpu.memory_space<vmem>>, vector<16xf32>,
    %swap3A_502 = vector.shape_cast %swap3A_501 : vector<16xf32> to vector<16xf32>
    %swap3A_503 = vector.shape_cast %add3A_499 : vector<16xf32> to vector<16xf32>
    tpu.vector_store %arg15[%swap3A_500], %swap3A_503 {strides = array<i32>} : memref<128xf32, #tpu.memory_space<vmem>>, vector<16xf32>,
    %broadcast_in_dim3A_504 = arith.constant 0.000000e+00 : f32
    %broadcast_in_dim3A_505 = vector.broadcast %broadcast_in_dim3A_504 : f32 to vector<16xf32>
    %get3A_506 = arith.constant 0 : i32
    %get3A_507 = arith.index_cast %get3A_506 : i32 to index
    %get3A_508 = arith.constant 48 : index
    %get3A_509 = tpu.vector_load %arg12[%get3A_507, %get3A_508] {strides = array<i32>} : memref<26x128xf32, #tpu.memory_space<vmem>>, vector<1x16xf32>,
    %get3A_510 = vector.shape_cast %get3A_509 : vector<1x16xf32> to vector<16xf32>
    %add3A_511 = arith.addf %broadcast_in_dim3A_505, %get3A_510 : vector<16xf32>
    %get3A_512 = arith.constant 1 : i32
    %get3A_513 = arith.index_cast %get3A_512 : i32 to index
    %get3A_514 = arith.constant 48 : index
    %get3A_515 = tpu.vector_load %arg12[%get3A_513, %get3A_514] {strides = array<i32>} : memref<26x128xf32, #tpu.memory_space<vmem>>, vector<1x16xf32>,
    %get3A_516 = vector.shape_cast %get3A_515 : vector<1x16xf32> to vector<16xf32>
    %add3A_517 = arith.addf %add3A_511, %get3A_516 : vector<16xf32>
    %get3A_518 = arith.constant 2 : i32
    %get3A_519 = arith.index_cast %get3A_518 : i32 to index
    %get3A_520 = arith.constant 48 : index
    %get3A_521 = tpu.vector_load %arg12[%get3A_519, %get3A_520] {strides = array<i32>} : memref<26x128xf32, #tpu.memory_space<vmem>>, vector<1x16xf32>,
    %get3A_522 = vector.shape_cast %get3A_521 : vector<1x16xf32> to vector<16xf32>
    %add3A_523 = arith.addf %add3A_517, %get3A_522 : vector<16xf32>
    %get3A_524 = arith.constant 3 : i32
    %get3A_525 = arith.index_cast %get3A_524 : i32 to index
    %get3A_526 = arith.constant 48 : index
    %get3A_527 = tpu.vector_load %arg12[%get3A_525, %get3A_526] {strides = array<i32>} : memref<26x128xf32, #tpu.memory_space<vmem>>, vector<1x16xf32>,
    %get3A_528 = vector.shape_cast %get3A_527 : vector<1x16xf32> to vector<16xf32>
    %add3A_529 = arith.addf %add3A_523, %get3A_528 : vector<16xf32>
    %get3A_530 = arith.constant 4 : i32
    %get3A_531 = arith.index_cast %get3A_530 : i32 to index
    %get3A_532 = arith.constant 48 : index
    %get3A_533 = tpu.vector_load %arg12[%get3A_531, %get3A_532] {strides = array<i32>} : memref<26x128xf32, #tpu.memory_space<vmem>>, vector<1x16xf32>,
    %get3A_534 = vector.shape_cast %get3A_533 : vector<1x16xf32> to vector<16xf32>
    %add3A_535 = arith.addf %add3A_529, %get3A_534 : vector<16xf32>
    %get3A_536 = arith.constant 5 : i32
    %get3A_537 = arith.index_cast %get3A_536 : i32 to index
    %get3A_538 = arith.constant 48 : index
    %get3A_539 = tpu.vector_load %arg12[%get3A_537, %get3A_538] {strides = array<i32>} : memref<26x128xf32, #tpu.memory_space<vmem>>, vector<1x16xf32>,
    %get3A_540 = vector.shape_cast %get3A_539 : vector<1x16xf32> to vector<16xf32>
    %add3A_541 = arith.addf %add3A_535, %get3A_540 : vector<16xf32>
    %get3A_542 = arith.constant 6 : i32
    %get3A_543 = arith.index_cast %get3A_542 : i32 to index
    %get3A_544 = arith.constant 48 : index
    %get3A_545 = tpu.vector_load %arg12[%get3A_543, %get3A_544] {strides = array<i32>} : memref<26x128xf32, #tpu.memory_space<vmem>>, vector<1x16xf32>,
    %get3A_546 = vector.shape_cast %get3A_545 : vector<1x16xf32> to vector<16xf32>
    %add3A_547 = arith.addf %add3A_541, %get3A_546 : vector<16xf32>
    %get3A_548 = arith.constant 7 : i32
    %get3A_549 = arith.index_cast %get3A_548 : i32 to index
    %get3A_550 = arith.constant 48 : index
    %get3A_551 = tpu.vector_load %arg12[%get3A_549, %get3A_550] {strides = array<i32>} : memref<26x128xf32, #tpu.memory_space<vmem>>, vector<1x16xf32>,
    %get3A_552 = vector.shape_cast %get3A_551 : vector<1x16xf32> to vector<16xf32>
    %add3A_553 = arith.addf %add3A_547, %get3A_552 : vector<16xf32>
    %get3A_554 = arith.constant 8 : i32
    %get3A_555 = arith.index_cast %get3A_554 : i32 to index
    %get3A_556 = arith.constant 48 : index
    %get3A_557 = tpu.vector_load %arg12[%get3A_555, %get3A_556] {strides = array<i32>} : memref<26x128xf32, #tpu.memory_space<vmem>>, vector<1x16xf32>,
    %get3A_558 = vector.shape_cast %get3A_557 : vector<1x16xf32> to vector<16xf32>
    %add3A_559 = arith.addf %add3A_553, %get3A_558 : vector<16xf32>
    %get3A_560 = arith.constant 9 : i32
    %get3A_561 = arith.index_cast %get3A_560 : i32 to index
    %get3A_562 = arith.constant 48 : index
    %get3A_563 = tpu.vector_load %arg12[%get3A_561, %get3A_562] {strides = array<i32>} : memref<26x128xf32, #tpu.memory_space<vmem>>, vector<1x16xf32>,
    %get3A_564 = vector.shape_cast %get3A_563 : vector<1x16xf32> to vector<16xf32>
    %add3A_565 = arith.addf %add3A_559, %get3A_564 : vector<16xf32>
    %get3A_566 = arith.constant 10 : i32
    %get3A_567 = arith.index_cast %get3A_566 : i32 to index
    %get3A_568 = arith.constant 48 : index
    %get3A_569 = tpu.vector_load %arg12[%get3A_567, %get3A_568] {strides = array<i32>} : memref<26x128xf32, #tpu.memory_space<vmem>>, vector<1x16xf32>,
    %get3A_570 = vector.shape_cast %get3A_569 : vector<1x16xf32> to vector<16xf32>
    %add3A_571 = arith.addf %add3A_565, %get3A_570 : vector<16xf32>
    %get3A_572 = arith.constant 11 : i32
    %get3A_573 = arith.index_cast %get3A_572 : i32 to index
    %get3A_574 = arith.constant 48 : index
    %get3A_575 = tpu.vector_load %arg12[%get3A_573, %get3A_574] {strides = array<i32>} : memref<26x128xf32, #tpu.memory_space<vmem>>, vector<1x16xf32>,
    %get3A_576 = vector.shape_cast %get3A_575 : vector<1x16xf32> to vector<16xf32>
    %add3A_577 = arith.addf %add3A_571, %get3A_576 : vector<16xf32>
    %get3A_578 = arith.constant 12 : i32
    %get3A_579 = arith.index_cast %get3A_578 : i32 to index
    %get3A_580 = arith.constant 48 : index
    %get3A_581 = tpu.vector_load %arg12[%get3A_579, %get3A_580] {strides = array<i32>} : memref<26x128xf32, #tpu.memory_space<vmem>>, vector<1x16xf32>,
    %get3A_582 = vector.shape_cast %get3A_581 : vector<1x16xf32> to vector<16xf32>
    %add3A_583 = arith.addf %add3A_577, %get3A_582 : vector<16xf32>
    %get3A_584 = arith.constant 13 : i32
    %get3A_585 = arith.index_cast %get3A_584 : i32 to index
    %get3A_586 = arith.constant 48 : index
    %get3A_587 = tpu.vector_load %arg12[%get3A_585, %get3A_586] {strides = array<i32>} : memref<26x128xf32, #tpu.memory_space<vmem>>, vector<1x16xf32>,
    %get3A_588 = vector.shape_cast %get3A_587 : vector<1x16xf32> to vector<16xf32>
    %add3A_589 = arith.addf %add3A_583, %get3A_588 : vector<16xf32>
    %get3A_590 = arith.constant 14 : i32
    %get3A_591 = arith.index_cast %get3A_590 : i32 to index
    %get3A_592 = arith.constant 48 : index
    %get3A_593 = tpu.vector_load %arg12[%get3A_591, %get3A_592] {strides = array<i32>} : memref<26x128xf32, #tpu.memory_space<vmem>>, vector<1x16xf32>,
    %get3A_594 = vector.shape_cast %get3A_593 : vector<1x16xf32> to vector<16xf32>
    %add3A_595 = arith.addf %add3A_589, %get3A_594 : vector<16xf32>
    %get3A_596 = arith.constant 15 : i32
    %get3A_597 = arith.index_cast %get3A_596 : i32 to index
    %get3A_598 = arith.constant 48 : index
    %get3A_599 = tpu.vector_load %arg12[%get3A_597, %get3A_598] {strides = array<i32>} : memref<26x128xf32, #tpu.memory_space<vmem>>, vector<1x16xf32>,
    %get3A_600 = vector.shape_cast %get3A_599 : vector<1x16xf32> to vector<16xf32>
    %add3A_601 = arith.addf %add3A_595, %get3A_600 : vector<16xf32>
    %get3A_602 = arith.constant 16 : i32
    %get3A_603 = arith.index_cast %get3A_602 : i32 to index
    %get3A_604 = arith.constant 48 : index
    %get3A_605 = tpu.vector_load %arg12[%get3A_603, %get3A_604] {strides = array<i32>} : memref<26x128xf32, #tpu.memory_space<vmem>>, vector<1x16xf32>,
    %get3A_606 = vector.shape_cast %get3A_605 : vector<1x16xf32> to vector<16xf32>
    %add3A_607 = arith.addf %add3A_601, %get3A_606 : vector<16xf32>
    %get3A_608 = arith.constant 17 : i32
    %get3A_609 = arith.index_cast %get3A_608 : i32 to index
    %get3A_610 = arith.constant 48 : index
    %get3A_611 = tpu.vector_load %arg12[%get3A_609, %get3A_610] {strides = array<i32>} : memref<26x128xf32, #tpu.memory_space<vmem>>, vector<1x16xf32>,
    %get3A_612 = vector.shape_cast %get3A_611 : vector<1x16xf32> to vector<16xf32>
    %add3A_613 = arith.addf %add3A_607, %get3A_612 : vector<16xf32>
    %get3A_614 = arith.constant 18 : i32
    %get3A_615 = arith.index_cast %get3A_614 : i32 to index
    %get3A_616 = arith.constant 48 : index
    %get3A_617 = tpu.vector_load %arg12[%get3A_615, %get3A_616] {strides = array<i32>} : memref<26x128xf32, #tpu.memory_space<vmem>>, vector<1x16xf32>,
    %get3A_618 = vector.shape_cast %get3A_617 : vector<1x16xf32> to vector<16xf32>
    %add3A_619 = arith.addf %add3A_613, %get3A_618 : vector<16xf32>
    %get3A_620 = arith.constant 19 : i32
    %get3A_621 = arith.index_cast %get3A_620 : i32 to index
    %get3A_622 = arith.constant 48 : index
    %get3A_623 = tpu.vector_load %arg12[%get3A_621, %get3A_622] {strides = array<i32>} : memref<26x128xf32, #tpu.memory_space<vmem>>, vector<1x16xf32>,
    %get3A_624 = vector.shape_cast %get3A_623 : vector<1x16xf32> to vector<16xf32>
    %add3A_625 = arith.addf %add3A_619, %get3A_624 : vector<16xf32>
    %get3A_626 = arith.constant 20 : i32
    %get3A_627 = arith.index_cast %get3A_626 : i32 to index
    %get3A_628 = arith.constant 48 : index
    %get3A_629 = tpu.vector_load %arg12[%get3A_627, %get3A_628] {strides = array<i32>} : memref<26x128xf32, #tpu.memory_space<vmem>>, vector<1x16xf32>,
    %get3A_630 = vector.shape_cast %get3A_629 : vector<1x16xf32> to vector<16xf32>
    %add3A_631 = arith.addf %add3A_625, %get3A_630 : vector<16xf32>
    %get3A_632 = arith.constant 21 : i32
    %get3A_633 = arith.index_cast %get3A_632 : i32 to index
    %get3A_634 = arith.constant 48 : index
    %get3A_635 = tpu.vector_load %arg12[%get3A_633, %get3A_634] {strides = array<i32>} : memref<26x128xf32, #tpu.memory_space<vmem>>, vector<1x16xf32>,
    %get3A_636 = vector.shape_cast %get3A_635 : vector<1x16xf32> to vector<16xf32>
    %add3A_637 = arith.addf %add3A_631, %get3A_636 : vector<16xf32>
    %get3A_638 = arith.constant 22 : i32
    %get3A_639 = arith.index_cast %get3A_638 : i32 to index
    %get3A_640 = arith.constant 48 : index
    %get3A_641 = tpu.vector_load %arg12[%get3A_639, %get3A_640] {strides = array<i32>} : memref<26x128xf32, #tpu.memory_space<vmem>>, vector<1x16xf32>,
    %get3A_642 = vector.shape_cast %get3A_641 : vector<1x16xf32> to vector<16xf32>
    %add3A_643 = arith.addf %add3A_637, %get3A_642 : vector<16xf32>
    %get3A_644 = arith.constant 23 : i32
    %get3A_645 = arith.index_cast %get3A_644 : i32 to index
    %get3A_646 = arith.constant 48 : index
    %get3A_647 = tpu.vector_load %arg12[%get3A_645, %get3A_646] {strides = array<i32>} : memref<26x128xf32, #tpu.memory_space<vmem>>, vector<1x16xf32>,
    %get3A_648 = vector.shape_cast %get3A_647 : vector<1x16xf32> to vector<16xf32>
    %add3A_649 = arith.addf %add3A_643, %get3A_648 : vector<16xf32>
    %get3A_650 = arith.constant 24 : i32
    %get3A_651 = arith.index_cast %get3A_650 : i32 to index
    %get3A_652 = arith.constant 48 : index
    %get3A_653 = tpu.vector_load %arg12[%get3A_651, %get3A_652] {strides = array<i32>} : memref<26x128xf32, #tpu.memory_space<vmem>>, vector<1x16xf32>,
    %get3A_654 = vector.shape_cast %get3A_653 : vector<1x16xf32> to vector<16xf32>
    %add3A_655 = arith.addf %add3A_649, %get3A_654 : vector<16xf32>
    %get3A_656 = arith.constant 25 : i32
    %get3A_657 = arith.index_cast %get3A_656 : i32 to index
    %get3A_658 = arith.constant 48 : index
    %get3A_659 = tpu.vector_load %arg12[%get3A_657, %get3A_658] {strides = array<i32>} : memref<26x128xf32, #tpu.memory_space<vmem>>, vector<1x16xf32>,
    %get3A_660 = vector.shape_cast %get3A_659 : vector<1x16xf32> to vector<16xf32>
    %add3A_661 = arith.addf %add3A_655, %get3A_660 : vector<16xf32>
    %swap3A_662 = arith.constant 48 : index
    %swap3A_663 = tpu.vector_load %arg15[%swap3A_662] {strides = array<i32>} : memref<128xf32, #tpu.memory_space<vmem>>, vector<16xf32>,
    %swap3A_664 = vector.shape_cast %swap3A_663 : vector<16xf32> to vector<16xf32>
    %swap3A_665 = vector.shape_cast %add3A_661 : vector<16xf32> to vector<16xf32>
    tpu.vector_store %arg15[%swap3A_662], %swap3A_665 {strides = array<i32>} : memref<128xf32, #tpu.memory_space<vmem>>, vector<16xf32>,
    %broadcast_in_dim3A_666 = arith.constant 0.000000e+00 : f32
    %broadcast_in_dim3A_667 = vector.broadcast %broadcast_in_dim3A_666 : f32 to vector<16xf32>
    %get3A_668 = arith.constant 0 : i32
    %get3A_669 = arith.index_cast %get3A_668 : i32 to index
    %get3A_670 = arith.constant 64 : index
    %get3A_671 = tpu.vector_load %arg12[%get3A_669, %get3A_670] {strides = array<i32>} : memref<26x128xf32, #tpu.memory_space<vmem>>, vector<1x16xf32>,
    %get3A_672 = vector.shape_cast %get3A_671 : vector<1x16xf32> to vector<16xf32>
    %add3A_673 = arith.addf %broadcast_in_dim3A_667, %get3A_672 : vector<16xf32>
    %get3A_674 = arith.constant 1 : i32
    %get3A_675 = arith.index_cast %get3A_674 : i32 to index
    %get3A_676 = arith.constant 64 : index
    %get3A_677 = tpu.vector_load %arg12[%get3A_675, %get3A_676] {strides = array<i32>} : memref<26x128xf32, #tpu.memory_space<vmem>>, vector<1x16xf32>,
    %get3A_678 = vector.shape_cast %get3A_677 : vector<1x16xf32> to vector<16xf32>
    %add3A_679 = arith.addf %add3A_673, %get3A_678 : vector<16xf32>
    %get3A_680 = arith.constant 2 : i32
    %get3A_681 = arith.index_cast %get3A_680 : i32 to index
    %get3A_682 = arith.constant 64 : index
    %get3A_683 = tpu.vector_load %arg12[%get3A_681, %get3A_682] {strides = array<i32>} : memref<26x128xf32, #tpu.memory_space<vmem>>, vector<1x16xf32>,
    %get3A_684 = vector.shape_cast %get3A_683 : vector<1x16xf32> to vector<16xf32>
    %add3A_685 = arith.addf %add3A_679, %get3A_684 : vector<16xf32>
    %get3A_686 = arith.constant 3 : i32
    %get3A_687 = arith.index_cast %get3A_686 : i32 to index
    %get3A_688 = arith.constant 64 : index
    %get3A_689 = tpu.vector_load %arg12[%get3A_687, %get3A_688] {strides = array<i32>} : memref<26x128xf32, #tpu.memory_space<vmem>>, vector<1x16xf32>,
    %get3A_690 = vector.shape_cast %get3A_689 : vector<1x16xf32> to vector<16xf32>
    %add3A_691 = arith.addf %add3A_685, %get3A_690 : vector<16xf32>
    %get3A_692 = arith.constant 4 : i32
    %get3A_693 = arith.index_cast %get3A_692 : i32 to index
    %get3A_694 = arith.constant 64 : index
    %get3A_695 = tpu.vector_load %arg12[%get3A_693, %get3A_694] {strides = array<i32>} : memref<26x128xf32, #tpu.memory_space<vmem>>, vector<1x16xf32>,
    %get3A_696 = vector.shape_cast %get3A_695 : vector<1x16xf32> to vector<16xf32>
    %add3A_697 = arith.addf %add3A_691, %get3A_696 : vector<16xf32>
    %get3A_698 = arith.constant 5 : i32
    %get3A_699 = arith.index_cast %get3A_698 : i32 to index
    %get3A_700 = arith.constant 64 : index
    %get3A_701 = tpu.vector_load %arg12[%get3A_699, %get3A_700] {strides = array<i32>} : memref<26x128xf32, #tpu.memory_space<vmem>>, vector<1x16xf32>,
    %get3A_702 = vector.shape_cast %get3A_701 : vector<1x16xf32> to vector<16xf32>
    %add3A_703 = arith.addf %add3A_697, %get3A_702 : vector<16xf32>
    %get3A_704 = arith.constant 6 : i32
    %get3A_705 = arith.index_cast %get3A_704 : i32 to index
    %get3A_706 = arith.constant 64 : index
    %get3A_707 = tpu.vector_load %arg12[%get3A_705, %get3A_706] {strides = array<i32>} : memref<26x128xf32, #tpu.memory_space<vmem>>, vector<1x16xf32>,
    %get3A_708 = vector.shape_cast %get3A_707 : vector<1x16xf32> to vector<16xf32>
    %add3A_709 = arith.addf %add3A_703, %get3A_708 : vector<16xf32>
    %get3A_710 = arith.constant 7 : i32
    %get3A_711 = arith.index_cast %get3A_710 : i32 to index
    %get3A_712 = arith.constant 64 : index
    %get3A_713 = tpu.vector_load %arg12[%get3A_711, %get3A_712] {strides = array<i32>} : memref<26x128xf32, #tpu.memory_space<vmem>>, vector<1x16xf32>,
    %get3A_714 = vector.shape_cast %get3A_713 : vector<1x16xf32> to vector<16xf32>
    %add3A_715 = arith.addf %add3A_709, %get3A_714 : vector<16xf32>
    %get3A_716 = arith.constant 8 : i32
    %get3A_717 = arith.index_cast %get3A_716 : i32 to index
    %get3A_718 = arith.constant 64 : index
    %get3A_719 = tpu.vector_load %arg12[%get3A_717, %get3A_718] {strides = array<i32>} : memref<26x128xf32, #tpu.memory_space<vmem>>, vector<1x16xf32>,
    %get3A_720 = vector.shape_cast %get3A_719 : vector<1x16xf32> to vector<16xf32>
    %add3A_721 = arith.addf %add3A_715, %get3A_720 : vector<16xf32>
    %get3A_722 = arith.constant 9 : i32
    %get3A_723 = arith.index_cast %get3A_722 : i32 to index
    %get3A_724 = arith.constant 64 : index
    %get3A_725 = tpu.vector_load %arg12[%get3A_723, %get3A_724] {strides = array<i32>} : memref<26x128xf32, #tpu.memory_space<vmem>>, vector<1x16xf32>,
    %get3A_726 = vector.shape_cast %get3A_725 : vector<1x16xf32> to vector<16xf32>
    %add3A_727 = arith.addf %add3A_721, %get3A_726 : vector<16xf32>
    %get3A_728 = arith.constant 10 : i32
    %get3A_729 = arith.index_cast %get3A_728 : i32 to index
    %get3A_730 = arith.constant 64 : index
    %get3A_731 = tpu.vector_load %arg12[%get3A_729, %get3A_730] {strides = array<i32>} : memref<26x128xf32, #tpu.memory_space<vmem>>, vector<1x16xf32>,
    %get3A_732 = vector.shape_cast %get3A_731 : vector<1x16xf32> to vector<16xf32>
    %add3A_733 = arith.addf %add3A_727, %get3A_732 : vector<16xf32>
    %get3A_734 = arith.constant 11 : i32
    %get3A_735 = arith.index_cast %get3A_734 : i32 to index
    %get3A_736 = arith.constant 64 : index
    %get3A_737 = tpu.vector_load %arg12[%get3A_735, %get3A_736] {strides = array<i32>} : memref<26x128xf32, #tpu.memory_space<vmem>>, vector<1x16xf32>,
    %get3A_738 = vector.shape_cast %get3A_737 : vector<1x16xf32> to vector<16xf32>
    %add3A_739 = arith.addf %add3A_733, %get3A_738 : vector<16xf32>
    %get3A_740 = arith.constant 12 : i32
    %get3A_741 = arith.index_cast %get3A_740 : i32 to index
    %get3A_742 = arith.constant 64 : index
    %get3A_743 = tpu.vector_load %arg12[%get3A_741, %get3A_742] {strides = array<i32>} : memref<26x128xf32, #tpu.memory_space<vmem>>, vector<1x16xf32>,
    %get3A_744 = vector.shape_cast %get3A_743 : vector<1x16xf32> to vector<16xf32>
    %add3A_745 = arith.addf %add3A_739, %get3A_744 : vector<16xf32>
    %get3A_746 = arith.constant 13 : i32
    %get3A_747 = arith.index_cast %get3A_746 : i32 to index
    %get3A_748 = arith.constant 64 : index
    %get3A_749 = tpu.vector_load %arg12[%get3A_747, %get3A_748] {strides = array<i32>} : memref<26x128xf32, #tpu.memory_space<vmem>>, vector<1x16xf32>,
    %get3A_750 = vector.shape_cast %get3A_749 : vector<1x16xf32> to vector<16xf32>
    %add3A_751 = arith.addf %add3A_745, %get3A_750 : vector<16xf32>
    %get3A_752 = arith.constant 14 : i32
    %get3A_753 = arith.index_cast %get3A_752 : i32 to index
    %get3A_754 = arith.constant 64 : index
    %get3A_755 = tpu.vector_load %arg12[%get3A_753, %get3A_754] {strides = array<i32>} : memref<26x128xf32, #tpu.memory_space<vmem>>, vector<1x16xf32>,
    %get3A_756 = vector.shape_cast %get3A_755 : vector<1x16xf32> to vector<16xf32>
    %add3A_757 = arith.addf %add3A_751, %get3A_756 : vector<16xf32>
    %get3A_758 = arith.constant 15 : i32
    %get3A_759 = arith.index_cast %get3A_758 : i32 to index
    %get3A_760 = arith.constant 64 : index
    %get3A_761 = tpu.vector_load %arg12[%get3A_759, %get3A_760] {strides = array<i32>} : memref<26x128xf32, #tpu.memory_space<vmem>>, vector<1x16xf32>,
    %get3A_762 = vector.shape_cast %get3A_761 : vector<1x16xf32> to vector<16xf32>
    %add3A_763 = arith.addf %add3A_757, %get3A_762 : vector<16xf32>
    %get3A_764 = arith.constant 16 : i32
    %get3A_765 = arith.index_cast %get3A_764 : i32 to index
    %get3A_766 = arith.constant 64 : index
    %get3A_767 = tpu.vector_load %arg12[%get3A_765, %get3A_766] {strides = array<i32>} : memref<26x128xf32, #tpu.memory_space<vmem>>, vector<1x16xf32>,
    %get3A_768 = vector.shape_cast %get3A_767 : vector<1x16xf32> to vector<16xf32>
    %add3A_769 = arith.addf %add3A_763, %get3A_768 : vector<16xf32>
    %get3A_770 = arith.constant 17 : i32
    %get3A_771 = arith.index_cast %get3A_770 : i32 to index
    %get3A_772 = arith.constant 64 : index
    %get3A_773 = tpu.vector_load %arg12[%get3A_771, %get3A_772] {strides = array<i32>} : memref<26x128xf32, #tpu.memory_space<vmem>>, vector<1x16xf32>,
    %get3A_774 = vector.shape_cast %get3A_773 : vector<1x16xf32> to vector<16xf32>
    %add3A_775 = arith.addf %add3A_769, %get3A_774 : vector<16xf32>
    %get3A_776 = arith.constant 18 : i32
    %get3A_777 = arith.index_cast %get3A_776 : i32 to index
    %get3A_778 = arith.constant 64 : index
    %get3A_779 = tpu.vector_load %arg12[%get3A_777, %get3A_778] {strides = array<i32>} : memref<26x128xf32, #tpu.memory_space<vmem>>, vector<1x16xf32>,
    %get3A_780 = vector.shape_cast %get3A_779 : vector<1x16xf32> to vector<16xf32>
    %add3A_781 = arith.addf %add3A_775, %get3A_780 : vector<16xf32>
    %get3A_782 = arith.constant 19 : i32
    %get3A_783 = arith.index_cast %get3A_782 : i32 to index
    %get3A_784 = arith.constant 64 : index
    %get3A_785 = tpu.vector_load %arg12[%get3A_783, %get3A_784] {strides = array<i32>} : memref<26x128xf32, #tpu.memory_space<vmem>>, vector<1x16xf32>,
    %get3A_786 = vector.shape_cast %get3A_785 : vector<1x16xf32> to vector<16xf32>
    %add3A_787 = arith.addf %add3A_781, %get3A_786 : vector<16xf32>
    %get3A_788 = arith.constant 20 : i32
    %get3A_789 = arith.index_cast %get3A_788 : i32 to index
    %get3A_790 = arith.constant 64 : index
    %get3A_791 = tpu.vector_load %arg12[%get3A_789, %get3A_790] {strides = array<i32>} : memref<26x128xf32, #tpu.memory_space<vmem>>, vector<1x16xf32>,
    %get3A_792 = vector.shape_cast %get3A_791 : vector<1x16xf32> to vector<16xf32>
    %add3A_793 = arith.addf %add3A_787, %get3A_792 : vector<16xf32>
    %get3A_794 = arith.constant 21 : i32
    %get3A_795 = arith.index_cast %get3A_794 : i32 to index
    %get3A_796 = arith.constant 64 : index
    %get3A_797 = tpu.vector_load %arg12[%get3A_795, %get3A_796] {strides = array<i32>} : memref<26x128xf32, #tpu.memory_space<vmem>>, vector<1x16xf32>,
    %get3A_798 = vector.shape_cast %get3A_797 : vector<1x16xf32> to vector<16xf32>
    %add3A_799 = arith.addf %add3A_793, %get3A_798 : vector<16xf32>
    %get3A_800 = arith.constant 22 : i32
    %get3A_801 = arith.index_cast %get3A_800 : i32 to index
    %get3A_802 = arith.constant 64 : index
    %get3A_803 = tpu.vector_load %arg12[%get3A_801, %get3A_802] {strides = array<i32>} : memref<26x128xf32, #tpu.memory_space<vmem>>, vector<1x16xf32>,
    %get3A_804 = vector.shape_cast %get3A_803 : vector<1x16xf32> to vector<16xf32>
    %add3A_805 = arith.addf %add3A_799, %get3A_804 : vector<16xf32>
    %get3A_806 = arith.constant 23 : i32
    %get3A_807 = arith.index_cast %get3A_806 : i32 to index
    %get3A_808 = arith.constant 64 : index
    %get3A_809 = tpu.vector_load %arg12[%get3A_807, %get3A_808] {strides = array<i32>} : memref<26x128xf32, #tpu.memory_space<vmem>>, vector<1x16xf32>,
    %get3A_810 = vector.shape_cast %get3A_809 : vector<1x16xf32> to vector<16xf32>
    %add3A_811 = arith.addf %add3A_805, %get3A_810 : vector<16xf32>
    %get3A_812 = arith.constant 24 : i32
    %get3A_813 = arith.index_cast %get3A_812 : i32 to index
    %get3A_814 = arith.constant 64 : index
    %get3A_815 = tpu.vector_load %arg12[%get3A_813, %get3A_814] {strides = array<i32>} : memref<26x128xf32, #tpu.memory_space<vmem>>, vector<1x16xf32>,
    %get3A_816 = vector.shape_cast %get3A_815 : vector<1x16xf32> to vector<16xf32>
    %add3A_817 = arith.addf %add3A_811, %get3A_816 : vector<16xf32>
    %get3A_818 = arith.constant 25 : i32
    %get3A_819 = arith.index_cast %get3A_818 : i32 to index
    %get3A_820 = arith.constant 64 : index
    %get3A_821 = tpu.vector_load %arg12[%get3A_819, %get3A_820] {strides = array<i32>} : memref<26x128xf32, #tpu.memory_space<vmem>>, vector<1x16xf32>,
    %get3A_822 = vector.shape_cast %get3A_821 : vector<1x16xf32> to vector<16xf32>
    %add3A_823 = arith.addf %add3A_817, %get3A_822 : vector<16xf32>
    %swap3A_824 = arith.constant 64 : index
    %swap3A_825 = tpu.vector_load %arg15[%swap3A_824] {strides = array<i32>} : memref<128xf32, #tpu.memory_space<vmem>>, vector<16xf32>,
    %swap3A_826 = vector.shape_cast %swap3A_825 : vector<16xf32> to vector<16xf32>
    %swap3A_827 = vector.shape_cast %add3A_823 : vector<16xf32> to vector<16xf32>
    tpu.vector_store %arg15[%swap3A_824], %swap3A_827 {strides = array<i32>} : memref<128xf32, #tpu.memory_space<vmem>>, vector<16xf32>,
    %broadcast_in_dim3A_828 = arith.constant 0.000000e+00 : f32
    %broadcast_in_dim3A_829 = vector.broadcast %broadcast_in_dim3A_828 : f32 to vector<16xf32>
    %get3A_830 = arith.constant 0 : i32
    %get3A_831 = arith.index_cast %get3A_830 : i32 to index
    %get3A_832 = arith.constant 80 : index
    %get3A_833 = tpu.vector_load %arg12[%get3A_831, %get3A_832] {strides = array<i32>} : memref<26x128xf32, #tpu.memory_space<vmem>>, vector<1x16xf32>,
    %get3A_834 = vector.shape_cast %get3A_833 : vector<1x16xf32> to vector<16xf32>
    %add3A_835 = arith.addf %broadcast_in_dim3A_829, %get3A_834 : vector<16xf32>
    %get3A_836 = arith.constant 1 : i32
    %get3A_837 = arith.index_cast %get3A_836 : i32 to index
    %get3A_838 = arith.constant 80 : index
    %get3A_839 = tpu.vector_load %arg12[%get3A_837, %get3A_838] {strides = array<i32>} : memref<26x128xf32, #tpu.memory_space<vmem>>, vector<1x16xf32>,
    %get3A_840 = vector.shape_cast %get3A_839 : vector<1x16xf32> to vector<16xf32>
    %add3A_841 = arith.addf %add3A_835, %get3A_840 : vector<16xf32>
    %get3A_842 = arith.constant 2 : i32
    %get3A_843 = arith.index_cast %get3A_842 : i32 to index
    %get3A_844 = arith.constant 80 : index
    %get3A_845 = tpu.vector_load %arg12[%get3A_843, %get3A_844] {strides = array<i32>} : memref<26x128xf32, #tpu.memory_space<vmem>>, vector<1x16xf32>,
    %get3A_846 = vector.shape_cast %get3A_845 : vector<1x16xf32> to vector<16xf32>
    %add3A_847 = arith.addf %add3A_841, %get3A_846 : vector<16xf32>
    %get3A_848 = arith.constant 3 : i32
    %get3A_849 = arith.index_cast %get3A_848 : i32 to index
    %get3A_850 = arith.constant 80 : index
    %get3A_851 = tpu.vector_load %arg12[%get3A_849, %get3A_850] {strides = array<i32>} : memref<26x128xf32, #tpu.memory_space<vmem>>, vector<1x16xf32>,
    %get3A_852 = vector.shape_cast %get3A_851 : vector<1x16xf32> to vector<16xf32>
    %add3A_853 = arith.addf %add3A_847, %get3A_852 : vector<16xf32>
    %get3A_854 = arith.constant 4 : i32
    %get3A_855 = arith.index_cast %get3A_854 : i32 to index
    %get3A_856 = arith.constant 80 : index
    %get3A_857 = tpu.vector_load %arg12[%get3A_855, %get3A_856] {strides = array<i32>} : memref<26x128xf32, #tpu.memory_space<vmem>>, vector<1x16xf32>,
    %get3A_858 = vector.shape_cast %get3A_857 : vector<1x16xf32> to vector<16xf32>
    %add3A_859 = arith.addf %add3A_853, %get3A_858 : vector<16xf32>
    %get3A_860 = arith.constant 5 : i32
    %get3A_861 = arith.index_cast %get3A_860 : i32 to index
    %get3A_862 = arith.constant 80 : index
    %get3A_863 = tpu.vector_load %arg12[%get3A_861, %get3A_862] {strides = array<i32>} : memref<26x128xf32, #tpu.memory_space<vmem>>, vector<1x16xf32>,
    %get3A_864 = vector.shape_cast %get3A_863 : vector<1x16xf32> to vector<16xf32>
    %add3A_865 = arith.addf %add3A_859, %get3A_864 : vector<16xf32>
    %get3A_866 = arith.constant 6 : i32
    %get3A_867 = arith.index_cast %get3A_866 : i32 to index
    %get3A_868 = arith.constant 80 : index
    %get3A_869 = tpu.vector_load %arg12[%get3A_867, %get3A_868] {strides = array<i32>} : memref<26x128xf32, #tpu.memory_space<vmem>>, vector<1x16xf32>,
    %get3A_870 = vector.shape_cast %get3A_869 : vector<1x16xf32> to vector<16xf32>
    %add3A_871 = arith.addf %add3A_865, %get3A_870 : vector<16xf32>
    %get3A_872 = arith.constant 7 : i32
    %get3A_873 = arith.index_cast %get3A_872 : i32 to index
    %get3A_874 = arith.constant 80 : index
    %get3A_875 = tpu.vector_load %arg12[%get3A_873, %get3A_874] {strides = array<i32>} : memref<26x128xf32, #tpu.memory_space<vmem>>, vector<1x16xf32>,
    %get3A_876 = vector.shape_cast %get3A_875 : vector<1x16xf32> to vector<16xf32>
    %add3A_877 = arith.addf %add3A_871, %get3A_876 : vector<16xf32>
    %get3A_878 = arith.constant 8 : i32
    %get3A_879 = arith.index_cast %get3A_878 : i32 to index
    %get3A_880 = arith.constant 80 : index
    %get3A_881 = tpu.vector_load %arg12[%get3A_879, %get3A_880] {strides = array<i32>} : memref<26x128xf32, #tpu.memory_space<vmem>>, vector<1x16xf32>,
    %get3A_882 = vector.shape_cast %get3A_881 : vector<1x16xf32> to vector<16xf32>
    %add3A_883 = arith.addf %add3A_877, %get3A_882 : vector<16xf32>
    %get3A_884 = arith.constant 9 : i32
    %get3A_885 = arith.index_cast %get3A_884 : i32 to index
    %get3A_886 = arith.constant 80 : index
    %get3A_887 = tpu.vector_load %arg12[%get3A_885, %get3A_886] {strides = array<i32>} : memref<26x128xf32, #tpu.memory_space<vmem>>, vector<1x16xf32>,
    %get3A_888 = vector.shape_cast %get3A_887 : vector<1x16xf32> to vector<16xf32>
    %add3A_889 = arith.addf %add3A_883, %get3A_888 : vector<16xf32>
    %get3A_890 = arith.constant 10 : i32
    %get3A_891 = arith.index_cast %get3A_890 : i32 to index
    %get3A_892 = arith.constant 80 : index
    %get3A_893 = tpu.vector_load %arg12[%get3A_891, %get3A_892] {strides = array<i32>} : memref<26x128xf32, #tpu.memory_space<vmem>>, vector<1x16xf32>,
    %get3A_894 = vector.shape_cast %get3A_893 : vector<1x16xf32> to vector<16xf32>
    %add3A_895 = arith.addf %add3A_889, %get3A_894 : vector<16xf32>
    %get3A_896 = arith.constant 11 : i32
    %get3A_897 = arith.index_cast %get3A_896 : i32 to index
    %get3A_898 = arith.constant 80 : index
    %get3A_899 = tpu.vector_load %arg12[%get3A_897, %get3A_898] {strides = array<i32>} : memref<26x128xf32, #tpu.memory_space<vmem>>, vector<1x16xf32>,
    %get3A_900 = vector.shape_cast %get3A_899 : vector<1x16xf32> to vector<16xf32>
    %add3A_901 = arith.addf %add3A_895, %get3A_900 : vector<16xf32>
    %get3A_902 = arith.constant 12 : i32
    %get3A_903 = arith.index_cast %get3A_902 : i32 to index
    %get3A_904 = arith.constant 80 : index
    %get3A_905 = tpu.vector_load %arg12[%get3A_903, %get3A_904] {strides = array<i32>} : memref<26x128xf32, #tpu.memory_space<vmem>>, vector<1x16xf32>,
    %get3A_906 = vector.shape_cast %get3A_905 : vector<1x16xf32> to vector<16xf32>
    %add3A_907 = arith.addf %add3A_901, %get3A_906 : vector<16xf32>
    %get3A_908 = arith.constant 13 : i32
    %get3A_909 = arith.index_cast %get3A_908 : i32 to index
    %get3A_910 = arith.constant 80 : index
    %get3A_911 = tpu.vector_load %arg12[%get3A_909, %get3A_910] {strides = array<i32>} : memref<26x128xf32, #tpu.memory_space<vmem>>, vector<1x16xf32>,
    %get3A_912 = vector.shape_cast %get3A_911 : vector<1x16xf32> to vector<16xf32>
    %add3A_913 = arith.addf %add3A_907, %get3A_912 : vector<16xf32>
    %get3A_914 = arith.constant 14 : i32
    %get3A_915 = arith.index_cast %get3A_914 : i32 to index
    %get3A_916 = arith.constant 80 : index
    %get3A_917 = tpu.vector_load %arg12[%get3A_915, %get3A_916] {strides = array<i32>} : memref<26x128xf32, #tpu.memory_space<vmem>>, vector<1x16xf32>,
    %get3A_918 = vector.shape_cast %get3A_917 : vector<1x16xf32> to vector<16xf32>
    %add3A_919 = arith.addf %add3A_913, %get3A_918 : vector<16xf32>
    %get3A_920 = arith.constant 15 : i32
    %get3A_921 = arith.index_cast %get3A_920 : i32 to index
    %get3A_922 = arith.constant 80 : index
    %get3A_923 = tpu.vector_load %arg12[%get3A_921, %get3A_922] {strides = array<i32>} : memref<26x128xf32, #tpu.memory_space<vmem>>, vector<1x16xf32>,
    %get3A_924 = vector.shape_cast %get3A_923 : vector<1x16xf32> to vector<16xf32>
    %add3A_925 = arith.addf %add3A_919, %get3A_924 : vector<16xf32>
    %get3A_926 = arith.constant 16 : i32
    %get3A_927 = arith.index_cast %get3A_926 : i32 to index
    %get3A_928 = arith.constant 80 : index
    %get3A_929 = tpu.vector_load %arg12[%get3A_927, %get3A_928] {strides = array<i32>} : memref<26x128xf32, #tpu.memory_space<vmem>>, vector<1x16xf32>,
    %get3A_930 = vector.shape_cast %get3A_929 : vector<1x16xf32> to vector<16xf32>
    %add3A_931 = arith.addf %add3A_925, %get3A_930 : vector<16xf32>
    %get3A_932 = arith.constant 17 : i32
    %get3A_933 = arith.index_cast %get3A_932 : i32 to index
    %get3A_934 = arith.constant 80 : index
    %get3A_935 = tpu.vector_load %arg12[%get3A_933, %get3A_934] {strides = array<i32>} : memref<26x128xf32, #tpu.memory_space<vmem>>, vector<1x16xf32>,
    %get3A_936 = vector.shape_cast %get3A_935 : vector<1x16xf32> to vector<16xf32>
    %add3A_937 = arith.addf %add3A_931, %get3A_936 : vector<16xf32>
    %get3A_938 = arith.constant 18 : i32
    %get3A_939 = arith.index_cast %get3A_938 : i32 to index
    %get3A_940 = arith.constant 80 : index
    %get3A_941 = tpu.vector_load %arg12[%get3A_939, %get3A_940] {strides = array<i32>} : memref<26x128xf32, #tpu.memory_space<vmem>>, vector<1x16xf32>,
    %get3A_942 = vector.shape_cast %get3A_941 : vector<1x16xf32> to vector<16xf32>
    %add3A_943 = arith.addf %add3A_937, %get3A_942 : vector<16xf32>
    %get3A_944 = arith.constant 19 : i32
    %get3A_945 = arith.index_cast %get3A_944 : i32 to index
    %get3A_946 = arith.constant 80 : index
    %get3A_947 = tpu.vector_load %arg12[%get3A_945, %get3A_946] {strides = array<i32>} : memref<26x128xf32, #tpu.memory_space<vmem>>, vector<1x16xf32>,
    %get3A_948 = vector.shape_cast %get3A_947 : vector<1x16xf32> to vector<16xf32>
    %add3A_949 = arith.addf %add3A_943, %get3A_948 : vector<16xf32>
    %get3A_950 = arith.constant 20 : i32
    %get3A_951 = arith.index_cast %get3A_950 : i32 to index
    %get3A_952 = arith.constant 80 : index
    %get3A_953 = tpu.vector_load %arg12[%get3A_951, %get3A_952] {strides = array<i32>} : memref<26x128xf32, #tpu.memory_space<vmem>>, vector<1x16xf32>,
    %get3A_954 = vector.shape_cast %get3A_953 : vector<1x16xf32> to vector<16xf32>
    %add3A_955 = arith.addf %add3A_949, %get3A_954 : vector<16xf32>
    %get3A_956 = arith.constant 21 : i32
    %get3A_957 = arith.index_cast %get3A_956 : i32 to index
    %get3A_958 = arith.constant 80 : index
    %get3A_959 = tpu.vector_load %arg12[%get3A_957, %get3A_958] {strides = array<i32>} : memref<26x128xf32, #tpu.memory_space<vmem>>, vector<1x16xf32>,
    %get3A_960 = vector.shape_cast %get3A_959 : vector<1x16xf32> to vector<16xf32>
    %add3A_961 = arith.addf %add3A_955, %get3A_960 : vector<16xf32>
    %get3A_962 = arith.constant 22 : i32
    %get3A_963 = arith.index_cast %get3A_962 : i32 to index
    %get3A_964 = arith.constant 80 : index
    %get3A_965 = tpu.vector_load %arg12[%get3A_963, %get3A_964] {strides = array<i32>} : memref<26x128xf32, #tpu.memory_space<vmem>>, vector<1x16xf32>,
    %get3A_966 = vector.shape_cast %get3A_965 : vector<1x16xf32> to vector<16xf32>
    %add3A_967 = arith.addf %add3A_961, %get3A_966 : vector<16xf32>
    %get3A_968 = arith.constant 23 : i32
    %get3A_969 = arith.index_cast %get3A_968 : i32 to index
    %get3A_970 = arith.constant 80 : index
    %get3A_971 = tpu.vector_load %arg12[%get3A_969, %get3A_970] {strides = array<i32>} : memref<26x128xf32, #tpu.memory_space<vmem>>, vector<1x16xf32>,
    %get3A_972 = vector.shape_cast %get3A_971 : vector<1x16xf32> to vector<16xf32>
    %add3A_973 = arith.addf %add3A_967, %get3A_972 : vector<16xf32>
    %get3A_974 = arith.constant 24 : i32
    %get3A_975 = arith.index_cast %get3A_974 : i32 to index
    %get3A_976 = arith.constant 80 : index
    %get3A_977 = tpu.vector_load %arg12[%get3A_975, %get3A_976] {strides = array<i32>} : memref<26x128xf32, #tpu.memory_space<vmem>>, vector<1x16xf32>,
    %get3A_978 = vector.shape_cast %get3A_977 : vector<1x16xf32> to vector<16xf32>
    %add3A_979 = arith.addf %add3A_973, %get3A_978 : vector<16xf32>
    %get3A_980 = arith.constant 25 : i32
    %get3A_981 = arith.index_cast %get3A_980 : i32 to index
    %get3A_982 = arith.constant 80 : index
    %get3A_983 = tpu.vector_load %arg12[%get3A_981, %get3A_982] {strides = array<i32>} : memref<26x128xf32, #tpu.memory_space<vmem>>, vector<1x16xf32>,
    %get3A_984 = vector.shape_cast %get3A_983 : vector<1x16xf32> to vector<16xf32>
    %add3A_985 = arith.addf %add3A_979, %get3A_984 : vector<16xf32>
    %swap3A_986 = arith.constant 80 : index
    %swap3A_987 = tpu.vector_load %arg15[%swap3A_986] {strides = array<i32>} : memref<128xf32, #tpu.memory_space<vmem>>, vector<16xf32>,
    %swap3A_988 = vector.shape_cast %swap3A_987 : vector<16xf32> to vector<16xf32>
    %swap3A_989 = vector.shape_cast %add3A_985 : vector<16xf32> to vector<16xf32>
    tpu.vector_store %arg15[%swap3A_986], %swap3A_989 {strides = array<i32>} : memref<128xf32, #tpu.memory_space<vmem>>, vector<16xf32>,
    %broadcast_in_dim3A_990 = arith.constant 0.000000e+00 : f32
    %broadcast_in_dim3A_991 = vector.broadcast %broadcast_in_dim3A_990 : f32 to vector<16xf32>
    %get3A_992 = arith.constant 0 : i32
    %get3A_993 = arith.index_cast %get3A_992 : i32 to index
    %get3A_994 = arith.constant 96 : index
    %get3A_995 = tpu.vector_load %arg12[%get3A_993, %get3A_994] {strides = array<i32>} : memref<26x128xf32, #tpu.memory_space<vmem>>, vector<1x16xf32>,
    %get3A_996 = vector.shape_cast %get3A_995 : vector<1x16xf32> to vector<16xf32>
    %add3A_997 = arith.addf %broadcast_in_dim3A_991, %get3A_996 : vector<16xf32>
    %get3A_998 = arith.constant 1 : i32
    %get3A_999 = arith.index_cast %get3A_998 : i32 to index
    %get3A_1000 = arith.constant 96 : index
    %get3A_1001 = tpu.vector_load %arg12[%get3A_999, %get3A_1000] {strides = array<i32>} : memref<26x128xf32, #tpu.memory_space<vmem>>, vector<1x16xf32>,
    %get3A_1002 = vector.shape_cast %get3A_1001 : vector<1x16xf32> to vector<16xf32>
    %add3A_1003 = arith.addf %add3A_997, %get3A_1002 : vector<16xf32>
    %get3A_1004 = arith.constant 2 : i32
    %get3A_1005 = arith.index_cast %get3A_1004 : i32 to index
    %get3A_1006 = arith.constant 96 : index
    %get3A_1007 = tpu.vector_load %arg12[%get3A_1005, %get3A_1006] {strides = array<i32>} : memref<26x128xf32, #tpu.memory_space<vmem>>, vector<1x16xf32>,
    %get3A_1008 = vector.shape_cast %get3A_1007 : vector<1x16xf32> to vector<16xf32>
    %add3A_1009 = arith.addf %add3A_1003, %get3A_1008 : vector<16xf32>
    %get3A_1010 = arith.constant 3 : i32
    %get3A_1011 = arith.index_cast %get3A_1010 : i32 to index
    %get3A_1012 = arith.constant 96 : index
    %get3A_1013 = tpu.vector_load %arg12[%get3A_1011, %get3A_1012] {strides = array<i32>} : memref<26x128xf32, #tpu.memory_space<vmem>>, vector<1x16xf32>,
    %get3A_1014 = vector.shape_cast %get3A_1013 : vector<1x16xf32> to vector<16xf32>
    %add3A_1015 = arith.addf %add3A_1009, %get3A_1014 : vector<16xf32>
    %get3A_1016 = arith.constant 4 : i32
    %get3A_1017 = arith.index_cast %get3A_1016 : i32 to index
    %get3A_1018 = arith.constant 96 : index
    %get3A_1019 = tpu.vector_load %arg12[%get3A_1017, %get3A_1018] {strides = array<i32>} : memref<26x128xf32, #tpu.memory_space<vmem>>, vector<1x16xf32>,
    %get3A_1020 = vector.shape_cast %get3A_1019 : vector<1x16xf32> to vector<16xf32>
    %add3A_1021 = arith.addf %add3A_1015, %get3A_1020 : vector<16xf32>
    %get3A_1022 = arith.constant 5 : i32
    %get3A_1023 = arith.index_cast %get3A_1022 : i32 to index
    %get3A_1024 = arith.constant 96 : index
    %get3A_1025 = tpu.vector_load %arg12[%get3A_1023, %get3A_1024] {strides = array<i32>} : memref<26x128xf32, #tpu.memory_space<vmem>>, vector<1x16xf32>,
    %get3A_1026 = vector.shape_cast %get3A_1025 : vector<1x16xf32> to vector<16xf32>
    %add3A_1027 = arith.addf %add3A_1021, %get3A_1026 : vector<16xf32>
    %get3A_1028 = arith.constant 6 : i32
    %get3A_1029 = arith.index_cast %get3A_1028 : i32 to index
    %get3A_1030 = arith.constant 96 : index
    %get3A_1031 = tpu.vector_load %arg12[%get3A_1029, %get3A_1030] {strides = array<i32>} : memref<26x128xf32, #tpu.memory_space<vmem>>, vector<1x16xf32>,
    %get3A_1032 = vector.shape_cast %get3A_1031 : vector<1x16xf32> to vector<16xf32>
    %add3A_1033 = arith.addf %add3A_1027, %get3A_1032 : vector<16xf32>
    %get3A_1034 = arith.constant 7 : i32
    %get3A_1035 = arith.index_cast %get3A_1034 : i32 to index
    %get3A_1036 = arith.constant 96 : index
    %get3A_1037 = tpu.vector_load %arg12[%get3A_1035, %get3A_1036] {strides = array<i32>} : memref<26x128xf32, #tpu.memory_space<vmem>>, vector<1x16xf32>,
    %get3A_1038 = vector.shape_cast %get3A_1037 : vector<1x16xf32> to vector<16xf32>
    %add3A_1039 = arith.addf %add3A_1033, %get3A_1038 : vector<16xf32>
    %get3A_1040 = arith.constant 8 : i32
    %get3A_1041 = arith.index_cast %get3A_1040 : i32 to index
    %get3A_1042 = arith.constant 96 : index
    %get3A_1043 = tpu.vector_load %arg12[%get3A_1041, %get3A_1042] {strides = array<i32>} : memref<26x128xf32, #tpu.memory_space<vmem>>, vector<1x16xf32>,
    %get3A_1044 = vector.shape_cast %get3A_1043 : vector<1x16xf32> to vector<16xf32>
    %add3A_1045 = arith.addf %add3A_1039, %get3A_1044 : vector<16xf32>
    %get3A_1046 = arith.constant 9 : i32
    %get3A_1047 = arith.index_cast %get3A_1046 : i32 to index
    %get3A_1048 = arith.constant 96 : index
    %get3A_1049 = tpu.vector_load %arg12[%get3A_1047, %get3A_1048] {strides = array<i32>} : memref<26x128xf32, #tpu.memory_space<vmem>>, vector<1x16xf32>,
    %get3A_1050 = vector.shape_cast %get3A_1049 : vector<1x16xf32> to vector<16xf32>
    %add3A_1051 = arith.addf %add3A_1045, %get3A_1050 : vector<16xf32>
    %get3A_1052 = arith.constant 10 : i32
    %get3A_1053 = arith.index_cast %get3A_1052 : i32 to index
    %get3A_1054 = arith.constant 96 : index
    %get3A_1055 = tpu.vector_load %arg12[%get3A_1053, %get3A_1054] {strides = array<i32>} : memref<26x128xf32, #tpu.memory_space<vmem>>, vector<1x16xf32>,
    %get3A_1056 = vector.shape_cast %get3A_1055 : vector<1x16xf32> to vector<16xf32>
    %add3A_1057 = arith.addf %add3A_1051, %get3A_1056 : vector<16xf32>
    %get3A_1058 = arith.constant 11 : i32
    %get3A_1059 = arith.index_cast %get3A_1058 : i32 to index
    %get3A_1060 = arith.constant 96 : index
    %get3A_1061 = tpu.vector_load %arg12[%get3A_1059, %get3A_1060] {strides = array<i32>} : memref<26x128xf32, #tpu.memory_space<vmem>>, vector<1x16xf32>,
    %get3A_1062 = vector.shape_cast %get3A_1061 : vector<1x16xf32> to vector<16xf32>
    %add3A_1063 = arith.addf %add3A_1057, %get3A_1062 : vector<16xf32>
    %get3A_1064 = arith.constant 12 : i32
    %get3A_1065 = arith.index_cast %get3A_1064 : i32 to index
    %get3A_1066 = arith.constant 96 : index
    %get3A_1067 = tpu.vector_load %arg12[%get3A_1065, %get3A_1066] {strides = array<i32>} : memref<26x128xf32, #tpu.memory_space<vmem>>, vector<1x16xf32>,
    %get3A_1068 = vector.shape_cast %get3A_1067 : vector<1x16xf32> to vector<16xf32>
    %add3A_1069 = arith.addf %add3A_1063, %get3A_1068 : vector<16xf32>
    %get3A_1070 = arith.constant 13 : i32
    %get3A_1071 = arith.index_cast %get3A_1070 : i32 to index
    %get3A_1072 = arith.constant 96 : index
    %get3A_1073 = tpu.vector_load %arg12[%get3A_1071, %get3A_1072] {strides = array<i32>} : memref<26x128xf32, #tpu.memory_space<vmem>>, vector<1x16xf32>,
    %get3A_1074 = vector.shape_cast %get3A_1073 : vector<1x16xf32> to vector<16xf32>
    %add3A_1075 = arith.addf %add3A_1069, %get3A_1074 : vector<16xf32>
    %get3A_1076 = arith.constant 14 : i32
    %get3A_1077 = arith.index_cast %get3A_1076 : i32 to index
    %get3A_1078 = arith.constant 96 : index
    %get3A_1079 = tpu.vector_load %arg12[%get3A_1077, %get3A_1078] {strides = array<i32>} : memref<26x128xf32, #tpu.memory_space<vmem>>, vector<1x16xf32>,
    %get3A_1080 = vector.shape_cast %get3A_1079 : vector<1x16xf32> to vector<16xf32>
    %add3A_1081 = arith.addf %add3A_1075, %get3A_1080 : vector<16xf32>
    %get3A_1082 = arith.constant 15 : i32
    %get3A_1083 = arith.index_cast %get3A_1082 : i32 to index
    %get3A_1084 = arith.constant 96 : index
    %get3A_1085 = tpu.vector_load %arg12[%get3A_1083, %get3A_1084] {strides = array<i32>} : memref<26x128xf32, #tpu.memory_space<vmem>>, vector<1x16xf32>,
    %get3A_1086 = vector.shape_cast %get3A_1085 : vector<1x16xf32> to vector<16xf32>
    %add3A_1087 = arith.addf %add3A_1081, %get3A_1086 : vector<16xf32>
    %get3A_1088 = arith.constant 16 : i32
    %get3A_1089 = arith.index_cast %get3A_1088 : i32 to index
    %get3A_1090 = arith.constant 96 : index
    %get3A_1091 = tpu.vector_load %arg12[%get3A_1089, %get3A_1090] {strides = array<i32>} : memref<26x128xf32, #tpu.memory_space<vmem>>, vector<1x16xf32>,
    %get3A_1092 = vector.shape_cast %get3A_1091 : vector<1x16xf32> to vector<16xf32>
    %add3A_1093 = arith.addf %add3A_1087, %get3A_1092 : vector<16xf32>
    %get3A_1094 = arith.constant 17 : i32
    %get3A_1095 = arith.index_cast %get3A_1094 : i32 to index
    %get3A_1096 = arith.constant 96 : index
    %get3A_1097 = tpu.vector_load %arg12[%get3A_1095, %get3A_1096] {strides = array<i32>} : memref<26x128xf32, #tpu.memory_space<vmem>>, vector<1x16xf32>,
    %get3A_1098 = vector.shape_cast %get3A_1097 : vector<1x16xf32> to vector<16xf32>
    %add3A_1099 = arith.addf %add3A_1093, %get3A_1098 : vector<16xf32>
    %get3A_1100 = arith.constant 18 : i32
    %get3A_1101 = arith.index_cast %get3A_1100 : i32 to index
    %get3A_1102 = arith.constant 96 : index
    %get3A_1103 = tpu.vector_load %arg12[%get3A_1101, %get3A_1102] {strides = array<i32>} : memref<26x128xf32, #tpu.memory_space<vmem>>, vector<1x16xf32>,
    %get3A_1104 = vector.shape_cast %get3A_1103 : vector<1x16xf32> to vector<16xf32>
    %add3A_1105 = arith.addf %add3A_1099, %get3A_1104 : vector<16xf32>
    %get3A_1106 = arith.constant 19 : i32
    %get3A_1107 = arith.index_cast %get3A_1106 : i32 to index
    %get3A_1108 = arith.constant 96 : index
    %get3A_1109 = tpu.vector_load %arg12[%get3A_1107, %get3A_1108] {strides = array<i32>} : memref<26x128xf32, #tpu.memory_space<vmem>>, vector<1x16xf32>,
    %get3A_1110 = vector.shape_cast %get3A_1109 : vector<1x16xf32> to vector<16xf32>
    %add3A_1111 = arith.addf %add3A_1105, %get3A_1110 : vector<16xf32>
    %get3A_1112 = arith.constant 20 : i32
    %get3A_1113 = arith.index_cast %get3A_1112 : i32 to index
    %get3A_1114 = arith.constant 96 : index
    %get3A_1115 = tpu.vector_load %arg12[%get3A_1113, %get3A_1114] {strides = array<i32>} : memref<26x128xf32, #tpu.memory_space<vmem>>, vector<1x16xf32>,
    %get3A_1116 = vector.shape_cast %get3A_1115 : vector<1x16xf32> to vector<16xf32>
    %add3A_1117 = arith.addf %add3A_1111, %get3A_1116 : vector<16xf32>
    %get3A_1118 = arith.constant 21 : i32
    %get3A_1119 = arith.index_cast %get3A_1118 : i32 to index
    %get3A_1120 = arith.constant 96 : index
    %get3A_1121 = tpu.vector_load %arg12[%get3A_1119, %get3A_1120] {strides = array<i32>} : memref<26x128xf32, #tpu.memory_space<vmem>>, vector<1x16xf32>,
    %get3A_1122 = vector.shape_cast %get3A_1121 : vector<1x16xf32> to vector<16xf32>
    %add3A_1123 = arith.addf %add3A_1117, %get3A_1122 : vector<16xf32>
    %get3A_1124 = arith.constant 22 : i32
    %get3A_1125 = arith.index_cast %get3A_1124 : i32 to index
    %get3A_1126 = arith.constant 96 : index
    %get3A_1127 = tpu.vector_load %arg12[%get3A_1125, %get3A_1126] {strides = array<i32>} : memref<26x128xf32, #tpu.memory_space<vmem>>, vector<1x16xf32>,
    %get3A_1128 = vector.shape_cast %get3A_1127 : vector<1x16xf32> to vector<16xf32>
    %add3A_1129 = arith.addf %add3A_1123, %get3A_1128 : vector<16xf32>
    %get3A_1130 = arith.constant 23 : i32
    %get3A_1131 = arith.index_cast %get3A_1130 : i32 to index
    %get3A_1132 = arith.constant 96 : index
    %get3A_1133 = tpu.vector_load %arg12[%get3A_1131, %get3A_1132] {strides = array<i32>} : memref<26x128xf32, #tpu.memory_space<vmem>>, vector<1x16xf32>,
    %get3A_1134 = vector.shape_cast %get3A_1133 : vector<1x16xf32> to vector<16xf32>
    %add3A_1135 = arith.addf %add3A_1129, %get3A_1134 : vector<16xf32>
    %get3A_1136 = arith.constant 24 : i32
    %get3A_1137 = arith.index_cast %get3A_1136 : i32 to index
    %get3A_1138 = arith.constant 96 : index
    %get3A_1139 = tpu.vector_load %arg12[%get3A_1137, %get3A_1138] {strides = array<i32>} : memref<26x128xf32, #tpu.memory_space<vmem>>, vector<1x16xf32>,
    %get3A_1140 = vector.shape_cast %get3A_1139 : vector<1x16xf32> to vector<16xf32>
    %add3A_1141 = arith.addf %add3A_1135, %get3A_1140 : vector<16xf32>
    %get3A_1142 = arith.constant 25 : i32
    %get3A_1143 = arith.index_cast %get3A_1142 : i32 to index
    %get3A_1144 = arith.constant 96 : index
    %get3A_1145 = tpu.vector_load %arg12[%get3A_1143, %get3A_1144] {strides = array<i32>} : memref<26x128xf32, #tpu.memory_space<vmem>>, vector<1x16xf32>,
    %get3A_1146 = vector.shape_cast %get3A_1145 : vector<1x16xf32> to vector<16xf32>
    %add3A_1147 = arith.addf %add3A_1141, %get3A_1146 : vector<16xf32>
    %swap3A_1148 = arith.constant 96 : index
    %swap3A_1149 = tpu.vector_load %arg15[%swap3A_1148] {strides = array<i32>} : memref<128xf32, #tpu.memory_space<vmem>>, vector<16xf32>,
    %swap3A_1150 = vector.shape_cast %swap3A_1149 : vector<16xf32> to vector<16xf32>
    %swap3A_1151 = vector.shape_cast %add3A_1147 : vector<16xf32> to vector<16xf32>
    tpu.vector_store %arg15[%swap3A_1148], %swap3A_1151 {strides = array<i32>} : memref<128xf32, #tpu.memory_space<vmem>>, vector<16xf32>,
    %broadcast_in_dim3A_1152 = arith.constant 0.000000e+00 : f32
    %broadcast_in_dim3A_1153 = vector.broadcast %broadcast_in_dim3A_1152 : f32 to vector<16xf32>
    %get3A_1154 = arith.constant 0 : i32
    %get3A_1155 = arith.index_cast %get3A_1154 : i32 to index
    %get3A_1156 = arith.constant 112 : index
    %get3A_1157 = tpu.vector_load %arg12[%get3A_1155, %get3A_1156] {strides = array<i32>} : memref<26x128xf32, #tpu.memory_space<vmem>>, vector<1x16xf32>,
    %get3A_1158 = vector.shape_cast %get3A_1157 : vector<1x16xf32> to vector<16xf32>
    %add3A_1159 = arith.addf %broadcast_in_dim3A_1153, %get3A_1158 : vector<16xf32>
    %get3A_1160 = arith.constant 1 : i32
    %get3A_1161 = arith.index_cast %get3A_1160 : i32 to index
    %get3A_1162 = arith.constant 112 : index
    %get3A_1163 = tpu.vector_load %arg12[%get3A_1161, %get3A_1162] {strides = array<i32>} : memref<26x128xf32, #tpu.memory_space<vmem>>, vector<1x16xf32>,
    %get3A_1164 = vector.shape_cast %get3A_1163 : vector<1x16xf32> to vector<16xf32>
    %add3A_1165 = arith.addf %add3A_1159, %get3A_1164 : vector<16xf32>
    %get3A_1166 = arith.constant 2 : i32
    %get3A_1167 = arith.index_cast %get3A_1166 : i32 to index
    %get3A_1168 = arith.constant 112 : index
    %get3A_1169 = tpu.vector_load %arg12[%get3A_1167, %get3A_1168] {strides = array<i32>} : memref<26x128xf32, #tpu.memory_space<vmem>>, vector<1x16xf32>,
    %get3A_1170 = vector.shape_cast %get3A_1169 : vector<1x16xf32> to vector<16xf32>
    %add3A_1171 = arith.addf %add3A_1165, %get3A_1170 : vector<16xf32>
    %get3A_1172 = arith.constant 3 : i32
    %get3A_1173 = arith.index_cast %get3A_1172 : i32 to index
    %get3A_1174 = arith.constant 112 : index
    %get3A_1175 = tpu.vector_load %arg12[%get3A_1173, %get3A_1174] {strides = array<i32>} : memref<26x128xf32, #tpu.memory_space<vmem>>, vector<1x16xf32>,
    %get3A_1176 = vector.shape_cast %get3A_1175 : vector<1x16xf32> to vector<16xf32>
    %add3A_1177 = arith.addf %add3A_1171, %get3A_1176 : vector<16xf32>
    %get3A_1178 = arith.constant 4 : i32
    %get3A_1179 = arith.index_cast %get3A_1178 : i32 to index
    %get3A_1180 = arith.constant 112 : index
    %get3A_1181 = tpu.vector_load %arg12[%get3A_1179, %get3A_1180] {strides = array<i32>} : memref<26x128xf32, #tpu.memory_space<vmem>>, vector<1x16xf32>,
    %get3A_1182 = vector.shape_cast %get3A_1181 : vector<1x16xf32> to vector<16xf32>
    %add3A_1183 = arith.addf %add3A_1177, %get3A_1182 : vector<16xf32>
    %get3A_1184 = arith.constant 5 : i32
    %get3A_1185 = arith.index_cast %get3A_1184 : i32 to index
    %get3A_1186 = arith.constant 112 : index
    %get3A_1187 = tpu.vector_load %arg12[%get3A_1185, %get3A_1186] {strides = array<i32>} : memref<26x128xf32, #tpu.memory_space<vmem>>, vector<1x16xf32>,
    %get3A_1188 = vector.shape_cast %get3A_1187 : vector<1x16xf32> to vector<16xf32>
    %add3A_1189 = arith.addf %add3A_1183, %get3A_1188 : vector<16xf32>
    %get3A_1190 = arith.constant 6 : i32
    %get3A_1191 = arith.index_cast %get3A_1190 : i32 to index
    %get3A_1192 = arith.constant 112 : index
    %get3A_1193 = tpu.vector_load %arg12[%get3A_1191, %get3A_1192] {strides = array<i32>} : memref<26x128xf32, #tpu.memory_space<vmem>>, vector<1x16xf32>,
    %get3A_1194 = vector.shape_cast %get3A_1193 : vector<1x16xf32> to vector<16xf32>
    %add3A_1195 = arith.addf %add3A_1189, %get3A_1194 : vector<16xf32>
    %get3A_1196 = arith.constant 7 : i32
    %get3A_1197 = arith.index_cast %get3A_1196 : i32 to index
    %get3A_1198 = arith.constant 112 : index
    %get3A_1199 = tpu.vector_load %arg12[%get3A_1197, %get3A_1198] {strides = array<i32>} : memref<26x128xf32, #tpu.memory_space<vmem>>, vector<1x16xf32>,
    %get3A_1200 = vector.shape_cast %get3A_1199 : vector<1x16xf32> to vector<16xf32>
    %add3A_1201 = arith.addf %add3A_1195, %get3A_1200 : vector<16xf32>
    %get3A_1202 = arith.constant 8 : i32
    %get3A_1203 = arith.index_cast %get3A_1202 : i32 to index
    %get3A_1204 = arith.constant 112 : index
    %get3A_1205 = tpu.vector_load %arg12[%get3A_1203, %get3A_1204] {strides = array<i32>} : memref<26x128xf32, #tpu.memory_space<vmem>>, vector<1x16xf32>,
    %get3A_1206 = vector.shape_cast %get3A_1205 : vector<1x16xf32> to vector<16xf32>
    %add3A_1207 = arith.addf %add3A_1201, %get3A_1206 : vector<16xf32>
    %get3A_1208 = arith.constant 9 : i32
    %get3A_1209 = arith.index_cast %get3A_1208 : i32 to index
    %get3A_1210 = arith.constant 112 : index
    %get3A_1211 = tpu.vector_load %arg12[%get3A_1209, %get3A_1210] {strides = array<i32>} : memref<26x128xf32, #tpu.memory_space<vmem>>, vector<1x16xf32>,
    %get3A_1212 = vector.shape_cast %get3A_1211 : vector<1x16xf32> to vector<16xf32>
    %add3A_1213 = arith.addf %add3A_1207, %get3A_1212 : vector<16xf32>
    %get3A_1214 = arith.constant 10 : i32
    %get3A_1215 = arith.index_cast %get3A_1214 : i32 to index
    %get3A_1216 = arith.constant 112 : index
    %get3A_1217 = tpu.vector_load %arg12[%get3A_1215, %get3A_1216] {strides = array<i32>} : memref<26x128xf32, #tpu.memory_space<vmem>>, vector<1x16xf32>,
    %get3A_1218 = vector.shape_cast %get3A_1217 : vector<1x16xf32> to vector<16xf32>
    %add3A_1219 = arith.addf %add3A_1213, %get3A_1218 : vector<16xf32>
    %get3A_1220 = arith.constant 11 : i32
    %get3A_1221 = arith.index_cast %get3A_1220 : i32 to index
    %get3A_1222 = arith.constant 112 : index
    %get3A_1223 = tpu.vector_load %arg12[%get3A_1221, %get3A_1222] {strides = array<i32>} : memref<26x128xf32, #tpu.memory_space<vmem>>, vector<1x16xf32>,
    %get3A_1224 = vector.shape_cast %get3A_1223 : vector<1x16xf32> to vector<16xf32>
    %add3A_1225 = arith.addf %add3A_1219, %get3A_1224 : vector<16xf32>
    %get3A_1226 = arith.constant 12 : i32
    %get3A_1227 = arith.index_cast %get3A_1226 : i32 to index
    %get3A_1228 = arith.constant 112 : index
    %get3A_1229 = tpu.vector_load %arg12[%get3A_1227, %get3A_1228] {strides = array<i32>} : memref<26x128xf32, #tpu.memory_space<vmem>>, vector<1x16xf32>,
    %get3A_1230 = vector.shape_cast %get3A_1229 : vector<1x16xf32> to vector<16xf32>
    %add3A_1231 = arith.addf %add3A_1225, %get3A_1230 : vector<16xf32>
    %get3A_1232 = arith.constant 13 : i32
    %get3A_1233 = arith.index_cast %get3A_1232 : i32 to index
    %get3A_1234 = arith.constant 112 : index
    %get3A_1235 = tpu.vector_load %arg12[%get3A_1233, %get3A_1234] {strides = array<i32>} : memref<26x128xf32, #tpu.memory_space<vmem>>, vector<1x16xf32>,
    %get3A_1236 = vector.shape_cast %get3A_1235 : vector<1x16xf32> to vector<16xf32>
    %add3A_1237 = arith.addf %add3A_1231, %get3A_1236 : vector<16xf32>
    %get3A_1238 = arith.constant 14 : i32
    %get3A_1239 = arith.index_cast %get3A_1238 : i32 to index
    %get3A_1240 = arith.constant 112 : index
    %get3A_1241 = tpu.vector_load %arg12[%get3A_1239, %get3A_1240] {strides = array<i32>} : memref<26x128xf32, #tpu.memory_space<vmem>>, vector<1x16xf32>,
    %get3A_1242 = vector.shape_cast %get3A_1241 : vector<1x16xf32> to vector<16xf32>
    %add3A_1243 = arith.addf %add3A_1237, %get3A_1242 : vector<16xf32>
    %get3A_1244 = arith.constant 15 : i32
    %get3A_1245 = arith.index_cast %get3A_1244 : i32 to index
    %get3A_1246 = arith.constant 112 : index
    %get3A_1247 = tpu.vector_load %arg12[%get3A_1245, %get3A_1246] {strides = array<i32>} : memref<26x128xf32, #tpu.memory_space<vmem>>, vector<1x16xf32>,
    %get3A_1248 = vector.shape_cast %get3A_1247 : vector<1x16xf32> to vector<16xf32>
    %add3A_1249 = arith.addf %add3A_1243, %get3A_1248 : vector<16xf32>
    %get3A_1250 = arith.constant 16 : i32
    %get3A_1251 = arith.index_cast %get3A_1250 : i32 to index
    %get3A_1252 = arith.constant 112 : index
    %get3A_1253 = tpu.vector_load %arg12[%get3A_1251, %get3A_1252] {strides = array<i32>} : memref<26x128xf32, #tpu.memory_space<vmem>>, vector<1x16xf32>,
    %get3A_1254 = vector.shape_cast %get3A_1253 : vector<1x16xf32> to vector<16xf32>
    %add3A_1255 = arith.addf %add3A_1249, %get3A_1254 : vector<16xf32>
    %get3A_1256 = arith.constant 17 : i32
    %get3A_1257 = arith.index_cast %get3A_1256 : i32 to index
    %get3A_1258 = arith.constant 112 : index
    %get3A_1259 = tpu.vector_load %arg12[%get3A_1257, %get3A_1258] {strides = array<i32>} : memref<26x128xf32, #tpu.memory_space<vmem>>, vector<1x16xf32>,
    %get3A_1260 = vector.shape_cast %get3A_1259 : vector<1x16xf32> to vector<16xf32>
    %add3A_1261 = arith.addf %add3A_1255, %get3A_1260 : vector<16xf32>
    %get3A_1262 = arith.constant 18 : i32
    %get3A_1263 = arith.index_cast %get3A_1262 : i32 to index
    %get3A_1264 = arith.constant 112 : index
    %get3A_1265 = tpu.vector_load %arg12[%get3A_1263, %get3A_1264] {strides = array<i32>} : memref<26x128xf32, #tpu.memory_space<vmem>>, vector<1x16xf32>,
    %get3A_1266 = vector.shape_cast %get3A_1265 : vector<1x16xf32> to vector<16xf32>
    %add3A_1267 = arith.addf %add3A_1261, %get3A_1266 : vector<16xf32>
    %get3A_1268 = arith.constant 19 : i32
    %get3A_1269 = arith.index_cast %get3A_1268 : i32 to index
    %get3A_1270 = arith.constant 112 : index
    %get3A_1271 = tpu.vector_load %arg12[%get3A_1269, %get3A_1270] {strides = array<i32>} : memref<26x128xf32, #tpu.memory_space<vmem>>, vector<1x16xf32>,
    %get3A_1272 = vector.shape_cast %get3A_1271 : vector<1x16xf32> to vector<16xf32>
    %add3A_1273 = arith.addf %add3A_1267, %get3A_1272 : vector<16xf32>
    %get3A_1274 = arith.constant 20 : i32
    %get3A_1275 = arith.index_cast %get3A_1274 : i32 to index
    %get3A_1276 = arith.constant 112 : index
    %get3A_1277 = tpu.vector_load %arg12[%get3A_1275, %get3A_1276] {strides = array<i32>} : memref<26x128xf32, #tpu.memory_space<vmem>>, vector<1x16xf32>,
    %get3A_1278 = vector.shape_cast %get3A_1277 : vector<1x16xf32> to vector<16xf32>
    %add3A_1279 = arith.addf %add3A_1273, %get3A_1278 : vector<16xf32>
    %get3A_1280 = arith.constant 21 : i32
    %get3A_1281 = arith.index_cast %get3A_1280 : i32 to index
    %get3A_1282 = arith.constant 112 : index
    %get3A_1283 = tpu.vector_load %arg12[%get3A_1281, %get3A_1282] {strides = array<i32>} : memref<26x128xf32, #tpu.memory_space<vmem>>, vector<1x16xf32>,
    %get3A_1284 = vector.shape_cast %get3A_1283 : vector<1x16xf32> to vector<16xf32>
    %add3A_1285 = arith.addf %add3A_1279, %get3A_1284 : vector<16xf32>
    %get3A_1286 = arith.constant 22 : i32
    %get3A_1287 = arith.index_cast %get3A_1286 : i32 to index
    %get3A_1288 = arith.constant 112 : index
    %get3A_1289 = tpu.vector_load %arg12[%get3A_1287, %get3A_1288] {strides = array<i32>} : memref<26x128xf32, #tpu.memory_space<vmem>>, vector<1x16xf32>,
    %get3A_1290 = vector.shape_cast %get3A_1289 : vector<1x16xf32> to vector<16xf32>
    %add3A_1291 = arith.addf %add3A_1285, %get3A_1290 : vector<16xf32>
    %get3A_1292 = arith.constant 23 : i32
    %get3A_1293 = arith.index_cast %get3A_1292 : i32 to index
    %get3A_1294 = arith.constant 112 : index
    %get3A_1295 = tpu.vector_load %arg12[%get3A_1293, %get3A_1294] {strides = array<i32>} : memref<26x128xf32, #tpu.memory_space<vmem>>, vector<1x16xf32>,
    %get3A_1296 = vector.shape_cast %get3A_1295 : vector<1x16xf32> to vector<16xf32>
    %add3A_1297 = arith.addf %add3A_1291, %get3A_1296 : vector<16xf32>
    %get3A_1298 = arith.constant 24 : i32
    %get3A_1299 = arith.index_cast %get3A_1298 : i32 to index
    %get3A_1300 = arith.constant 112 : index
    %get3A_1301 = tpu.vector_load %arg12[%get3A_1299, %get3A_1300] {strides = array<i32>} : memref<26x128xf32, #tpu.memory_space<vmem>>, vector<1x16xf32>,
    %get3A_1302 = vector.shape_cast %get3A_1301 : vector<1x16xf32> to vector<16xf32>
    %add3A_1303 = arith.addf %add3A_1297, %get3A_1302 : vector<16xf32>
    %get3A_1304 = arith.constant 25 : i32
    %get3A_1305 = arith.index_cast %get3A_1304 : i32 to index
    %get3A_1306 = arith.constant 112 : index
    %get3A_1307 = tpu.vector_load %arg12[%get3A_1305, %get3A_1306] {strides = array<i32>} : memref<26x128xf32, #tpu.memory_space<vmem>>, vector<1x16xf32>,
    %get3A_1308 = vector.shape_cast %get3A_1307 : vector<1x16xf32> to vector<16xf32>
    %add3A_1309 = arith.addf %add3A_1303, %get3A_1308 : vector<16xf32>
    %swap3A_1310 = arith.constant 112 : index
    %swap3A_1311 = tpu.vector_load %arg15[%swap3A_1310] {strides = array<i32>} : memref<128xf32, #tpu.memory_space<vmem>>, vector<16xf32>,
    %swap3A_1312 = vector.shape_cast %swap3A_1311 : vector<16xf32> to vector<16xf32>
    %swap3A_1313 = vector.shape_cast %add3A_1309 : vector<16xf32> to vector<16xf32>
    tpu.vector_store %arg15[%swap3A_1310], %swap3A_1313 {strides = array<i32>} : memref<128xf32, #tpu.memory_space<vmem>>, vector<16xf32>,
    %broadcast_in_dim3A_1314 = arith.constant 0.000000e+00 : f32
    %broadcast_in_dim3A_1315 = vector.broadcast %broadcast_in_dim3A_1314 : f32 to vector<16xf32>
    %scan3A_1316 = arith.constant 0 : i32
    %scan3A_1317 = arith.constant 0 : i32
    %scan3A_1318 = arith.constant 8 : i32
    %scan3A_1319 = arith.addi %scan3A_1317, %scan3A_1318 : i32
    %scan3A_1320 = arith.constant 1 : i32
    scf.for %scan3A_1322 = %scan3A_1317 to %scan3A_1319 step %scan3A_1320  : i32 {
      %scan3A_1323 = arith.constant 0 : i32
      %scan3A_1324 = arith.constant 26 : i32
      %scan3A_1325 = arith.addi %scan3A_1323, %scan3A_1324 : i32
      %scan3A_1326 = arith.constant 1 : i32
      %scan3A_1327:33 = scf.for %scan3A_1591 = %scan3A_1323 to %scan3A_1325 step %scan3A_1326 iter_args(%scan3A_1592 = %broadcast_in_dim3A_1315, %scan3A_1593 = %broadcast_in_dim3A_1315, %scan3A_1594 = %broadcast_in_dim3A_1315, %scan3A_1595 = %broadcast_in_dim3A_1315, %scan3A_1596 = %broadcast_in_dim3A_1315, %scan3A_1597 = %broadcast_in_dim3A_1315, %scan3A_1598 = %broadcast_in_dim3A_1315, %scan3A_1599 = %broadcast_in_dim3A_1315, %scan3A_1600 = %broadcast_in_dim3A_1315, %scan3A_1601 = %broadcast_in_dim3A_1315, %scan3A_1602 = %broadcast_in_dim3A_1315, %scan3A_1603 = %broadcast_in_dim3A_1315, %scan3A_1604 = %broadcast_in_dim3A_1315, %scan3A_1605 = %broadcast_in_dim3A_1315, %scan3A_1606 = %broadcast_in_dim3A_1315, %scan3A_1607 = %broadcast_in_dim3A_1315, %scan3A_1608 = %broadcast_in_dim3A_1315, %scan3A_1609 = %broadcast_in_dim3A_1315, %scan3A_1610 = %broadcast_in_dim3A_1315, %scan3A_1611 = %broadcast_in_dim3A_1315, %scan3A_1612 = %broadcast_in_dim3A_1315, %scan3A_1613 = %broadcast_in_dim3A_1315, %scan3A_1614 = %broadcast_in_dim3A_1315, %scan3A_1615 = %broadcast_in_dim3A_1315, %scan3A_1616 = %broadcast_in_dim3A_1315, %scan3A_1617 = %broadcast_in_dim3A_1315, %scan3A_1618 = %broadcast_in_dim3A_1315, %scan3A_1619 = %broadcast_in_dim3A_1315, %scan3A_1620 = %broadcast_in_dim3A_1315, %scan3A_1621 = %broadcast_in_dim3A_1315, %scan3A_1622 = %broadcast_in_dim3A_1315, %scan3A_1623 = %broadcast_in_dim3A_1315, %scan3A_1624 = %broadcast_in_dim3A_1315) -> (vector<16xf32>, vector<16xf32>, vector<16xf32>, vector<16xf32>, vector<16xf32>, vector<16xf32>, vector<16xf32>, vector<16xf32>, vector<16xf32>, vector<16xf32>, vector<16xf32>, vector<16xf32>, vector<16xf32>, vector<16xf32>, vector<16xf32>, vector<16xf32>, vector<16xf32>, vector<16xf32>, vector<16xf32>, vector<16xf32>, vector<16xf32>, vector<16xf32>, vector<16xf32>, vector<16xf32>, vector<16xf32>, vector<16xf32>, vector<16xf32>, vector<16xf32>, vector<16xf32>, vector<16xf32>, vector<16xf32>, vector<16xf32>, vector<16xf32>)  : i32 {
        %mul3A_1625 = arith.constant 16 : i32
        %mul3A_1626 = arith.muli %scan3A_1322, %mul3A_1625 : i32
        %get3A_1627 = arith.constant 0 : i32
        %get3A_1628 = arith.index_cast %scan3A_1591 : i32 to index
        %get3A_1629 = arith.index_cast %get3A_1627 : i32 to index
        %get3A_1630 = arith.index_cast %mul3A_1626 : i32 to index
        %get3A_1631 = tpu.vector_load %arg11[%get3A_1628, %get3A_1629, %get3A_1630] {strides = array<i32>} : memref<26x32x128xf32, #tpu.memory_space<vmem>>, vector<1x1x16xf32>,
        %get3A_1632 = vector.shape_cast %get3A_1631 : vector<1x1x16xf32> to vector<16xf32>
        %add3A_1633 = arith.addf %scan3A_1593, %get3A_1632 : vector<16xf32>
        %mul3A_1634 = arith.mulf %get3A_1632, %get3A_1632 : vector<16xf32>
        %add3A_1635 = arith.addf %scan3A_1592, %mul3A_1634 : vector<16xf32>
        %mul3A_1636 = arith.constant 16 : i32
        %mul3A_1637 = arith.muli %scan3A_1322, %mul3A_1636 : i32
        %get3A_1638 = arith.constant 1 : i32
        %get3A_1639 = arith.index_cast %scan3A_1591 : i32 to index
        %get3A_1640 = arith.index_cast %get3A_1638 : i32 to index
        %get3A_1641 = arith.index_cast %mul3A_1637 : i32 to index
        %get3A_1642 = tpu.vector_load %arg11[%get3A_1639, %get3A_1640, %get3A_1641] {strides = array<i32>} : memref<26x32x128xf32, #tpu.memory_space<vmem>>, vector<1x1x16xf32>,
        %get3A_1643 = vector.shape_cast %get3A_1642 : vector<1x1x16xf32> to vector<16xf32>
        %add3A_1644 = arith.addf %scan3A_1594, %get3A_1643 : vector<16xf32>
        %mul3A_1645 = arith.mulf %get3A_1643, %get3A_1643 : vector<16xf32>
        %add3A_1646 = arith.addf %add3A_1635, %mul3A_1645 : vector<16xf32>
        %mul3A_1647 = arith.constant 16 : i32
        %mul3A_1648 = arith.muli %scan3A_1322, %mul3A_1647 : i32
        %get3A_1649 = arith.constant 2 : i32
        %get3A_1650 = arith.index_cast %scan3A_1591 : i32 to index
        %get3A_1651 = arith.index_cast %get3A_1649 : i32 to index
        %get3A_1652 = arith.index_cast %mul3A_1648 : i32 to index
        %get3A_1653 = tpu.vector_load %arg11[%get3A_1650, %get3A_1651, %get3A_1652] {strides = array<i32>} : memref<26x32x128xf32, #tpu.memory_space<vmem>>, vector<1x1x16xf32>,
        %get3A_1654 = vector.shape_cast %get3A_1653 : vector<1x1x16xf32> to vector<16xf32>
        %add3A_1655 = arith.addf %scan3A_1595, %get3A_1654 : vector<16xf32>
        %mul3A_1656 = arith.mulf %get3A_1654, %get3A_1654 : vector<16xf32>
        %add3A_1657 = arith.addf %add3A_1646, %mul3A_1656 : vector<16xf32>
        %mul3A_1658 = arith.constant 16 : i32
        %mul3A_1659 = arith.muli %scan3A_1322, %mul3A_1658 : i32
        %get3A_1660 = arith.constant 3 : i32
        %get3A_1661 = arith.index_cast %scan3A_1591 : i32 to index
        %get3A_1662 = arith.index_cast %get3A_1660 : i32 to index
        %get3A_1663 = arith.index_cast %mul3A_1659 : i32 to index
        %get3A_1664 = tpu.vector_load %arg11[%get3A_1661, %get3A_1662, %get3A_1663] {strides = array<i32>} : memref<26x32x128xf32, #tpu.memory_space<vmem>>, vector<1x1x16xf32>,
        %get3A_1665 = vector.shape_cast %get3A_1664 : vector<1x1x16xf32> to vector<16xf32>
        %add3A_1666 = arith.addf %scan3A_1596, %get3A_1665 : vector<16xf32>
        %mul3A_1667 = arith.mulf %get3A_1665, %get3A_1665 : vector<16xf32>
        %add3A_1668 = arith.addf %add3A_1657, %mul3A_1667 : vector<16xf32>
        %mul3A_1669 = arith.constant 16 : i32
        %mul3A_1670 = arith.muli %scan3A_1322, %mul3A_1669 : i32
        %get3A_1671 = arith.constant 4 : i32
        %get3A_1672 = arith.index_cast %scan3A_1591 : i32 to index
        %get3A_1673 = arith.index_cast %get3A_1671 : i32 to index
        %get3A_1674 = arith.index_cast %mul3A_1670 : i32 to index
        %get3A_1675 = tpu.vector_load %arg11[%get3A_1672, %get3A_1673, %get3A_1674] {strides = array<i32>} : memref<26x32x128xf32, #tpu.memory_space<vmem>>, vector<1x1x16xf32>,
        %get3A_1676 = vector.shape_cast %get3A_1675 : vector<1x1x16xf32> to vector<16xf32>
        %add3A_1677 = arith.addf %scan3A_1597, %get3A_1676 : vector<16xf32>
        %mul3A_1678 = arith.mulf %get3A_1676, %get3A_1676 : vector<16xf32>
        %add3A_1679 = arith.addf %add3A_1668, %mul3A_1678 : vector<16xf32>
        %mul3A_1680 = arith.constant 16 : i32
        %mul3A_1681 = arith.muli %scan3A_1322, %mul3A_1680 : i32
        %get3A_1682 = arith.constant 5 : i32
        %get3A_1683 = arith.index_cast %scan3A_1591 : i32 to index
        %get3A_1684 = arith.index_cast %get3A_1682 : i32 to index
        %get3A_1685 = arith.index_cast %mul3A_1681 : i32 to index
        %get3A_1686 = tpu.vector_load %arg11[%get3A_1683, %get3A_1684, %get3A_1685] {strides = array<i32>} : memref<26x32x128xf32, #tpu.memory_space<vmem>>, vector<1x1x16xf32>,
        %get3A_1687 = vector.shape_cast %get3A_1686 : vector<1x1x16xf32> to vector<16xf32>
        %add3A_1688 = arith.addf %scan3A_1598, %get3A_1687 : vector<16xf32>
        %mul3A_1689 = arith.mulf %get3A_1687, %get3A_1687 : vector<16xf32>
        %add3A_1690 = arith.addf %add3A_1679, %mul3A_1689 : vector<16xf32>
        %mul3A_1691 = arith.constant 16 : i32
        %mul3A_1692 = arith.muli %scan3A_1322, %mul3A_1691 : i32
        %get3A_1693 = arith.constant 6 : i32
        %get3A_1694 = arith.index_cast %scan3A_1591 : i32 to index
        %get3A_1695 = arith.index_cast %get3A_1693 : i32 to index
        %get3A_1696 = arith.index_cast %mul3A_1692 : i32 to index
        %get3A_1697 = tpu.vector_load %arg11[%get3A_1694, %get3A_1695, %get3A_1696] {strides = array<i32>} : memref<26x32x128xf32, #tpu.memory_space<vmem>>, vector<1x1x16xf32>,
        %get3A_1698 = vector.shape_cast %get3A_1697 : vector<1x1x16xf32> to vector<16xf32>
        %add3A_1699 = arith.addf %scan3A_1599, %get3A_1698 : vector<16xf32>
        %mul3A_1700 = arith.mulf %get3A_1698, %get3A_1698 : vector<16xf32>
        %add3A_1701 = arith.addf %add3A_1690, %mul3A_1700 : vector<16xf32>
        %mul3A_1702 = arith.constant 16 : i32
        %mul3A_1703 = arith.muli %scan3A_1322, %mul3A_1702 : i32
        %get3A_1704 = arith.constant 7 : i32
        %get3A_1705 = arith.index_cast %scan3A_1591 : i32 to index
        %get3A_1706 = arith.index_cast %get3A_1704 : i32 to index
        %get3A_1707 = arith.index_cast %mul3A_1703 : i32 to index
        %get3A_1708 = tpu.vector_load %arg11[%get3A_1705, %get3A_1706, %get3A_1707] {strides = array<i32>} : memref<26x32x128xf32, #tpu.memory_space<vmem>>, vector<1x1x16xf32>,
        %get3A_1709 = vector.shape_cast %get3A_1708 : vector<1x1x16xf32> to vector<16xf32>
        %add3A_1710 = arith.addf %scan3A_1600, %get3A_1709 : vector<16xf32>
        %mul3A_1711 = arith.mulf %get3A_1709, %get3A_1709 : vector<16xf32>
        %add3A_1712 = arith.addf %add3A_1701, %mul3A_1711 : vector<16xf32>
        %mul3A_1713 = arith.constant 16 : i32
        %mul3A_1714 = arith.muli %scan3A_1322, %mul3A_1713 : i32
        %get3A_1715 = arith.constant 8 : i32
        %get3A_1716 = arith.index_cast %scan3A_1591 : i32 to index
        %get3A_1717 = arith.index_cast %get3A_1715 : i32 to index
        %get3A_1718 = arith.index_cast %mul3A_1714 : i32 to index
        %get3A_1719 = tpu.vector_load %arg11[%get3A_1716, %get3A_1717, %get3A_1718] {strides = array<i32>} : memref<26x32x128xf32, #tpu.memory_space<vmem>>, vector<1x1x16xf32>,
        %get3A_1720 = vector.shape_cast %get3A_1719 : vector<1x1x16xf32> to vector<16xf32>
        %add3A_1721 = arith.addf %scan3A_1601, %get3A_1720 : vector<16xf32>
        %mul3A_1722 = arith.mulf %get3A_1720, %get3A_1720 : vector<16xf32>
        %add3A_1723 = arith.addf %add3A_1712, %mul3A_1722 : vector<16xf32>
        %mul3A_1724 = arith.constant 16 : i32
        %mul3A_1725 = arith.muli %scan3A_1322, %mul3A_1724 : i32
        %get3A_1726 = arith.constant 9 : i32
        %get3A_1727 = arith.index_cast %scan3A_1591 : i32 to index
        %get3A_1728 = arith.index_cast %get3A_1726 : i32 to index
        %get3A_1729 = arith.index_cast %mul3A_1725 : i32 to index
        %get3A_1730 = tpu.vector_load %arg11[%get3A_1727, %get3A_1728, %get3A_1729] {strides = array<i32>} : memref<26x32x128xf32, #tpu.memory_space<vmem>>, vector<1x1x16xf32>,
        %get3A_1731 = vector.shape_cast %get3A_1730 : vector<1x1x16xf32> to vector<16xf32>
        %add3A_1732 = arith.addf %scan3A_1602, %get3A_1731 : vector<16xf32>
        %mul3A_1733 = arith.mulf %get3A_1731, %get3A_1731 : vector<16xf32>
        %add3A_1734 = arith.addf %add3A_1723, %mul3A_1733 : vector<16xf32>
        %mul3A_1735 = arith.constant 16 : i32
        %mul3A_1736 = arith.muli %scan3A_1322, %mul3A_1735 : i32
        %get3A_1737 = arith.constant 10 : i32
        %get3A_1738 = arith.index_cast %scan3A_1591 : i32 to index
        %get3A_1739 = arith.index_cast %get3A_1737 : i32 to index
        %get3A_1740 = arith.index_cast %mul3A_1736 : i32 to index
        %get3A_1741 = tpu.vector_load %arg11[%get3A_1738, %get3A_1739, %get3A_1740] {strides = array<i32>} : memref<26x32x128xf32, #tpu.memory_space<vmem>>, vector<1x1x16xf32>,
        %get3A_1742 = vector.shape_cast %get3A_1741 : vector<1x1x16xf32> to vector<16xf32>
        %add3A_1743 = arith.addf %scan3A_1603, %get3A_1742 : vector<16xf32>
        %mul3A_1744 = arith.mulf %get3A_1742, %get3A_1742 : vector<16xf32>
        %add3A_1745 = arith.addf %add3A_1734, %mul3A_1744 : vector<16xf32>
        %mul3A_1746 = arith.constant 16 : i32
        %mul3A_1747 = arith.muli %scan3A_1322, %mul3A_1746 : i32
        %get3A_1748 = arith.constant 11 : i32
        %get3A_1749 = arith.index_cast %scan3A_1591 : i32 to index
        %get3A_1750 = arith.index_cast %get3A_1748 : i32 to index
        %get3A_1751 = arith.index_cast %mul3A_1747 : i32 to index
        %get3A_1752 = tpu.vector_load %arg11[%get3A_1749, %get3A_1750, %get3A_1751] {strides = array<i32>} : memref<26x32x128xf32, #tpu.memory_space<vmem>>, vector<1x1x16xf32>,
        %get3A_1753 = vector.shape_cast %get3A_1752 : vector<1x1x16xf32> to vector<16xf32>
        %add3A_1754 = arith.addf %scan3A_1604, %get3A_1753 : vector<16xf32>
        %mul3A_1755 = arith.mulf %get3A_1753, %get3A_1753 : vector<16xf32>
        %add3A_1756 = arith.addf %add3A_1745, %mul3A_1755 : vector<16xf32>
        %mul3A_1757 = arith.constant 16 : i32
        %mul3A_1758 = arith.muli %scan3A_1322, %mul3A_1757 : i32
        %get3A_1759 = arith.constant 12 : i32
        %get3A_1760 = arith.index_cast %scan3A_1591 : i32 to index
        %get3A_1761 = arith.index_cast %get3A_1759 : i32 to index
        %get3A_1762 = arith.index_cast %mul3A_1758 : i32 to index
        %get3A_1763 = tpu.vector_load %arg11[%get3A_1760, %get3A_1761, %get3A_1762] {strides = array<i32>} : memref<26x32x128xf32, #tpu.memory_space<vmem>>, vector<1x1x16xf32>,
        %get3A_1764 = vector.shape_cast %get3A_1763 : vector<1x1x16xf32> to vector<16xf32>
        %add3A_1765 = arith.addf %scan3A_1605, %get3A_1764 : vector<16xf32>
        %mul3A_1766 = arith.mulf %get3A_1764, %get3A_1764 : vector<16xf32>
        %add3A_1767 = arith.addf %add3A_1756, %mul3A_1766 : vector<16xf32>
        %mul3A_1768 = arith.constant 16 : i32
        %mul3A_1769 = arith.muli %scan3A_1322, %mul3A_1768 : i32
        %get3A_1770 = arith.constant 13 : i32
        %get3A_1771 = arith.index_cast %scan3A_1591 : i32 to index
        %get3A_1772 = arith.index_cast %get3A_1770 : i32 to index
        %get3A_1773 = arith.index_cast %mul3A_1769 : i32 to index
        %get3A_1774 = tpu.vector_load %arg11[%get3A_1771, %get3A_1772, %get3A_1773] {strides = array<i32>} : memref<26x32x128xf32, #tpu.memory_space<vmem>>, vector<1x1x16xf32>,
        %get3A_1775 = vector.shape_cast %get3A_1774 : vector<1x1x16xf32> to vector<16xf32>
        %add3A_1776 = arith.addf %scan3A_1606, %get3A_1775 : vector<16xf32>
        %mul3A_1777 = arith.mulf %get3A_1775, %get3A_1775 : vector<16xf32>
        %add3A_1778 = arith.addf %add3A_1767, %mul3A_1777 : vector<16xf32>
        %mul3A_1779 = arith.constant 16 : i32
        %mul3A_1780 = arith.muli %scan3A_1322, %mul3A_1779 : i32
        %get3A_1781 = arith.constant 14 : i32
        %get3A_1782 = arith.index_cast %scan3A_1591 : i32 to index
        %get3A_1783 = arith.index_cast %get3A_1781 : i32 to index
        %get3A_1784 = arith.index_cast %mul3A_1780 : i32 to index
        %get3A_1785 = tpu.vector_load %arg11[%get3A_1782, %get3A_1783, %get3A_1784] {strides = array<i32>} : memref<26x32x128xf32, #tpu.memory_space<vmem>>, vector<1x1x16xf32>,
        %get3A_1786 = vector.shape_cast %get3A_1785 : vector<1x1x16xf32> to vector<16xf32>
        %add3A_1787 = arith.addf %scan3A_1607, %get3A_1786 : vector<16xf32>
        %mul3A_1788 = arith.mulf %get3A_1786, %get3A_1786 : vector<16xf32>
        %add3A_1789 = arith.addf %add3A_1778, %mul3A_1788 : vector<16xf32>
        %mul3A_1790 = arith.constant 16 : i32
        %mul3A_1791 = arith.muli %scan3A_1322, %mul3A_1790 : i32
        %get3A_1792 = arith.constant 15 : i32
        %get3A_1793 = arith.index_cast %scan3A_1591 : i32 to index
        %get3A_1794 = arith.index_cast %get3A_1792 : i32 to index
        %get3A_1795 = arith.index_cast %mul3A_1791 : i32 to index
        %get3A_1796 = tpu.vector_load %arg11[%get3A_1793, %get3A_1794, %get3A_1795] {strides = array<i32>} : memref<26x32x128xf32, #tpu.memory_space<vmem>>, vector<1x1x16xf32>,
        %get3A_1797 = vector.shape_cast %get3A_1796 : vector<1x1x16xf32> to vector<16xf32>
        %add3A_1798 = arith.addf %scan3A_1608, %get3A_1797 : vector<16xf32>
        %mul3A_1799 = arith.mulf %get3A_1797, %get3A_1797 : vector<16xf32>
        %add3A_1800 = arith.addf %add3A_1789, %mul3A_1799 : vector<16xf32>
        %mul3A_1801 = arith.constant 16 : i32
        %mul3A_1802 = arith.muli %scan3A_1322, %mul3A_1801 : i32
        %get3A_1803 = arith.constant 16 : i32
        %get3A_1804 = arith.index_cast %scan3A_1591 : i32 to index
        %get3A_1805 = arith.index_cast %get3A_1803 : i32 to index
        %get3A_1806 = arith.index_cast %mul3A_1802 : i32 to index
        %get3A_1807 = tpu.vector_load %arg11[%get3A_1804, %get3A_1805, %get3A_1806] {strides = array<i32>} : memref<26x32x128xf32, #tpu.memory_space<vmem>>, vector<1x1x16xf32>,
        %get3A_1808 = vector.shape_cast %get3A_1807 : vector<1x1x16xf32> to vector<16xf32>
        %add3A_1809 = arith.addf %scan3A_1609, %get3A_1808 : vector<16xf32>
        %mul3A_1810 = arith.mulf %get3A_1808, %get3A_1808 : vector<16xf32>
        %add3A_1811 = arith.addf %add3A_1800, %mul3A_1810 : vector<16xf32>
        %mul3A_1812 = arith.constant 16 : i32
        %mul3A_1813 = arith.muli %scan3A_1322, %mul3A_1812 : i32
        %get3A_1814 = arith.constant 17 : i32
        %get3A_1815 = arith.index_cast %scan3A_1591 : i32 to index
        %get3A_1816 = arith.index_cast %get3A_1814 : i32 to index
        %get3A_1817 = arith.index_cast %mul3A_1813 : i32 to index
        %get3A_1818 = tpu.vector_load %arg11[%get3A_1815, %get3A_1816, %get3A_1817] {strides = array<i32>} : memref<26x32x128xf32, #tpu.memory_space<vmem>>, vector<1x1x16xf32>,
        %get3A_1819 = vector.shape_cast %get3A_1818 : vector<1x1x16xf32> to vector<16xf32>
        %add3A_1820 = arith.addf %scan3A_1610, %get3A_1819 : vector<16xf32>
        %mul3A_1821 = arith.mulf %get3A_1819, %get3A_1819 : vector<16xf32>
        %add3A_1822 = arith.addf %add3A_1811, %mul3A_1821 : vector<16xf32>
        %mul3A_1823 = arith.constant 16 : i32
        %mul3A_1824 = arith.muli %scan3A_1322, %mul3A_1823 : i32
        %get3A_1825 = arith.constant 18 : i32
        %get3A_1826 = arith.index_cast %scan3A_1591 : i32 to index
        %get3A_1827 = arith.index_cast %get3A_1825 : i32 to index
        %get3A_1828 = arith.index_cast %mul3A_1824 : i32 to index
        %get3A_1829 = tpu.vector_load %arg11[%get3A_1826, %get3A_1827, %get3A_1828] {strides = array<i32>} : memref<26x32x128xf32, #tpu.memory_space<vmem>>, vector<1x1x16xf32>,
        %get3A_1830 = vector.shape_cast %get3A_1829 : vector<1x1x16xf32> to vector<16xf32>
        %add3A_1831 = arith.addf %scan3A_1611, %get3A_1830 : vector<16xf32>
        %mul3A_1832 = arith.mulf %get3A_1830, %get3A_1830 : vector<16xf32>
        %add3A_1833 = arith.addf %add3A_1822, %mul3A_1832 : vector<16xf32>
        %mul3A_1834 = arith.constant 16 : i32
        %mul3A_1835 = arith.muli %scan3A_1322, %mul3A_1834 : i32
        %get3A_1836 = arith.constant 19 : i32
        %get3A_1837 = arith.index_cast %scan3A_1591 : i32 to index
        %get3A_1838 = arith.index_cast %get3A_1836 : i32 to index
        %get3A_1839 = arith.index_cast %mul3A_1835 : i32 to index
        %get3A_1840 = tpu.vector_load %arg11[%get3A_1837, %get3A_1838, %get3A_1839] {strides = array<i32>} : memref<26x32x128xf32, #tpu.memory_space<vmem>>, vector<1x1x16xf32>,
        %get3A_1841 = vector.shape_cast %get3A_1840 : vector<1x1x16xf32> to vector<16xf32>
        %add3A_1842 = arith.addf %scan3A_1612, %get3A_1841 : vector<16xf32>
        %mul3A_1843 = arith.mulf %get3A_1841, %get3A_1841 : vector<16xf32>
        %add3A_1844 = arith.addf %add3A_1833, %mul3A_1843 : vector<16xf32>
        %mul3A_1845 = arith.constant 16 : i32
        %mul3A_1846 = arith.muli %scan3A_1322, %mul3A_1845 : i32
        %get3A_1847 = arith.constant 20 : i32
        %get3A_1848 = arith.index_cast %scan3A_1591 : i32 to index
        %get3A_1849 = arith.index_cast %get3A_1847 : i32 to index
        %get3A_1850 = arith.index_cast %mul3A_1846 : i32 to index
        %get3A_1851 = tpu.vector_load %arg11[%get3A_1848, %get3A_1849, %get3A_1850] {strides = array<i32>} : memref<26x32x128xf32, #tpu.memory_space<vmem>>, vector<1x1x16xf32>,
        %get3A_1852 = vector.shape_cast %get3A_1851 : vector<1x1x16xf32> to vector<16xf32>
        %add3A_1853 = arith.addf %scan3A_1613, %get3A_1852 : vector<16xf32>
        %mul3A_1854 = arith.mulf %get3A_1852, %get3A_1852 : vector<16xf32>
        %add3A_1855 = arith.addf %add3A_1844, %mul3A_1854 : vector<16xf32>
        %mul3A_1856 = arith.constant 16 : i32
        %mul3A_1857 = arith.muli %scan3A_1322, %mul3A_1856 : i32
        %get3A_1858 = arith.constant 21 : i32
        %get3A_1859 = arith.index_cast %scan3A_1591 : i32 to index
        %get3A_1860 = arith.index_cast %get3A_1858 : i32 to index
        %get3A_1861 = arith.index_cast %mul3A_1857 : i32 to index
        %get3A_1862 = tpu.vector_load %arg11[%get3A_1859, %get3A_1860, %get3A_1861] {strides = array<i32>} : memref<26x32x128xf32, #tpu.memory_space<vmem>>, vector<1x1x16xf32>,
        %get3A_1863 = vector.shape_cast %get3A_1862 : vector<1x1x16xf32> to vector<16xf32>
        %add3A_1864 = arith.addf %scan3A_1614, %get3A_1863 : vector<16xf32>
        %mul3A_1865 = arith.mulf %get3A_1863, %get3A_1863 : vector<16xf32>
        %add3A_1866 = arith.addf %add3A_1855, %mul3A_1865 : vector<16xf32>
        %mul3A_1867 = arith.constant 16 : i32
        %mul3A_1868 = arith.muli %scan3A_1322, %mul3A_1867 : i32
        %get3A_1869 = arith.constant 22 : i32
        %get3A_1870 = arith.index_cast %scan3A_1591 : i32 to index
        %get3A_1871 = arith.index_cast %get3A_1869 : i32 to index
        %get3A_1872 = arith.index_cast %mul3A_1868 : i32 to index
        %get3A_1873 = tpu.vector_load %arg11[%get3A_1870, %get3A_1871, %get3A_1872] {strides = array<i32>} : memref<26x32x128xf32, #tpu.memory_space<vmem>>, vector<1x1x16xf32>,
        %get3A_1874 = vector.shape_cast %get3A_1873 : vector<1x1x16xf32> to vector<16xf32>
        %add3A_1875 = arith.addf %scan3A_1615, %get3A_1874 : vector<16xf32>
        %mul3A_1876 = arith.mulf %get3A_1874, %get3A_1874 : vector<16xf32>
        %add3A_1877 = arith.addf %add3A_1866, %mul3A_1876 : vector<16xf32>
        %mul3A_1878 = arith.constant 16 : i32
        %mul3A_1879 = arith.muli %scan3A_1322, %mul3A_1878 : i32
        %get3A_1880 = arith.constant 23 : i32
        %get3A_1881 = arith.index_cast %scan3A_1591 : i32 to index
        %get3A_1882 = arith.index_cast %get3A_1880 : i32 to index
        %get3A_1883 = arith.index_cast %mul3A_1879 : i32 to index
        %get3A_1884 = tpu.vector_load %arg11[%get3A_1881, %get3A_1882, %get3A_1883] {strides = array<i32>} : memref<26x32x128xf32, #tpu.memory_space<vmem>>, vector<1x1x16xf32>,
        %get3A_1885 = vector.shape_cast %get3A_1884 : vector<1x1x16xf32> to vector<16xf32>
        %add3A_1886 = arith.addf %scan3A_1616, %get3A_1885 : vector<16xf32>
        %mul3A_1887 = arith.mulf %get3A_1885, %get3A_1885 : vector<16xf32>
        %add3A_1888 = arith.addf %add3A_1877, %mul3A_1887 : vector<16xf32>
        %mul3A_1889 = arith.constant 16 : i32
        %mul3A_1890 = arith.muli %scan3A_1322, %mul3A_1889 : i32
        %get3A_1891 = arith.constant 24 : i32
        %get3A_1892 = arith.index_cast %scan3A_1591 : i32 to index
        %get3A_1893 = arith.index_cast %get3A_1891 : i32 to index
        %get3A_1894 = arith.index_cast %mul3A_1890 : i32 to index
        %get3A_1895 = tpu.vector_load %arg11[%get3A_1892, %get3A_1893, %get3A_1894] {strides = array<i32>} : memref<26x32x128xf32, #tpu.memory_space<vmem>>, vector<1x1x16xf32>,
        %get3A_1896 = vector.shape_cast %get3A_1895 : vector<1x1x16xf32> to vector<16xf32>
        %add3A_1897 = arith.addf %scan3A_1617, %get3A_1896 : vector<16xf32>
        %mul3A_1898 = arith.mulf %get3A_1896, %get3A_1896 : vector<16xf32>
        %add3A_1899 = arith.addf %add3A_1888, %mul3A_1898 : vector<16xf32>
        %mul3A_1900 = arith.constant 16 : i32
        %mul3A_1901 = arith.muli %scan3A_1322, %mul3A_1900 : i32
        %get3A_1902 = arith.constant 25 : i32
        %get3A_1903 = arith.index_cast %scan3A_1591 : i32 to index
        %get3A_1904 = arith.index_cast %get3A_1902 : i32 to index
        %get3A_1905 = arith.index_cast %mul3A_1901 : i32 to index
        %get3A_1906 = tpu.vector_load %arg11[%get3A_1903, %get3A_1904, %get3A_1905] {strides = array<i32>} : memref<26x32x128xf32, #tpu.memory_space<vmem>>, vector<1x1x16xf32>,
        %get3A_1907 = vector.shape_cast %get3A_1906 : vector<1x1x16xf32> to vector<16xf32>
        %add3A_1908 = arith.addf %scan3A_1618, %get3A_1907 : vector<16xf32>
        %mul3A_1909 = arith.mulf %get3A_1907, %get3A_1907 : vector<16xf32>
        %add3A_1910 = arith.addf %add3A_1899, %mul3A_1909 : vector<16xf32>
        %mul3A_1911 = arith.constant 16 : i32
        %mul3A_1912 = arith.muli %scan3A_1322, %mul3A_1911 : i32
        %get3A_1913 = arith.constant 26 : i32
        %get3A_1914 = arith.index_cast %scan3A_1591 : i32 to index
        %get3A_1915 = arith.index_cast %get3A_1913 : i32 to index
        %get3A_1916 = arith.index_cast %mul3A_1912 : i32 to index
        %get3A_1917 = tpu.vector_load %arg11[%get3A_1914, %get3A_1915, %get3A_1916] {strides = array<i32>} : memref<26x32x128xf32, #tpu.memory_space<vmem>>, vector<1x1x16xf32>,
        %get3A_1918 = vector.shape_cast %get3A_1917 : vector<1x1x16xf32> to vector<16xf32>
        %add3A_1919 = arith.addf %scan3A_1619, %get3A_1918 : vector<16xf32>
        %mul3A_1920 = arith.mulf %get3A_1918, %get3A_1918 : vector<16xf32>
        %add3A_1921 = arith.addf %add3A_1910, %mul3A_1920 : vector<16xf32>
        %mul3A_1922 = arith.constant 16 : i32
        %mul3A_1923 = arith.muli %scan3A_1322, %mul3A_1922 : i32
        %get3A_1924 = arith.constant 27 : i32
        %get3A_1925 = arith.index_cast %scan3A_1591 : i32 to index
        %get3A_1926 = arith.index_cast %get3A_1924 : i32 to index
        %get3A_1927 = arith.index_cast %mul3A_1923 : i32 to index
        %get3A_1928 = tpu.vector_load %arg11[%get3A_1925, %get3A_1926, %get3A_1927] {strides = array<i32>} : memref<26x32x128xf32, #tpu.memory_space<vmem>>, vector<1x1x16xf32>,
        %get3A_1929 = vector.shape_cast %get3A_1928 : vector<1x1x16xf32> to vector<16xf32>
        %add3A_1930 = arith.addf %scan3A_1620, %get3A_1929 : vector<16xf32>
        %mul3A_1931 = arith.mulf %get3A_1929, %get3A_1929 : vector<16xf32>
        %add3A_1932 = arith.addf %add3A_1921, %mul3A_1931 : vector<16xf32>
        %mul3A_1933 = arith.constant 16 : i32
        %mul3A_1934 = arith.muli %scan3A_1322, %mul3A_1933 : i32
        %get3A_1935 = arith.constant 28 : i32
        %get3A_1936 = arith.index_cast %scan3A_1591 : i32 to index
        %get3A_1937 = arith.index_cast %get3A_1935 : i32 to index
        %get3A_1938 = arith.index_cast %mul3A_1934 : i32 to index
        %get3A_1939 = tpu.vector_load %arg11[%get3A_1936, %get3A_1937, %get3A_1938] {strides = array<i32>} : memref<26x32x128xf32, #tpu.memory_space<vmem>>, vector<1x1x16xf32>,
        %get3A_1940 = vector.shape_cast %get3A_1939 : vector<1x1x16xf32> to vector<16xf32>
        %add3A_1941 = arith.addf %scan3A_1621, %get3A_1940 : vector<16xf32>
        %mul3A_1942 = arith.mulf %get3A_1940, %get3A_1940 : vector<16xf32>
        %add3A_1943 = arith.addf %add3A_1932, %mul3A_1942 : vector<16xf32>
        %mul3A_1944 = arith.constant 16 : i32
        %mul3A_1945 = arith.muli %scan3A_1322, %mul3A_1944 : i32
        %get3A_1946 = arith.constant 29 : i32
        %get3A_1947 = arith.index_cast %scan3A_1591 : i32 to index
        %get3A_1948 = arith.index_cast %get3A_1946 : i32 to index
        %get3A_1949 = arith.index_cast %mul3A_1945 : i32 to index
        %get3A_1950 = tpu.vector_load %arg11[%get3A_1947, %get3A_1948, %get3A_1949] {strides = array<i32>} : memref<26x32x128xf32, #tpu.memory_space<vmem>>, vector<1x1x16xf32>,
        %get3A_1951 = vector.shape_cast %get3A_1950 : vector<1x1x16xf32> to vector<16xf32>
        %add3A_1952 = arith.addf %scan3A_1622, %get3A_1951 : vector<16xf32>
        %mul3A_1953 = arith.mulf %get3A_1951, %get3A_1951 : vector<16xf32>
        %add3A_1954 = arith.addf %add3A_1943, %mul3A_1953 : vector<16xf32>
        %mul3A_1955 = arith.constant 16 : i32
        %mul3A_1956 = arith.muli %scan3A_1322, %mul3A_1955 : i32
        %get3A_1957 = arith.constant 30 : i32
        %get3A_1958 = arith.index_cast %scan3A_1591 : i32 to index
        %get3A_1959 = arith.index_cast %get3A_1957 : i32 to index
        %get3A_1960 = arith.index_cast %mul3A_1956 : i32 to index
        %get3A_1961 = tpu.vector_load %arg11[%get3A_1958, %get3A_1959, %get3A_1960] {strides = array<i32>} : memref<26x32x128xf32, #tpu.memory_space<vmem>>, vector<1x1x16xf32>,
        %get3A_1962 = vector.shape_cast %get3A_1961 : vector<1x1x16xf32> to vector<16xf32>
        %add3A_1963 = arith.addf %scan3A_1623, %get3A_1962 : vector<16xf32>
        %mul3A_1964 = arith.mulf %get3A_1962, %get3A_1962 : vector<16xf32>
        %add3A_1965 = arith.addf %add3A_1954, %mul3A_1964 : vector<16xf32>
        %mul3A_1966 = arith.constant 16 : i32
        %mul3A_1967 = arith.muli %scan3A_1322, %mul3A_1966 : i32
        %get3A_1968 = arith.constant 31 : i32
        %get3A_1969 = arith.index_cast %scan3A_1591 : i32 to index
        %get3A_1970 = arith.index_cast %get3A_1968 : i32 to index
        %get3A_1971 = arith.index_cast %mul3A_1967 : i32 to index
        %get3A_1972 = tpu.vector_load %arg11[%get3A_1969, %get3A_1970, %get3A_1971] {strides = array<i32>} : memref<26x32x128xf32, #tpu.memory_space<vmem>>, vector<1x1x16xf32>,
        %get3A_1973 = vector.shape_cast %get3A_1972 : vector<1x1x16xf32> to vector<16xf32>
        %add3A_1974 = arith.addf %scan3A_1624, %get3A_1973 : vector<16xf32>
        %mul3A_1975 = arith.mulf %get3A_1973, %get3A_1973 : vector<16xf32>
        %add3A_1976 = arith.addf %add3A_1965, %mul3A_1975 : vector<16xf32>
        scf.yield %add3A_1976, %add3A_1633, %add3A_1644, %add3A_1655, %add3A_1666, %add3A_1677, %add3A_1688, %add3A_1699, %add3A_1710, %add3A_1721, %add3A_1732, %add3A_1743, %add3A_1754, %add3A_1765, %add3A_1776, %add3A_1787, %add3A_1798, %add3A_1809, %add3A_1820, %add3A_1831, %add3A_1842, %add3A_1853, %add3A_1864, %add3A_1875, %add3A_1886, %add3A_1897, %add3A_1908, %add3A_1919, %add3A_1930, %add3A_1941, %add3A_1952, %add3A_1963, %add3A_1974 : vector<16xf32>, vector<16xf32>, vector<16xf32>, vector<16xf32>, vector<16xf32>, vector<16xf32>, vector<16xf32>, vector<16xf32>, vector<16xf32>, vector<16xf32>, vector<16xf32>, vector<16xf32>, vector<16xf32>, vector<16xf32>, vector<16xf32>, vector<16xf32>, vector<16xf32>, vector<16xf32>, vector<16xf32>, vector<16xf32>, vector<16xf32>, vector<16xf32>, vector<16xf32>, vector<16xf32>, vector<16xf32>, vector<16xf32>, vector<16xf32>, vector<16xf32>, vector<16xf32>, vector<16xf32>, vector<16xf32>, vector<16xf32>, vector<16xf32>
      }
      %scan3A_1328 = arith.constant 26 : i32
      %mul3A_1329 = arith.constant 16 : i32
      %mul3A_1330 = arith.muli %scan3A_1322, %mul3A_1329 : i32
      %swap3A_1331 = arith.index_cast %mul3A_1330 : i32 to index
      %swap3A_1332 = tpu.vector_load %arg14[%swap3A_1331] {strides = array<i32>} : memref<128xf32, #tpu.memory_space<vmem>>, vector<16xf32>,
      %swap3A_1333 = vector.shape_cast %swap3A_1332 : vector<16xf32> to vector<16xf32>
      %swap3A_1334 = vector.shape_cast %scan3A_1327#0 : vector<16xf32> to vector<16xf32>
      tpu.vector_store %arg14[%swap3A_1331], %swap3A_1334 {strides = array<i32>} : memref<128xf32, #tpu.memory_space<vmem>>, vector<16xf32>,
      %mul3A_1335 = arith.constant 16 : i32
      %mul3A_1336 = arith.muli %scan3A_1322, %mul3A_1335 : i32
      %swap3A_1337 = arith.constant 0 : i32
      %swap3A_1338 = arith.index_cast %swap3A_1337 : i32 to index
      %swap3A_1339 = arith.index_cast %mul3A_1336 : i32 to index
      %swap3A_1340 = tpu.vector_load %arg13[%swap3A_1338, %swap3A_1339] {strides = array<i32>} : memref<32x128xf32, #tpu.memory_space<vmem>>, vector<1x16xf32>,
      %swap3A_1341 = vector.shape_cast %swap3A_1340 : vector<1x16xf32> to vector<16xf32>
      %swap3A_1342 = vector.shape_cast %scan3A_1327#1 : vector<16xf32> to vector<1x16xf32>
      tpu.vector_store %arg13[%swap3A_1338, %swap3A_1339], %swap3A_1342 {strides = array<i32>} : memref<32x128xf32, #tpu.memory_space<vmem>>, vector<1x16xf32>,
      %mul3A_1343 = arith.constant 16 : i32
      %mul3A_1344 = arith.muli %scan3A_1322, %mul3A_1343 : i32
      %swap3A_1345 = arith.constant 1 : i32
      %swap3A_1346 = arith.index_cast %swap3A_1345 : i32 to index
      %swap3A_1347 = arith.index_cast %mul3A_1344 : i32 to index
      %swap3A_1348 = tpu.vector_load %arg13[%swap3A_1346, %swap3A_1347] {strides = array<i32>} : memref<32x128xf32, #tpu.memory_space<vmem>>, vector<1x16xf32>,
      %swap3A_1349 = vector.shape_cast %swap3A_1348 : vector<1x16xf32> to vector<16xf32>
      %swap3A_1350 = vector.shape_cast %scan3A_1327#2 : vector<16xf32> to vector<1x16xf32>
      tpu.vector_store %arg13[%swap3A_1346, %swap3A_1347], %swap3A_1350 {strides = array<i32>} : memref<32x128xf32, #tpu.memory_space<vmem>>, vector<1x16xf32>,
      %mul3A_1351 = arith.constant 16 : i32
      %mul3A_1352 = arith.muli %scan3A_1322, %mul3A_1351 : i32
      %swap3A_1353 = arith.constant 2 : i32
      %swap3A_1354 = arith.index_cast %swap3A_1353 : i32 to index
      %swap3A_1355 = arith.index_cast %mul3A_1352 : i32 to index
      %swap3A_1356 = tpu.vector_load %arg13[%swap3A_1354, %swap3A_1355] {strides = array<i32>} : memref<32x128xf32, #tpu.memory_space<vmem>>, vector<1x16xf32>,
      %swap3A_1357 = vector.shape_cast %swap3A_1356 : vector<1x16xf32> to vector<16xf32>
      %swap3A_1358 = vector.shape_cast %scan3A_1327#3 : vector<16xf32> to vector<1x16xf32>
      tpu.vector_store %arg13[%swap3A_1354, %swap3A_1355], %swap3A_1358 {strides = array<i32>} : memref<32x128xf32, #tpu.memory_space<vmem>>, vector<1x16xf32>,
      %mul3A_1359 = arith.constant 16 : i32
      %mul3A_1360 = arith.muli %scan3A_1322, %mul3A_1359 : i32
      %swap3A_1361 = arith.constant 3 : i32
      %swap3A_1362 = arith.index_cast %swap3A_1361 : i32 to index
      %swap3A_1363 = arith.index_cast %mul3A_1360 : i32 to index
      %swap3A_1364 = tpu.vector_load %arg13[%swap3A_1362, %swap3A_1363] {strides = array<i32>} : memref<32x128xf32, #tpu.memory_space<vmem>>, vector<1x16xf32>,
      %swap3A_1365 = vector.shape_cast %swap3A_1364 : vector<1x16xf32> to vector<16xf32>
      %swap3A_1366 = vector.shape_cast %scan3A_1327#4 : vector<16xf32> to vector<1x16xf32>
      tpu.vector_store %arg13[%swap3A_1362, %swap3A_1363], %swap3A_1366 {strides = array<i32>} : memref<32x128xf32, #tpu.memory_space<vmem>>, vector<1x16xf32>,
      %mul3A_1367 = arith.constant 16 : i32
      %mul3A_1368 = arith.muli %scan3A_1322, %mul3A_1367 : i32
      %swap3A_1369 = arith.constant 4 : i32
      %swap3A_1370 = arith.index_cast %swap3A_1369 : i32 to index
      %swap3A_1371 = arith.index_cast %mul3A_1368 : i32 to index
      %swap3A_1372 = tpu.vector_load %arg13[%swap3A_1370, %swap3A_1371] {strides = array<i32>} : memref<32x128xf32, #tpu.memory_space<vmem>>, vector<1x16xf32>,
      %swap3A_1373 = vector.shape_cast %swap3A_1372 : vector<1x16xf32> to vector<16xf32>
      %swap3A_1374 = vector.shape_cast %scan3A_1327#5 : vector<16xf32> to vector<1x16xf32>
      tpu.vector_store %arg13[%swap3A_1370, %swap3A_1371], %swap3A_1374 {strides = array<i32>} : memref<32x128xf32, #tpu.memory_space<vmem>>, vector<1x16xf32>,
      %mul3A_1375 = arith.constant 16 : i32
      %mul3A_1376 = arith.muli %scan3A_1322, %mul3A_1375 : i32
      %swap3A_1377 = arith.constant 5 : i32
      %swap3A_1378 = arith.index_cast %swap3A_1377 : i32 to index
      %swap3A_1379 = arith.index_cast %mul3A_1376 : i32 to index
      %swap3A_1380 = tpu.vector_load %arg13[%swap3A_1378, %swap3A_1379] {strides = array<i32>} : memref<32x128xf32, #tpu.memory_space<vmem>>, vector<1x16xf32>,
      %swap3A_1381 = vector.shape_cast %swap3A_1380 : vector<1x16xf32> to vector<16xf32>
      %swap3A_1382 = vector.shape_cast %scan3A_1327#6 : vector<16xf32> to vector<1x16xf32>
      tpu.vector_store %arg13[%swap3A_1378, %swap3A_1379], %swap3A_1382 {strides = array<i32>} : memref<32x128xf32, #tpu.memory_space<vmem>>, vector<1x16xf32>,
      %mul3A_1383 = arith.constant 16 : i32
      %mul3A_1384 = arith.muli %scan3A_1322, %mul3A_1383 : i32
      %swap3A_1385 = arith.constant 6 : i32
      %swap3A_1386 = arith.index_cast %swap3A_1385 : i32 to index
      %swap3A_1387 = arith.index_cast %mul3A_1384 : i32 to index
      %swap3A_1388 = tpu.vector_load %arg13[%swap3A_1386, %swap3A_1387] {strides = array<i32>} : memref<32x128xf32, #tpu.memory_space<vmem>>, vector<1x16xf32>,
      %swap3A_1389 = vector.shape_cast %swap3A_1388 : vector<1x16xf32> to vector<16xf32>
      %swap3A_1390 = vector.shape_cast %scan3A_1327#7 : vector<16xf32> to vector<1x16xf32>
      tpu.vector_store %arg13[%swap3A_1386, %swap3A_1387], %swap3A_1390 {strides = array<i32>} : memref<32x128xf32, #tpu.memory_space<vmem>>, vector<1x16xf32>,
      %mul3A_1391 = arith.constant 16 : i32
      %mul3A_1392 = arith.muli %scan3A_1322, %mul3A_1391 : i32
      %swap3A_1393 = arith.constant 7 : i32
      %swap3A_1394 = arith.index_cast %swap3A_1393 : i32 to index
      %swap3A_1395 = arith.index_cast %mul3A_1392 : i32 to index
      %swap3A_1396 = tpu.vector_load %arg13[%swap3A_1394, %swap3A_1395] {strides = array<i32>} : memref<32x128xf32, #tpu.memory_space<vmem>>, vector<1x16xf32>,
      %swap3A_1397 = vector.shape_cast %swap3A_1396 : vector<1x16xf32> to vector<16xf32>
      %swap3A_1398 = vector.shape_cast %scan3A_1327#8 : vector<16xf32> to vector<1x16xf32>
      tpu.vector_store %arg13[%swap3A_1394, %swap3A_1395], %swap3A_1398 {strides = array<i32>} : memref<32x128xf32, #tpu.memory_space<vmem>>, vector<1x16xf32>,
      %mul3A_1399 = arith.constant 16 : i32
      %mul3A_1400 = arith.muli %scan3A_1322, %mul3A_1399 : i32
      %swap3A_1401 = arith.constant 8 : i32
      %swap3A_1402 = arith.index_cast %swap3A_1401 : i32 to index
      %swap3A_1403 = arith.index_cast %mul3A_1400 : i32 to index
      %swap3A_1404 = tpu.vector_load %arg13[%swap3A_1402, %swap3A_1403] {strides = array<i32>} : memref<32x128xf32, #tpu.memory_space<vmem>>, vector<1x16xf32>,
      %swap3A_1405 = vector.shape_cast %swap3A_1404 : vector<1x16xf32> to vector<16xf32>
      %swap3A_1406 = vector.shape_cast %scan3A_1327#9 : vector<16xf32> to vector<1x16xf32>
      tpu.vector_store %arg13[%swap3A_1402, %swap3A_1403], %swap3A_1406 {strides = array<i32>} : memref<32x128xf32, #tpu.memory_space<vmem>>, vector<1x16xf32>,
      %mul3A_1407 = arith.constant 16 : i32
      %mul3A_1408 = arith.muli %scan3A_1322, %mul3A_1407 : i32
      %swap3A_1409 = arith.constant 9 : i32
      %swap3A_1410 = arith.index_cast %swap3A_1409 : i32 to index
      %swap3A_1411 = arith.index_cast %mul3A_1408 : i32 to index
      %swap3A_1412 = tpu.vector_load %arg13[%swap3A_1410, %swap3A_1411] {strides = array<i32>} : memref<32x128xf32, #tpu.memory_space<vmem>>, vector<1x16xf32>,
      %swap3A_1413 = vector.shape_cast %swap3A_1412 : vector<1x16xf32> to vector<16xf32>
      %swap3A_1414 = vector.shape_cast %scan3A_1327#10 : vector<16xf32> to vector<1x16xf32>
      tpu.vector_store %arg13[%swap3A_1410, %swap3A_1411], %swap3A_1414 {strides = array<i32>} : memref<32x128xf32, #tpu.memory_space<vmem>>, vector<1x16xf32>,
      %mul3A_1415 = arith.constant 16 : i32
      %mul3A_1416 = arith.muli %scan3A_1322, %mul3A_1415 : i32
      %swap3A_1417 = arith.constant 10 : i32
      %swap3A_1418 = arith.index_cast %swap3A_1417 : i32 to index
      %swap3A_1419 = arith.index_cast %mul3A_1416 : i32 to index
      %swap3A_1420 = tpu.vector_load %arg13[%swap3A_1418, %swap3A_1419] {strides = array<i32>} : memref<32x128xf32, #tpu.memory_space<vmem>>, vector<1x16xf32>,
      %swap3A_1421 = vector.shape_cast %swap3A_1420 : vector<1x16xf32> to vector<16xf32>
      %swap3A_1422 = vector.shape_cast %scan3A_1327#11 : vector<16xf32> to vector<1x16xf32>
      tpu.vector_store %arg13[%swap3A_1418, %swap3A_1419], %swap3A_1422 {strides = array<i32>} : memref<32x128xf32, #tpu.memory_space<vmem>>, vector<1x16xf32>,
      %mul3A_1423 = arith.constant 16 : i32
      %mul3A_1424 = arith.muli %scan3A_1322, %mul3A_1423 : i32
      %swap3A_1425 = arith.constant 11 : i32
      %swap3A_1426 = arith.index_cast %swap3A_1425 : i32 to index
      %swap3A_1427 = arith.index_cast %mul3A_1424 : i32 to index
      %swap3A_1428 = tpu.vector_load %arg13[%swap3A_1426, %swap3A_1427] {strides = array<i32>} : memref<32x128xf32, #tpu.memory_space<vmem>>, vector<1x16xf32>,
      %swap3A_1429 = vector.shape_cast %swap3A_1428 : vector<1x16xf32> to vector<16xf32>
      %swap3A_1430 = vector.shape_cast %scan3A_1327#12 : vector<16xf32> to vector<1x16xf32>
      tpu.vector_store %arg13[%swap3A_1426, %swap3A_1427], %swap3A_1430 {strides = array<i32>} : memref<32x128xf32, #tpu.memory_space<vmem>>, vector<1x16xf32>,
      %mul3A_1431 = arith.constant 16 : i32
      %mul3A_1432 = arith.muli %scan3A_1322, %mul3A_1431 : i32
      %swap3A_1433 = arith.constant 12 : i32
      %swap3A_1434 = arith.index_cast %swap3A_1433 : i32 to index
      %swap3A_1435 = arith.index_cast %mul3A_1432 : i32 to index
      %swap3A_1436 = tpu.vector_load %arg13[%swap3A_1434, %swap3A_1435] {strides = array<i32>} : memref<32x128xf32, #tpu.memory_space<vmem>>, vector<1x16xf32>,
      %swap3A_1437 = vector.shape_cast %swap3A_1436 : vector<1x16xf32> to vector<16xf32>
      %swap3A_1438 = vector.shape_cast %scan3A_1327#13 : vector<16xf32> to vector<1x16xf32>
      tpu.vector_store %arg13[%swap3A_1434, %swap3A_1435], %swap3A_1438 {strides = array<i32>} : memref<32x128xf32, #tpu.memory_space<vmem>>, vector<1x16xf32>,
      %mul3A_1439 = arith.constant 16 : i32
      %mul3A_1440 = arith.muli %scan3A_1322, %mul3A_1439 : i32
      %swap3A_1441 = arith.constant 13 : i32
      %swap3A_1442 = arith.index_cast %swap3A_1441 : i32 to index
      %swap3A_1443 = arith.index_cast %mul3A_1440 : i32 to index
      %swap3A_1444 = tpu.vector_load %arg13[%swap3A_1442, %swap3A_1443] {strides = array<i32>} : memref<32x128xf32, #tpu.memory_space<vmem>>, vector<1x16xf32>,
      %swap3A_1445 = vector.shape_cast %swap3A_1444 : vector<1x16xf32> to vector<16xf32>
      %swap3A_1446 = vector.shape_cast %scan3A_1327#14 : vector<16xf32> to vector<1x16xf32>
      tpu.vector_store %arg13[%swap3A_1442, %swap3A_1443], %swap3A_1446 {strides = array<i32>} : memref<32x128xf32, #tpu.memory_space<vmem>>, vector<1x16xf32>,
      %mul3A_1447 = arith.constant 16 : i32
      %mul3A_1448 = arith.muli %scan3A_1322, %mul3A_1447 : i32
      %swap3A_1449 = arith.constant 14 : i32
      %swap3A_1450 = arith.index_cast %swap3A_1449 : i32 to index
      %swap3A_1451 = arith.index_cast %mul3A_1448 : i32 to index
      %swap3A_1452 = tpu.vector_load %arg13[%swap3A_1450, %swap3A_1451] {strides = array<i32>} : memref<32x128xf32, #tpu.memory_space<vmem>>, vector<1x16xf32>,
      %swap3A_1453 = vector.shape_cast %swap3A_1452 : vector<1x16xf32> to vector<16xf32>
      %swap3A_1454 = vector.shape_cast %scan3A_1327#15 : vector<16xf32> to vector<1x16xf32>
      tpu.vector_store %arg13[%swap3A_1450, %swap3A_1451], %swap3A_1454 {strides = array<i32>} : memref<32x128xf32, #tpu.memory_space<vmem>>, vector<1x16xf32>,
      %mul3A_1455 = arith.constant 16 : i32
      %mul3A_1456 = arith.muli %scan3A_1322, %mul3A_1455 : i32
      %swap3A_1457 = arith.constant 15 : i32
      %swap3A_1458 = arith.index_cast %swap3A_1457 : i32 to index
      %swap3A_1459 = arith.index_cast %mul3A_1456 : i32 to index
      %swap3A_1460 = tpu.vector_load %arg13[%swap3A_1458, %swap3A_1459] {strides = array<i32>} : memref<32x128xf32, #tpu.memory_space<vmem>>, vector<1x16xf32>,
      %swap3A_1461 = vector.shape_cast %swap3A_1460 : vector<1x16xf32> to vector<16xf32>
      %swap3A_1462 = vector.shape_cast %scan3A_1327#16 : vector<16xf32> to vector<1x16xf32>
      tpu.vector_store %arg13[%swap3A_1458, %swap3A_1459], %swap3A_1462 {strides = array<i32>} : memref<32x128xf32, #tpu.memory_space<vmem>>, vector<1x16xf32>,
      %mul3A_1463 = arith.constant 16 : i32
      %mul3A_1464 = arith.muli %scan3A_1322, %mul3A_1463 : i32
      %swap3A_1465 = arith.constant 16 : i32
      %swap3A_1466 = arith.index_cast %swap3A_1465 : i32 to index
      %swap3A_1467 = arith.index_cast %mul3A_1464 : i32 to index
      %swap3A_1468 = tpu.vector_load %arg13[%swap3A_1466, %swap3A_1467] {strides = array<i32>} : memref<32x128xf32, #tpu.memory_space<vmem>>, vector<1x16xf32>,
      %swap3A_1469 = vector.shape_cast %swap3A_1468 : vector<1x16xf32> to vector<16xf32>
      %swap3A_1470 = vector.shape_cast %scan3A_1327#17 : vector<16xf32> to vector<1x16xf32>
      tpu.vector_store %arg13[%swap3A_1466, %swap3A_1467], %swap3A_1470 {strides = array<i32>} : memref<32x128xf32, #tpu.memory_space<vmem>>, vector<1x16xf32>,
      %mul3A_1471 = arith.constant 16 : i32
      %mul3A_1472 = arith.muli %scan3A_1322, %mul3A_1471 : i32
      %swap3A_1473 = arith.constant 17 : i32
      %swap3A_1474 = arith.index_cast %swap3A_1473 : i32 to index
      %swap3A_1475 = arith.index_cast %mul3A_1472 : i32 to index
      %swap3A_1476 = tpu.vector_load %arg13[%swap3A_1474, %swap3A_1475] {strides = array<i32>} : memref<32x128xf32, #tpu.memory_space<vmem>>, vector<1x16xf32>,
      %swap3A_1477 = vector.shape_cast %swap3A_1476 : vector<1x16xf32> to vector<16xf32>
      %swap3A_1478 = vector.shape_cast %scan3A_1327#18 : vector<16xf32> to vector<1x16xf32>
      tpu.vector_store %arg13[%swap3A_1474, %swap3A_1475], %swap3A_1478 {strides = array<i32>} : memref<32x128xf32, #tpu.memory_space<vmem>>, vector<1x16xf32>,
      %mul3A_1479 = arith.constant 16 : i32
      %mul3A_1480 = arith.muli %scan3A_1322, %mul3A_1479 : i32
      %swap3A_1481 = arith.constant 18 : i32
      %swap3A_1482 = arith.index_cast %swap3A_1481 : i32 to index
      %swap3A_1483 = arith.index_cast %mul3A_1480 : i32 to index
      %swap3A_1484 = tpu.vector_load %arg13[%swap3A_1482, %swap3A_1483] {strides = array<i32>} : memref<32x128xf32, #tpu.memory_space<vmem>>, vector<1x16xf32>,
      %swap3A_1485 = vector.shape_cast %swap3A_1484 : vector<1x16xf32> to vector<16xf32>
      %swap3A_1486 = vector.shape_cast %scan3A_1327#19 : vector<16xf32> to vector<1x16xf32>
      tpu.vector_store %arg13[%swap3A_1482, %swap3A_1483], %swap3A_1486 {strides = array<i32>} : memref<32x128xf32, #tpu.memory_space<vmem>>, vector<1x16xf32>,
      %mul3A_1487 = arith.constant 16 : i32
      %mul3A_1488 = arith.muli %scan3A_1322, %mul3A_1487 : i32
      %swap3A_1489 = arith.constant 19 : i32
      %swap3A_1490 = arith.index_cast %swap3A_1489 : i32 to index
      %swap3A_1491 = arith.index_cast %mul3A_1488 : i32 to index
      %swap3A_1492 = tpu.vector_load %arg13[%swap3A_1490, %swap3A_1491] {strides = array<i32>} : memref<32x128xf32, #tpu.memory_space<vmem>>, vector<1x16xf32>,
      %swap3A_1493 = vector.shape_cast %swap3A_1492 : vector<1x16xf32> to vector<16xf32>
      %swap3A_1494 = vector.shape_cast %scan3A_1327#20 : vector<16xf32> to vector<1x16xf32>
      tpu.vector_store %arg13[%swap3A_1490, %swap3A_1491], %swap3A_1494 {strides = array<i32>} : memref<32x128xf32, #tpu.memory_space<vmem>>, vector<1x16xf32>,
      %mul3A_1495 = arith.constant 16 : i32
      %mul3A_1496 = arith.muli %scan3A_1322, %mul3A_1495 : i32
      %swap3A_1497 = arith.constant 20 : i32
      %swap3A_1498 = arith.index_cast %swap3A_1497 : i32 to index
      %swap3A_1499 = arith.index_cast %mul3A_1496 : i32 to index
      %swap3A_1500 = tpu.vector_load %arg13[%swap3A_1498, %swap3A_1499] {strides = array<i32>} : memref<32x128xf32, #tpu.memory_space<vmem>>, vector<1x16xf32>,
      %swap3A_1501 = vector.shape_cast %swap3A_1500 : vector<1x16xf32> to vector<16xf32>
      %swap3A_1502 = vector.shape_cast %scan3A_1327#21 : vector<16xf32> to vector<1x16xf32>
      tpu.vector_store %arg13[%swap3A_1498, %swap3A_1499], %swap3A_1502 {strides = array<i32>} : memref<32x128xf32, #tpu.memory_space<vmem>>, vector<1x16xf32>,
      %mul3A_1503 = arith.constant 16 : i32
      %mul3A_1504 = arith.muli %scan3A_1322, %mul3A_1503 : i32
      %swap3A_1505 = arith.constant 21 : i32
      %swap3A_1506 = arith.index_cast %swap3A_1505 : i32 to index
      %swap3A_1507 = arith.index_cast %mul3A_1504 : i32 to index
      %swap3A_1508 = tpu.vector_load %arg13[%swap3A_1506, %swap3A_1507] {strides = array<i32>} : memref<32x128xf32, #tpu.memory_space<vmem>>, vector<1x16xf32>,
      %swap3A_1509 = vector.shape_cast %swap3A_1508 : vector<1x16xf32> to vector<16xf32>
      %swap3A_1510 = vector.shape_cast %scan3A_1327#22 : vector<16xf32> to vector<1x16xf32>
      tpu.vector_store %arg13[%swap3A_1506, %swap3A_1507], %swap3A_1510 {strides = array<i32>} : memref<32x128xf32, #tpu.memory_space<vmem>>, vector<1x16xf32>,
      %mul3A_1511 = arith.constant 16 : i32
      %mul3A_1512 = arith.muli %scan3A_1322, %mul3A_1511 : i32
      %swap3A_1513 = arith.constant 22 : i32
      %swap3A_1514 = arith.index_cast %swap3A_1513 : i32 to index
      %swap3A_1515 = arith.index_cast %mul3A_1512 : i32 to index
      %swap3A_1516 = tpu.vector_load %arg13[%swap3A_1514, %swap3A_1515] {strides = array<i32>} : memref<32x128xf32, #tpu.memory_space<vmem>>, vector<1x16xf32>,
      %swap3A_1517 = vector.shape_cast %swap3A_1516 : vector<1x16xf32> to vector<16xf32>
      %swap3A_1518 = vector.shape_cast %scan3A_1327#23 : vector<16xf32> to vector<1x16xf32>
      tpu.vector_store %arg13[%swap3A_1514, %swap3A_1515], %swap3A_1518 {strides = array<i32>} : memref<32x128xf32, #tpu.memory_space<vmem>>, vector<1x16xf32>,
      %mul3A_1519 = arith.constant 16 : i32
      %mul3A_1520 = arith.muli %scan3A_1322, %mul3A_1519 : i32
      %swap3A_1521 = arith.constant 23 : i32
      %swap3A_1522 = arith.index_cast %swap3A_1521 : i32 to index
      %swap3A_1523 = arith.index_cast %mul3A_1520 : i32 to index
      %swap3A_1524 = tpu.vector_load %arg13[%swap3A_1522, %swap3A_1523] {strides = array<i32>} : memref<32x128xf32, #tpu.memory_space<vmem>>, vector<1x16xf32>,
      %swap3A_1525 = vector.shape_cast %swap3A_1524 : vector<1x16xf32> to vector<16xf32>
      %swap3A_1526 = vector.shape_cast %scan3A_1327#24 : vector<16xf32> to vector<1x16xf32>
      tpu.vector_store %arg13[%swap3A_1522, %swap3A_1523], %swap3A_1526 {strides = array<i32>} : memref<32x128xf32, #tpu.memory_space<vmem>>, vector<1x16xf32>,
      %mul3A_1527 = arith.constant 16 : i32
      %mul3A_1528 = arith.muli %scan3A_1322, %mul3A_1527 : i32
      %swap3A_1529 = arith.constant 24 : i32
      %swap3A_1530 = arith.index_cast %swap3A_1529 : i32 to index
      %swap3A_1531 = arith.index_cast %mul3A_1528 : i32 to index
      %swap3A_1532 = tpu.vector_load %arg13[%swap3A_1530, %swap3A_1531] {strides = array<i32>} : memref<32x128xf32, #tpu.memory_space<vmem>>, vector<1x16xf32>,
      %swap3A_1533 = vector.shape_cast %swap3A_1532 : vector<1x16xf32> to vector<16xf32>
      %swap3A_1534 = vector.shape_cast %scan3A_1327#25 : vector<16xf32> to vector<1x16xf32>
      tpu.vector_store %arg13[%swap3A_1530, %swap3A_1531], %swap3A_1534 {strides = array<i32>} : memref<32x128xf32, #tpu.memory_space<vmem>>, vector<1x16xf32>,
      %mul3A_1535 = arith.constant 16 : i32
      %mul3A_1536 = arith.muli %scan3A_1322, %mul3A_1535 : i32
      %swap3A_1537 = arith.constant 25 : i32
      %swap3A_1538 = arith.index_cast %swap3A_1537 : i32 to index
      %swap3A_1539 = arith.index_cast %mul3A_1536 : i32 to index
      %swap3A_1540 = tpu.vector_load %arg13[%swap3A_1538, %swap3A_1539] {strides = array<i32>} : memref<32x128xf32, #tpu.memory_space<vmem>>, vector<1x16xf32>,
      %swap3A_1541 = vector.shape_cast %swap3A_1540 : vector<1x16xf32> to vector<16xf32>
      %swap3A_1542 = vector.shape_cast %scan3A_1327#26 : vector<16xf32> to vector<1x16xf32>
      tpu.vector_store %arg13[%swap3A_1538, %swap3A_1539], %swap3A_1542 {strides = array<i32>} : memref<32x128xf32, #tpu.memory_space<vmem>>, vector<1x16xf32>,
      %mul3A_1543 = arith.constant 16 : i32
      %mul3A_1544 = arith.muli %scan3A_1322, %mul3A_1543 : i32
      %swap3A_1545 = arith.constant 26 : i32
      %swap3A_1546 = arith.index_cast %swap3A_1545 : i32 to index
      %swap3A_1547 = arith.index_cast %mul3A_1544 : i32 to index
      %swap3A_1548 = tpu.vector_load %arg13[%swap3A_1546, %swap3A_1547] {strides = array<i32>} : memref<32x128xf32, #tpu.memory_space<vmem>>, vector<1x16xf32>,
      %swap3A_1549 = vector.shape_cast %swap3A_1548 : vector<1x16xf32> to vector<16xf32>
      %swap3A_1550 = vector.shape_cast %scan3A_1327#27 : vector<16xf32> to vector<1x16xf32>
      tpu.vector_store %arg13[%swap3A_1546, %swap3A_1547], %swap3A_1550 {strides = array<i32>} : memref<32x128xf32, #tpu.memory_space<vmem>>, vector<1x16xf32>,
      %mul3A_1551 = arith.constant 16 : i32
      %mul3A_1552 = arith.muli %scan3A_1322, %mul3A_1551 : i32
      %swap3A_1553 = arith.constant 27 : i32
      %swap3A_1554 = arith.index_cast %swap3A_1553 : i32 to index
      %swap3A_1555 = arith.index_cast %mul3A_1552 : i32 to index
      %swap3A_1556 = tpu.vector_load %arg13[%swap3A_1554, %swap3A_1555] {strides = array<i32>} : memref<32x128xf32, #tpu.memory_space<vmem>>, vector<1x16xf32>,
      %swap3A_1557 = vector.shape_cast %swap3A_1556 : vector<1x16xf32> to vector<16xf32>
      %swap3A_1558 = vector.shape_cast %scan3A_1327#28 : vector<16xf32> to vector<1x16xf32>
      tpu.vector_store %arg13[%swap3A_1554, %swap3A_1555], %swap3A_1558 {strides = array<i32>} : memref<32x128xf32, #tpu.memory_space<vmem>>, vector<1x16xf32>,
      %mul3A_1559 = arith.constant 16 : i32
      %mul3A_1560 = arith.muli %scan3A_1322, %mul3A_1559 : i32
      %swap3A_1561 = arith.constant 28 : i32
      %swap3A_1562 = arith.index_cast %swap3A_1561 : i32 to index
      %swap3A_1563 = arith.index_cast %mul3A_1560 : i32 to index
      %swap3A_1564 = tpu.vector_load %arg13[%swap3A_1562, %swap3A_1563] {strides = array<i32>} : memref<32x128xf32, #tpu.memory_space<vmem>>, vector<1x16xf32>,
      %swap3A_1565 = vector.shape_cast %swap3A_1564 : vector<1x16xf32> to vector<16xf32>
      %swap3A_1566 = vector.shape_cast %scan3A_1327#29 : vector<16xf32> to vector<1x16xf32>
      tpu.vector_store %arg13[%swap3A_1562, %swap3A_1563], %swap3A_1566 {strides = array<i32>} : memref<32x128xf32, #tpu.memory_space<vmem>>, vector<1x16xf32>,
      %mul3A_1567 = arith.constant 16 : i32
      %mul3A_1568 = arith.muli %scan3A_1322, %mul3A_1567 : i32
      %swap3A_1569 = arith.constant 29 : i32
      %swap3A_1570 = arith.index_cast %swap3A_1569 : i32 to index
      %swap3A_1571 = arith.index_cast %mul3A_1568 : i32 to index
      %swap3A_1572 = tpu.vector_load %arg13[%swap3A_1570, %swap3A_1571] {strides = array<i32>} : memref<32x128xf32, #tpu.memory_space<vmem>>, vector<1x16xf32>,
      %swap3A_1573 = vector.shape_cast %swap3A_1572 : vector<1x16xf32> to vector<16xf32>
      %swap3A_1574 = vector.shape_cast %scan3A_1327#30 : vector<16xf32> to vector<1x16xf32>
      tpu.vector_store %arg13[%swap3A_1570, %swap3A_1571], %swap3A_1574 {strides = array<i32>} : memref<32x128xf32, #tpu.memory_space<vmem>>, vector<1x16xf32>,
      %mul3A_1575 = arith.constant 16 : i32
      %mul3A_1576 = arith.muli %scan3A_1322, %mul3A_1575 : i32
      %swap3A_1577 = arith.constant 30 : i32
      %swap3A_1578 = arith.index_cast %swap3A_1577 : i32 to index
      %swap3A_1579 = arith.index_cast %mul3A_1576 : i32 to index
      %swap3A_1580 = tpu.vector_load %arg13[%swap3A_1578, %swap3A_1579] {strides = array<i32>} : memref<32x128xf32, #tpu.memory_space<vmem>>, vector<1x16xf32>,
      %swap3A_1581 = vector.shape_cast %swap3A_1580 : vector<1x16xf32> to vector<16xf32>
      %swap3A_1582 = vector.shape_cast %scan3A_1327#31 : vector<16xf32> to vector<1x16xf32>
      tpu.vector_store %arg13[%swap3A_1578, %swap3A_1579], %swap3A_1582 {strides = array<i32>} : memref<32x128xf32, #tpu.memory_space<vmem>>, vector<1x16xf32>,
      %mul3A_1583 = arith.constant 16 : i32
      %mul3A_1584 = arith.muli %scan3A_1322, %mul3A_1583 : i32
      %swap3A_1585 = arith.constant 31 : i32
      %swap3A_1586 = arith.index_cast %swap3A_1585 : i32 to index
      %swap3A_1587 = arith.index_cast %mul3A_1584 : i32 to index
      %swap3A_1588 = tpu.vector_load %arg13[%swap3A_1586, %swap3A_1587] {strides = array<i32>} : memref<32x128xf32, #tpu.memory_space<vmem>>, vector<1x16xf32>,
      %swap3A_1589 = vector.shape_cast %swap3A_1588 : vector<1x16xf32> to vector<16xf32>
      %swap3A_1590 = vector.shape_cast %scan3A_1327#32 : vector<16xf32> to vector<1x16xf32>
      tpu.vector_store %arg13[%swap3A_1586, %swap3A_1587], %swap3A_1590 {strides = array<i32>} : memref<32x128xf32, #tpu.memory_space<vmem>>, vector<1x16xf32>,
    }
    %scan3A_1321 = arith.constant 8 : i32
    "tpu.region"() ({
      %run_scoped3A = tpu.sem_alloc : memref<!tpu.dma_semaphore, #tpu.memory_space<semaphore_mem>>
      %dma_start3A = arith.constant 0 : i32
      %dma_start3A_1322 = tpu.memref_slice %arg6[%dma_start3A, %mul3A_2] : memref<32x4096xf32, #tpu.memory_space<hbm>> -> memref<32x128xf32, #tpu.memory_space<hbm>>
      %dma_start3A_1323 = arith.constant 0 : i32
      %dma_start3A_1324 = tpu.memref_slice %arg6[%dma_start3A_1323, %mul3A_2] : memref<32x4096xf32, #tpu.memory_space<hbm>> -> memref<32x128xf32, #tpu.memory_space<hbm>>
      tpu.enqueue_dma source(%arg13 : memref<32x128xf32, #tpu.memory_space<vmem>>) target(%dma_start3A_1324 : memref<32x128xf32, #tpu.memory_space<hbm>>) target_semaphore(%run_scoped3A : memref<!tpu.dma_semaphore, #tpu.memory_space<semaphore_mem>>)
      %dma_wait3A_1325 = arith.constant 0 : i32
      %dma_wait3A_1326 = tpu.memref_slice %arg6[%dma_wait3A_1325, %mul3A_2] : memref<32x4096xf32, #tpu.memory_space<hbm>> -> memref<32x128xf32, #tpu.memory_space<hbm>>
      %dma_wait3A_1327 = arith.constant 0 : i32
      %dma_wait3A_1328 = tpu.memref_slice %arg6[%dma_wait3A_1327, %mul3A_2] : memref<32x4096xf32, #tpu.memory_space<hbm>> -> memref<32x128xf32, #tpu.memory_space<hbm>>
      tpu.wait_dma2 semaphore(%run_scoped3A : memref<!tpu.dma_semaphore, #tpu.memory_space<semaphore_mem>>) src(%arg13 : memref<32x128xf32, #tpu.memory_space<vmem>>) dst(%dma_wait3A_1328 : memref<32x128xf32, #tpu.memory_space<hbm>>)
      tpu.yield
    }) : () -> ()
    "tpu.region"() ({
      %run_scoped3A = tpu.sem_alloc : memref<!tpu.dma_semaphore, #tpu.memory_space<semaphore_mem>>
      %dma_start3A = tpu.memref_slice %arg7[%mul3A_2] : memref<4096xf32, #tpu.memory_space<hbm>> -> memref<128xf32, #tpu.memory_space<hbm>>
      %dma_start3A_1322 = tpu.memref_slice %arg7[%mul3A_2] : memref<4096xf32, #tpu.memory_space<hbm>> -> memref<128xf32, #tpu.memory_space<hbm>>
      tpu.enqueue_dma source(%arg14 : memref<128xf32, #tpu.memory_space<vmem>>) target(%dma_start3A_1322 : memref<128xf32, #tpu.memory_space<hbm>>) target_semaphore(%run_scoped3A : memref<!tpu.dma_semaphore, #tpu.memory_space<semaphore_mem>>)
      %dma_wait3A_1323 = tpu.memref_slice %arg7[%mul3A_2] : memref<4096xf32, #tpu.memory_space<hbm>> -> memref<128xf32, #tpu.memory_space<hbm>>
      %dma_wait3A_1324 = tpu.memref_slice %arg7[%mul3A_2] : memref<4096xf32, #tpu.memory_space<hbm>> -> memref<128xf32, #tpu.memory_space<hbm>>
      tpu.wait_dma2 semaphore(%run_scoped3A : memref<!tpu.dma_semaphore, #tpu.memory_space<semaphore_mem>>) src(%arg14 : memref<128xf32, #tpu.memory_space<vmem>>) dst(%dma_wait3A_1324 : memref<128xf32, #tpu.memory_space<hbm>>)
      tpu.yield
    }) : () -> ()
    "tpu.region"() ({
      %run_scoped3A = tpu.sem_alloc : memref<!tpu.dma_semaphore, #tpu.memory_space<semaphore_mem>>
      %dma_start3A = tpu.memref_slice %arg8[%mul3A_2] : memref<4096xf32, #tpu.memory_space<hbm>> -> memref<128xf32, #tpu.memory_space<hbm>>
      %dma_start3A_1322 = tpu.memref_slice %arg8[%mul3A_2] : memref<4096xf32, #tpu.memory_space<hbm>> -> memref<128xf32, #tpu.memory_space<hbm>>
      tpu.enqueue_dma source(%arg15 : memref<128xf32, #tpu.memory_space<vmem>>) target(%dma_start3A_1322 : memref<128xf32, #tpu.memory_space<hbm>>) target_semaphore(%run_scoped3A : memref<!tpu.dma_semaphore, #tpu.memory_space<semaphore_mem>>)
      %dma_wait3A_1323 = tpu.memref_slice %arg8[%mul3A_2] : memref<4096xf32, #tpu.memory_space<hbm>> -> memref<128xf32, #tpu.memory_space<hbm>>
      %dma_wait3A_1324 = tpu.memref_slice %arg8[%mul3A_2] : memref<4096xf32, #tpu.memory_space<hbm>> -> memref<128xf32, #tpu.memory_space<hbm>>
      tpu.wait_dma2 semaphore(%run_scoped3A : memref<!tpu.dma_semaphore, #tpu.memory_space<semaphore_mem>>) src(%arg15 : memref<128xf32, #tpu.memory_space<vmem>>) dst(%dma_wait3A_1324 : memref<128xf32, #tpu.memory_space<hbm>>)
      tpu.yield
    }) : () -> ()
    return
  }
}

module attributes {stable_mosaic.version = 14 : i64} {
  func.func @_tc_body(%arg0: memref<32x4096xf32, #tpu.memory_space<vmem>>, %arg1: memref<1x4096xf32, #tpu.memory_space<vmem>>, %arg2: memref<1x4096xf32, #tpu.memory_space<vmem>>, %arg3: memref<4096x13xf32, #tpu.memory_space<vmem>>, %arg4: memref<13x32xf32, #tpu.memory_space<vmem>>, %arg5: memref<1xf32, #tpu.memory_space<smem>>, %arg6: memref<1x4096xf32, #tpu.memory_space<vmem>>) attributes {dimension_semantics = [], scalar_prefetch = 0 : i64, scratch_operands = 0 : i64, tpu.core_type = #tpu.core_type<tc>} {
    %get3A = arith.constant 0 : index
    %get3A_0 = arith.constant 0 : index
    %get3A_1 = vector.load %arg3[%get3A, %get3A_0] : memref<4096x13xf32, #tpu.memory_space<vmem>>, vector<4096x13xf32>
    %get3A_2 = arith.constant 0 : index
    %get3A_3 = arith.constant 0 : index
    %get3A_4 = vector.load %arg4[%get3A_2, %get3A_3] : memref<13x32xf32, #tpu.memory_space<vmem>>, vector<13x32xf32>
    %dot_general3A = arith.constant dense<0.000000e+00> : vector<32x4096xf32>
    %dot_general3A_5 = tpu.matmul %get3A_4, %get3A_1, %dot_general3A {dimension_numbers = #tpu.dot_dimension_numbers<[0], [1], [1], [0], [0, 1, 1, 0], [], []>, precision = #tpu.contract_precision<fp32>, transpose_lhs_hint = false} : vector<13x32xf32>, vector<4096x13xf32>, vector<32x4096xf32> -> vector<32x4096xf32>
    %get3A_6 = arith.constant 0 : index
    %get3A_7 = arith.constant 0 : index
    %get3A_8 = vector.load %arg0[%get3A_6, %get3A_7] : memref<32x4096xf32, #tpu.memory_space<vmem>>, vector<32x4096xf32>
    %add3A = arith.addf %get3A_8, %dot_general3A_5 : vector<32x4096xf32>
    %mul3A = arith.mulf %get3A_4, %get3A_4 : vector<13x32xf32>
    %mul3A_9 = arith.mulf %get3A_1, %get3A_1 : vector<4096x13xf32>
    %dot_general3A_10 = arith.constant dense<0.000000e+00> : vector<32x4096xf32>
    %dot_general3A_11 = tpu.matmul %mul3A, %mul3A_9, %dot_general3A_10 {dimension_numbers = #tpu.dot_dimension_numbers<[0], [1], [1], [0], [0, 1, 1, 0], [], []>, precision = #tpu.contract_precision<fp32>, transpose_lhs_hint = false} : vector<13x32xf32>, vector<4096x13xf32>, vector<32x4096xf32> -> vector<32x4096xf32>
    %mul3A_12 = arith.mulf %add3A, %add3A : vector<32x4096xf32>
    %sub3A = arith.subf %mul3A_12, %dot_general3A_11 : vector<32x4096xf32>
    %reduce_sum3A = arith.constant dense<0.000000e+00> : vector<4096xf32>
    %reduce_sum3A_13 = vector.multi_reduction <add>, %sub3A, %reduce_sum3A [0] : vector<32x4096xf32> to vector<4096xf32>
    %broadcast_in_dim3A = vector.shape_cast %reduce_sum3A_13 : vector<4096xf32> to vector<1x4096xf32>
    %get3A_14 = arith.constant 0 : index
    %get3A_15 = arith.constant 0 : index
    %get3A_16 = vector.load %arg1[%get3A_14, %get3A_15] : memref<1x4096xf32, #tpu.memory_space<vmem>>, vector<1x4096xf32>
    %sub3A_17 = arith.subf %broadcast_in_dim3A, %get3A_16 : vector<1x4096xf32>
    %mul3A_18 = arith.constant 5.000000e-01 : f32
    %mul3A_19 = vector.broadcast %mul3A_18 : f32 to vector<1x4096xf32>
    %mul3A_20 = arith.mulf %mul3A_19, %sub3A_17 : vector<1x4096xf32>
    %get3A_21 = arith.constant 0 : index
    %get3A_22 = arith.constant 0 : index
    %get3A_23 = vector.load %arg2[%get3A_21, %get3A_22] : memref<1x4096xf32, #tpu.memory_space<vmem>>, vector<1x4096xf32>
    %get3A_24 = arith.constant 0 : index
    %get3A_25 = memref.load %arg5[%get3A_24] : memref<1xf32, #tpu.memory_space<smem>>
    %add3A_26 = vector.broadcast %get3A_25 : f32 to vector<1x4096xf32>
    %add3A_27 = arith.addf %get3A_23, %add3A_26 : vector<1x4096xf32>
    %add3A_28 = arith.addf %add3A_27, %mul3A_20 : vector<1x4096xf32>
    %swap3A = arith.constant 0 : index
    %swap3A_29 = arith.constant 0 : index
    %swap3A_30 = vector.load %arg6[%swap3A, %swap3A_29] : memref<1x4096xf32, #tpu.memory_space<vmem>>, vector<1x4096xf32>
    tpu.vector_store %arg6[%swap3A, %swap3A_29], %add3A_28 {strides = array<i32>} : memref<1x4096xf32, #tpu.memory_space<vmem>>, vector<1x4096xf32>,
    return
  }
}

</mosaic_0001>

<sc_bundles>
// kernel: kernel.4.cloned.1.call-start
scs
__scs_entry_jumppad:
0x0: {  	(pc) =	sbr.rel $0x88, $3  }
0x1: {  	(tag) =	ssettag $0x0;
	lr =	simm.s32 $0x1  }
0x2: {  	[smem:$0x3F9B] =	sst lr;
	_ =	strace $0xD0000000  }
0x3: {  	_ = 	snop  }
0x4: {  	_ = 	snop  }
0x5: {  	_ = 	snop  }
0x6: {  	_ = 	snop  }
0x7: {  	_ = 	snop  }
__scs_overlays_trampoline_lowered:
0x8: {  	[smem:$0x3FAA] =	sst s0  }
0x9: {  	[smem:$0x3FAB] =	sst s1  }
0xa: {  	[smem:$0x3FAC] =	sst s2  }
0xb: {  	[smem:$0x3FAD] =	sst s3  }
0xc: {  	[smem:$0x3FAE] =	sst s4  }
0xd: {  	[smem:$0x3FAF] =	sst s5  }
0xe: {  	[smem:$0x3FB0] =	sst s6  }
0xf: {  	[smem:$0x3FB1] =	sst s7  }
0x10: {  	[smem:$0x3FB2] =	sst s8  }
0x11: {  	[smem:$0x3FB3] =	sst s9;
	s0 =	simm.s32 @!p0 $0x0  }
0x12: {  	s1 =	sld [smem:$0x3F99];
	s0 =	simm.s32 @p0 $0x1  }
0x13: {  	[smem:$0x3FB4] =	sst s0;
	s0 =	simm.s32 @!p1 $0x0  }
0x14: {  	s2 =	sld [smem:$0x3F98];
	s0 =	simm.s32 @p1 $0x1  }
0x15: {  	[smem:$0x3FB5] =	sst s0;
	s0 =	simm.s32 @!p2 $0x0  }
0x16: {  	s3 =	sld [smem:$0x3FDB];
	s0 =	simm.s32 @p2 $0x1  }
0x17: {  	s4 =	simm.s32 $0x1BF5;
	[smem:$0x3FB7] =	sst s0  }
0x18: {  	s0 =	sld [smem:$0x3F9A];
	_ =	swait.ge [sflag:s4], $0x0  }
0x19: {  	s7 =	sld [smem:$0x3F9B]  }
0x1a: {  	s8 =	sadd.s32 $0xFFFFE003, lr  }
0x1b: {  	s9 =	sadd.s32 $0xFFFFFEF7, lr;
	s5 =	simm.s32 $0xFFFFFFFF;
	p2 =	slt.u32 s8, $0xFFFFF086  }
0x1c: {  	p1 =	slt.u32 s9, $0xF7A;
	s5 =	simm.s32 @!p2 $0x0  }
0x1d: {  	s5 =	simm.s32 @p1 $0x1;
	p0 =	seq.s32 s7, s2  }
0x1e: {  	s7 =	smul.u32 @!p0 $0xF7A, s2;
	p2 =	seq.s32 @!p0 s5, $0x0  }
0x1f: {  	s9 =	smul.u32 $0xF7A, s1;
	s8 =	simm.s32 @!p0 $0x1BF5;
	p2 =	por !p2, p0  }
0x20: {  	[sflag:s8] =	ssyncset.s32 @!p0 $0xFFFFF086;
	s6 =	sadd.s32 @!p0 s3, s7;
	s7 =	simm.s32 @!p0 $0x108  }
0x21: {  	s3 =	sadd.s32 s3, s9;
	s6 =	sadd.s32 @!p0 $0x88, s6;
	s7 =	simm.s32 @p2 $0x1082  }
0x22: {  	[simem:s7], [sflag:s8] =	dma.local @!p0 [hbm:s6], $0xF7A  }
0x23: {  	s9 =	sor.u32 $0xD0000000, s2;
	s6 =	simm.s32 $0x108;
	_ =	swait.ge @!p0 [sflag:s8], $0x0  }
0x24: {  	s3 =	sadd.s32 $0x88, s3;
	s6 =	simm.s32 @!p1 $0x1082;
	[sflag:s4] =	ssyncset.s32 $0xFFFFF086  }
0x25: {  	[simem:s6], [sflag:s4] =	dma.local [hbm:s3], $0xF7A  }
0x26: {  	[smem:$0x3F9B] =	sst s1;
	(tag) =	ssettag s2;
	_ =	strace s9  }
0x27: {  	s1 =	sld [smem:$0x3FAB]  }
0x28: {  	s2 =	sld [smem:$0x3FAC]  }
0x29: {  	s4 =	sld [smem:$0x3FAE]  }
0x2a: {  	p0 =	seq.s32 s5, $0x0;
	s5 =	sld [smem:$0x3FAF]  }
0x2b: {  	s6 =	sld [smem:$0x3FB0]  }
0x2c: {  	s7 =	sld [smem:$0x3FB1]  }
0x2d: {  	s3 =	simm.s32 $0x108;
	s8 =	sld [smem:$0x3FB2]  }
0x2e: {  	s3 =	simm.s32 @!p0 $0x1082;
	s9 =	sld [smem:$0x3FB3]  }
0x2f: {  	lr =	sadd.s32 s0, s3;
	s0 =	sld [smem:$0x3FAA]  }
0x30: {  	s3 =	sld [smem:$0x3FAD]  }
0x31: {  	[smem:$0x3FB6] =	sst s10  }
0x32: {  	s10 =	sld [smem:$0x3FB4];
	_ =	sdelay $0x3  }
0x33: {  	p0 =	seq.s32 s10, $0x1;
	s10 =	sld [smem:$0x3FB6];
	_ =	sdelay $0x3  }
0x34: {  	[smem:$0x3FB6] =	sst s10  }
0x35: {  	s10 =	sld [smem:$0x3FB5];
	_ =	sdelay $0x3  }
0x36: {  	p1 =	seq.s32 s10, $0x1;
	s10 =	sld [smem:$0x3FB6];
	_ =	sdelay $0x3  }
0x37: {  	[smem:$0x3FB6] =	sst s10  }
0x38: {  	s10 =	sld [smem:$0x3FB7]  }
0x39: {  	_ = 	snop;
	(pc) =	sbr.ind lr, $3  }
0x3a: {  	_ = 	snop  }
0x3b: {  	_ = 	snop  }
0x3c: {  	p2 =	seq.s32 s10, $0x1;
	s10 =	sld [smem:$0x3FB6]  }
0x3d: {  	_ =	shalt  }
0x3e: {  	_ =	shalt  }
0x3f: {  	_ =	shalt  }
0x40: {  	_ =	shalt  }
0x41: {  	_ =	shalt  }
0x42: {  	_ =	shalt  }
0x43: {  	_ =	shalt  }
0x44: {  	_ =	shalt  }
0x45: {  	_ =	shalt  }
0x46: {  	_ =	shalt  }
0x47: {  	_ =	shalt  }
0x48: {  	_ =	shalt  }
0x49: {  	_ =	shalt  }
0x4a: {  	_ =	shalt  }
0x4b: {  	_ =	shalt  }
0x4c: {  	_ =	shalt  }
0x4d: {  	_ =	shalt  }
0x4e: {  	_ =	shalt  }
0x4f: {  	_ =	shalt  }
0x50: {  	_ =	shalt  }
0x51: {  	_ =	shalt  }
0x52: {  	_ =	shalt  }
0x53: {  	_ =	shalt  }
0x54: {  	_ =	shalt  }
0x55: {  	_ =	shalt  }
0x56: {  	_ =	shalt  }
0x57: {  	_ =	shalt  }
0x58: {  	_ =	shalt  }
0x59: {  	_ =	shalt  }
0x5a: {  	_ =	shalt  }
0x5b: {  	_ =	shalt  }
0x5c: {  	_ =	shalt  }
0x5d: {  	_ =	shalt  }
0x5e: {  	_ =	shalt  }
0x5f: {  	_ =	shalt  }
0x60: {  	_ =	shalt  }
0x61: {  	_ =	shalt  }
0x62: {  	_ =	shalt  }
0x63: {  	_ =	shalt  }
0x64: {  	_ =	shalt  }
0x65: {  	_ =	shalt  }
0x66: {  	_ =	shalt  }
0x67: {  	_ =	shalt  }
0x68: {  	_ =	shalt  }
0x69: {  	_ =	shalt  }
0x6a: {  	_ =	shalt  }
0x6b: {  	_ =	shalt  }
0x6c: {  	_ =	shalt  }
0x6d: {  	_ =	shalt  }
0x6e: {  	_ =	shalt  }
0x6f: {  	_ =	shalt  }
0x70: {  	_ =	shalt  }
0x71: {  	_ =	shalt  }
0x72: {  	_ =	shalt  }
0x73: {  	_ =	shalt  }
0x74: {  	_ =	shalt  }
0x75: {  	_ =	shalt  }
0x76: {  	_ =	shalt  }
0x77: {  	_ =	shalt  }
0x78: {  	_ =	shalt  }
0x79: {  	_ =	shalt  }
0x7a: {  	_ =	shalt  }
0x7b: {  	_ =	shalt  }
0x7c: {  	_ =	shalt  }
0x7d: {  	_ =	shalt  }
0x7e: {  	_ =	shalt  }
0x7f: {  	_ =	shalt  }
0x80: {  	_ =	shalt  }
0x81: {  	_ =	shalt  }
0x82: {  	_ =	shalt  }
0x83: {  	_ =	shalt  }
0x84: {  	_ =	shalt  }
0x85: {  	_ =	shalt  }
0x86: {  	_ =	shalt  }
0x87: {  	_ =	shalt  }
.Lfunc_end0:
.L_simem_size_0:
called_computation_lowered:
.L_overlay_start_0:
0x88: {  	s2 =	sld [smem:$0x3FD9]  }
0x89: {  	s3 =	sld [smem:$0x3FFE];
	_ =	sdelay $0x1  }
0x8a: {  	s1 =	srdreg.scid  }
0x8b: {  	s0 =	sand.u32 $0x1, s1  }
0x8c: {  	s17 =	sshll.u32 s0, $0xA;
	s2 =	sadd.s32 s3, s2  }
0x8d: {  	s2 =	sadd.s32 s2, s17  }
0x8e: {  	[smem:$0x3FC2] =	sst s2  }
0x8f: {  	_ = 	snop  }
0x90: {  	s2 =	sld [smem:$0x3FD0];
	(tm) =	ssettm $0x1  }
0x91: {  	s18 =	sld [smem:$0x3FFB];
	_ =	sdelay $0x3  }
0x92: {  	_ =	strace s18  }
0x93: {  	s3 =	sld [smem:$0x3FFC];
	_ =	sdelay $0x3  }
0x94: {  	_ =	strace s3  }
0x95: {  	s3 =	sld [smem:$0x3FFD];
	_ =	sdelay $0x3  }
0x96: {  	_ =	strace s3  }
0x97: {  	_ =	strace $0x8FFFFFFF  }
0x98: {  	s19 =	sld [smem:$0x3FDB];
	_ =	sdelay $0x1  }
0x99: {  	s4 =	simm.s32 $_scs_section_size  }
0x9a: {  	s5 =	simm.s32 $_size__tile_overlayer_lowered;
	s6 =	simm.s32 $_tile_overlayer_lowered  }
0x9b: {  	s22 =	simm.s32 $0x1BFF;
	s21 =	sshll.u32 s6, $0x1;
	s3 =	sadd.s32 s4, s19  }
0x9c: {  	s7 =	simm.s32 $0x0;
	s20 =	sshll.u32 s5, $0x1;
	s5 =	sadd.s32 s21, s3  }
0x9d: {  	[timem:s7], [sflag:s22] =	dma.local [hbm:s5], s20  }
0x9e: {  	_ =	swait.ge [sflag:s22], s20  }
0x9f: {  	s4 =	ssub.s32 $0x0, s20;
	[sflag:s22] =	ssyncset.done $0x0  }
0xa0: {  	[sflag:s22] =	ssyncadd.s32 s4;
	_ =	sdelay $0x1  }
0xa1: {  	s23 =	simm.s32 $0x1B8B  }
0xa2: {  	_ =	swait.ge [sflag:s23], $0x1  }
0xa3: {  	[sflag:s23] =	ssyncset.done $0x0  }
0xa4: {  	s25 =	simm.s32 $0x1B8E;
	s24 =	sld [smem:$0x3FFE];
	[sflag:s23] =	ssyncadd.s32 $0xFFFFFFFF  }
0xa5: {  	s26 =	simm.s32 $execute0_lowered;
	[smem:$0x3FD2] =	sst s25  }
0xa6: {  	s5 =	sshll.u32 s26, $0x1;
	_ =	strace $0x80000046;
	[dreg:$0x1] =	wrdreg $0xFFFFFFFF  }
0xa7: {  	s28 =	simm.s32 $_size_execute0_lowered;
	s3 =	sadd.s32 s3, s5;
	[dreg:$0x0] =	wrdreg $0x0  }
0xa8: {  	s5 =	sshll.u32 s28, $0x1;
	[dreg:$0x2] =	wrdreg s3  }
0xa9: {  	[dreg:$0x3] =	wrdreg s5  }
0xaa: {  	[dreg:$0x4] =	wrdreg $0xC0  }
0xab: {  	_ =	task [dreg:s7], $0x5FFFF  }
0xac: {  	[dreg:$0x1] =	wrdreg $0xFFFFFFFF  }
0xad: {  	[dreg:$0x0] =	wrdreg $0x60  }
0xae: {  	[dreg:$0x2] =	wrdreg s24  }
0xaf: {  	[dreg:$0x3] =	wrdreg s2  }
0xb0: {  	[dreg:$0x4] =	wrdreg $0x9  }
0xb1: {  	_ =	task.clear_ibuf [dreg:s7], $0x5FFFF;
	_ =	strace $0x90000046  }
0xb2: {  	s29 =	simm.s32 $0x9;
	_ =	strace $0x80000048  }
0xb3: {  	_ =	swait.ge [sflag:s29], $0x1  }
0xb4: {  	[sflag:s29] =	ssyncadd.s32 $0xFFFFFFFF  }
0xb5: {  	_ =	strace $0x90000048  }
0xb6: {  	_ =	sfence  }
0xb7: {  	s30 =	sld [smem:$0x0];
	_ =	sdelay $0x2  }
0xb8: {  	s31 =	sshll.u32 s1, $0xD;
	s1 =	sshrl.u32 s1, $0x2  }
0xb9: {  	s3 =	sand.u32 $0x4000, s31;
	s1 =	sadd.s32 s1, s30  }
0xba: {  	s0 =	sor.u32 s3, s0;
	s1 =	sshll.u32 s1, $0x11  }
0xbb: {  	s0 =	sor.u32 s1, s0  }
0xbc: {  	s0 =	sadd.s32 $0x8F2B, s0  }
0xbd: {  	[sflag:s0] =	ssyncadd.remote.s32 $0x1  }
0xbe: {  	_ =	sfence.sel $0xFFFF  }
0xbf: {  	[dreg:$0x0] =	wrdreg $0xFFFFFFFF;
	(pc) =	sbr.abs _section_cstart, $3  }
0xc0: {  	[dreg:$0x1] =	wrdreg $0xFFFFFFFF  }
0xc1: {  	_ =	task.clear_ibuf [dreg:s7], $0x2FFFF;
	_ =	strace $0x9FFFFFFF  }
0xc2: {  	(tm) =	ssettm $0x7FFFFFFF  }
0xc3: {  	_ =	shalt  }
tec
execute0_lowered:
.L_overlay_start_1:
0x0: {  	(tag) =	ssettag $0x1  }
0x1: {  	s3 =	rddreg [dreg:$0x0];
	s1 =	srdreg.scid  }
0x2: {  	s0 =	stileid.u32;
	s6 =	rddreg [dreg:$0x1]  }
0x3: {  	s2 =	simm.s32 $0x0;
	s11 =	simm.s32 $0x1;
	s12 =	simm.s32 $0x2  }
0x4: {  	s13 =	simm.s32 $0x1000;
	s14 =	simm.s32 $0x1C700;
	s15 =	simm.s32 $0x1D700  }
0x5: {  	s16 =	simm.s32 $0x1D780;
	s4 =	sand.u32 $0x1, s1;
	s1 =	rddreg [dreg:$0x2]  }
0x6: {  	s17 =	simm.s32 $0x0;
	s5 =	sshll.u32 s0, $0x1;
	[smem:$0x7FF] =	sst s2  }
0x7: {  	s8 =	sadd.s32 $0x56A00, s3;
	s29 =	sadd.s32 $0x7400, s3;
	s5 =	sor.u32 s4, s5  }
0x8: {  	_ =	strace $0x80000047;
	[dreg:$0x3] =	wrdreg s8;
	s4 =	ssub.s32 $0x2, s4  }
0x9: {  	s7 =	smul.u32 $0x1A0, s5;
	s9 =	sshll.u32 s5, $0x4;
	s30 =	sshrl.u32 s4, $0x1  }
0xa: {  	[dreg:$0x4] =	wrdreg s29;
	s31 =	sadd.s32 s9, s3;
	s10 =	ssub.s32 s4, s30  }
0xb: {  	s6 =	sadd.s32 s6, s9;
	s9 =	simm.s32 $0x3;
	s7 =	sadd.s32 s7, s3  }
0xc: {  	s5 =	sadd.s32 $0xA41C00, s31;
	s8 =	smax.u32 s10, $0x1;
	s10 =	simm.s32 $0x80  }
0xd: {  	s3 =	sadd.s32 $0x4000, s7;
	s4 =	sadd.s32 $0xC00, s7;
	s7 =	sadd.s32 $0xA45C00, s31  }
.LBB2_1:
0xe: {  	[tilespmem:s2], [sflag:$0x3] =	stream.linear.gather [hbm4b:s3+s2], $0xD00, $0x38;
	[tilespmem:$0x1D800] =	vst v63  }
0xf: {  	_ =	swait.ge [sflag:s9], $0xD00  }
0x10: {  	[sflag:s9] =	ssyncset.done $0x0  }
0x11: {  	s22 =	simm.s32 $0xD00;
	[sflag:s9] =	ssyncadd.s32 $0xFFFFF300  }
0x12: {  	[tilespmem:s22], [sflag:$0x3] =	stream.linear.gather [hbm4b:s4+s2], $0xD00, $0x38;
	[tilespmem:$0x1D800] =	vst v63  }
0x13: {  	_ =	swait.ge [sflag:s9], $0xD00  }
0x14: {  	s18 =	rddreg [dreg:$0x3];
	[sflag:s9] =	ssyncset.done $0x0  }
0x15: {  	s19 =	simm.s32 $0x1A00;
	[sflag:s9] =	ssyncadd.s32 $0xFFFFF300;
	s18 =	sadd.s32 $0x0, s18  }
0x16: {  	[tilespmem:s19], [sflag:$0x1] =	stream.indirect.gather [hbm4b:s18+s10], $0x1, s2, s10, $0xb8;
	[tilespmem:$0x1D800] =	vst v63  }
0x17: {  	s24 =	simm.s32 $0x1A80;
	s20 =	sadd.s32 $0x30D4, s18  }
0x18: {  	[tilespmem:s24], [sflag:$0x1] =	stream.indirect.gather [hbm4b:s20+s10], $0x1, s2, s10, $0xb8;
	[tilespmem:$0x1D800] =	vst v63  }
0x19: {  	s25 =	simm.s32 $0x1B00;
	s26 =	sadd.s32 $0x61A8, s18  }
0x1a: {  	[tilespmem:s25], [sflag:$0x1] =	stream.indirect.gather [hbm4b:s26+s10], $0x1, s2, s10, $0xb8;
	[tilespmem:$0x1D800] =	vst v63  }
0x1b: {  	s28 =	simm.s32 $0x1B80;
	s31 =	sadd.s32 $0x927C, s18  }
0x1c: {  	[tilespmem:s28], [sflag:$0x1] =	stream.indirect.gather [hbm4b:s31+s10], $0x1, s2, s10, $0xb8;
	[tilespmem:$0x1D800] =	vst v63  }
0x1d: {  	s21 =	sadd.s32 $0xC350, s18;
	s20 =	simm.s32 $0x1C00  }
0x1e: {  	[tilespmem:s20], [sflag:$0x1] =	stream.indirect.gather [hbm4b:s21+s10], $0x1, s2, s10, $0xb8;
	[tilespmem:$0x1D800] =	vst v63  }
0x1f: {  	s23 =	simm.s32 $0x1C80;
	s24 =	sadd.s32 $0xF424, s18  }
0x20: {  	[tilespmem:s23], [sflag:$0x1] =	stream.indirect.gather [hbm4b:s24+s10], $0x1, s2, s10, $0xb8;
	[tilespmem:$0x1D800] =	vst v63  }
0x21: {  	s25 =	simm.s32 $0x1D00;
	s26 =	sadd.s32 $0x124F8, s18  }
0x22: {  	[tilespmem:s25], [sflag:$0x1] =	stream.indirect.gather [hbm4b:s26+s10], $0x1, s2, s10, $0xb8;
	[tilespmem:$0x1D800] =	vst v63  }
0x23: {  	s28 =	simm.s32 $0x1D80;
	s31 =	sadd.s32 $0x155CC, s18  }
0x24: {  	[tilespmem:s28], [sflag:$0x1] =	stream.indirect.gather [hbm4b:s31+s10], $0x1, s2, s10, $0xb8;
	[tilespmem:$0x1D800] =	vst v63  }
0x25: {  	s20 =	simm.s32 $0x1E00;
	s21 =	sadd.s32 $0x186A0, s18  }
0x26: {  	[tilespmem:s20], [sflag:$0x1] =	stream.indirect.gather [hbm4b:s21+s10], $0x1, s2, s10, $0xb8;
	[tilespmem:$0x1D800] =	vst v63  }
0x27: {  	s23 =	simm.s32 $0x1E80;
	s24 =	sadd.s32 $0x1B774, s18  }
0x28: {  	[tilespmem:s23], [sflag:$0x1] =	stream.indirect.gather [hbm4b:s24+s10], $0x1, s2, s10, $0xb8;
	[tilespmem:$0x1D800] =	vst v63  }
0x29: {  	s25 =	simm.s32 $0x1F00;
	s26 =	sadd.s32 $0x1E848, s18  }
0x2a: {  	[tilespmem:s25], [sflag:$0x1] =	stream.indirect.gather [hbm4b:s26+s10], $0x1, s2, s10, $0xb8;
	[tilespmem:$0x1D800] =	vst v63  }
0x2b: {  	s28 =	simm.s32 $0x1F80;
	s31 =	sadd.s32 $0x2191C, s18  }
0x2c: {  	[tilespmem:s28], [sflag:$0x1] =	stream.indirect.gather [hbm4b:s31+s10], $0x1, s2, s10, $0xb8;
	[tilespmem:$0x1D800] =	vst v63  }
0x2d: {  	s20 =	simm.s32 $0x2000;
	s21 =	sadd.s32 $0x249F0, s18  }
0x2e: {  	[tilespmem:s20], [sflag:$0x1] =	stream.indirect.gather [hbm4b:s21+s10], $0x1, s2, s10, $0xb8;
	[tilespmem:$0x1D800] =	vst v63  }
0x2f: {  	s23 =	simm.s32 $0x2080;
	s24 =	sadd.s32 $0x27AC4, s18  }
0x30: {  	[tilespmem:s23], [sflag:$0x1] =	stream.indirect.gather [hbm4b:s24+s10], $0x1, s2, s10, $0xb8;
	[tilespmem:$0x1D800] =	vst v63  }
0x31: {  	s25 =	simm.s32 $0x2100;
	s26 =	sadd.s32 $0x2AB98, s18  }
0x32: {  	[tilespmem:s25], [sflag:$0x1] =	stream.indirect.gather [hbm4b:s26+s10], $0x1, s2, s10, $0xb8;
	[tilespmem:$0x1D800] =	vst v63  }
0x33: {  	s28 =	simm.s32 $0x2180;
	s31 =	sadd.s32 $0x2DC6C, s18  }
0x34: {  	[tilespmem:s28], [sflag:$0x1] =	stream.indirect.gather [hbm4b:s31+s10], $0x1, s2, s10, $0xb8;
	[tilespmem:$0x1D800] =	vst v63  }
0x35: {  	s20 =	simm.s32 $0x2200;
	s21 =	sadd.s32 $0x30D40, s18  }
0x36: {  	[tilespmem:s20], [sflag:$0x1] =	stream.indirect.gather [hbm4b:s21+s10], $0x1, s2, s10, $0xb8;
	[tilespmem:$0x1D800] =	vst v63  }
0x37: {  	s23 =	simm.s32 $0x2280;
	s24 =	sadd.s32 $0x33E14, s18  }
0x38: {  	[tilespmem:s23], [sflag:$0x1] =	stream.indirect.gather [hbm4b:s24+s10], $0x1, s2, s10, $0xb8;
	[tilespmem:$0x1D800] =	vst v63  }
0x39: {  	s25 =	simm.s32 $0x2300;
	s26 =	sadd.s32 $0x36EE8, s18  }
0x3a: {  	[tilespmem:s25], [sflag:$0x1] =	stream.indirect.gather [hbm4b:s26+s10], $0x1, s2, s10, $0xb8;
	[tilespmem:$0x1D800] =	vst v63  }
0x3b: {  	s28 =	simm.s32 $0x2380;
	s31 =	sadd.s32 $0x39FBC, s18  }
0x3c: {  	[tilespmem:s28], [sflag:$0x1] =	stream.indirect.gather [hbm4b:s31+s10], $0x1, s2, s10, $0xb8;
	[tilespmem:$0x1D800] =	vst v63  }
0x3d: {  	s20 =	simm.s32 $0x2400;
	s21 =	sadd.s32 $0x3D090, s18  }
0x3e: {  	[tilespmem:s20], [sflag:$0x1] =	stream.indirect.gather [hbm4b:s21+s10], $0x1, s2, s10, $0xb8;
	[tilespmem:$0x1D800] =	vst v63  }
0x3f: {  	s23 =	simm.s32 $0x2480;
	s24 =	sadd.s32 $0x40164, s18  }
0x40: {  	[tilespmem:s23], [sflag:$0x1] =	stream.indirect.gather [hbm4b:s24+s10], $0x1, s2, s10, $0xb8;
	[tilespmem:$0x1D800] =	vst v63  }
0x41: {  	s25 =	simm.s32 $0x2500;
	s26 =	sadd.s32 $0x43238, s18  }
0x42: {  	[tilespmem:s25], [sflag:$0x1] =	stream.indirect.gather [hbm4b:s26+s10], $0x1, s2, s10, $0xb8;
	[tilespmem:$0x1D800] =	vst v63  }
0x43: {  	s28 =	simm.s32 $0x2580;
	s31 =	sadd.s32 $0x4630C, s18  }
0x44: {  	[tilespmem:s28], [sflag:$0x1] =	stream.indirect.gather [hbm4b:s31+s10], $0x1, s2, s10, $0xb8;
	[tilespmem:$0x1D800] =	vst v63  }
0x45: {  	s20 =	simm.s32 $0x2600;
	s21 =	sadd.s32 $0x493E0, s18  }
0x46: {  	[tilespmem:s20], [sflag:$0x1] =	stream.indirect.gather [hbm4b:s21+s10], $0x1, s2, s10, $0xb8;
	[tilespmem:$0x1D800] =	vst v63  }
0x47: {  	s23 =	simm.s32 $0x2680;
	s24 =	sadd.s32 $0x4C4B4, s18  }
0x48: {  	[tilespmem:s23], [sflag:$0x1] =	stream.indirect.gather [hbm4b:s24+s10], $0x1, s2, s10, $0xb8;
	[tilespmem:$0x1D800] =	vst v63  }
0x49: {  	s29 =	rddreg [dreg:$0x4];
	s25 =	simm.s32 $0x2700;
	s26 =	sadd.s32 $0x4F588, s18  }
0x4a: {  	[tilespmem:s25], [sflag:$0x1] =	stream.indirect.gather [hbm4b:s26+s10], $0x1, s2, s10, $0xb8;
	[tilespmem:$0x1D800] =	vst v63  }
0x4b: {  	s30 =	rddreg [dreg:$0x3];
	s28 =	simm.s32 $0x2780;
	s31 =	sadd.s32 $0x5265C, s18  }
0x4c: {  	[tilespmem:s28], [sflag:$0x1] =	stream.indirect.gather [hbm4b:s31+s10], $0x1, s2, s10, $0xb8;
	[tilespmem:$0x1D800] =	vst v63  }
0x4d: {  	s19 =	simm.s32 $0x1BA80;
	s21 =	simm.s32 $0x2800;
	s23 =	sadd.s32 $0x55730, s18  }
0x4e: {  	[tilespmem:s21], [sflag:$0x1] =	stream.indirect.gather [hbm4b:s23+s10], $0x1, s2, s10, $0xb8;
	[tilespmem:$0x1D800] =	vst v63  }
0x4f: {  	s20 =	simm.s32 $0x80;
	s24 =	simm.s32 $0x2880;
	s25 =	sadd.s32 $0x58804, s18  }
0x50: {  	[tilespmem:s24], [sflag:$0x1] =	stream.indirect.gather [hbm4b:s25+s10], $0x1, s2, s10, $0xb8;
	[tilespmem:$0x1D800] =	vst v63  }
0x51: {  	s26 =	simm.s32 $0x2900;
	s28 =	sadd.s32 $0x5B8D8, s18;
	s31 =	simm.s32 $0x2980  }
0x52: {  	[tilespmem:s26], [sflag:$0x1] =	stream.indirect.gather [hbm4b:s28+s10], $0x1, s2, s10, $0xb8;
	[tilespmem:$0x1D800] =	vst v63  }
0x53: {  	s18 =	sadd.s32 $0x5E9AC, s18;
	s23 =	simm.s32 $0x1BA00;
	s21 =	simm.s32 $0xD80  }
0x54: {  	[tilespmem:s31], [sflag:$0x1] =	stream.indirect.gather [hbm4b:s18+s10], $0x1, s2, s10, $0xb8;
	[tilespmem:$0x1D800] =	vst v63  }
0x55: {  	s24 =	simm.s32 $0x61A80;
	s25 =	simm.s32 $0xC3500;
	s18 =	simm.s32 $0x2A00  }
.LBB2_2:
0x56: {  	[tilespmem:s23], [sflag:$0x2] =	stream.indirect.gather [hbm4b:s29+s10], $0x1, s22, s10, $0xb8;
	[tilespmem:$0x1D800] =	vst v63  }
0x57: {  	s28 =	sadd.s32 s24, s30  }
0x58: {  	[tilespmem:s18], [sflag:$0x1] =	stream.indirect.gather [hbm4b:s28+s10], $0x1, s20, s10, $0xb8;
	[tilespmem:$0x1D800] =	vst v63  }
0x59: {  	s29 =	sadd.s32 $0x80, s18;
	s30 =	sadd.s32 $0x30D4, s28  }
0x5a: {  	[tilespmem:s29], [sflag:$0x1] =	stream.indirect.gather [hbm4b:s30+s10], $0x1, s20, s10, $0xb8;
	[tilespmem:$0x1D800] =	vst v63  }
0x5b: {  	s29 =	sadd.s32 $0x100, s18;
	s30 =	sadd.s32 $0x61A8, s28  }
0x5c: {  	[tilespmem:s29], [sflag:$0x1] =	stream.indirect.gather [hbm4b:s30+s10], $0x1, s20, s10, $0xb8;
	[tilespmem:$0x1D800] =	vst v63  }
0x5d: {  	s29 =	sadd.s32 $0x180, s18;
	s30 =	sadd.s32 $0x927C, s28  }
0x5e: {  	[tilespmem:s29], [sflag:$0x1] =	stream.indirect.gather [hbm4b:s30+s10], $0x1, s20, s10, $0xb8;
	[tilespmem:$0x1D800] =	vst v63  }
0x5f: {  	s29 =	sadd.s32 $0x200, s18;
	s30 =	sadd.s32 $0xC350, s28  }
0x60: {  	[tilespmem:s29], [sflag:$0x1] =	stream.indirect.gather [hbm4b:s30+s10], $0x1, s20, s10, $0xb8;
	[tilespmem:$0x1D800] =	vst v63  }
0x61: {  	s29 =	sadd.s32 $0x280, s18;
	s30 =	sadd.s32 $0xF424, s28  }
0x62: {  	[tilespmem:s29], [sflag:$0x1] =	stream.indirect.gather [hbm4b:s30+s10], $0x1, s20, s10, $0xb8;
	[tilespmem:$0x1D800] =	vst v63  }
0x63: {  	s29 =	sadd.s32 $0x300, s18;
	s30 =	sadd.s32 $0x124F8, s28  }
0x64: {  	[tilespmem:s29], [sflag:$0x1] =	stream.indirect.gather [hbm4b:s30+s10], $0x1, s20, s10, $0xb8;
	[tilespmem:$0x1D800] =	vst v63  }
0x65: {  	s29 =	sadd.s32 $0x380, s18;
	s30 =	sadd.s32 $0x155CC, s28  }
0x66: {  	[tilespmem:s29], [sflag:$0x1] =	stream.indirect.gather [hbm4b:s30+s10], $0x1, s20, s10, $0xb8;
	[tilespmem:$0x1D800] =	vst v63  }
0x67: {  	s29 =	sadd.s32 $0x400, s18;
	s30 =	sadd.s32 $0x186A0, s28  }
0x68: {  	[tilespmem:s29], [sflag:$0x1] =	stream.indirect.gather [hbm4b:s30+s10], $0x1, s20, s10, $0xb8;
	[tilespmem:$0x1D800] =	vst v63  }
0x69: {  	s29 =	sadd.s32 $0x480, s18;
	s30 =	sadd.s32 $0x1B774, s28  }
0x6a: {  	[tilespmem:s29], [sflag:$0x1] =	stream.indirect.gather [hbm4b:s30+s10], $0x1, s20, s10, $0xb8;
	[tilespmem:$0x1D800] =	vst v63  }
0x6b: {  	s29 =	sadd.s32 $0x500, s18;
	s30 =	sadd.s32 $0x1E848, s28  }
0x6c: {  	[tilespmem:s29], [sflag:$0x1] =	stream.indirect.gather [hbm4b:s30+s10], $0x1, s20, s10, $0xb8;
	[tilespmem:$0x1D800] =	vst v63  }
0x6d: {  	s29 =	sadd.s32 $0x580, s18;
	s30 =	sadd.s32 $0x2191C, s28  }
0x6e: {  	[tilespmem:s29], [sflag:$0x1] =	stream.indirect.gather [hbm4b:s30+s10], $0x1, s20, s10, $0xb8;
	[tilespmem:$0x1D800] =	vst v63  }
0x6f: {  	s29 =	sadd.s32 $0x600, s18;
	s30 =	sadd.s32 $0x249F0, s28  }
0x70: {  	[tilespmem:s29], [sflag:$0x1] =	stream.indirect.gather [hbm4b:s30+s10], $0x1, s20, s10, $0xb8;
	[tilespmem:$0x1D800] =	vst v63  }
0x71: {  	s29 =	sadd.s32 $0x680, s18;
	s30 =	sadd.s32 $0x27AC4, s28  }
0x72: {  	[tilespmem:s29], [sflag:$0x1] =	stream.indirect.gather [hbm4b:s30+s10], $0x1, s20, s10, $0xb8;
	[tilespmem:$0x1D800] =	vst v63  }
0x73: {  	s29 =	sadd.s32 $0x700, s18;
	s30 =	sadd.s32 $0x2AB98, s28  }
0x74: {  	[tilespmem:s29], [sflag:$0x1] =	stream.indirect.gather [hbm4b:s30+s10], $0x1, s20, s10, $0xb8;
	[tilespmem:$0x1D800] =	vst v63  }
0x75: {  	s29 =	sadd.s32 $0x780, s18;
	s30 =	sadd.s32 $0x2DC6C, s28  }
0x76: {  	[tilespmem:s29], [sflag:$0x1] =	stream.indirect.gather [hbm4b:s30+s10], $0x1, s20, s10, $0xb8;
	[tilespmem:$0x1D800] =	vst v63  }
0x77: {  	s29 =	sadd.s32 $0x800, s18;
	s30 =	sadd.s32 $0x30D40, s28  }
0x78: {  	[tilespmem:s29], [sflag:$0x1] =	stream.indirect.gather [hbm4b:s30+s10], $0x1, s20, s10, $0xb8;
	[tilespmem:$0x1D800] =	vst v63  }
0x79: {  	s29 =	sadd.s32 $0x880, s18;
	s30 =	sadd.s32 $0x33E14, s28  }
0x7a: {  	[tilespmem:s29], [sflag:$0x1] =	stream.indirect.gather [hbm4b:s30+s10], $0x1, s20, s10, $0xb8;
	[tilespmem:$0x1D800] =	vst v63  }
0x7b: {  	s29 =	sadd.s32 $0x900, s18;
	s30 =	sadd.s32 $0x36EE8, s28  }
0x7c: {  	[tilespmem:s29], [sflag:$0x1] =	stream.indirect.gather [hbm4b:s30+s10], $0x1, s20, s10, $0xb8;
	[tilespmem:$0x1D800] =	vst v63  }
0x7d: {  	s29 =	sadd.s32 $0x980, s18;
	s30 =	sadd.s32 $0x39FBC, s28  }
0x7e: {  	[tilespmem:s29], [sflag:$0x1] =	stream.indirect.gather [hbm4b:s30+s10], $0x1, s20, s10, $0xb8;
	[tilespmem:$0x1D800] =	vst v63  }
0x7f: {  	s29 =	sadd.s32 $0xA00, s18;
	s30 =	sadd.s32 $0x3D090, s28  }
0x80: {  	[tilespmem:s29], [sflag:$0x1] =	stream.indirect.gather [hbm4b:s30+s10], $0x1, s20, s10, $0xb8;
	[tilespmem:$0x1D800] =	vst v63  }
0x81: {  	s31 =	smov.u32 s25;
	s29 =	sadd.s32 $0xA80, s18;
	s30 =	sadd.s32 $0x40164, s28  }
0x82: {  	[tilespmem:s29], [sflag:$0x1] =	stream.indirect.gather [hbm4b:s30+s10], $0x1, s20, s10, $0xb8;
	[tilespmem:$0x1D800] =	vst v63  }
0x83: {  	s26 =	smov.u32 s18;
	s29 =	sadd.s32 $0xB00, s18;
	s30 =	sadd.s32 $0x43238, s28  }
0x84: {  	[tilespmem:s29], [sflag:$0x1] =	stream.indirect.gather [hbm4b:s30+s10], $0x1, s20, s10, $0xb8;
	[tilespmem:$0x1D800] =	vst v63  }
0x85: {  	s23 =	smov.u32 s19;
	s29 =	sadd.s32 $0xB80, s18;
	s30 =	sadd.s32 $0x4630C, s28  }
0x86: {  	[tilespmem:s29], [sflag:$0x1] =	stream.indirect.gather [hbm4b:s30+s10], $0x1, s20, s10, $0xb8;
	[tilespmem:$0x1D800] =	vst v63  }
0x87: {  	p0 =	sne.s32 s25, $0x989680;
	s29 =	sadd.s32 $0xC00, s18;
	s30 =	sadd.s32 $0x493E0, s28  }
0x88: {  	[tilespmem:s29], [sflag:$0x1] =	stream.indirect.gather [hbm4b:s30+s10], $0x1, s20, s10, $0xb8;
	[tilespmem:$0x1D800] =	vst v63  }
0x89: {  	s25 =	sadd.s32 $0x61A80, s25;
	s29 =	sadd.s32 $0xC80, s18;
	s30 =	sadd.s32 $0x4C4B4, s28  }
0x8a: {  	[tilespmem:s29], [sflag:$0x1] =	stream.indirect.gather [hbm4b:s30+s10], $0x1, s20, s10, $0xb8;
	[tilespmem:$0x1D800] =	vst v63  }
0x8b: {  	s22 =	smov.u32 s21;
	s29 =	sadd.s32 $0xD00, s18;
	s30 =	sadd.s32 $0x4F588, s28  }
0x8c: {  	[tilespmem:s29], [sflag:$0x1] =	stream.indirect.gather [hbm4b:s30+s10], $0x1, s20, s10, $0xb8;
	[tilespmem:$0x1D800] =	vst v63  }
0x8d: {  	s19 =	sadd.s32 $0x80, s19;
	s29 =	sadd.s32 $0xD80, s18;
	s30 =	sadd.s32 $0x5265C, s28  }
0x8e: {  	[tilespmem:s29], [sflag:$0x1] =	stream.indirect.gather [hbm4b:s30+s10], $0x1, s20, s10, $0xb8;
	[tilespmem:$0x1D800] =	vst v63  }
0x8f: {  	s21 =	sadd.s32 $0x80, s21;
	s29 =	sadd.s32 $0xE00, s26;
	s30 =	sadd.s32 $0x55730, s28  }
0x90: {  	[tilespmem:s29], [sflag:$0x1] =	stream.indirect.gather [hbm4b:s30+s10], $0x1, s20, s10, $0xb8;
	[tilespmem:$0x1D800] =	vst v63  }
0x91: {  	s24 =	smov.u32 s31;
	s31 =	sadd.s32 $0x58804, s28;
	s30 =	sadd.s32 $0xE80, s26  }
0x92: {  	[tilespmem:s30], [sflag:$0x1] =	stream.indirect.gather [hbm4b:s31+s10], $0x1, s20, s10, $0xb8;
	[tilespmem:$0x1D800] =	vst v63  }
.Ltmp0:
0x93: {  	s30 =	sadd.s32 $0xF00, s26;
	s31 =	sadd.s32 $0x5B8D8, s28;
	(pc) =	sbr.rel @p0 .LBB2_2-.Ltmp0, $4  }
0x94: {  	[tilespmem:s30], [sflag:$0x1] =	stream.indirect.gather [hbm4b:s31+s10], $0x1, s20, s10, $0xb8;
	[tilespmem:$0x1D800] =	vst v63  }
0x95: {  	s29 =	rddreg [dreg:$0x4];
	s26 =	sadd.s32 $0xF80, s26;
	s28 =	sadd.s32 $0x5E9AC, s28  }
0x96: {  	[tilespmem:s26], [sflag:$0x1] =	stream.indirect.gather [hbm4b:s28+s10], $0x1, s20, s10, $0xb8;
	[tilespmem:$0x1D800] =	vst v63  }
0x97: {  	s18 =	sadd.s32 $0x1000, s18;
	s30 =	rddreg [dreg:$0x3];
	s20 =	sadd.s32 $0x80, s20  }
0x98: {  	[tilespmem:s23], [sflag:$0x2] =	stream.indirect.gather [hbm4b:s29+s10], $0x1, s22, s10, $0xb8;
	[tilespmem:$0x1D800] =	vst v63  }
0x99: {  	s22 =	sadd.s32 s24, s30  }
0x9a: {  	[tilespmem:s18], [sflag:$0x1] =	stream.indirect.gather [hbm4b:s22+s10], $0x1, s20, s10, $0xb8;
	[tilespmem:$0x1D800] =	vst v63  }
0x9b: {  	s31 =	sadd.s32 $0x80, s18;
	s24 =	sadd.s32 $0x30D4, s22  }
0x9c: {  	[tilespmem:s31], [sflag:$0x1] =	stream.indirect.gather [hbm4b:s24+s10], $0x1, s20, s10, $0xb8;
	[tilespmem:$0x1D800] =	vst v63  }
0x9d: {  	s25 =	sadd.s32 $0x100, s18;
	s26 =	sadd.s32 $0x61A8, s22  }
0x9e: {  	[tilespmem:s25], [sflag:$0x1] =	stream.indirect.gather [hbm4b:s26+s10], $0x1, s20, s10, $0xb8;
	[tilespmem:$0x1D800] =	vst v63  }
0x9f: {  	s28 =	sadd.s32 $0x180, s18;
	s29 =	sadd.s32 $0x927C, s22  }
0xa0: {  	[tilespmem:s28], [sflag:$0x1] =	stream.indirect.gather [hbm4b:s29+s10], $0x1, s20, s10, $0xb8;
	[tilespmem:$0x1D800] =	vst v63  }
0xa1: {  	s30 =	sadd.s32 $0x200, s18;
	s31 =	sadd.s32 $0xC350, s22  }
0xa2: {  	[tilespmem:s30], [sflag:$0x1] =	stream.indirect.gather [hbm4b:s31+s10], $0x1, s20, s10, $0xb8;
	[tilespmem:$0x1D800] =	vst v63  }
0xa3: {  	s25 =	sadd.s32 $0x280, s18;
	s26 =	sadd.s32 $0xF424, s22  }
0xa4: {  	[tilespmem:s25], [sflag:$0x1] =	stream.indirect.gather [hbm4b:s26+s10], $0x1, s20, s10, $0xb8;
	[tilespmem:$0x1D800] =	vst v63  }
0xa5: {  	s28 =	sadd.s32 $0x300, s18;
	s29 =	sadd.s32 $0x124F8, s22  }
0xa6: {  	[tilespmem:s28], [sflag:$0x1] =	stream.indirect.gather [hbm4b:s29+s10], $0x1, s20, s10, $0xb8;
	[tilespmem:$0x1D800] =	vst v63  }
0xa7: {  	s30 =	sadd.s32 $0x380, s18;
	s31 =	sadd.s32 $0x155CC, s22  }
0xa8: {  	[tilespmem:s30], [sflag:$0x1] =	stream.indirect.gather [hbm4b:s31+s10], $0x1, s20, s10, $0xb8;
	[tilespmem:$0x1D800] =	vst v63  }
0xa9: {  	s25 =	sadd.s32 $0x400, s18;
	s26 =	sadd.s32 $0x186A0, s22  }
0xaa: {  	[tilespmem:s25], [sflag:$0x1] =	stream.indirect.gather [hbm4b:s26+s10], $0x1, s20, s10, $0xb8;
	[tilespmem:$0x1D800] =	vst v63  }
0xab: {  	s28 =	sadd.s32 $0x480, s18;
	s29 =	sadd.s32 $0x1B774, s22  }
0xac: {  	[tilespmem:s28], [sflag:$0x1] =	stream.indirect.gather [hbm4b:s29+s10], $0x1, s20, s10, $0xb8;
	[tilespmem:$0x1D800] =	vst v63  }
0xad: {  	s30 =	sadd.s32 $0x500, s18;
	s31 =	sadd.s32 $0x1E848, s22  }
0xae: {  	[tilespmem:s30], [sflag:$0x1] =	stream.indirect.gather [hbm4b:s31+s10], $0x1, s20, s10, $0xb8;
	[tilespmem:$0x1D800] =	vst v63  }
0xaf: {  	s25 =	sadd.s32 $0x580, s18;
	s26 =	sadd.s32 $0x2191C, s22  }
0xb0: {  	[tilespmem:s25], [sflag:$0x1] =	stream.indirect.gather [hbm4b:s26+s10], $0x1, s20, s10, $0xb8;
	[tilespmem:$0x1D800] =	vst v63  }
0xb1: {  	s28 =	sadd.s32 $0x600, s18;
	s29 =	sadd.s32 $0x249F0, s22  }
0xb2: {  	[tilespmem:s28], [sflag:$0x1] =	stream.indirect.gather [hbm4b:s29+s10], $0x1, s20, s10, $0xb8;
	[tilespmem:$0x1D800] =	vst v63  }
0xb3: {  	s30 =	sadd.s32 $0x680, s18;
	s31 =	sadd.s32 $0x27AC4, s22  }
0xb4: {  	[tilespmem:s30], [sflag:$0x1] =	stream.indirect.gather [hbm4b:s31+s10], $0x1, s20, s10, $0xb8;
	[tilespmem:$0x1D800] =	vst v63  }
0xb5: {  	s25 =	sadd.s32 $0x700, s18;
	s26 =	sadd.s32 $0x2AB98, s22  }
0xb6: {  	[tilespmem:s25], [sflag:$0x1] =	stream.indirect.gather [hbm4b:s26+s10], $0x1, s20, s10, $0xb8;
	[tilespmem:$0x1D800] =	vst v63  }
0xb7: {  	s28 =	sadd.s32 $0x780, s18;
	s29 =	sadd.s32 $0x2DC6C, s22  }
0xb8: {  	[tilespmem:s28], [sflag:$0x1] =	stream.indirect.gather [hbm4b:s29+s10], $0x1, s20, s10, $0xb8;
	[tilespmem:$0x1D800] =	vst v63  }
0xb9: {  	s30 =	sadd.s32 $0x800, s18;
	s31 =	sadd.s32 $0x30D40, s22  }
0xba: {  	[tilespmem:s30], [sflag:$0x1] =	stream.indirect.gather [hbm4b:s31+s10], $0x1, s20, s10, $0xb8;
	[tilespmem:$0x1D800] =	vst v63  }
0xbb: {  	s25 =	sadd.s32 $0x880, s18;
	s26 =	sadd.s32 $0x33E14, s22  }
0xbc: {  	[tilespmem:s25], [sflag:$0x1] =	stream.indirect.gather [hbm4b:s26+s10], $0x1, s20, s10, $0xb8;
	[tilespmem:$0x1D800] =	vst v63  }
0xbd: {  	s28 =	sadd.s32 $0x900, s18;
	s29 =	sadd.s32 $0x36EE8, s22  }
0xbe: {  	[tilespmem:s28], [sflag:$0x1] =	stream.indirect.gather [hbm4b:s29+s10], $0x1, s20, s10, $0xb8;
	[tilespmem:$0x1D800] =	vst v63  }
0xbf: {  	s30 =	sadd.s32 $0x980, s18;
	s31 =	sadd.s32 $0x39FBC, s22  }
0xc0: {  	[tilespmem:s30], [sflag:$0x1] =	stream.indirect.gather [hbm4b:s31+s10], $0x1, s20, s10, $0xb8;
	[tilespmem:$0x1D800] =	vst v63  }
0xc1: {  	s25 =	sadd.s32 $0xA00, s18;
	s26 =	sadd.s32 $0x3D090, s22  }
0xc2: {  	[tilespmem:s25], [sflag:$0x1] =	stream.indirect.gather [hbm4b:s26+s10], $0x1, s20, s10, $0xb8;
	[tilespmem:$0x1D800] =	vst v63  }
0xc3: {  	s28 =	sadd.s32 $0xA80, s18;
	s29 =	sadd.s32 $0x40164, s22  }
0xc4: {  	[tilespmem:s28], [sflag:$0x1] =	stream.indirect.gather [hbm4b:s29+s10], $0x1, s20, s10, $0xb8;
	[tilespmem:$0x1D800] =	vst v63  }
0xc5: {  	s30 =	sadd.s32 $0xB00, s18;
	s31 =	sadd.s32 $0x43238, s22  }
0xc6: {  	[tilespmem:s30], [sflag:$0x1] =	stream.indirect.gather [hbm4b:s31+s10], $0x1, s20, s10, $0xb8;
	[tilespmem:$0x1D800] =	vst v63  }
0xc7: {  	s25 =	sadd.s32 $0xB80, s18;
	s26 =	sadd.s32 $0x4630C, s22  }
0xc8: {  	[tilespmem:s25], [sflag:$0x1] =	stream.indirect.gather [hbm4b:s26+s10], $0x1, s20, s10, $0xb8;
	[tilespmem:$0x1D800] =	vst v63  }
0xc9: {  	s28 =	sadd.s32 $0xC00, s18;
	s29 =	sadd.s32 $0x493E0, s22  }
0xca: {  	[tilespmem:s28], [sflag:$0x1] =	stream.indirect.gather [hbm4b:s29+s10], $0x1, s20, s10, $0xb8;
	[tilespmem:$0x1D800] =	vst v63  }
0xcb: {  	s30 =	sadd.s32 $0xC80, s18;
	s31 =	sadd.s32 $0x4C4B4, s22  }
0xcc: {  	[tilespmem:s30], [sflag:$0x1] =	stream.indirect.gather [hbm4b:s31+s10], $0x1, s20, s10, $0xb8;
	[tilespmem:$0x1D800] =	vst v63  }
0xcd: {  	s25 =	sadd.s32 $0xD00, s18;
	s26 =	sadd.s32 $0x4F588, s22  }
0xce: {  	[tilespmem:s25], [sflag:$0x1] =	stream.indirect.gather [hbm4b:s26+s10], $0x1, s20, s10, $0xb8;
	[tilespmem:$0x1D800] =	vst v63  }
0xcf: {  	s28 =	sadd.s32 $0xD80, s18;
	s29 =	sadd.s32 $0x5265C, s22  }
0xd0: {  	[tilespmem:s28], [sflag:$0x1] =	stream.indirect.gather [hbm4b:s29+s10], $0x1, s20, s10, $0xb8;
	[tilespmem:$0x1D800] =	vst v63  }
0xd1: {  	s30 =	sadd.s32 $0xE00, s18;
	s31 =	sadd.s32 $0x55730, s22  }
0xd2: {  	[tilespmem:s30], [sflag:$0x1] =	stream.indirect.gather [hbm4b:s31+s10], $0x1, s20, s10, $0xb8;
	[tilespmem:$0x1D800] =	vst v63  }
0xd3: {  	s25 =	sadd.s32 $0xE80, s18;
	s26 =	sadd.s32 $0x58804, s22  }
0xd4: {  	[tilespmem:s25], [sflag:$0x1] =	stream.indirect.gather [hbm4b:s26+s10], $0x1, s20, s10, $0xb8;
	[tilespmem:$0x1D800] =	vst v63  }
0xd5: {  	s28 =	sadd.s32 $0xF00, s18;
	s29 =	sadd.s32 $0x5B8D8, s22  }
0xd6: {  	[tilespmem:s28], [sflag:$0x1] =	stream.indirect.gather [hbm4b:s29+s10], $0x1, s20, s10, $0xb8;
	[tilespmem:$0x1D800] =	vst v63  }
0xd7: {  	s22 =	sadd.s32 $0x5E9AC, s22;
	s31 =	sadd.s32 $0xF80, s18  }
0xd8: {  	[tilespmem:s31], [sflag:$0x1] =	stream.indirect.gather [hbm4b:s22+s10], $0x1, s20, s10, $0xb8;
	[tilespmem:$0x1D800] =	vst v63  }
0xd9: {  	s30 =	rddreg [dreg:$0x4]  }
0xda: {  	[tilespmem:s19], [sflag:$0x2] =	stream.indirect.gather [hbm4b:s30+s10], $0x1, s21, s10, $0xb8;
	[tilespmem:$0x1D800] =	vst v63  }
0xdb: {  	_ =	swait.ge [sflag:s11], $0x1A000  }
0xdc: {  	[sflag:s11] =	ssyncset.done $0x0  }
0xdd: {  	[sflag:s11] =	ssyncadd.s32 $0xFFFE6000  }
0xde: {  	_ =	swait.ge [sflag:s12], $0x80  }
0xdf: {  	[sflag:s12] =	ssyncset.done $0x0  }
0xe0: {  	[sflag:s12] =	ssyncadd.s32 $0xFFFFFF80  }
0xe1: {  	_ =	swait.ge [sflag:s12], $0x80  }
0xe2: {  	[sflag:s12] =	ssyncset.done $0x0  }
0xe3: {  	[sflag:s12] =	ssyncadd.s32 $0xFFFFFF80  }
0xe4: {  	_ =	swait.ge [sflag:s12], $0x80  }
0xe5: {  	[sflag:s12] =	ssyncset.done $0x0  }
0xe6: {  	[sflag:s12] =	ssyncadd.s32 $0xFFFFFF80  }
0xe7: {  	_ =	swait.ge [sflag:s12], $0x80  }
0xe8: {  	[sflag:s12] =	ssyncset.done $0x0  }
0xe9: {  	[sflag:s12] =	ssyncadd.s32 $0xFFFFFF80  }
0xea: {  	_ =	swait.ge [sflag:s12], $0x80  }
0xeb: {  	[sflag:s12] =	ssyncset.done $0x0  }
0xec: {  	[sflag:s12] =	ssyncadd.s32 $0xFFFFFF80  }
0xed: {  	_ =	swait.ge [sflag:s12], $0x80  }
0xee: {  	[sflag:s12] =	ssyncset.done $0x0  }
0xef: {  	[sflag:s12] =	ssyncadd.s32 $0xFFFFFF80  }
0xf0: {  	_ =	swait.ge [sflag:s12], $0x80  }
0xf1: {  	[sflag:s12] =	ssyncset.done $0x0  }
0xf2: {  	[sflag:s12] =	ssyncadd.s32 $0xFFFFFF80  }
0xf3: {  	_ =	swait.ge [sflag:s12], $0x80  }
0xf4: {  	[sflag:s12] =	ssyncset.done $0x0  }
0xf5: {  	[sflag:s12] =	ssyncadd.s32 $0xFFFFFF80  }
0xf6: {  	_ =	swait.ge [sflag:s12], $0x80  }
0xf7: {  	[sflag:s12] =	ssyncset.done $0x0  }
0xf8: {  	[sflag:s12] =	ssyncadd.s32 $0xFFFFFF80  }
0xf9: {  	_ =	swait.ge [sflag:s12], $0x80  }
0xfa: {  	[sflag:s12] =	ssyncset.done $0x0  }
0xfb: {  	[sflag:s12] =	ssyncadd.s32 $0xFFFFFF80  }
0xfc: {  	_ =	swait.ge [sflag:s12], $0x80  }
0xfd: {  	[sflag:s12] =	ssyncset.done $0x0  }
0xfe: {  	[sflag:s12] =	ssyncadd.s32 $0xFFFFFF80  }
0xff: {  	_ =	swait.ge [sflag:s12], $0x80  }
0x100: {  	[sflag:s12] =	ssyncset.done $0x0  }
0x101: {  	[sflag:s12] =	ssyncadd.s32 $0xFFFFFF80  }
0x102: {  	_ =	swait.ge [sflag:s12], $0x80  }
0x103: {  	[sflag:s12] =	ssyncset.done $0x0  }
0x104: {  	[sflag:s12] =	ssyncadd.s32 $0xFFFFFF80  }
0x105: {  	_ =	swait.ge [sflag:s12], $0x80  }
0x106: {  	[sflag:s12] =	ssyncset.done $0x0  }
0x107: {  	[sflag:s12] =	ssyncadd.s32 $0xFFFFFF80  }
0x108: {  	_ =	swait.ge [sflag:s12], $0x80  }
0x109: {  	[sflag:s12] =	ssyncset.done $0x0  }
0x10a: {  	[sflag:s12] =	ssyncadd.s32 $0xFFFFFF80  }
0x10b: {  	_ =	swait.ge [sflag:s12], $0x80  }
0x10c: {  	[sflag:s12] =	ssyncset.done $0x0  }
0x10d: {  	[sflag:s12] =	ssyncadd.s32 $0xFFFFFF80  }
0x10e: {  	_ =	swait.ge [sflag:s12], $0x80  }
0x10f: {  	[sflag:s12] =	ssyncset.done $0x0  }
0x110: {  	[sflag:s12] =	ssyncadd.s32 $0xFFFFFF80  }
0x111: {  	_ =	swait.ge [sflag:s12], $0x80  }
0x112: {  	[sflag:s12] =	ssyncset.done $0x0  }
0x113: {  	[sflag:s12] =	ssyncadd.s32 $0xFFFFFF80  }
0x114: {  	_ =	swait.ge [sflag:s12], $0x80  }
0x115: {  	[sflag:s12] =	ssyncset.done $0x0  }
0x116: {  	[sflag:s12] =	ssyncadd.s32 $0xFFFFFF80  }
0x117: {  	_ =	swait.ge [sflag:s12], $0x80  }
0x118: {  	[sflag:s12] =	ssyncset.done $0x0  }
0x119: {  	[sflag:s12] =	ssyncadd.s32 $0xFFFFFF80  }
0x11a: {  	_ =	swait.ge [sflag:s12], $0x80  }
0x11b: {  	[sflag:s12] =	ssyncset.done $0x0  }
0x11c: {  	[sflag:s12] =	ssyncadd.s32 $0xFFFFFF80  }
0x11d: {  	_ =	swait.ge [sflag:s12], $0x80  }
0x11e: {  	[sflag:s12] =	ssyncset.done $0x0  }
0x11f: {  	[sflag:s12] =	ssyncadd.s32 $0xFFFFFF80  }
0x120: {  	_ =	swait.ge [sflag:s12], $0x80  }
0x121: {  	[sflag:s12] =	ssyncset.done $0x0  }
0x122: {  	[sflag:s12] =	ssyncadd.s32 $0xFFFFFF80  }
0x123: {  	_ =	swait.ge [sflag:s12], $0x80  }
0x124: {  	[sflag:s12] =	ssyncset.done $0x0  }
0x125: {  	[sflag:s12] =	ssyncadd.s32 $0xFFFFFF80  }
0x126: {  	_ =	swait.ge [sflag:s12], $0x80  }
0x127: {  	[sflag:s12] =	ssyncset.done $0x0  }
0x128: {  	[sflag:s12] =	ssyncadd.s32 $0xFFFFFF80  }
0x129: {  	_ =	swait.ge [sflag:s12], $0x80  }
0x12a: {  	[sflag:s12] =	ssyncset.done $0x0  }
0x12b: {  	[sflag:s12] =	ssyncadd.s32 $0xFFFFFF80  }
0x12c: {  	v39 =	vld [tilespmem:$0x1BA00]  }
0x12d: {  	v2 =	vld [tilespmem:$0x1BA80]  }
0x12e: {  	v38 =	vld [tilespmem:$0x1BB00]  }
0x12f: {  	v43 =	vld [tilespmem:$0x1BB80]  }
0x130: {  	v46 =	vld [tilespmem:$0x1BC00]  }
0x131: {  	v51 =	vld [tilespmem:$0x1BC80]  }
0x132: {  	v55 =	vld [tilespmem:$0x1BD00]  }
0x133: {  	v59 =	vld [tilespmem:$0x1BD80]  }
0x134: {  	v62 =	vld [tilespmem:$0x1BE00]  }
0x135: {  	v0 =	vld [tilespmem:$0x1BE80]  }
0x136: {  	v40 =	vld [tilespmem:$0x1BF00]  }
0x137: {  	v41 =	vld [tilespmem:$0x1BF80]  }
0x138: {  	v42 =	vld [tilespmem:$0x1C000]  }
0x139: {  	v44 =	vld [tilespmem:$0x1C080]  }
0x13a: {  	v45 =	vld [tilespmem:$0x1C100]  }
0x13b: {  	v47 =	vld [tilespmem:$0x1C180]  }
0x13c: {  	v48 =	vld [tilespmem:$0x1C200]  }
0x13d: {  	v49 =	vld [tilespmem:$0x1C280]  }
0x13e: {  	v50 =	vld [tilespmem:$0x1C300]  }
0x13f: {  	v52 =	vld [tilespmem:$0x1C380]  }
0x140: {  	v53 =	vld [tilespmem:$0x1C400]  }
0x141: {  	v54 =	vld [tilespmem:$0x1C480]  }
0x142: {  	v56 =	vld [tilespmem:$0x1C500]  }
0x143: {  	v57 =	vld [tilespmem:$0x1C580]  }
0x144: {  	v58 =	vld [tilespmem:$0x1C600]  }
0x145: {  	v60 =	vld [tilespmem:$0x1C680]  }
0x146: {  	v29 =	vld [tilespmem:$0x1BA10]  }
0x147: {  	v31 =	vld [tilespmem:$0x1BA90]  }
0x148: {  	v17 =	vld [tilespmem:$0x1BB10]  }
0x149: {  	v21 =	vld [tilespmem:$0x1BB90]  }
0x14a: {  	v25 =	vld [tilespmem:$0x1BC10]  }
0x14b: {  	v28 =	vld [tilespmem:$0x1BC90]  }
0x14c: {  	v33 =	vld [tilespmem:$0x1BD10]  }
0x14d: {  	v61 =	vld [tilespmem:$0x1C090]  }
0x14e: {  	v63 =	vld [tilespmem:$0x1C110]  }
0x14f: {  	v4 =	vld [tilespmem:$0x1C190]  }
0x150: {  	v5 =	vld [tilespmem:$0x1C210]  }
0x151: {  	v6 =	vld [tilespmem:$0x1C290]  }
0x152: {  	v7 =	vld [tilespmem:$0x1C310]  }
0x153: {  	v8 =	vld [tilespmem:$0x1C390]  }
0x154: {  	v9 =	vld [tilespmem:$0x1C410]  }
0x155: {  	v10 =	vld [tilespmem:$0x1C490]  }
0x156: {  	v11 =	vld [tilespmem:$0x1C510]  }
0x157: {  	v12 =	vld [tilespmem:$0x1C590]  }
0x158: {  	v13 =	vld [tilespmem:$0x1C610]  }
0x159: {  	v14 =	vld [tilespmem:$0x1C690]  }
0x15a: {  	v34 =	vld [tilespmem:$0x1BA20]  }
0x15b: {  	v22 =	vld [tilespmem:$0x1BAA0]  }
0x15c: {  	v20 =	vld [tilespmem:$0x1BB20]  }
0x15d: {  	v16 =	vld [tilespmem:$0x1BD20]  }
0x15e: {  	v19 =	vld [tilespmem:$0x1BDA0]  }
0x15f: {  	v24 =	vld [tilespmem:$0x1BE20]  }
0x160: {  	v27 =	vld [tilespmem:$0x1BEA0]  }
0x161: {  	v32 =	vld [tilespmem:$0x1BF20]  }
0x162: {  	v37 =	vld [tilespmem:$0x1BFA0]  }
0x163: {  	v15 =	vld [tilespmem:$0x1C320]  }
0x164: {  	v18 =	vld [tilespmem:$0x1C3A0]  }
0x165: {  	v23 =	vld [tilespmem:$0x1C420]  }
0x166: {  	v26 =	vld [tilespmem:$0x1C4A0]  }
0x167: {  	v30 =	vld [tilespmem:$0x1C520]  }
0x168: {  	v35 =	vld [tilespmem:$0x1C5A0]  }
0x169: {  	v36 =	vld [tilespmem:$0x1C620]  }
0x16a: {  	v3 =	vld [tilespmem:$0x1BAB0]  }
0x16b: {  	[tilespmem:$0x1FCC0] =	vst v40;
	v40 =	vld [tilespmem:$0x1BD90]  }
0x16c: {  	[tilespmem:$0x1FCF0] =	vst v44;
	v44 =	vld [tilespmem:$0x1BE10]  }
0x16d: {  	[tilespmem:$0x1FD50] =	vst v48;
	v48 =	vld [tilespmem:$0x1BE90]  }
0x16e: {  	[tilespmem:$0x1FDE0] =	vst v53;
	v53 =	vld [tilespmem:$0x1BF10]  }
0x16f: {  	[tilespmem:$0x1FE40] =	vst v56;
	v56 =	vld [tilespmem:$0x1BF90]  }
0x170: {  	[tilespmem:$0x1FEF0] =	vst v60;
	v60 =	vld [tilespmem:$0x1C010]  }
0x171: {  	[tilespmem:$0x1FE30] =	vst v10;
	v10 =	vld [tilespmem:$0x1BBA0]  }
0x172: {  	[tilespmem:$0x1FE90] =	vst v12;
	v12 =	vld [tilespmem:$0x1BC20]  }
0x173: {  	[tilespmem:$0x1FF10] =	vst v14;
	v14 =	vld [tilespmem:$0x1BCA0]  }
0x174: {  	[tilespmem:$0x1FCE0] =	vst v42;
	v42 =	vld [tilespmem:$0x1C020]  }
0x175: {  	[tilespmem:$0x1FD30] =	vst v47;
	v47 =	vld [tilespmem:$0x1C0A0]  }
0x176: {  	[tilespmem:$0x1FD90] =	vst v50;
	v50 =	vld [tilespmem:$0x1C120]  }
0x177: {  	[tilespmem:$0x1FE10] =	vst v54;
	v54 =	vld [tilespmem:$0x1C1A0]  }
0x178: {  	[tilespmem:$0x1FEB0] =	vst v58;
	v58 =	vld [tilespmem:$0x1C220]  }
0x179: {  	[tilespmem:$0x1FD20] =	vst v63;
	v63 =	vld [tilespmem:$0x1C2A0]  }
0x17a: {  	[tilespmem:$0x1FCD0] =	vst v41;
	v41 =	vld [tilespmem:$0x1C6A0]  }
0x17b: {  	[tilespmem:$0x1FF00] =	vst v36;
	v36 =	vld [tilespmem:$0x1BA30]  }
0x17c: {  	[tilespmem:$0x1FD40] =	vst v4;
	v4 =	vld [tilespmem:$0x1BB30]  }
0x17d: {  	[tilespmem:$0x1FD60] =	vst v5;
	v5 =	vld [tilespmem:$0x1BBB0]  }
0x17e: {  	[tilespmem:$0x1FD80] =	vst v6;
	v6 =	vld [tilespmem:$0x1BC30]  }
0x17f: {  	[tilespmem:$0x1FDA0] =	vst v7;
	v7 =	vld [tilespmem:$0x1BCB0]  }
0x180: {  	[tilespmem:$0x1FDD0] =	vst v8;
	v8 =	vld [tilespmem:$0x1BD30]  }
0x181: {  	[tilespmem:$0x1FE00] =	vst v9;
	v9 =	vld [tilespmem:$0x1BDB0]  }
0x182: {  	[tilespmem:$0x1FE60] =	vst v11;
	v11 =	vld [tilespmem:$0x1BE30]  }
0x183: {  	[tilespmem:$0x1FED0] =	vst v13;
	v13 =	vld [tilespmem:$0x1BEB0]  }
0x184: {  	[tilespmem:$0x1FDC0] =	vst v15;
	v15 =	vld [tilespmem:$0x1BF30]  }
0x185: {  	[tilespmem:$0x1FDF0] =	vst v18;
	v18 =	vld [tilespmem:$0x1BFB0]  }
0x186: {  	[tilespmem:$0x1FE20] =	vst v23;
	v23 =	vld [tilespmem:$0x1C030]  }
0x187: {  	[tilespmem:$0x1FE50] =	vst v26;
	v26 =	vld [tilespmem:$0x1C0B0]  }
0x188: {  	[tilespmem:$0x1FE80] =	vst v30;
	v30 =	vld [tilespmem:$0x1C130]  }
0x189: {  	[tilespmem:$0x1FEC0] =	vst v35;
	v35 =	vld [tilespmem:$0x1C1B0]  }
0x18a: {  	[tilespmem:$0x1FD10] =	vst v45;
	v45 =	vld [tilespmem:$0x1C2B0]  }
0x18b: {  	[tilespmem:$0x1FD70] =	vst v49;
	v49 =	vld [tilespmem:$0x1C330]  }
0x18c: {  	[tilespmem:$0x1FDB0] =	vst v52;
	v52 =	vld [tilespmem:$0x1C3B0]  }
0x18d: {  	[tilespmem:$0x1FE70] =	vst v57;
	v57 =	vld [tilespmem:$0x1C430];
	v1 =	vadd.f32 $0.0e+00, v29  }
0x18e: {  	[tilespmem:$0x1FCB0] =	vst v0;
	v0 =	vld [tilespmem:$0x1C530]  }
0x18f: {  	[tilespmem:$0x1FD00] =	vst v61;
	v61 =	vld [tilespmem:$0x1C4B0];
	v1 =	vadd.f32 v31, v1  }
0x190: {  	v29 =	vld [tilespmem:$0x1BC40]  }
0x191: {  	v1 =	vadd.f32 v17, v1;
	v17 =	vld [tilespmem:$0x1C3C0]  }
0x192: {  	[tilespmem:$0x1FF30] =	vst v41;
	v41 =	vld [tilespmem:$0x1C230]  }
0x193: {  	[tilespmem:$0x1FEA0] =	vst v0;
	v0 =	vld [tilespmem:$0x1C5B0]  }
0x194: {  	v31 =	vadd.f32 $0.0e+00, v36;
	v36 =	vld [tilespmem:$0x1BD40]  }
0x195: {  	v1 =	vadd.f32 v21, v1;
	v21 =	vld [tilespmem:$0x1BF40]  }
0x196: {  	v3 =	vadd.f32 v3, v31;
	v31 =	vld [tilespmem:$0x1BE40]  }
0x197: {  	v1 =	vadd.f32 v25, v1;
	v25 =	vld [tilespmem:$0x1FCC0]  }
0x198: {  	v3 =	vadd.f32 v4, v3;
	[tilespmem:$0x1FEE0] =	vst v0;
	v0 =	vld [tilespmem:$0x1C630]  }
0x199: {  	v4 =	vld [tilespmem:$0x1C250]  }
0x19a: {  	[tilespmem:$0x1FFF0] =	vst v17;
	v17 =	vld [tilespmem:$0x1FDE0];
	v1 =	vadd.f32 v28, v1;
	v3 =	vadd.f32 v5, v3  }
0x19b: {  	v28 =	vld [tilespmem:$0x1FCD0]  }
0x19c: {  	v1 =	vadd.f32 v33, v1;
	v33 =	vld [tilespmem:$0x1FCE0];
	v3 =	vadd.f32 v6, v3  }
0x19d: {  	[tilespmem:$0x1FF20] =	vst v0;
	v0 =	vld [tilespmem:$0x1C6B0]  }
0x19e: {  	v1 =	vadd.f32 v40, v1;
	v40 =	vld [tilespmem:$0x1FCF0];
	v3 =	vadd.f32 v7, v3  }
0x19f: {  	v7 =	vld [tilespmem:$0x1C4D0]  }
0x1a0: {  	v1 =	vadd.f32 v44, v1;
	v44 =	vld [tilespmem:$0x1FD20];
	v3 =	vadd.f32 v8, v3  }
0x1a1: {  	v8 =	vld [tilespmem:$0x1FD90]  }
0x1a2: {  	v3 =	vadd.f32 v9, v3;
	[tilespmem:$0x1FF50] =	vst v0;
	v0 =	vld [tilespmem:$0x1BA40]  }
0x1a3: {  	v1 =	vadd.f32 v48, v1;
	v48 =	vld [tilespmem:$0x1C640]  }
0x1a4: {  	v9 =	vld [tilespmem:$0x1FDA0];
	v3 =	vadd.f32 v11, v3  }
0x1a5: {  	v1 =	vadd.f32 v53, v1;
	v53 =	vld [tilespmem:$0x1FD50]  }
0x1a6: {  	v11 =	vld [tilespmem:$0x1C150];
	v3 =	vadd.f32 v13, v3  }
0x1a7: {  	[tilespmem:$0x1FF40] =	vst v0;
	v0 =	vld [tilespmem:$0x1BAC0]  }
0x1a8: {  	v1 =	vadd.f32 v56, v1;
	v56 =	vld [tilespmem:$0x1FD70];
	v3 =	vadd.f32 v15, v3  }
0x1a9: {  	v13 =	vld [tilespmem:$0x1BA50]  }
0x1aa: {  	v1 =	vadd.f32 v60, v1;
	v60 =	vld [tilespmem:$0x1FD80];
	v3 =	vadd.f32 v18, v3  }
0x1ab: {  	v15 =	vld [tilespmem:$0x1BB50]  }
0x1ac: {  	v3 =	vadd.f32 v23, v3;
	[tilespmem:$0x1FF60] =	vst v0;
	v0 =	vld [tilespmem:$0x1BB40]  }
0x1ad: {  	v18 =	vld [tilespmem:$0x1BBD0]  }
0x1ae: {  	v23 =	vld [tilespmem:$0x1BC50];
	v3 =	vadd.f32 v26, v3  }
0x1af: {  	v26 =	vld [tilespmem:$0x1BDD0]  }
0x1b0: {  	v3 =	vadd.f32 v30, v3;
	v30 =	vld [tilespmem:$0x1BF50]  }
0x1b1: {  	[tilespmem:$0x1FF70] =	vst v0;
	v0 =	vadd.f32 $0.0e+00, v39;
	v39 =	vld [tilespmem:$0x1BBC0]  }
0x1b2: {  	v3 =	vadd.f32 v35, v3;
	v35 =	vld [tilespmem:$0x1C0D0]  }
0x1b3: {  	v0 =	vadd.f32 v2, v0;
	v2 =	vadd.f32 $0.0e+00, v34;
	v34 =	vld [tilespmem:$0x1BCC0]  }
0x1b4: {  	v3 =	vadd.f32 v41, v3;
	v41 =	vld [tilespmem:$0x1FE20]  }
0x1b5: {  	v0 =	vadd.f32 v38, v0;
	v2 =	vadd.f32 v22, v2;
	v22 =	vld [tilespmem:$0x1BDC0]  }
0x1b6: {  	v38 =	vld [tilespmem:$0x1BFC0];
	v3 =	vadd.f32 v45, v3  }
0x1b7: {  	v0 =	vadd.f32 v43, v0;
	v2 =	vadd.f32 v20, v2;
	v20 =	vld [tilespmem:$0x1BEC0]  }
0x1b8: {  	v43 =	vld [tilespmem:$0x1C040]  }
0x1b9: {  	v3 =	vadd.f32 v49, v3;
	v0 =	vadd.f32 v46, v0;
	v46 =	vld [tilespmem:$0x1C0C0]  }
0x1ba: {  	v2 =	vadd.f32 v10, v2;
	v10 =	vld [tilespmem:$0x1C1C0]  }
0x1bb: {  	v3 =	vadd.f32 v52, v3;
	v52 =	vld [tilespmem:$0x1FE80]  }
0x1bc: {  	v0 =	vadd.f32 v51, v0;
	v51 =	vld [tilespmem:$0x1C140]  }
0x1bd: {  	v2 =	vadd.f32 v12, v2;
	v12 =	vld [tilespmem:$0x1C240]  }
0x1be: {  	v3 =	vadd.f32 v57, v3;
	v57 =	vld [tilespmem:$0x1FEB0]  }
0x1bf: {  	[tilespmem:$0x1FF80] =	vst v43;
	v43 =	vld [tilespmem:$0x1FD10]  }
0x1c0: {  	v2 =	vadd.f32 v14, v2;
	v14 =	vld [tilespmem:$0x1C2C0]  }
0x1c1: {  	v0 =	vadd.f32 v55, v0;
	v55 =	vld [tilespmem:$0x1C540]  }
0x1c2: {  	v3 =	vadd.f32 v61, v3;
	v61 =	vld [tilespmem:$0x1FEE0]  }
0x1c3: {  	[tilespmem:$0x1FFB0] =	vst v10;
	v10 =	vld [tilespmem:$0x1FDB0]  }
0x1c4: {  	v2 =	vadd.f32 v16, v2;
	v16 =	vld [tilespmem:$0x1C340]  }
0x1c5: {  	v0 =	vadd.f32 v59, v0;
	v59 =	vld [tilespmem:$0x1C4C0]  }
0x1c6: {  	[tilespmem:$0x1FFA0] =	vst v51;
	v51 =	vld [tilespmem:$0x1C5C0]  }
0x1c7: {  	[tilespmem:$0x1FFC0] =	vst v12;
	v12 =	vld [tilespmem:$0x1FDC0]  }
0x1c8: {  	v0 =	vadd.f32 v62, v0;
	v62 =	vld [tilespmem:$0x1C440]  }
0x1c9: {  	v2 =	vadd.f32 v19, v2;
	v19 =	vld [tilespmem:$0x1FCB0]  }
0x1ca: {  	[tilespmem:$0x1FFD0] =	vst v14;
	v14 =	vld [tilespmem:$0x1BAD0]  }
0x1cb: {  	v2 =	vadd.f32 v24, v2;
	v24 =	vld [tilespmem:$0x1BCD0]  }
0x1cc: {  	[tilespmem:$0x1FFE0] =	vst v16;
	v16 =	vld [tilespmem:$0x1FDD0]  }
0x1cd: {  	v2 =	vadd.f32 v27, v2;
	v27 =	vld [tilespmem:$0x1BE50]  }
0x1ce: {  	v0 =	vadd.f32 v19, v0;
	v19 =	vld [tilespmem:$0x1FDF0]  }
0x1cf: {  	v13 =	vadd.f32 $0.0e+00, v13;
	v2 =	vadd.f32 v32, v2;
	v32 =	vld [tilespmem:$0x1BFD0]  }
0x1d0: {  	v0 =	vadd.f32 v25, v0;
	v25 =	vld [tilespmem:$0x1BD50]  }
0x1d1: {  	v13 =	vadd.f32 v14, v13;
	v2 =	vadd.f32 v37, v2;
	v37 =	vld [tilespmem:$0x1FE00]  }
0x1d2: {  	v0 =	vadd.f32 v28, v0;
	v28 =	vld [tilespmem:$0x1BED0]  }
0x1d3: {  	v13 =	vadd.f32 v15, v13;
	v2 =	vadd.f32 v42, v2;
	v42 =	vld [tilespmem:$0x1FD00]  }
0x1d4: {  	v0 =	vadd.f32 v33, v0;
	v33 =	vld [tilespmem:$0x1C050]  }
0x1d5: {  	v13 =	vadd.f32 v18, v13;
	v2 =	vadd.f32 v47, v2;
	v47 =	vld [tilespmem:$0x1FD30]  }
0x1d6: {  	v0 =	vadd.f32 v40, v0;
	v40 =	vld [tilespmem:$0x1FE10]  }
0x1d7: {  	v13 =	vadd.f32 v23, v13;
	v2 =	vadd.f32 v50, v2;
	v50 =	vld [tilespmem:$0x1FD40]  }
0x1d8: {  	v1 =	vadd.f32 v42, v1;
	v42 =	vld [tilespmem:$0x1FE30]  }
0x1d9: {  	v13 =	vadd.f32 v24, v13;
	v0 =	vadd.f32 v43, v0;
	v43 =	vld [tilespmem:$0x1FE40]  }
0x1da: {  	v2 =	vadd.f32 v54, v2;
	v54 =	vld [tilespmem:$0x1FD60]  }
0x1db: {  	v13 =	vadd.f32 v25, v13;
	v25 =	vld [tilespmem:$0x1FFB0]  }
0x1dc: {  	v1 =	vadd.f32 v44, v1;
	v44 =	vld [tilespmem:$0x1FE50]  }
0x1dd: {  	v0 =	vadd.f32 v47, v0;
	v47 =	vld [tilespmem:$0x1FE60]  }
0x1de: {  	v2 =	vadd.f32 v58, v2;
	v58 =	vld [tilespmem:$0x1FEC0]  }
0x1df: {  	v13 =	vadd.f32 v26, v13;
	v26 =	vld [tilespmem:$0x1C270]  }
0x1e0: {  	v1 =	vadd.f32 v50, v1;
	v50 =	vld [tilespmem:$0x1FE70]  }
0x1e1: {  	v0 =	vadd.f32 v53, v0;
	v2 =	vadd.f32 v63, v2;
	v63 =	vld [tilespmem:$0x1BA60]  }
0x1e2: {  	v1 =	vadd.f32 v54, v1;
	v54 =	vld [tilespmem:$0x1FE90]  }
0x1e3: {  	v13 =	vadd.f32 v27, v13;
	v0 =	vadd.f32 v56, v0;
	v56 =	vld [tilespmem:$0x1FEA0]  }
0x1e4: {  	v2 =	vadd.f32 v12, v2;
	v12 =	vld [tilespmem:$0x1C2D0]  }
0x1e5: {  	v13 =	vadd.f32 v28, v13;
	v28 =	vld [tilespmem:$0x1C2E0]  }
0x1e6: {  	v0 =	vadd.f32 v8, v0;
	v8 =	vld [tilespmem:$0x1C650]  }
0x1e7: {  	v1 =	vadd.f32 v60, v1;
	v60 =	vld [tilespmem:$0x1FED0]  }
0x1e8: {  	v5 =	vadd.f32 v19, v2;
	v2 =	vld [tilespmem:$0x1C350]  }
0x1e9: {  	v13 =	vadd.f32 v30, v13;
	v30 =	vld [tilespmem:$0x1C2F0]  }
0x1ea: {  	v0 =	vadd.f32 v10, v0;
	v10 =	vld [tilespmem:$0x1C1D0]  }
0x1eb: {  	v1 =	vadd.f32 v9, v1;
	v9 =	vld [tilespmem:$0x1C450]  }
0x1ec: {  	v5 =	vadd.f32 v41, v5;
	v41 =	vld [tilespmem:$0x1BA70]  }
0x1ed: {  	v3 =	vadd.f32 v56, v3;
	v56 =	vld [tilespmem:$0x1BAF0]  }
0x1ee: {  	v13 =	vadd.f32 v32, v13;
	v32 =	vld [tilespmem:$0x1C360]  }
0x1ef: {  	v45 =	vadd.f32 v44, v5;
	v5 =	vld [tilespmem:$0x1C550]  }
0x1f0: {  	v0 =	vadd.f32 v17, v0;
	v44 =	vld [tilespmem:$0x1FEF0]  }
0x1f1: {  	v1 =	vadd.f32 v16, v1;
	v13 =	vadd.f32 v33, v13;
	v33 =	vld [tilespmem:$0x1FFD0]  }
0x1f2: {  	v6 =	vadd.f32 v40, v0;
	v0 =	vld [tilespmem:$0x1C3D0]  }
0x1f3: {  	v1 =	vadd.f32 v37, v1;
	v37 =	vadd.f32 v61, v3;
	v61 =	vld [tilespmem:$0x1BB70]  }
0x1f4: {  	v40 =	vadd.f32 $0.0e+00, v63;
	v63 =	vld [tilespmem:$0x1BBE0]  }
0x1f5: {  	v53 =	vadd.f32 v52, v45;
	v45 =	vld [tilespmem:$0x1FF00]  }
0x1f6: {  	v52 =	vld [tilespmem:$0x1FF30]  }
0x1f7: {  	v13 =	vadd.f32 v35, v13;
	v35 =	vld [tilespmem:$0x1C3E0]  }
0x1f8: {  	v1 =	vadd.f32 v42, v1;
	v42 =	vld [tilespmem:$0x1BF70]  }
0x1f9: {  	v17 =	vadd.f32 v58, v53;
	v53 =	vld [tilespmem:$0x1FF40]  }
0x1fa: {  	v6 =	vadd.f32 v43, v6;
	v58 =	vld [tilespmem:$0x1BB60];
	v49 =	vadd.f32 v47, v1  }
0x1fb: {  	v47 =	vld [tilespmem:$0x1FF10]  }
0x1fc: {  	v6 =	vadd.f32 v50, v6;
	v16 =	vadd.f32 v54, v49;
	v49 =	vld [tilespmem:$0x1FF20]  }
0x1fd: {  	v50 =	vld [tilespmem:$0x1BAE0]  }
0x1fe: {  	v19 =	vadd.f32 v57, v6;
	v57 =	vld [tilespmem:$0x1FF50]  }
0x1ff: {  	v16 =	vadd.f32 v60, v16;
	v60 =	vld [tilespmem:$0x1FF60]  }
0x200: {  	v41 =	vadd.f32 $0.0e+00, v41;
	v17 =	vadd.f32 v45, v17;
	v45 =	vld [tilespmem:$0x1C060]  }
0x201: {  	v54 =	vadd.f32 $0.0e+00, v53;
	v37 =	vadd.f32 v49, v37;
	v49 =	vld [tilespmem:$0x1FF70]  }
0x202: {  	v40 =	vadd.f32 v50, v40;
	v50 =	vld [tilespmem:$0x1BBF0];
	v3 =	vadd.f32 v47, v16  }
0x203: {  	v53 =	vld [tilespmem:$0x1BC60];
	v16 =	vadd.f32 v52, v17;
	v52 =	vadd.f32 v56, v41  }
0x204: {  	v43 =	vadd.f32 v60, v54;
	v54 =	vld [tilespmem:$0x1BC70]  }
0x205: {  	v19 =	vadd.f32 v44, v19;
	v44 =	vld [tilespmem:$0x1BFF0];
	v15 =	vadd.f32 v61, v52  }
0x206: {  	v17 =	vadd.f32 v57, v37;
	v57 =	vld [tilespmem:$0x1BCF0];
	v43 =	vadd.f32 v49, v43  }
0x207: {  	v56 =	vld [tilespmem:$0x1BCE0];
	v37 =	vadd.f32 v58, v40;
	v15 =	vadd.f32 v50, v15  }
0x208: {  	v60 =	vld [tilespmem:$0x1BD70];
	v39 =	vadd.f32 v39, v43  }
0x209: {  	v58 =	vld [tilespmem:$0x1BD60];
	v14 =	vadd.f32 v63, v37;
	v15 =	vadd.f32 v54, v15  }
0x20a: {  	v63 =	vld [tilespmem:$0x1BDF0];
	v29 =	vadd.f32 v29, v39  }
0x20b: {  	v61 =	vld [tilespmem:$0x1BDE0];
	v14 =	vadd.f32 v53, v14;
	v15 =	vadd.f32 v57, v15  }
0x20c: {  	v37 =	vld [tilespmem:$0x1BE70];
	v29 =	vadd.f32 v34, v29  }
0x20d: {  	v40 =	vld [tilespmem:$0x1BEF0];
	v14 =	vadd.f32 v56, v14;
	v15 =	vadd.f32 v60, v15  }
0x20e: {  	v29 =	vadd.f32 v36, v29;
	v36 =	vld [tilespmem:$0x1BE60]  }
0x20f: {  	v41 =	vld [tilespmem:$0x1BF60];
	v14 =	vadd.f32 v58, v14;
	v15 =	vadd.f32 v63, v15  }
0x210: {  	v39 =	vld [tilespmem:$0x1BEE0];
	v22 =	vadd.f32 v22, v29  }
0x211: {  	v47 =	vld [tilespmem:$0x1C070];
	v14 =	vadd.f32 v61, v14;
	v15 =	vadd.f32 v37, v15  }
0x212: {  	v52 =	vld [tilespmem:$0x1C0F0];
	v22 =	vadd.f32 v31, v22  }
0x213: {  	v50 =	vld [tilespmem:$0x1FF80];
	v15 =	vadd.f32 v40, v15;
	v14 =	vadd.f32 v36, v14  }
0x214: {  	v43 =	vld [tilespmem:$0x1BFE0];
	v20 =	vadd.f32 v20, v22  }
0x215: {  	v49 =	vld [tilespmem:$0x1C0E0];
	v15 =	vadd.f32 v42, v15;
	v14 =	vadd.f32 v39, v14  }
0x216: {  	[tilespmem:$0x1FF90] =	vst v46;
	v53 =	vld [tilespmem:$0x1C160];
	v20 =	vadd.f32 v21, v20  }
0x217: {  	v54 =	vld [tilespmem:$0x1FF90];
	v15 =	vadd.f32 v44, v15;
	v14 =	vadd.f32 v41, v14  }
0x218: {  	v56 =	vld [tilespmem:$0x1C170];
	v20 =	vadd.f32 v38, v20  }
0x219: {  	v58 =	vld [tilespmem:$0x1FFA0];
	v15 =	vadd.f32 v47, v15;
	v14 =	vadd.f32 v43, v14  }
0x21a: {  	v60 =	vld [tilespmem:$0x1C1F0];
	v20 =	vadd.f32 v50, v20  }
0x21b: {  	v1 =	vld [tilespmem:$0x1C5D0];
	v61 =	vadd.f32 v52, v15;
	v14 =	vadd.f32 v45, v14  }
0x21c: {  	v11 =	vadd.f32 v11, v13;
	v57 =	vld [tilespmem:$0x1C1E0];
	v20 =	vadd.f32 v54, v20  }
0x21d: {  	v29 =	vld [tilespmem:$0x1FFC0];
	v27 =	vadd.f32 v56, v61;
	v14 =	vadd.f32 v49, v14  }
0x21e: {  	v10 =	vadd.f32 v10, v11;
	v63 =	vld [tilespmem:$0x1C260];
	v20 =	vadd.f32 v58, v20  }
0x21f: {  	v6 =	vld [tilespmem:$0x1C6D0];
	v31 =	vadd.f32 v60, v27;
	v14 =	vadd.f32 v53, v14  }
0x220: {  	v4 =	vadd.f32 v4, v10;
	v34 =	vld [tilespmem:$0x1C370];
	v20 =	vadd.f32 v25, v20  }
0x221: {  	v36 =	vld [tilespmem:$0x1FFE0];
	v10 =	vadd.f32 v26, v31;
	v14 =	vadd.f32 v57, v14  }
0x222: {  	v4 =	vadd.f32 v12, v4;
	v37 =	vld [tilespmem:$0x1C3F0];
	v20 =	vadd.f32 v29, v20  }
0x223: {  	v40 =	vld [tilespmem:$0x1FFF0];
	v38 =	vadd.f32 v30, v10;
	v14 =	vadd.f32 v63, v14  }
0x224: {  	v2 =	vadd.f32 v2, v4;
	v41 =	vld [tilespmem:$0x1C470];
	v20 =	vadd.f32 v33, v20  }
0x225: {  	v39 =	vld [tilespmem:$0x1C460];
	v42 =	vadd.f32 v34, v38;
	v13 =	vadd.f32 v28, v14  }
0x226: {  	v0 =	vadd.f32 v0, v2;
	v45 =	vld [tilespmem:$0x1C4F0];
	v20 =	vadd.f32 v36, v20  }
0x227: {  	v43 =	vld [tilespmem:$0x1C4E0];
	v2 =	vadd.f32 v37, v42;
	v11 =	vadd.f32 v32, v13  }
0x228: {  	v0 =	vadd.f32 v9, v0;
	v50 =	vld [tilespmem:$0x1C570];
	v18 =	vadd.f32 v40, v20  }
0x229: {  	v47 =	vld [tilespmem:$0x1C560];
	v2 =	vadd.f32 v41, v2;
	v11 =	vadd.f32 v35, v11  }
0x22a: {  	v0 =	vadd.f32 v7, v0;
	v54 =	vld [tilespmem:$0x1C5F0];
	v44 =	vadd.f32 v62, v18  }
0x22b: {  	v52 =	vld [tilespmem:$0x1C5E0];
	v2 =	vadd.f32 v45, v2;
	v10 =	vadd.f32 v39, v11  }
0x22c: {  	v0 =	vadd.f32 v5, v0;
	v57 =	vld [tilespmem:$0x1C670];
	v49 =	vadd.f32 v59, v44  }
0x22d: {  	v61 =	vld [tilespmem:$0x1C6F0];
	v58 =	vadd.f32 v50, v2;
	v4 =	vadd.f32 v43, v10  }
0x22e: {  	v0 =	vadd.f32 v1, v0;
	v53 =	vadd.f32 v55, v49;
	v55 =	vld [tilespmem:$0x1C660]  }
0x22f: {  	v46 =	vld [tilespmem:$0x1C6C0];
	v1 =	vadd.f32 v54, v58;
	v4 =	vadd.f32 v47, v4  }
0x230: {  	[tilespmem:$0x1D780] =	vst v19;
	v0 =	vadd.f32 v8, v0;
	v59 =	vld [tilespmem:$0x1C6E0];
	v56 =	vadd.f32 v51, v53  }
0x231: {  	[tilespmem:$0x1D790] =	vst v3;
	v1 =	vadd.f32 v57, v1;
	v4 =	vadd.f32 v52, v4  }
0x232: {  	[tilespmem:$0x1D7A0] =	vst v16;
	v0 =	vadd.f32 v6, v0;
	v60 =	vadd.f32 v48, v56  }
0x233: {  	[tilespmem:$0x1D7B0] =	vst v17;
	v63 =	vadd.f32 v61, v1;
	v4 =	vadd.f32 v55, v4  }
0x234: {  	[tilespmem:$0x1D7D0] =	vst v0;
	v62 =	vadd.f32 v46, v60  }
0x235: {  	[tilespmem:$0x1D7F0] =	vst v63;
	v2 =	vadd.f32 v59, v4  }
0x236: {  	[tilespmem:$0x1D7C0] =	vst v62  }
0x237: {  	s18 =	simm.s32 $0x0;
	s19 =	simm.s32 $0x2200;
	[tilespmem:$0x1D7E0] =	vst v2  }
.LBB2_4:
0x238: {  	v1 =	vmov s19;
	_ =	sdelay $0x3  }
0x239: {  	s21 =	simm.s32 $0x0  }
0x23a: {  	v2 =	vld.idx.msk [tilespmem:v1+s21+$0xFFFFF800 ss:$0x1], $0xffff;
	_ =	sdelay $0x1  }
0x23b: {  	v3 =	vld.idx.msk [tilespmem:v1+s21+$0xFFFFF880 ss:$0x1], $0xffff;
	_ =	sdelay $0x1  }
0x23c: {  	v4 =	vld.idx.msk [tilespmem:v1+s21+$0xFFFFF900 ss:$0x1], $0xffff  }
0x23d: {  	v5 =	vmul.f32 v2, v2  }
0x23e: {  	v0 =	vimm.f32 $0.0e+00;
	v7 =	vld.idx.msk [tilespmem:v1+s21+$0xFFFFF980 ss:$0x1], $0xffff  }
0x23f: {  	v6 =	vmul.f32 v3, v3;
	v5 =	vadd.f32 v5, v0  }
0x240: {  	v8 =	vld.idx.msk [tilespmem:v1+s21+$0xFFFFFA00 ss:$0x1], $0xffff  }
0x241: {  	v5 =	vadd.f32 v6, v5;
	v6 =	vmul.f32 v4, v4  }
0x242: {  	v9 =	vld.idx.msk [tilespmem:v1+s21+$0xFFFFFA80 ss:$0x1], $0xffff  }
0x243: {  	v5 =	vadd.f32 v6, v5;
	v6 =	vmul.f32 v7, v7  }
0x244: {  	v10 =	vld.idx.msk [tilespmem:v1+s21+$0xFFFFFB00 ss:$0x1], $0xffff  }
0x245: {  	v5 =	vadd.f32 v6, v5;
	v6 =	vmul.f32 v8, v8  }
0x246: {  	v11 =	vld.idx.msk [tilespmem:v1+s21+$0xFFFFFB80 ss:$0x1], $0xffff  }
0x247: {  	v5 =	vadd.f32 v6, v5;
	v6 =	vmul.f32 v9, v9  }
0x248: {  	v12 =	vld.idx.msk [tilespmem:v1+s21+$0xFFFFFC00 ss:$0x1], $0xffff  }
0x249: {  	v5 =	vadd.f32 v6, v5;
	v6 =	vmul.f32 v10, v10  }
0x24a: {  	v13 =	vld.idx.msk [tilespmem:v1+s21+$0xFFFFFC80 ss:$0x1], $0xffff  }
0x24b: {  	v5 =	vadd.f32 v6, v5;
	v6 =	vmul.f32 v11, v11  }
0x24c: {  	v14 =	vld.idx.msk [tilespmem:v1+s21+$0xFFFFFD00 ss:$0x1], $0xffff  }
0x24d: {  	v5 =	vadd.f32 v6, v5;
	v6 =	vmul.f32 v12, v12  }
0x24e: {  	v15 =	vld.idx.msk [tilespmem:v1+s21+$0xFFFFFD80 ss:$0x1], $0xffff  }
0x24f: {  	v5 =	vadd.f32 v6, v5;
	v6 =	vmul.f32 v13, v13  }
0x250: {  	v16 =	vld.idx.msk [tilespmem:v1+s21+$0xFFFFFE00 ss:$0x1], $0xffff  }
0x251: {  	v5 =	vadd.f32 v6, v5;
	v6 =	vmul.f32 v14, v14  }
0x252: {  	v17 =	vld.idx.msk [tilespmem:v1+s21+$0xFFFFFE80 ss:$0x1], $0xffff  }
0x253: {  	v5 =	vadd.f32 v6, v5;
	v6 =	vmul.f32 v15, v15  }
0x254: {  	v18 =	vld.idx.msk [tilespmem:v1+s21+$0xFFFFFF00 ss:$0x1], $0xffff  }
0x255: {  	v5 =	vadd.f32 v6, v5;
	v6 =	vmul.f32 v16, v16  }
0x256: {  	v19 =	vld.idx.msk [tilespmem:v1+s21+$0xFFFFFF80 ss:$0x1], $0xffff  }
0x257: {  	v5 =	vadd.f32 v6, v5;
	v6 =	vmul.f32 v17, v17  }
0x258: {  	v20 =	vld.idx.msk [tilespmem:v1+s21+$0x0 ss:$0x1], $0xffff  }
0x259: {  	v5 =	vadd.f32 v6, v5;
	v6 =	vmul.f32 v18, v18  }
0x25a: {  	v21 =	vld.idx.msk [tilespmem:v1+s21+$0x80 ss:$0x1], $0xffff  }
0x25b: {  	v5 =	vadd.f32 v6, v5;
	v6 =	vmul.f32 v19, v19  }
0x25c: {  	v22 =	vld.idx.msk [tilespmem:v1+s21+$0x100 ss:$0x1], $0xffff  }
0x25d: {  	v5 =	vadd.f32 v6, v5;
	v6 =	vmul.f32 v20, v20  }
0x25e: {  	v29 =	vld.idx.msk [tilespmem:v1+s21+$0x180 ss:$0x1], $0xffff  }
0x25f: {  	v5 =	vadd.f32 v6, v5;
	v6 =	vmul.f32 v21, v21  }
0x260: {  	v30 =	vld.idx.msk [tilespmem:v1+s21+$0x200 ss:$0x1], $0xffff  }
0x261: {  	v23 =	vmul.f32 v22, v22;
	v5 =	vadd.f32 v6, v5  }
0x262: {  	v31 =	vld.idx.msk [tilespmem:v1+s21+$0x280 ss:$0x1], $0xffff  }
0x263: {  	v6 =	vadd.f32 v3, v0;
	v3 =	vadd.f32 v23, v5;
	v5 =	vmul.f32 v29, v29  }
0x264: {  	v2 =	vadd.f32 v2, v0;
	v23 =	vadd.f32 v4, v0;
	v4 =	vld.idx.msk [tilespmem:v1+s21+$0x300 ss:$0x1], $0xffff  }
0x265: {  	v24 =	vadd.f32 v9, v0;
	v3 =	vadd.f32 v5, v3;
	v5 =	vmul.f32 v30, v30  }
0x266: {  	v32 =	vld.idx.msk [tilespmem:v1+s21+$0x380 ss:$0x1], $0xffff;
	v25 =	vadd.f32 v12, v0;
	v26 =	vadd.f32 v15, v0  }
0x267: {  	v27 =	vadd.f32 v18, v0;
	v3 =	vadd.f32 v5, v3;
	v5 =	vmul.f32 v31, v31  }
0x268: {  	v33 =	vld.idx.msk [tilespmem:v1+s21+$0x400 ss:$0x1], $0xffff;
	v28 =	vadd.f32 v21, v0;
	v7 =	vadd.f32 v7, v0  }
0x269: {  	v8 =	vadd.f32 v8, v0;
	v3 =	vadd.f32 v5, v3;
	v5 =	vmul.f32 v4, v4  }
0x26a: {  	v34 =	vld.idx.msk [tilespmem:v1+s21+$0x480 ss:$0x1], $0xffff;
	v9 =	vadd.f32 v10, v0;
	v10 =	vadd.f32 v11, v0  }
0x26b: {  	v35 =	vld.idx.msk [tilespmem:v1+s21+$0x500 ss:$0x1], $0xffff;
	v11 =	vadd.f32 v13, v0;
	v3 =	vadd.f32 v5, v3;
	v5 =	vmul.f32 v32, v32  }
0x26c: {  	v12 =	vadd.f32 v14, v0;
	v13 =	vadd.f32 v16, v0  }
0x26d: {  	v14 =	vadd.f32 v17, v0;
	v3 =	vadd.f32 v5, v3;
	v5 =	vmul.f32 v33, v33  }
0x26e: {  	v36 =	vld.idx.msk [tilespmem:v1+s21+$0x580 ss:$0x1], $0xffff;
	v15 =	vadd.f32 v19, v0;
	v16 =	vadd.f32 v20, v0  }
0x26f: {  	v17 =	vadd.f32 v22, v0;
	v3 =	vadd.f32 v5, v3;
	v5 =	vmul.f32 v34, v34  }
0x270: {  	v22 =	vadd.f32 v35, v0;
	v19 =	vadd.f32 v31, v0;
	v31 =	vld.idx.msk [tilespmem:v1+s21+$0x600 ss:$0x1], $0xffff  }
0x271: {  	v20 =	vadd.f32 v4, v0;
	v4 =	vadd.f32 v5, v3;
	v5 =	vmul.f32 v35, v35  }
0x272: {  	v18 =	vadd.f32 v29, v0;
	v3 =	vadd.f32 v34, v0;
	v34 =	vld.idx.msk [tilespmem:v1+s21+$0x680 ss:$0x1], $0xffff  }
0x273: {  	v63 =	vmul.f32 v36, v36;
	v21 =	vadd.f32 v33, v0;
	v5 =	vadd.f32 v5, v4  }
0x274: {  	v29 =	vadd.f32 v30, v0;
	v30 =	vadd.f32 v32, v0;
	v33 =	vld.idx.msk [tilespmem:v1+s21+$0x700 ss:$0x1], $0xffff  }
0x275: {  	v37 =	vmul.f32 v31, v31;
	v4 =	vadd.f32 v36, v0;
	v36 =	vadd.f32 v63, v5  }
0x276: {  	s20 =	sshll.u32 s18, $0x4;
	s22 =	simm.s32 $0x8000;
	v32 =	vimm.f32 $0.0e+00;
	v35 =	vld.idx.msk [tilespmem:v1+s21+$0x780 ss:$0x1], $0xffff;
	s21 =	simm.s32 $0x1000;
	v5 =	vadd.f32 v31, v0;
	v31 =	vimm.f32 $0.0e+00  }
.LBB2_5:
0x277: {  	p0 =	sne.s32 s22, $0x64000;
	v38 =	vld.idx.msk [tilespmem:v1+s21+$0xFFFFF800 ss:$0x1], $0xffff;
	v36 =	vadd.f32 v37, v36;
	v0 =	vadd.f32 v34, v0;
	v34 =	vmul.f32 v34, v34;
	_ =	sdelay $0x1  }
0x278: {  	v32 =	vadd.f32 v33, v32;
	v33 =	vmul.f32 v33, v33;
	v37 =	vld.idx.msk [tilespmem:v1+s21+$0xFFFFF880 ss:$0x1], $0xffff;
	v34 =	vadd.f32 v34, v36;
	_ =	sdelay $0x1  }
0x279: {  	v31 =	vadd.f32 v35, v31;
	v36 =	vld.idx.msk [tilespmem:v1+s21+$0xFFFFF900 ss:$0x1], $0xffff;
	v33 =	vadd.f32 v33, v34;
	v34 =	vmul.f32 v35, v35;
	_ =	sdelay $0x1  }
0x27a: {  	v2 =	vadd.f32 v38, v2;
	v35 =	vmul.f32 v38, v38;
	v38 =	vld.idx.msk [tilespmem:v1+s21+$0xFFFFF980 ss:$0x1], $0xffff;
	v33 =	vadd.f32 v34, v33;
	_ =	sdelay $0x1  }
0x27b: {  	v6 =	vadd.f32 v37, v6;
	v34 =	vmul.f32 v37, v37;
	v33 =	vadd.f32 v35, v33;
	v35 =	vld.idx.msk [tilespmem:v1+s21+$0xFFFFFA00 ss:$0x1], $0xffff;
	_ =	sdelay $0x1  }
0x27c: {  	v23 =	vadd.f32 v36, v23;
	v33 =	vadd.f32 v34, v33;
	v34 =	vmul.f32 v36, v36;
	v36 =	vld.idx.msk [tilespmem:v1+s21+$0xFFFFFA80 ss:$0x1], $0xffff;
	_ =	sdelay $0x1  }
0x27d: {  	v7 =	vadd.f32 v38, v7;
	v33 =	vadd.f32 v34, v33;
	v34 =	vmul.f32 v38, v38;
	v37 =	vld.idx.msk [tilespmem:v1+s21+$0xFFFFFB00 ss:$0x1], $0xffff;
	_ =	sdelay $0x1  }
0x27e: {  	v8 =	vadd.f32 v35, v8;
	v33 =	vadd.f32 v34, v33;
	v34 =	vmul.f32 v35, v35;
	v35 =	vld.idx.msk [tilespmem:v1+s21+$0xFFFFFB80 ss:$0x1], $0xffff;
	_ =	sdelay $0x1  }
0x27f: {  	v24 =	vadd.f32 v36, v24;
	v33 =	vadd.f32 v34, v33;
	v34 =	vmul.f32 v36, v36;
	v36 =	vld.idx.msk [tilespmem:v1+s21+$0xFFFFFC00 ss:$0x1], $0xffff;
	_ =	sdelay $0x1  }
0x280: {  	v9 =	vadd.f32 v37, v9;
	v33 =	vadd.f32 v34, v33;
	v34 =	vmul.f32 v37, v37;
	v37 =	vld.idx.msk [tilespmem:v1+s21+$0xFFFFFC80 ss:$0x1], $0xffff;
	_ =	sdelay $0x1  }
0x281: {  	v10 =	vadd.f32 v35, v10;
	v33 =	vadd.f32 v34, v33;
	v34 =	vmul.f32 v35, v35;
	v35 =	vld.idx.msk [tilespmem:v1+s21+$0xFFFFFD00 ss:$0x1], $0xffff;
	_ =	sdelay $0x1  }
0x282: {  	v25 =	vadd.f32 v36, v25;
	v33 =	vadd.f32 v34, v33;
	v34 =	vmul.f32 v36, v36;
	v36 =	vld.idx.msk [tilespmem:v1+s21+$0xFFFFFD80 ss:$0x1], $0xffff;
	_ =	sdelay $0x1  }
0x283: {  	v11 =	vadd.f32 v37, v11;
	v33 =	vadd.f32 v34, v33;
	v34 =	vmul.f32 v37, v37;
	v37 =	vld.idx.msk [tilespmem:v1+s21+$0xFFFFFE00 ss:$0x1], $0xffff;
	_ =	sdelay $0x1  }
0x284: {  	v12 =	vadd.f32 v35, v12;
	v33 =	vadd.f32 v34, v33;
	v34 =	vmul.f32 v35, v35;
	v35 =	vld.idx.msk [tilespmem:v1+s21+$0xFFFFFE80 ss:$0x1], $0xffff;
	_ =	sdelay $0x1  }
0x285: {  	v26 =	vadd.f32 v36, v26;
	v33 =	vadd.f32 v34, v33;
	v34 =	vmul.f32 v36, v36;
	v36 =	vld.idx.msk [tilespmem:v1+s21+$0xFFFFFF00 ss:$0x1], $0xffff;
	_ =	sdelay $0x1  }
0x286: {  	v13 =	vadd.f32 v37, v13;
	v33 =	vadd.f32 v34, v33;
	v34 =	vmul.f32 v37, v37;
	v37 =	vld.idx.msk [tilespmem:v1+s21+$0xFFFFFF80 ss:$0x1], $0xffff;
	_ =	sdelay $0x1  }
0x287: {  	v14 =	vadd.f32 v35, v14;
	v33 =	vadd.f32 v34, v33;
	v34 =	vmul.f32 v35, v35;
	v35 =	vld.idx.msk [tilespmem:v1+s21+$0x0 ss:$0x1], $0xffff;
	_ =	sdelay $0x1  }
0x288: {  	v27 =	vadd.f32 v36, v27;
	v33 =	vadd.f32 v34, v33;
	v34 =	vmul.f32 v36, v36;
	v36 =	vld.idx.msk [tilespmem:v1+s21+$0x80 ss:$0x1], $0xffff;
	_ =	sdelay $0x1  }
0x289: {  	v15 =	vadd.f32 v37, v15;
	v33 =	vadd.f32 v34, v33;
	v34 =	vmul.f32 v37, v37;
	v37 =	vld.idx.msk [tilespmem:v1+s21+$0x100 ss:$0x1], $0xffff;
	_ =	sdelay $0x1  }
0x28a: {  	v16 =	vadd.f32 v35, v16;
	v33 =	vadd.f32 v34, v33;
	v34 =	vmul.f32 v35, v35;
	v35 =	vld.idx.msk [tilespmem:v1+s21+$0x180 ss:$0x1], $0xffff;
	_ =	sdelay $0x1  }
0x28b: {  	v28 =	vadd.f32 v36, v28;
	v33 =	vadd.f32 v34, v33;
	v34 =	vmul.f32 v36, v36;
	v36 =	vld.idx.msk [tilespmem:v1+s21+$0x200 ss:$0x1], $0xffff;
	_ =	sdelay $0x1  }
0x28c: {  	v17 =	vadd.f32 v37, v17;
	v33 =	vadd.f32 v34, v33;
	v34 =	vmul.f32 v37, v37;
	v37 =	vld.idx.msk [tilespmem:v1+s21+$0x280 ss:$0x1], $0xffff;
	_ =	sdelay $0x1  }
0x28d: {  	v18 =	vadd.f32 v35, v18;
	v33 =	vadd.f32 v34, v33;
	v34 =	vmul.f32 v35, v35;
	v35 =	vld.idx.msk [tilespmem:v1+s21+$0x300 ss:$0x1], $0xffff;
	_ =	sdelay $0x1  }
0x28e: {  	v29 =	vadd.f32 v36, v29;
	v33 =	vadd.f32 v34, v33;
	v34 =	vmul.f32 v36, v36;
	v36 =	vld.idx.msk [tilespmem:v1+s21+$0x380 ss:$0x1], $0xffff;
	_ =	sdelay $0x1  }
0x28f: {  	v19 =	vadd.f32 v37, v19;
	v33 =	vadd.f32 v34, v33;
	v34 =	vmul.f32 v37, v37;
	v37 =	vld.idx.msk [tilespmem:v1+s21+$0x400 ss:$0x1], $0xffff;
	_ =	sdelay $0x1  }
0x290: {  	v20 =	vadd.f32 v35, v20;
	v33 =	vadd.f32 v34, v33;
	v34 =	vmul.f32 v35, v35;
	v35 =	vld.idx.msk [tilespmem:v1+s21+$0x480 ss:$0x1], $0xffff;
	_ =	sdelay $0x1  }
0x291: {  	v30 =	vadd.f32 v36, v30;
	v33 =	vadd.f32 v34, v33;
	v34 =	vmul.f32 v36, v36;
	v36 =	vld.idx.msk [tilespmem:v1+s21+$0x500 ss:$0x1], $0xffff;
	_ =	sdelay $0x1  }
0x292: {  	v21 =	vadd.f32 v37, v21;
	v33 =	vadd.f32 v34, v33;
	v34 =	vmul.f32 v37, v37;
	v37 =	vld.idx.msk [tilespmem:v1+s21+$0x580 ss:$0x1], $0xffff;
	_ =	sdelay $0x1  }
0x293: {  	v3 =	vadd.f32 v35, v3;
	v33 =	vadd.f32 v34, v33;
	v34 =	vmul.f32 v35, v35;
	v35 =	vld.idx.msk [tilespmem:v1+s21+$0x600 ss:$0x1], $0xffff;
	_ =	sdelay $0x1  }
0x294: {  	v22 =	vadd.f32 v36, v22;
	v36 =	vmul.f32 v36, v36;
	v33 =	vadd.f32 v34, v33;
	v34 =	vld.idx.msk [tilespmem:v1+s21+$0x680 ss:$0x1], $0xffff  }
.Ltmp1:
0x295: {  	(pc) =	sbr.rel @p0 .LBB2_5-.Ltmp1, $3  }
0x296: {  	v4 =	vadd.f32 v37, v4;
	v37 =	vmul.f32 v37, v37;
	v36 =	vadd.f32 v36, v33;
	v33 =	vld.idx.msk [tilespmem:v1+s21+$0x700 ss:$0x1], $0xffff;
	_ =	sdelay $0x1  }
0x297: {  	v5 =	vadd.f32 v35, v5;
	v36 =	vadd.f32 v37, v36;
	v37 =	vmul.f32 v35, v35;
	v35 =	vld.idx.msk [tilespmem:v1+s21+$0x780 ss:$0x1], $0xffff  }
0x298: {  	s21 =	sshra.s32 s22, $0x2;
	s22 =	sadd.s32 $0x4000, s22  }
0x299: {  	_ =	sdelay $0x2  }
0x29a: {  	v36 =	vadd.f32 v37, v36;
	v58 =	vmul.f32 v34, v34  }
0x29b: {  	v38 =	vld.idx.msk [tilespmem:v1+s21+$0xFFFFF800 ss:$0x1], $0xffff  }
0x29c: {  	v59 =	vmul.f32 v33, v33;
	v36 =	vadd.f32 v58, v36  }
0x29d: {  	v39 =	vld.idx.msk [tilespmem:v1+s21+$0xFFFFF880 ss:$0x1], $0xffff  }
0x29e: {  	v60 =	vmul.f32 v35, v35;
	v36 =	vadd.f32 v59, v36  }
0x29f: {  	v40 =	vld.idx.msk [tilespmem:v1+s21+$0xFFFFF900 ss:$0x1], $0xffff  }
0x2a0: {  	v41 =	vmul.f32 v38, v38;
	v36 =	vadd.f32 v60, v36  }
0x2a1: {  	v61 =	vld.idx.msk [tilespmem:v1+s21+$0xFFFFF980 ss:$0x1], $0xffff  }
0x2a2: {  	v62 =	vmul.f32 v39, v39;
	v36 =	vadd.f32 v41, v36  }
0x2a3: {  	v63 =	vld.idx.msk [tilespmem:v1+s21+$0xFFFFFA00 ss:$0x1], $0xffff  }
0x2a4: {  	v48 =	vmul.f32 v40, v40;
	v36 =	vadd.f32 v62, v36  }
0x2a5: {  	v43 =	vld.idx.msk [tilespmem:v1+s21+$0xFFFFFA80 ss:$0x1], $0xffff  }
0x2a6: {  	v49 =	vmul.f32 v61, v61;
	v36 =	vadd.f32 v48, v36  }
0x2a7: {  	v44 =	vld.idx.msk [tilespmem:v1+s21+$0xFFFFFB00 ss:$0x1], $0xffff  }
0x2a8: {  	v50 =	vmul.f32 v63, v63;
	v36 =	vadd.f32 v49, v36  }
0x2a9: {  	v45 =	vld.idx.msk [tilespmem:v1+s21+$0xFFFFFB80 ss:$0x1], $0xffff  }
0x2aa: {  	v51 =	vmul.f32 v43, v43;
	v36 =	vadd.f32 v50, v36  }
0x2ab: {  	v46 =	vld.idx.msk [tilespmem:v1+s21+$0xFFFFFC00 ss:$0x1], $0xffff  }
0x2ac: {  	v52 =	vmul.f32 v44, v44;
	v36 =	vadd.f32 v51, v36  }
0x2ad: {  	v47 =	vld.idx.msk [tilespmem:v1+s21+$0xFFFFFC80 ss:$0x1], $0xffff  }
0x2ae: {  	v53 =	vmul.f32 v45, v45;
	v36 =	vadd.f32 v52, v36  }
0x2af: {  	v48 =	vld.idx.msk [tilespmem:v1+s21+$0xFFFFFD00 ss:$0x1], $0xffff  }
0x2b0: {  	v54 =	vmul.f32 v46, v46;
	v36 =	vadd.f32 v53, v36  }
0x2b1: {  	v49 =	vld.idx.msk [tilespmem:v1+s21+$0xFFFFFD80 ss:$0x1], $0xffff  }
0x2b2: {  	v55 =	vmul.f32 v47, v47;
	v36 =	vadd.f32 v54, v36  }
0x2b3: {  	v50 =	vld.idx.msk [tilespmem:v1+s21+$0xFFFFFE00 ss:$0x1], $0xffff  }
0x2b4: {  	v56 =	vmul.f32 v48, v48;
	v36 =	vadd.f32 v55, v36  }
0x2b5: {  	v51 =	vld.idx.msk [tilespmem:v1+s21+$0xFFFFFE80 ss:$0x1], $0xffff  }
0x2b6: {  	v57 =	vmul.f32 v49, v49;
	v36 =	vadd.f32 v56, v36  }
0x2b7: {  	v52 =	vld.idx.msk [tilespmem:v1+s21+$0xFFFFFF00 ss:$0x1], $0xffff  }
0x2b8: {  	v58 =	vmul.f32 v50, v50;
	v36 =	vadd.f32 v57, v36  }
0x2b9: {  	v53 =	vld.idx.msk [tilespmem:v1+s21+$0xFFFFFF80 ss:$0x1], $0xffff  }
0x2ba: {  	v59 =	vmul.f32 v51, v51;
	v36 =	vadd.f32 v58, v36  }
0x2bb: {  	v54 =	vld.idx.msk [tilespmem:v1+s21+$0x0 ss:$0x1], $0xffff  }
0x2bc: {  	v60 =	vmul.f32 v52, v52;
	v36 =	vadd.f32 v59, v36  }
0x2bd: {  	v55 =	vld.idx.msk [tilespmem:v1+s21+$0x80 ss:$0x1], $0xffff  }
0x2be: {  	[tilespmem:$0x1FC90] =	vst v61;
	v61 =	vmul.f32 v53, v53;
	v36 =	vadd.f32 v60, v36  }
0x2bf: {  	v56 =	vld.idx.msk [tilespmem:v1+s21+$0x100 ss:$0x1], $0xffff  }
0x2c0: {  	v62 =	vmul.f32 v54, v54;
	v36 =	vadd.f32 v61, v36  }
0x2c1: {  	v57 =	vld.idx.msk [tilespmem:v1+s21+$0x180 ss:$0x1], $0xffff  }
0x2c2: {  	[tilespmem:$0x1FCA0] =	vst v63;
	v63 =	vmul.f32 v55, v55;
	v36 =	vadd.f32 v62, v36  }
0x2c3: {  	v58 =	vld.idx.msk [tilespmem:v1+s21+$0x200 ss:$0x1], $0xffff  }
0x2c4: {  	v37 =	vmul.f32 v56, v56;
	v36 =	vadd.f32 v63, v36  }
0x2c5: {  	v59 =	vld.idx.msk [tilespmem:v1+s21+$0x280 ss:$0x1], $0xffff  }
0x2c6: {  	[tilespmem:$0x1FC60] =	vst v38;
	v38 =	vmul.f32 v57, v57;
	v36 =	vadd.f32 v37, v36  }
0x2c7: {  	v60 =	vld.idx.msk [tilespmem:v1+s21+$0x300 ss:$0x1], $0xffff  }
0x2c8: {  	v37 =	vmul.f32 v58, v58;
	v36 =	vadd.f32 v38, v36  }
0x2c9: {  	v61 =	vld.idx.msk [tilespmem:v1+s21+$0x380 ss:$0x1], $0xffff  }
0x2ca: {  	v38 =	vmul.f32 v59, v59;
	v36 =	vadd.f32 v37, v36  }
0x2cb: {  	v62 =	vld.idx.msk [tilespmem:v1+s21+$0x400 ss:$0x1], $0xffff  }
0x2cc: {  	v37 =	vmul.f32 v60, v60;
	v36 =	vadd.f32 v38, v36  }
0x2cd: {  	v63 =	vld.idx.msk [tilespmem:v1+s21+$0x480 ss:$0x1], $0xffff  }
0x2ce: {  	v38 =	vmul.f32 v61, v61;
	v36 =	vadd.f32 v37, v36  }
0x2cf: {  	v42 =	vld.idx.msk [tilespmem:v1+s21+$0x500 ss:$0x1], $0xffff  }
0x2d0: {  	v41 =	vmul.f32 v62, v62;
	v36 =	vadd.f32 v38, v36  }
0x2d1: {  	v38 =	vld.idx.msk [tilespmem:v1+s21+$0x580 ss:$0x1], $0xffff  }
0x2d2: {  	v36 =	vadd.f32 v41, v36;
	v41 =	vmul.f32 v63, v63  }
0x2d3: {  	[tilespmem:$0x1FC70] =	vst v39;
	v39 =	vld.idx.msk [tilespmem:v1+s21+$0x600 ss:$0x1], $0xffff  }
0x2d4: {  	v37 =	vmul.f32 v42, v42;
	v36 =	vadd.f32 v41, v36  }
0x2d5: {  	[tilespmem:$0x1FC80] =	vst v40;
	v40 =	vld.idx.msk [tilespmem:v1+s21+$0x680 ss:$0x1], $0xffff  }
0x2d6: {  	v41 =	vmul.f32 v38, v38;
	v36 =	vadd.f32 v37, v36  }
0x2d7: {  	v37 =	vld.idx.msk [tilespmem:v1+s21+$0x700 ss:$0x1], $0xffff  }
0x2d8: {  	v36 =	vadd.f32 v41, v36;
	v41 =	vmul.f32 v39, v39  }
0x2d9: {  	v1 =	vld.idx.msk [tilespmem:v1+s21+$0x780 ss:$0x1], $0xffff  }
0x2da: {  	v36 =	vadd.f32 v41, v36;
	v41 =	vmul.f32 v40, v40  }
0x2db: {  	v43 =	vadd.f32 v43, v24  }
0x2dc: {  	v24 =	vadd.f32 v45, v10;
	v36 =	vadd.f32 v41, v36;
	v41 =	vmul.f32 v37, v37  }
0x2dd: {  	v45 =	vadd.f32 v50, v13;
	[tilespmem:s20+$0x1C980] =	vst v43  }
0x2de: {  	v50 =	vadd.f32 v55, v28;
	[tilespmem:s20+$0x1CA80] =	vst v24;
	v36 =	vadd.f32 v41, v36;
	v41 =	vmul.f32 v1, v1  }
0x2df: {  	v0 =	vadd.f32 v34, v0;
	v55 =	vadd.f32 v60, v20;
	[tilespmem:s20+$0x1CD00] =	vst v45  }
0x2e0: {  	v3 =	vadd.f32 v63, v3;
	[tilespmem:s20+$0x1CF80] =	vst v50;
	v36 =	vadd.f32 v41, v36;
	v41 =	vld [tilespmem:$0x1FC60]  }
0x2e1: {  	v0 =	vadd.f32 v40, v0;
	[tilespmem:s20+$0x1D200] =	vst v55  }
0x2e2: {  	[tilespmem:s20+$0x1D380] =	vst v3  }
0x2e3: {  	v43 =	vadd.f32 v48, v12;
	[tilespmem:s20+$0x1D580] =	vst v0  }
0x2e4: {  	v48 =	vadd.f32 v53, v15;
	[tilespmem:s20+$0x1D700] =	vst v36;
	v36 =	vld [tilespmem:$0x1FC90]  }
0x2e5: {  	v53 =	vadd.f32 v58, v29;
	[tilespmem:s20+$0x1CC00] =	vst v43;
	v2 =	vadd.f32 v41, v2;
	v41 =	vld [tilespmem:$0x1FC70]  }
0x2e6: {  	v60 =	vadd.f32 v33, v32;
	v58 =	vadd.f32 v42, v22;
	[tilespmem:s20+$0x1CE80] =	vst v48  }
0x2e7: {  	[tilespmem:s20+$0x1D100] =	vst v53  }
0x2e8: {  	[tilespmem:s20+$0x1D400] =	vst v58;
	v63 =	vadd.f32 v37, v60  }
0x2e9: {  	[tilespmem:s20+$0x1C700] =	vst v2;
	v2 =	vadd.f32 v36, v7  }
0x2ea: {  	[tilespmem:s20+$0x1D600] =	vst v63;
	v36 =	vadd.f32 v46, v25;
	v6 =	vadd.f32 v41, v6;
	v41 =	vld [tilespmem:$0x1FC80]  }
0x2eb: {  	v46 =	vadd.f32 v51, v14;
	[tilespmem:s20+$0x1C880] =	vst v2  }
0x2ec: {  	v51 =	vadd.f32 v56, v17;
	[tilespmem:s20+$0x1CB00] =	vst v36  }
0x2ed: {  	v56 =	vadd.f32 v61, v30;
	[tilespmem:s20+$0x1CD80] =	vst v46  }
0x2ee: {  	v61 =	vadd.f32 v39, v5;
	[tilespmem:s20+$0x1D000] =	vst v51  }
0x2ef: {  	[tilespmem:s20+$0x1D280] =	vst v56;
	v23 =	vadd.f32 v41, v23  }
0x2f0: {  	[tilespmem:s20+$0x1D500] =	vst v61  }
0x2f1: {  	v41 =	vld [tilespmem:$0x1FCA0];
	[tilespmem:s20+$0x1C800] =	vst v23;
	v23 =	vadd.f32 v44, v9  }
0x2f2: {  	[tilespmem:s20+$0x1C780] =	vst v6;
	v44 =	vadd.f32 v49, v26  }
0x2f3: {  	v49 =	vadd.f32 v54, v16;
	[tilespmem:s20+$0x1CA00] =	vst v23  }
0x2f4: {  	v54 =	vadd.f32 v59, v19;
	[tilespmem:s20+$0x1CC80] =	vst v44  }
0x2f5: {  	v59 =	vadd.f32 v38, v4;
	[tilespmem:s20+$0x1CF00] =	vst v49  }
0x2f6: {  	[tilespmem:s20+$0x1D180] =	vst v54;
	v6 =	vadd.f32 v41, v8  }
0x2f7: {  	s18 =	sadd.s32 $0x1, s18;
	[tilespmem:s20+$0x1D480] =	vst v59;
	v41 =	vadd.f32 v47, v11  }
0x2f8: {  	p0 =	sne.s32 s18, $0x8;
	v47 =	vadd.f32 v52, v27;
	v52 =	vadd.f32 v57, v18;
	[tilespmem:s20+$0x1C900] =	vst v6  }
.Ltmp2:
0x2f9: {  	v57 =	vadd.f32 v62, v21;
	v62 =	vadd.f32 v35, v31;
	[tilespmem:s20+$0x1CB80] =	vst v41;
	(pc) =	sbr.rel @p0 .LBB2_4-.Ltmp2, $4  }
0x2fa: {  	[tilespmem:s20+$0x1CE00] =	vst v47  }
0x2fb: {  	[tilespmem:s20+$0x1D080] =	vst v52;
	v1 =	vadd.f32 v1, v62  }
0x2fc: {  	[tilespmem:s20+$0x1D300] =	vst v57  }
0x2fd: {  	s19 =	sadd.s32 $0x10, s19;
	[tilespmem:s20+$0x1D680] =	vst v1  }
0x2fe: {  	[hbm4b:s5+s10] =	stream.strided.scatter [tilespmem:s14], [sflag:$0x3], $0x1000, s13, s10, $0x38;
	[tilespmem:$0x1D800] =	vst v63  }
0x2ff: {  	_ =	swait.ge [sflag:s9], $0x1000  }
0x300: {  	[sflag:s9] =	ssyncset.done $0x0  }
0x301: {  	[sflag:s9] =	ssyncadd.s32 $0xFFFFF000  }
0x302: {  	[hbm4b:s6+s2] =	stream.linear.scatter [tilespmem:s15], [sflag:$0x3], $0x80, $0x38;
	[tilespmem:$0x1D800] =	vst v63  }
0x303: {  	s17 =	sadd.s32 $0x1, s17;
	_ =	swait.ge [sflag:s9], $0x80  }
0x304: {  	p0 =	sne.s32 s17, s8;
	[sflag:s9] =	ssyncset.done $0x0  }
.Ltmp3:
0x305: {  	[sflag:s9] =	ssyncadd.s32 $0xFFFFFF80;
	(pc) =	sbr.rel @p0 .LBB2_1-.Ltmp3, $4  }
0x306: {  	[hbm4b:s7+s2] =	stream.linear.scatter [tilespmem:s16], [sflag:$0x3], $0x80, $0x38;
	[tilespmem:$0x1D800] =	vst v63  }
0x307: {  	_ =	swait.ge [sflag:s9], $0x80  }
0x308: {  	[sflag:s9] =	ssyncset.done $0x0  }
0x309: {  	[sflag:s9] =	ssyncadd.s32 $0xFFFFFF80  }
0x30a: {  	_ =	sfence.sel $0x180000  }
0x30b: {  	[bflag:$0x0] =	sbarrier.arrive $0xFFFF  }
0x30c: {  	p0 =	sne.s32 s0, $0x0;
	_ =	strace $0x90000047  }
0x30d: {  	s0 =	sadd.s32 @!p0 $0x100000, s1;
	[bflag:$0x2] =	sbarrier.arrive $0xFFFF  }
0x30e: {  	[sflag:s0] =	ssyncadd.tile.s32 @!p0 $0x1;
	_ =	shalt  }
.Lfunc_end2:
_tile_overlayer_lowered:
.L_overlay_start_2:
0x30f: {  	(tag) =	ssettag $0x2  }
0x310: {  	s0 =	rddreg [dreg:$0x0];
	s2 =	stileid.u32  }
0x311: {  	s1 =	rddreg [dreg:$0x1];
	p0 =	sne.s32 s2, $0x0  }
0x312: {  	s3 =	rddreg [dreg:$0x2];
	[bflag:$0x3] =	sbarrier.arrive $0xFFFF;
	s2 =	simm.s32 @!p0 $0x1C03  }
0x313: {  	[timem:s3], [sflag:s2] =	dma.local @!p0 [hbm:s0], s1  }
0x314: {  	s0 =	simm.s32 @!p0 $0x3  }
0x315: {  	_ =	swait.ge @!p0 [sflag:s0], s1  }
0x316: {  	s1 =	ssub.s32 @!p0 $0x0, s1;
	[sflag:s0] =	ssyncset.done @!p0 $0x0  }
0x317: {  	[sflag:s0] =	ssyncadd.s32 @!p0 s1  }
0x318: {  	[bflag:$0x3] =	sbarrier.arrive $0xFFFF  }
0x319: {  	_ =	shalt  }

</sc_bundles>
